<compile_context>
chip_gen: v7x
topology: tpu7x:2x2x1
jax: 0.10.2.dev20260603
libtpu: 0.0.44.dev20260713+nightly
codegen_flags: <defaults>
</compile_context>

<pallas_src>
import jax
import jax.numpy as jnp
from jax import lax
from jax.experimental import pallas as pl
from jax.experimental.pallas import tpu as pltpu
from jax.experimental.pallas import tpu_sc as plsc

_RADIUS = 0.2
_MAX_SAMPLES = 64
_BI = 256
_NC = 2
_NS = 16
_CR = 32


def _rank_tc_kernel(pcs_ref, g_ref, cnt_ref):
    i = pl.program_id(1)
    xall = pcs_ref[0]
    n = xall.shape[1]
    xblk = pcs_ref[0, :, pl.ds(i * _BI, _BI)]

    sq_all = xall[0] * xall[0] + xall[1] * xall[1] + xall[2] * xall[2]
    sq_blk = xblk[0] * xblk[0] + xblk[1] * xblk[1] + xblk[2] * xblk[2]
    dot = jnp.dot(xblk.T, xall, preferred_element_type=jnp.float32)
    d2 = (sq_blk[:, None] + sq_all[None, :]) - 2.0 * dot
    mask = d2 < _RADIUS * _RADIUS

    ch = 128
    nch = n // ch
    m_bf = mask.astype(jnp.bfloat16)
    r_io = jax.lax.broadcasted_iota(jnp.int32, (ch, ch), 0)
    c_io = jax.lax.broadcasted_iota(jnp.int32, (ch, ch), 1)
    tri = (r_io <= c_io).astype(jnp.bfloat16)
    locs = [jnp.dot(m_bf[:, t * ch:(t + 1) * ch], tri,
                    preferred_element_type=jnp.float32) for t in range(nch)]
    offs = [jnp.zeros((_BI, 1), jnp.float32)]
    for t in range(nch):
        offs.append(offs[t] + locs[t][:, ch - 1:ch])

    def rank_chunk(t):
        c_t = locs[t] + offs[t]
        ok = mask[:, t * ch:(t + 1) * ch] & (c_t <= _MAX_SAMPLES)
        return jnp.where(ok, c_t - 1.0, 32768.0).astype(jnp.int32)

    for t in range(nch // 2):
        packed = rank_chunk(t) | (rank_chunk(t + nch // 2) << 16)
        g_ref[0, :, t * ch:(t + 1) * ch] = packed
    cnt_ref[0] = offs[nch].astype(jnp.int32)


def _sc_scatter_kernel(g_hbm, cnt_hbm, out_hbm,
                       buf0, buf1, cnt0, cnt1, ob0, ob1,
                       sg0, sg1, sc0, sc1, so0, so1):
    nb = g_hbm.shape[0]
    n_workers = _NC * _NS
    rows_per_worker = (nb * g_hbm.shape[1]) // n_workers
    workers_per_batch = n_workers // nb
    n_chunks = rows_per_worker // _CR
    wid = lax.axis_index("s") * _NC + lax.axis_index("c")
    batch = wid // workers_per_batch
    lr0 = (wid % workers_per_batch) * rows_per_worker

    bufs, cnts, obs = (buf0, buf1), (cnt0, cnt1), (ob0, ob1)
    sgs, scs, sos = (sg0, sg1), (sc0, sc1), (so0, so1)

    iota = lax.broadcasted_iota(jnp.int32, (16,), 0)
    zeros16 = jnp.zeros((16,), jnp.int32)

    def start_in(ci, u):
        r0 = lr0 + ci * _CR
        pltpu.make_async_copy(
            g_hbm.at[batch, pl.ds(r0, _CR)], bufs[u], sgs[u]).start()
        pltpu.make_async_copy(
            cnt_hbm.at[batch, pl.ds(r0, _CR)], cnts[u], scs[u]).start()

    def wait_in(u):
        pltpu.make_async_copy(
            g_hbm.at[batch, pl.ds(lr0, _CR)], bufs[u], sgs[u]).wait()
        pltpu.make_async_copy(
            cnt_hbm.at[batch, pl.ds(lr0, _CR)], cnts[u], scs[u]).wait()

    def process(u):
        buf, cntbuf, outbuf = bufs[u], cnts[u], obs[u]

        def row_body(r, _):
            rsplat = jnp.full((16,), r, jnp.int32)

            @plsc.parallel_loop(0, 1024 // 16, unroll=8)
            def _vec_body(k):
                v = buf[r, pl.ds(k * 16, 16)]
                a = v & 0xFFFF
                b = lax.shift_right_logical(v, 16)
                jv = iota + k * 16
                plsc.store_scatter(outbuf, [rsplat, a], jv, mask=a < 0x8000)
                plsc.store_scatter(outbuf, [rsplat, b], jv + 1024, mask=b < 0x8000)

            cntv = plsc.load_gather(cntbuf, [rsplat, zeros16])
            firstv = plsc.load_gather(outbuf, [rsplat, zeros16])
            for t in range(_MAX_SAMPLES // 16):
                sv = iota + (t * 16)
                cur = outbuf[r, pl.ds(t * 16, 16)]
                outbuf[r, pl.ds(t * 16, 16)] = jnp.where(sv < cntv, cur, firstv)
            return 0

        lax.fori_loop(0, _CR, row_body, 0)

    start_in(0, 0)
    start_in(1, 1)

    def pair_body(p, _):
        for u in range(2):
            ci = 2 * p + u
            wait_in(u)

            @pl.when(ci >= 2)
            def _():
                pltpu.make_async_copy(
                    obs[u], out_hbm.at[batch, pl.ds(lr0, _CR)], sos[u]).wait()

            process(u)

            @pl.when(ci + 2 < n_chunks)
            def _():
                start_in(ci + 2, u)

            pltpu.make_async_copy(
                obs[u], out_hbm.at[batch, pl.ds(lr0 + ci * _CR, _CR)],
                sos[u]).start()
        return 0

    lax.fori_loop(0, n_chunks // 2, pair_body, 0)
    for u in range(2):
        pltpu.make_async_copy(
            obs[u], out_hbm.at[batch, pl.ds(lr0, _CR)], sos[u]).wait()


@jax.jit
def kernel(pcs):
    b, _, n = pcs.shape
    bh = b // 4
    tc = pl.pallas_call(
        _rank_tc_kernel,
        grid=(bh, n // _BI),
        in_specs=[pl.BlockSpec((1, 3, n), lambda bb, ii: (bb, 0, 0))],
        out_specs=[
            pl.BlockSpec((1, _BI, n // 2), lambda bb, ii: (bb, ii, 0)),
            pl.BlockSpec((1, _BI, 1), lambda bb, ii: (bb, ii, 0)),
        ],
        out_shape=[
            jax.ShapeDtypeStruct((bh, n, n // 2), jnp.int32),
            jax.ShapeDtypeStruct((bh, n, 1), jnp.int32),
        ],
    )

    mesh = plsc.VectorSubcoreMesh(
        core_axis_name="c", subcore_axis_name="s",
        num_cores=_NC, num_subcores=_NS)
    sc = pl.kernel(
        _sc_scatter_kernel,
        out_type=jax.ShapeDtypeStruct((bh, n, _MAX_SAMPLES), jnp.int32),
        mesh=mesh,
        scratch_types=[
            pltpu.VMEM((_CR, n // 2), jnp.int32),
            pltpu.VMEM((_CR, n // 2), jnp.int32),
            pltpu.VMEM((_CR, 1), jnp.int32),
            pltpu.VMEM((_CR, 1), jnp.int32),
            pltpu.VMEM((_CR, _MAX_SAMPLES), jnp.int32),
            pltpu.VMEM((_CR, _MAX_SAMPLES), jnp.int32),
            pltpu.SemaphoreType.DMA,
            pltpu.SemaphoreType.DMA,
            pltpu.SemaphoreType.DMA,
            pltpu.SemaphoreType.DMA,
            pltpu.SemaphoreType.DMA,
            pltpu.SemaphoreType.DMA,
        ],
        compiler_params=pltpu.CompilerParams(needs_layout_passes=False),
    )

    outs = []
    for hh in range(4):
        g, cnt = tc(pcs[hh * (b // 4):(hh + 1) * (b // 4)])
        outs.append(sc(g, cnt))
    return jnp.concatenate(outs, axis=0).astype(jnp.int64)

# --- scband reference (transcript-rebuilt; emitter-appended) ---
"""Pipeline reference for scband-self-ball-point-query-56736517980692 (READ-ONLY COPY).

The authoritative reference and input builder live on the scoring server;
editing this copy changes nothing except your own understanding.
"""

import jax, jax.numpy as jnp
import numpy as np

RADIUS = 0.2
MAX_SAMPLES = 64


def setup_inputs(seed: int = 0) -> dict:
    key = jax.random.key(seed)
    pcs = jax.random.uniform(key, (8, 3, 2048), dtype=jnp.float32)
    return {"pcs": pcs}


def reference(pcs):
    # pcs: [B, 3, N] -> self ball-point query, faithful to PointNet++ ball_query
    # semantics: for each point i, scan j = 0..N-1 in order, collect indices of
    # points with ||p_i - p_j||^2 < radius^2, up to max_samples; remaining slots
    # are filled with the first in-radius index found.
    xyz = jnp.transpose(pcs, (0, 2, 1))  # [B, N, 3]
    # pairwise squared distances [B, N, N]
    sq = jnp.sum(xyz * xyz, axis=-1)  # [B, N]
    d2 = sq[:, :, None] + sq[:, None, :] - 2.0 * jnp.einsum('bnd,bmd->bnm', xyz, xyz)
    mask = d2 < (RADIUS * RADIUS)  # [B, N, N]; diagonal always True (d2 ~ 0)
    # stable argsort on ~mask: in-radius indices first, in ascending j order
    idx_sorted = jnp.argsort(~mask, axis=-1, stable=True)[..., :MAX_SAMPLES]  # [B, N, max_samples]
    cnt = jnp.sum(mask, axis=-1)  # [B, N]
    first = idx_sorted[..., :1]  # [B, N, 1]
    pos = jnp.arange(MAX_SAMPLES)[None, None, :]
    group_idx = jnp.where(pos < cnt[..., None], idx_sorted, first)
    return group_idx.astype(jnp.int64)

if __name__ == "__main__":
    import jax
    _d = setup_inputs()
    print(jax.jit(kernel)(*tuple(_d.values())))

</pallas_src>

<mosaic_0001>
#map = affine_map<(d0, d1) -> (0, 0, 0)>
module attributes {stable_mosaic.version = 14 : i64} {
  func.func @_sc_scatter_kernel(%arg0: i32, %arg1: i32, %arg2: memref<2x2048x1024xi32, #tpu.memory_space<hbm>>, %arg3: memref<2x2048x1xi32, #tpu.memory_space<hbm>>, %arg4: memref<2x2048x64xi32, #tpu.memory_space<hbm>>, %arg5: memref<32x1024xi32, #tpu.memory_space<vmem>>, %arg6: memref<32x1024xi32, #tpu.memory_space<vmem>>, %arg7: memref<32x1xi32, #tpu.memory_space<vmem>>, %arg8: memref<32x1xi32, #tpu.memory_space<vmem>>, %arg9: memref<32x64xi32, #tpu.memory_space<vmem>>, %arg10: memref<32x64xi32, #tpu.memory_space<vmem>>, %arg11: memref<!tpu.dma_semaphore, #tpu.memory_space<semaphore_mem>>, %arg12: memref<!tpu.dma_semaphore, #tpu.memory_space<semaphore_mem>>, %arg13: memref<!tpu.dma_semaphore, #tpu.memory_space<semaphore_mem>>, %arg14: memref<!tpu.dma_semaphore, #tpu.memory_space<semaphore_mem>>, %arg15: memref<!tpu.dma_semaphore, #tpu.memory_space<semaphore_mem>>, %arg16: memref<!tpu.dma_semaphore, #tpu.memory_space<semaphore_mem>>) attributes {dimension_semantics = [#tpu.dimension_semantics<core_parallel>, #tpu.dimension_semantics<subcore_parallel>], iteration_bounds = array<i64: 2, 16>, scalar_prefetch = 0 : i64, scratch_operands = 12 : i64, tpu.core_type = #tpu.core_type<sc_vector_subcore>, window_params = [{transform_indices = #map}, {transform_indices = #map}, {transform_indices = #map}]} {
    %mul3A = arith.constant 2 : i32
    %mul3A_0 = arith.muli %arg1, %mul3A : i32
    %add3A = arith.addi %mul3A_0, %arg0 : i32
    %jit3A = arith.constant 16 : i32
    %div3A = arith.divsi %add3A, %jit3A : i32
    %sign3A = arith.constant 0 : i32
    %sign3A_1 = arith.cmpi sgt, %add3A, %sign3A : i32
    %sign3A_2 = arith.extui %sign3A_1 : i1 to i32
    %sign3A_3 = arith.constant 0 : i32
    %sign3A_4 = arith.cmpi slt, %add3A, %sign3A_3 : i32
    %sign3A_5 = arith.extui %sign3A_4 : i1 to i32
    %sign3A_6 = arith.subi %sign3A_2, %sign3A_5 : i32
    %sign3A_7 = arith.constant 0 : i32
    %sign3A_8 = arith.cmpi sgt, %jit3A, %sign3A_7 : i32
    %sign3A_9 = arith.extui %sign3A_8 : i1 to i32
    %sign3A_10 = arith.constant 0 : i32
    %sign3A_11 = arith.cmpi slt, %jit3A, %sign3A_10 : i32
    %sign3A_12 = arith.extui %sign3A_11 : i1 to i32
    %sign3A_13 = arith.subi %sign3A_9, %sign3A_12 : i32
    %ne3A = arith.cmpi ne, %sign3A_6, %sign3A_13 : i32
    %rem3A = arith.remsi %add3A, %jit3A : i32
    %ne3A_14 = arith.constant 0 : i32
    %ne3A_15 = arith.cmpi ne, %rem3A, %ne3A_14 : i32
    %and3A = arith.andi %ne3A, %ne3A_15 : i1
    %sub3A = arith.constant 1 : i32
    %sub3A_16 = arith.subi %div3A, %sub3A : i32
    %select_n3A = arith.select %and3A, %sub3A_16, %div3A : i32
    %jit3A_17 = arith.constant 16 : i32
    %eq3A = arith.constant 0 : i32
    %eq3A_18 = arith.cmpi eq, %jit3A_17, %eq3A : i32
    %jit3A_19 = arith.constant 1 : i32
    %select_n3A_20 = arith.select %eq3A_18, %jit3A_19, %jit3A_17 : i32
    %rem3A_21 = arith.remsi %add3A, %select_n3A_20 : i32
    %ne3A_22 = arith.constant 0 : i32
    %ne3A_23 = arith.cmpi ne, %rem3A_21, %ne3A_22 : i32
    %lt3A = arith.constant 0 : i32
    %lt3A_24 = arith.cmpi slt, %rem3A_21, %lt3A : i32
    %lt3A_25 = arith.constant 0 : i32
    %lt3A_26 = arith.cmpi slt, %select_n3A_20, %lt3A_25 : i32
    %ne3A_27 = arith.xori %lt3A_24, %lt3A_26 : i1
    %and3A_28 = arith.andi %ne3A_27, %ne3A_23 : i1
    %add3A_29 = arith.addi %rem3A_21, %select_n3A_20 : i32
    %select_n3A_30 = arith.select %and3A_28, %add3A_29, %rem3A_21 : i32
    %mul3A_31 = arith.constant 128 : i32
    %mul3A_32 = arith.muli %select_n3A_30, %mul3A_31 : i32
    %iota3A = tpu.iota {dimensions = array<i32: 0>} : vector<16xi32>
    %broadcast_in_dim3A = arith.constant 0 : i32
    %broadcast_in_dim3A_33 = vector.broadcast %broadcast_in_dim3A : i32 to vector<16xi32>
    %add3A_34 = arith.constant 0 : i32
    %add3A_35 = arith.addi %mul3A_32, %add3A_34 : i32
    %dma_start3A = arith.constant 0 : i32
    %dma_start3A_36 = tpu.memref_slice %arg2[%select_n3A, %add3A_35, %dma_start3A] : memref<2x2048x1024xi32, #tpu.memory_space<hbm>> -> memref<1x32x1024xi32, #tpu.memory_space<hbm>>
    %dma_start3A_37 = tpu.memref_squeeze %dma_start3A_36 : memref<1x32x1024xi32, #tpu.memory_space<hbm>> -> memref<32x1024xi32, #tpu.memory_space<hbm>>
    %dma_start3A_38 = arith.constant 0 : i32
    %dma_start3A_39 = tpu.memref_slice %arg2[%select_n3A, %add3A_35, %dma_start3A_38] : memref<2x2048x1024xi32, #tpu.memory_space<hbm>> -> memref<1x32x1024xi32, #tpu.memory_space<hbm>>
    %dma_start3A_40 = tpu.memref_squeeze %dma_start3A_39 : memref<1x32x1024xi32, #tpu.memory_space<hbm>> -> memref<32x1024xi32, #tpu.memory_space<hbm>>
    tpu.enqueue_dma source(%dma_start3A_40 : memref<32x1024xi32, #tpu.memory_space<hbm>>) target(%arg5 : memref<32x1024xi32, #tpu.memory_space<vmem>>) target_semaphore(%arg11 : memref<!tpu.dma_semaphore, #tpu.memory_space<semaphore_mem>>)
    %dma_start3A_41 = arith.constant 0 : i32
    %dma_start3A_42 = tpu.memref_slice %arg3[%select_n3A, %add3A_35, %dma_start3A_41] : memref<2x2048x1xi32, #tpu.memory_space<hbm>> -> memref<1x32x1xi32, #tpu.memory_space<hbm>>
    %dma_start3A_43 = tpu.memref_squeeze %dma_start3A_42 : memref<1x32x1xi32, #tpu.memory_space<hbm>> -> memref<32x1xi32, #tpu.memory_space<hbm>>
    %dma_start3A_44 = arith.constant 0 : i32
    %dma_start3A_45 = tpu.memref_slice %arg3[%select_n3A, %add3A_35, %dma_start3A_44] : memref<2x2048x1xi32, #tpu.memory_space<hbm>> -> memref<1x32x1xi32, #tpu.memory_space<hbm>>
    %dma_start3A_46 = tpu.memref_squeeze %dma_start3A_45 : memref<1x32x1xi32, #tpu.memory_space<hbm>> -> memref<32x1xi32, #tpu.memory_space<hbm>>
    tpu.enqueue_dma source(%dma_start3A_46 : memref<32x1xi32, #tpu.memory_space<hbm>>) target(%arg7 : memref<32x1xi32, #tpu.memory_space<vmem>>) target_semaphore(%arg13 : memref<!tpu.dma_semaphore, #tpu.memory_space<semaphore_mem>>)
    %add3A_47 = arith.constant 32 : i32
    %add3A_48 = arith.addi %mul3A_32, %add3A_47 : i32
    %dma_start3A_49 = arith.constant 0 : i32
    %dma_start3A_50 = tpu.memref_slice %arg2[%select_n3A, %add3A_48, %dma_start3A_49] : memref<2x2048x1024xi32, #tpu.memory_space<hbm>> -> memref<1x32x1024xi32, #tpu.memory_space<hbm>>
    %dma_start3A_51 = tpu.memref_squeeze %dma_start3A_50 : memref<1x32x1024xi32, #tpu.memory_space<hbm>> -> memref<32x1024xi32, #tpu.memory_space<hbm>>
    %dma_start3A_52 = arith.constant 0 : i32
    %dma_start3A_53 = tpu.memref_slice %arg2[%select_n3A, %add3A_48, %dma_start3A_52] : memref<2x2048x1024xi32, #tpu.memory_space<hbm>> -> memref<1x32x1024xi32, #tpu.memory_space<hbm>>
    %dma_start3A_54 = tpu.memref_squeeze %dma_start3A_53 : memref<1x32x1024xi32, #tpu.memory_space<hbm>> -> memref<32x1024xi32, #tpu.memory_space<hbm>>
    tpu.enqueue_dma source(%dma_start3A_54 : memref<32x1024xi32, #tpu.memory_space<hbm>>) target(%arg6 : memref<32x1024xi32, #tpu.memory_space<vmem>>) target_semaphore(%arg12 : memref<!tpu.dma_semaphore, #tpu.memory_space<semaphore_mem>>)
    %dma_start3A_55 = arith.constant 0 : i32
    %dma_start3A_56 = tpu.memref_slice %arg3[%select_n3A, %add3A_48, %dma_start3A_55] : memref<2x2048x1xi32, #tpu.memory_space<hbm>> -> memref<1x32x1xi32, #tpu.memory_space<hbm>>
    %dma_start3A_57 = tpu.memref_squeeze %dma_start3A_56 : memref<1x32x1xi32, #tpu.memory_space<hbm>> -> memref<32x1xi32, #tpu.memory_space<hbm>>
    %dma_start3A_58 = arith.constant 0 : i32
    %dma_start3A_59 = tpu.memref_slice %arg3[%select_n3A, %add3A_48, %dma_start3A_58] : memref<2x2048x1xi32, #tpu.memory_space<hbm>> -> memref<1x32x1xi32, #tpu.memory_space<hbm>>
    %dma_start3A_60 = tpu.memref_squeeze %dma_start3A_59 : memref<1x32x1xi32, #tpu.memory_space<hbm>> -> memref<32x1xi32, #tpu.memory_space<hbm>>
    tpu.enqueue_dma source(%dma_start3A_60 : memref<32x1xi32, #tpu.memory_space<hbm>>) target(%arg8 : memref<32x1xi32, #tpu.memory_space<vmem>>) target_semaphore(%arg14 : memref<!tpu.dma_semaphore, #tpu.memory_space<semaphore_mem>>)
    %scan3A = arith.constant 0 : i32
    %scan3A_61 = arith.constant 0 : i32
    %scan3A_62 = arith.constant 2 : i32
    %scan3A_63 = arith.addi %scan3A_61, %scan3A_62 : i32
    %scan3A_64 = arith.constant 1 : i32
    %scan3A_65 = scf.for %scan3A_78 = %scan3A_61 to %scan3A_63 step %scan3A_64 iter_args(%scan3A_79 = %scan3A) -> (i32)  : i32 {
      %mul3A_80 = arith.constant 2 : i32
      %mul3A_81 = arith.muli %mul3A_80, %scan3A_78 : i32
      %add3A_82 = arith.constant 0 : i32
      %add3A_83 = arith.addi %mul3A_81, %add3A_82 : i32
      %dma_wait3A_84 = arith.constant 0 : i32
      %dma_wait3A_85 = tpu.memref_slice %arg2[%select_n3A, %mul3A_32, %dma_wait3A_84] : memref<2x2048x1024xi32, #tpu.memory_space<hbm>> -> memref<1x32x1024xi32, #tpu.memory_space<hbm>>
      %dma_wait3A_86 = tpu.memref_squeeze %dma_wait3A_85 : memref<1x32x1024xi32, #tpu.memory_space<hbm>> -> memref<32x1024xi32, #tpu.memory_space<hbm>>
      %dma_wait3A_87 = arith.constant 0 : i32
      %dma_wait3A_88 = tpu.memref_slice %arg2[%select_n3A, %mul3A_32, %dma_wait3A_87] : memref<2x2048x1024xi32, #tpu.memory_space<hbm>> -> memref<1x32x1024xi32, #tpu.memory_space<hbm>>
      %dma_wait3A_89 = tpu.memref_squeeze %dma_wait3A_88 : memref<1x32x1024xi32, #tpu.memory_space<hbm>> -> memref<32x1024xi32, #tpu.memory_space<hbm>>
      tpu.wait_dma2 semaphore(%arg11 : memref<!tpu.dma_semaphore, #tpu.memory_space<semaphore_mem>>) src(%dma_wait3A_89 : memref<32x1024xi32, #tpu.memory_space<hbm>>) dst(%arg5 : memref<32x1024xi32, #tpu.memory_space<vmem>>)
      %dma_wait3A_90 = arith.constant 0 : i32
      %dma_wait3A_91 = tpu.memref_slice %arg3[%select_n3A, %mul3A_32, %dma_wait3A_90] : memref<2x2048x1xi32, #tpu.memory_space<hbm>> -> memref<1x32x1xi32, #tpu.memory_space<hbm>>
      %dma_wait3A_92 = tpu.memref_squeeze %dma_wait3A_91 : memref<1x32x1xi32, #tpu.memory_space<hbm>> -> memref<32x1xi32, #tpu.memory_space<hbm>>
      %dma_wait3A_93 = arith.constant 0 : i32
      %dma_wait3A_94 = tpu.memref_slice %arg3[%select_n3A, %mul3A_32, %dma_wait3A_93] : memref<2x2048x1xi32, #tpu.memory_space<hbm>> -> memref<1x32x1xi32, #tpu.memory_space<hbm>>
      %dma_wait3A_95 = tpu.memref_squeeze %dma_wait3A_94 : memref<1x32x1xi32, #tpu.memory_space<hbm>> -> memref<32x1xi32, #tpu.memory_space<hbm>>
      tpu.wait_dma2 semaphore(%arg13 : memref<!tpu.dma_semaphore, #tpu.memory_space<semaphore_mem>>) src(%dma_wait3A_95 : memref<32x1xi32, #tpu.memory_space<hbm>>) dst(%arg7 : memref<32x1xi32, #tpu.memory_space<vmem>>)
      %ge3A = arith.constant 2 : i32
      %ge3A_96 = arith.cmpi sge, %add3A_83, %ge3A : i32
      %convert_element_type3A = arith.extui %ge3A_96 : i1 to i32
      %cond3A = arith.constant 0 : i32
      %cond3A_97 = arith.cmpi ne, %convert_element_type3A, %cond3A : i32
      scf.if %cond3A_97 {
        %dma_wait3A_166 = arith.constant 0 : i32
        %dma_wait3A_167 = tpu.memref_slice %arg4[%select_n3A, %mul3A_32, %dma_wait3A_166] : memref<2x2048x64xi32, #tpu.memory_space<hbm>> -> memref<1x32x64xi32, #tpu.memory_space<hbm>>
        %dma_wait3A_168 = tpu.memref_squeeze %dma_wait3A_167 : memref<1x32x64xi32, #tpu.memory_space<hbm>> -> memref<32x64xi32, #tpu.memory_space<hbm>>
        %dma_wait3A_169 = arith.constant 0 : i32
        %dma_wait3A_170 = tpu.memref_slice %arg4[%select_n3A, %mul3A_32, %dma_wait3A_169] : memref<2x2048x64xi32, #tpu.memory_space<hbm>> -> memref<1x32x64xi32, #tpu.memory_space<hbm>>
        %dma_wait3A_171 = tpu.memref_squeeze %dma_wait3A_170 : memref<1x32x64xi32, #tpu.memory_space<hbm>> -> memref<32x64xi32, #tpu.memory_space<hbm>>
        tpu.wait_dma2 semaphore(%arg15 : memref<!tpu.dma_semaphore, #tpu.memory_space<semaphore_mem>>) src(%arg9 : memref<32x64xi32, #tpu.memory_space<vmem>>) dst(%dma_wait3A_171 : memref<32x64xi32, #tpu.memory_space<hbm>>)
      } else {
      }
      %scan3A_98 = arith.constant 0 : i32
      %scan3A_99 = arith.constant 0 : i32
      %scan3A_100 = arith.constant 32 : i32
      %scan3A_101 = arith.addi %scan3A_99, %scan3A_100 : i32
      %scan3A_102 = arith.constant 1 : i32
      %scan3A_103 = scf.for %scan3A_166 = %scan3A_99 to %scan3A_101 step %scan3A_102 iter_args(%scan3A_167 = %scan3A_98) -> (i32)  : i32 {
        %broadcast_in_dim3A_168 = vector.broadcast %scan3A_166 : i32 to vector<16xi32>
        %parallel_loop3A = arith.constant 0 : i32
        %parallel_loop3A_169 = arith.constant 64 : i32
        %parallel_loop3A_170 = arith.constant 1 : i32
        scf.for %parallel_loop3A_215 = %parallel_loop3A to %parallel_loop3A_169 step %parallel_loop3A_170  : i32 {
          %parallel_loop3A_216 = arith.constant 16 : i32
          %parallel_loop3A_217 = arith.muli %parallel_loop3A_215, %parallel_loop3A_216 : i32
          %parallel_loop3A_218 = arith.index_cast %scan3A_166 : i32 to index
          %parallel_loop3A_219 = arith.index_cast %parallel_loop3A_217 : i32 to index
          %parallel_loop3A_220 = tpu.vector_load %arg5[%parallel_loop3A_218, %parallel_loop3A_219] {strides = array<i32>} : memref<32x1024xi32, #tpu.memory_space<vmem>>, vector<16xi32>,
          %parallel_loop3A_221 = arith.constant 65535 : i32
          %parallel_loop3A_222 = vector.broadcast %parallel_loop3A_221 : i32 to vector<16xi32>
          %parallel_loop3A_223 = arith.andi %parallel_loop3A_220, %parallel_loop3A_222 : vector<16xi32>
          %parallel_loop3A_224 = arith.constant 16 : i32
          %parallel_loop3A_225 = vector.broadcast %parallel_loop3A_224 : i32 to vector<16xi32>
          %parallel_loop3A_226 = arith.shrui %parallel_loop3A_220, %parallel_loop3A_225 : vector<16xi32>
          %parallel_loop3A_227 = arith.constant 16 : i32
          %parallel_loop3A_228 = arith.muli %parallel_loop3A_215, %parallel_loop3A_227 : i32
          %parallel_loop3A_229 = vector.broadcast %parallel_loop3A_228 : i32 to vector<16xi32>
          %parallel_loop3A_230 = arith.addi %iota3A, %parallel_loop3A_229 : vector<16xi32>
          %parallel_loop3A_231 = arith.constant 32768 : i32
          %parallel_loop3A_232 = vector.broadcast %parallel_loop3A_231 : i32 to vector<16xi32>
          %parallel_loop3A_233 = arith.cmpi slt, %parallel_loop3A_223, %parallel_loop3A_232 : vector<16xi32>
          tpu.vector_store_idx %arg9[%broadcast_in_dim3A_168, %parallel_loop3A_223], %parallel_loop3A_230 masked %parallel_loop3A_233 : memref<32x64xi32, #tpu.memory_space<vmem>>[vector<16xi32>, vector<16xi32>], vector<16xi32>, vector<16xi1>
          %parallel_loop3A_234 = arith.constant 1024 : i32
          %parallel_loop3A_235 = vector.broadcast %parallel_loop3A_234 : i32 to vector<16xi32>
          %parallel_loop3A_236 = arith.addi %parallel_loop3A_230, %parallel_loop3A_235 : vector<16xi32>
          %parallel_loop3A_237 = arith.constant 32768 : i32
          %parallel_loop3A_238 = vector.broadcast %parallel_loop3A_237 : i32 to vector<16xi32>
          %parallel_loop3A_239 = arith.cmpi slt, %parallel_loop3A_226, %parallel_loop3A_238 : vector<16xi32>
          tpu.vector_store_idx %arg9[%broadcast_in_dim3A_168, %parallel_loop3A_226], %parallel_loop3A_236 masked %parallel_loop3A_239 : memref<32x64xi32, #tpu.memory_space<vmem>>[vector<16xi32>, vector<16xi32>], vector<16xi32>, vector<16xi1>
        } {sc.loop_unroll_factor = 8 : i64, sc.parallel_access}
        %gather3A = tpu.vector_load_idx %arg7[%broadcast_in_dim3A_168, %broadcast_in_dim3A_33] : memref<32x1xi32, #tpu.memory_space<vmem>>[vector<16xi32>, vector<16xi32>], vector<16xi32>,
        %gather3A_171 = tpu.vector_load_idx %arg9[%broadcast_in_dim3A_168, %broadcast_in_dim3A_33] : memref<32x64xi32, #tpu.memory_space<vmem>>[vector<16xi32>, vector<16xi32>], vector<16xi32>,
        %add3A_172 = arith.constant 0 : i32
        %add3A_173 = vector.broadcast %add3A_172 : i32 to vector<16xi32>
        %add3A_174 = arith.addi %iota3A, %add3A_173 : vector<16xi32>
        %get3A = arith.index_cast %scan3A_166 : i32 to index
        %get3A_175 = arith.constant 0 : index
        %get3A_176 = tpu.vector_load %arg9[%get3A, %get3A_175] {strides = array<i32>} : memref<32x64xi32, #tpu.memory_space<vmem>>, vector<16xi32>,
        %lt3A_177 = arith.cmpi slt, %add3A_174, %gather3A : vector<16xi32>
        %select_n3A_178 = arith.select %lt3A_177, %get3A_176, %gather3A_171 : vector<16xi1>, vector<16xi32>
        %swap3A = arith.index_cast %scan3A_166 : i32 to index
        %swap3A_179 = arith.constant 0 : index
        %swap3A_180 = tpu.vector_load %arg9[%swap3A, %swap3A_179] {strides = array<i32>} : memref<32x64xi32, #tpu.memory_space<vmem>>, vector<16xi32>,
        tpu.vector_store %arg9[%swap3A, %swap3A_179], %select_n3A_178 {strides = array<i32>} : memref<32x64xi32, #tpu.memory_space<vmem>>, vector<16xi32>,
        %add3A_181 = arith.constant 16 : i32
        %add3A_182 = vector.broadcast %add3A_181 : i32 to vector<16xi32>
        %add3A_183 = arith.addi %iota3A, %add3A_182 : vector<16xi32>
        %get3A_184 = arith.index_cast %scan3A_166 : i32 to index
        %get3A_185 = arith.constant 16 : index
        %get3A_186 = tpu.vector_load %arg9[%get3A_184, %get3A_185] {strides = array<i32>} : memref<32x64xi32, #tpu.memory_space<vmem>>, vector<16xi32>,
        %lt3A_187 = arith.cmpi slt, %add3A_183, %gather3A : vector<16xi32>
        %select_n3A_188 = arith.select %lt3A_187, %get3A_186, %gather3A_171 : vector<16xi1>, vector<16xi32>
        %swap3A_189 = arith.index_cast %scan3A_166 : i32 to index
        %swap3A_190 = arith.constant 16 : index
        %swap3A_191 = tpu.vector_load %arg9[%swap3A_189, %swap3A_190] {strides = array<i32>} : memref<32x64xi32, #tpu.memory_space<vmem>>, vector<16xi32>,
        tpu.vector_store %arg9[%swap3A_189, %swap3A_190], %select_n3A_188 {strides = array<i32>} : memref<32x64xi32, #tpu.memory_space<vmem>>, vector<16xi32>,
        %add3A_192 = arith.constant 32 : i32
        %add3A_193 = vector.broadcast %add3A_192 : i32 to vector<16xi32>
        %add3A_194 = arith.addi %iota3A, %add3A_193 : vector<16xi32>
        %get3A_195 = arith.index_cast %scan3A_166 : i32 to index
        %get3A_196 = arith.constant 32 : index
        %get3A_197 = tpu.vector_load %arg9[%get3A_195, %get3A_196] {strides = array<i32>} : memref<32x64xi32, #tpu.memory_space<vmem>>, vector<16xi32>,
        %lt3A_198 = arith.cmpi slt, %add3A_194, %gather3A : vector<16xi32>
        %select_n3A_199 = arith.select %lt3A_198, %get3A_197, %gather3A_171 : vector<16xi1>, vector<16xi32>
        %swap3A_200 = arith.index_cast %scan3A_166 : i32 to index
        %swap3A_201 = arith.constant 32 : index
        %swap3A_202 = tpu.vector_load %arg9[%swap3A_200, %swap3A_201] {strides = array<i32>} : memref<32x64xi32, #tpu.memory_space<vmem>>, vector<16xi32>,
        tpu.vector_store %arg9[%swap3A_200, %swap3A_201], %select_n3A_199 {strides = array<i32>} : memref<32x64xi32, #tpu.memory_space<vmem>>, vector<16xi32>,
        %add3A_203 = arith.constant 48 : i32
        %add3A_204 = vector.broadcast %add3A_203 : i32 to vector<16xi32>
        %add3A_205 = arith.addi %iota3A, %add3A_204 : vector<16xi32>
        %get3A_206 = arith.index_cast %scan3A_166 : i32 to index
        %get3A_207 = arith.constant 48 : index
        %get3A_208 = tpu.vector_load %arg9[%get3A_206, %get3A_207] {strides = array<i32>} : memref<32x64xi32, #tpu.memory_space<vmem>>, vector<16xi32>,
        %lt3A_209 = arith.cmpi slt, %add3A_205, %gather3A : vector<16xi32>
        %select_n3A_210 = arith.select %lt3A_209, %get3A_208, %gather3A_171 : vector<16xi1>, vector<16xi32>
        %swap3A_211 = arith.index_cast %scan3A_166 : i32 to index
        %swap3A_212 = arith.constant 48 : index
        %swap3A_213 = tpu.vector_load %arg9[%swap3A_211, %swap3A_212] {strides = array<i32>} : memref<32x64xi32, #tpu.memory_space<vmem>>, vector<16xi32>,
        tpu.vector_store %arg9[%swap3A_211, %swap3A_212], %select_n3A_210 {strides = array<i32>} : memref<32x64xi32, #tpu.memory_space<vmem>>, vector<16xi32>,
        %scan3A_214 = arith.constant 0 : i32
        scf.yield %scan3A_214 : i32
      }
      %scan3A_104 = arith.constant 32 : i32
      %add3A_105 = arith.constant 2 : i32
      %add3A_106 = arith.addi %add3A_83, %add3A_105 : i32
      %lt3A_107 = arith.constant 4 : i32
      %lt3A_108 = arith.cmpi slt, %add3A_106, %lt3A_107 : i32
      %convert_element_type3A_109 = arith.extui %lt3A_108 : i1 to i32
      %cond3A_110 = arith.constant 0 : i32
      %cond3A_111 = arith.cmpi ne, %convert_element_type3A_109, %cond3A_110 : i32
      scf.if %cond3A_111 {
        %add3A_166 = arith.constant 2 : i32
        %add3A_167 = arith.addi %add3A_83, %add3A_166 : i32
        %mul3A_168 = arith.constant 32 : i32
        %mul3A_169 = arith.muli %add3A_167, %mul3A_168 : i32
        %add3A_170 = arith.addi %mul3A_32, %mul3A_169 : i32
        %dma_start3A_171 = arith.constant 0 : i32
        %dma_start3A_172 = tpu.memref_slice %arg2[%select_n3A, %add3A_170, %dma_start3A_171] : memref<2x2048x1024xi32, #tpu.memory_space<hbm>> -> memref<1x32x1024xi32, #tpu.memory_space<hbm>>
        %dma_start3A_173 = tpu.memref_squeeze %dma_start3A_172 : memref<1x32x1024xi32, #tpu.memory_space<hbm>> -> memref<32x1024xi32, #tpu.memory_space<hbm>>
        %dma_start3A_174 = arith.constant 0 : i32
        %dma_start3A_175 = tpu.memref_slice %arg2[%select_n3A, %add3A_170, %dma_start3A_174] : memref<2x2048x1024xi32, #tpu.memory_space<hbm>> -> memref<1x32x1024xi32, #tpu.memory_space<hbm>>
        %dma_start3A_176 = tpu.memref_squeeze %dma_start3A_175 : memref<1x32x1024xi32, #tpu.memory_space<hbm>> -> memref<32x1024xi32, #tpu.memory_space<hbm>>
        tpu.enqueue_dma source(%dma_start3A_176 : memref<32x1024xi32, #tpu.memory_space<hbm>>) target(%arg5 : memref<32x1024xi32, #tpu.memory_space<vmem>>) target_semaphore(%arg11 : memref<!tpu.dma_semaphore, #tpu.memory_space<semaphore_mem>>)
        %dma_start3A_177 = arith.constant 0 : i32
        %dma_start3A_178 = tpu.memref_slice %arg3[%select_n3A, %add3A_170, %dma_start3A_177] : memref<2x2048x1xi32, #tpu.memory_space<hbm>> -> memref<1x32x1xi32, #tpu.memory_space<hbm>>
        %dma_start3A_179 = tpu.memref_squeeze %dma_start3A_178 : memref<1x32x1xi32, #tpu.memory_space<hbm>> -> memref<32x1xi32, #tpu.memory_space<hbm>>
        %dma_start3A_180 = arith.constant 0 : i32
        %dma_start3A_181 = tpu.memref_slice %arg3[%select_n3A, %add3A_170, %dma_start3A_180] : memref<2x2048x1xi32, #tpu.memory_space<hbm>> -> memref<1x32x1xi32, #tpu.memory_space<hbm>>
        %dma_start3A_182 = tpu.memref_squeeze %dma_start3A_181 : memref<1x32x1xi32, #tpu.memory_space<hbm>> -> memref<32x1xi32, #tpu.memory_space<hbm>>
        tpu.enqueue_dma source(%dma_start3A_182 : memref<32x1xi32, #tpu.memory_space<hbm>>) target(%arg7 : memref<32x1xi32, #tpu.memory_space<vmem>>) target_semaphore(%arg13 : memref<!tpu.dma_semaphore, #tpu.memory_space<semaphore_mem>>)
      } else {
      }
      %mul3A_112 = arith.constant 32 : i32
      %mul3A_113 = arith.muli %add3A_83, %mul3A_112 : i32
      %add3A_114 = arith.addi %mul3A_32, %mul3A_113 : i32
      %dma_start3A_115 = arith.constant 0 : i32
      %dma_start3A_116 = tpu.memref_slice %arg4[%select_n3A, %add3A_114, %dma_start3A_115] : memref<2x2048x64xi32, #tpu.memory_space<hbm>> -> memref<1x32x64xi32, #tpu.memory_space<hbm>>
      %dma_start3A_117 = tpu.memref_squeeze %dma_start3A_116 : memref<1x32x64xi32, #tpu.memory_space<hbm>> -> memref<32x64xi32, #tpu.memory_space<hbm>>
      %dma_start3A_118 = arith.constant 0 : i32
      %dma_start3A_119 = tpu.memref_slice %arg4[%select_n3A, %add3A_114, %dma_start3A_118] : memref<2x2048x64xi32, #tpu.memory_space<hbm>> -> memref<1x32x64xi32, #tpu.memory_space<hbm>>
      %dma_start3A_120 = tpu.memref_squeeze %dma_start3A_119 : memref<1x32x64xi32, #tpu.memory_space<hbm>> -> memref<32x64xi32, #tpu.memory_space<hbm>>
      tpu.enqueue_dma source(%arg9 : memref<32x64xi32, #tpu.memory_space<vmem>>) target(%dma_start3A_120 : memref<32x64xi32, #tpu.memory_space<hbm>>) target_semaphore(%arg15 : memref<!tpu.dma_semaphore, #tpu.memory_space<semaphore_mem>>)
      %mul3A_121 = arith.constant 2 : i32
      %mul3A_122 = arith.muli %mul3A_121, %scan3A_78 : i32
      %add3A_123 = arith.constant 1 : i32
      %add3A_124 = arith.addi %mul3A_122, %add3A_123 : i32
      %dma_wait3A_125 = arith.constant 0 : i32
      %dma_wait3A_126 = tpu.memref_slice %arg2[%select_n3A, %mul3A_32, %dma_wait3A_125] : memref<2x2048x1024xi32, #tpu.memory_space<hbm>> -> memref<1x32x1024xi32, #tpu.memory_space<hbm>>
      %dma_wait3A_127 = tpu.memref_squeeze %dma_wait3A_126 : memref<1x32x1024xi32, #tpu.memory_space<hbm>> -> memref<32x1024xi32, #tpu.memory_space<hbm>>
      %dma_wait3A_128 = arith.constant 0 : i32
      %dma_wait3A_129 = tpu.memref_slice %arg2[%select_n3A, %mul3A_32, %dma_wait3A_128] : memref<2x2048x1024xi32, #tpu.memory_space<hbm>> -> memref<1x32x1024xi32, #tpu.memory_space<hbm>>
      %dma_wait3A_130 = tpu.memref_squeeze %dma_wait3A_129 : memref<1x32x1024xi32, #tpu.memory_space<hbm>> -> memref<32x1024xi32, #tpu.memory_space<hbm>>
      tpu.wait_dma2 semaphore(%arg12 : memref<!tpu.dma_semaphore, #tpu.memory_space<semaphore_mem>>) src(%dma_wait3A_130 : memref<32x1024xi32, #tpu.memory_space<hbm>>) dst(%arg6 : memref<32x1024xi32, #tpu.memory_space<vmem>>)
      %dma_wait3A_131 = arith.constant 0 : i32
      %dma_wait3A_132 = tpu.memref_slice %arg3[%select_n3A, %mul3A_32, %dma_wait3A_131] : memref<2x2048x1xi32, #tpu.memory_space<hbm>> -> memref<1x32x1xi32, #tpu.memory_space<hbm>>
      %dma_wait3A_133 = tpu.memref_squeeze %dma_wait3A_132 : memref<1x32x1xi32, #tpu.memory_space<hbm>> -> memref<32x1xi32, #tpu.memory_space<hbm>>
      %dma_wait3A_134 = arith.constant 0 : i32
      %dma_wait3A_135 = tpu.memref_slice %arg3[%select_n3A, %mul3A_32, %dma_wait3A_134] : memref<2x2048x1xi32, #tpu.memory_space<hbm>> -> memref<1x32x1xi32, #tpu.memory_space<hbm>>
      %dma_wait3A_136 = tpu.memref_squeeze %dma_wait3A_135 : memref<1x32x1xi32, #tpu.memory_space<hbm>> -> memref<32x1xi32, #tpu.memory_space<hbm>>
      tpu.wait_dma2 semaphore(%arg14 : memref<!tpu.dma_semaphore, #tpu.memory_space<semaphore_mem>>) src(%dma_wait3A_136 : memref<32x1xi32, #tpu.memory_space<hbm>>) dst(%arg8 : memref<32x1xi32, #tpu.memory_space<vmem>>)
      %ge3A_137 = arith.constant 2 : i32
      %ge3A_138 = arith.cmpi sge, %add3A_124, %ge3A_137 : i32
      %convert_element_type3A_139 = arith.extui %ge3A_138 : i1 to i32
      %cond3A_140 = arith.constant 0 : i32
      %cond3A_141 = arith.cmpi ne, %convert_element_type3A_139, %cond3A_140 : i32
      scf.if %cond3A_141 {
        %dma_wait3A_166 = arith.constant 0 : i32
        %dma_wait3A_167 = tpu.memref_slice %arg4[%select_n3A, %mul3A_32, %dma_wait3A_166] : memref<2x2048x64xi32, #tpu.memory_space<hbm>> -> memref<1x32x64xi32, #tpu.memory_space<hbm>>
        %dma_wait3A_168 = tpu.memref_squeeze %dma_wait3A_167 : memref<1x32x64xi32, #tpu.memory_space<hbm>> -> memref<32x64xi32, #tpu.memory_space<hbm>>
        %dma_wait3A_169 = arith.constant 0 : i32
        %dma_wait3A_170 = tpu.memref_slice %arg4[%select_n3A, %mul3A_32, %dma_wait3A_169] : memref<2x2048x64xi32, #tpu.memory_space<hbm>> -> memref<1x32x64xi32, #tpu.memory_space<hbm>>
        %dma_wait3A_171 = tpu.memref_squeeze %dma_wait3A_170 : memref<1x32x64xi32, #tpu.memory_space<hbm>> -> memref<32x64xi32, #tpu.memory_space<hbm>>
        tpu.wait_dma2 semaphore(%arg16 : memref<!tpu.dma_semaphore, #tpu.memory_space<semaphore_mem>>) src(%arg10 : memref<32x64xi32, #tpu.memory_space<vmem>>) dst(%dma_wait3A_171 : memref<32x64xi32, #tpu.memory_space<hbm>>)
      } else {
      }
      %scan3A_142 = arith.constant 0 : i32
      %scan3A_143 = arith.constant 0 : i32
      %scan3A_144 = arith.constant 32 : i32
      %scan3A_145 = arith.addi %scan3A_143, %scan3A_144 : i32
      %scan3A_146 = arith.constant 1 : i32
      %scan3A_147 = scf.for %scan3A_166 = %scan3A_143 to %scan3A_145 step %scan3A_146 iter_args(%scan3A_167 = %scan3A_142) -> (i32)  : i32 {
        %broadcast_in_dim3A_168 = vector.broadcast %scan3A_166 : i32 to vector<16xi32>
        %parallel_loop3A = arith.constant 0 : i32
        %parallel_loop3A_169 = arith.constant 64 : i32
        %parallel_loop3A_170 = arith.constant 1 : i32
        scf.for %parallel_loop3A_215 = %parallel_loop3A to %parallel_loop3A_169 step %parallel_loop3A_170  : i32 {
          %parallel_loop3A_216 = arith.constant 16 : i32
          %parallel_loop3A_217 = arith.muli %parallel_loop3A_215, %parallel_loop3A_216 : i32
          %parallel_loop3A_218 = arith.index_cast %scan3A_166 : i32 to index
          %parallel_loop3A_219 = arith.index_cast %parallel_loop3A_217 : i32 to index
          %parallel_loop3A_220 = tpu.vector_load %arg6[%parallel_loop3A_218, %parallel_loop3A_219] {strides = array<i32>} : memref<32x1024xi32, #tpu.memory_space<vmem>>, vector<16xi32>,
          %parallel_loop3A_221 = arith.constant 65535 : i32
          %parallel_loop3A_222 = vector.broadcast %parallel_loop3A_221 : i32 to vector<16xi32>
          %parallel_loop3A_223 = arith.andi %parallel_loop3A_220, %parallel_loop3A_222 : vector<16xi32>
          %parallel_loop3A_224 = arith.constant 16 : i32
          %parallel_loop3A_225 = vector.broadcast %parallel_loop3A_224 : i32 to vector<16xi32>
          %parallel_loop3A_226 = arith.shrui %parallel_loop3A_220, %parallel_loop3A_225 : vector<16xi32>
          %parallel_loop3A_227 = arith.constant 16 : i32
          %parallel_loop3A_228 = arith.muli %parallel_loop3A_215, %parallel_loop3A_227 : i32
          %parallel_loop3A_229 = vector.broadcast %parallel_loop3A_228 : i32 to vector<16xi32>
          %parallel_loop3A_230 = arith.addi %iota3A, %parallel_loop3A_229 : vector<16xi32>
          %parallel_loop3A_231 = arith.constant 32768 : i32
          %parallel_loop3A_232 = vector.broadcast %parallel_loop3A_231 : i32 to vector<16xi32>
          %parallel_loop3A_233 = arith.cmpi slt, %parallel_loop3A_223, %parallel_loop3A_232 : vector<16xi32>
          tpu.vector_store_idx %arg10[%broadcast_in_dim3A_168, %parallel_loop3A_223], %parallel_loop3A_230 masked %parallel_loop3A_233 : memref<32x64xi32, #tpu.memory_space<vmem>>[vector<16xi32>, vector<16xi32>], vector<16xi32>, vector<16xi1>
          %parallel_loop3A_234 = arith.constant 1024 : i32
          %parallel_loop3A_235 = vector.broadcast %parallel_loop3A_234 : i32 to vector<16xi32>
          %parallel_loop3A_236 = arith.addi %parallel_loop3A_230, %parallel_loop3A_235 : vector<16xi32>
          %parallel_loop3A_237 = arith.constant 32768 : i32
          %parallel_loop3A_238 = vector.broadcast %parallel_loop3A_237 : i32 to vector<16xi32>
          %parallel_loop3A_239 = arith.cmpi slt, %parallel_loop3A_226, %parallel_loop3A_238 : vector<16xi32>
          tpu.vector_store_idx %arg10[%broadcast_in_dim3A_168, %parallel_loop3A_226], %parallel_loop3A_236 masked %parallel_loop3A_239 : memref<32x64xi32, #tpu.memory_space<vmem>>[vector<16xi32>, vector<16xi32>], vector<16xi32>, vector<16xi1>
        } {sc.loop_unroll_factor = 8 : i64, sc.parallel_access}
        %gather3A = tpu.vector_load_idx %arg8[%broadcast_in_dim3A_168, %broadcast_in_dim3A_33] : memref<32x1xi32, #tpu.memory_space<vmem>>[vector<16xi32>, vector<16xi32>], vector<16xi32>,
        %gather3A_171 = tpu.vector_load_idx %arg10[%broadcast_in_dim3A_168, %broadcast_in_dim3A_33] : memref<32x64xi32, #tpu.memory_space<vmem>>[vector<16xi32>, vector<16xi32>], vector<16xi32>,
        %add3A_172 = arith.constant 0 : i32
        %add3A_173 = vector.broadcast %add3A_172 : i32 to vector<16xi32>
        %add3A_174 = arith.addi %iota3A, %add3A_173 : vector<16xi32>
        %get3A = arith.index_cast %scan3A_166 : i32 to index
        %get3A_175 = arith.constant 0 : index
        %get3A_176 = tpu.vector_load %arg10[%get3A, %get3A_175] {strides = array<i32>} : memref<32x64xi32, #tpu.memory_space<vmem>>, vector<16xi32>,
        %lt3A_177 = arith.cmpi slt, %add3A_174, %gather3A : vector<16xi32>
        %select_n3A_178 = arith.select %lt3A_177, %get3A_176, %gather3A_171 : vector<16xi1>, vector<16xi32>
        %swap3A = arith.index_cast %scan3A_166 : i32 to index
        %swap3A_179 = arith.constant 0 : index
        %swap3A_180 = tpu.vector_load %arg10[%swap3A, %swap3A_179] {strides = array<i32>} : memref<32x64xi32, #tpu.memory_space<vmem>>, vector<16xi32>,
        tpu.vector_store %arg10[%swap3A, %swap3A_179], %select_n3A_178 {strides = array<i32>} : memref<32x64xi32, #tpu.memory_space<vmem>>, vector<16xi32>,
        %add3A_181 = arith.constant 16 : i32
        %add3A_182 = vector.broadcast %add3A_181 : i32 to vector<16xi32>
        %add3A_183 = arith.addi %iota3A, %add3A_182 : vector<16xi32>
        %get3A_184 = arith.index_cast %scan3A_166 : i32 to index
        %get3A_185 = arith.constant 16 : index
        %get3A_186 = tpu.vector_load %arg10[%get3A_184, %get3A_185] {strides = array<i32>} : memref<32x64xi32, #tpu.memory_space<vmem>>, vector<16xi32>,
        %lt3A_187 = arith.cmpi slt, %add3A_183, %gather3A : vector<16xi32>
        %select_n3A_188 = arith.select %lt3A_187, %get3A_186, %gather3A_171 : vector<16xi1>, vector<16xi32>
        %swap3A_189 = arith.index_cast %scan3A_166 : i32 to index
        %swap3A_190 = arith.constant 16 : index
        %swap3A_191 = tpu.vector_load %arg10[%swap3A_189, %swap3A_190] {strides = array<i32>} : memref<32x64xi32, #tpu.memory_space<vmem>>, vector<16xi32>,
        tpu.vector_store %arg10[%swap3A_189, %swap3A_190], %select_n3A_188 {strides = array<i32>} : memref<32x64xi32, #tpu.memory_space<vmem>>, vector<16xi32>,
        %add3A_192 = arith.constant 32 : i32
        %add3A_193 = vector.broadcast %add3A_192 : i32 to vector<16xi32>
        %add3A_194 = arith.addi %iota3A, %add3A_193 : vector<16xi32>
        %get3A_195 = arith.index_cast %scan3A_166 : i32 to index
        %get3A_196 = arith.constant 32 : index
        %get3A_197 = tpu.vector_load %arg10[%get3A_195, %get3A_196] {strides = array<i32>} : memref<32x64xi32, #tpu.memory_space<vmem>>, vector<16xi32>,
        %lt3A_198 = arith.cmpi slt, %add3A_194, %gather3A : vector<16xi32>
        %select_n3A_199 = arith.select %lt3A_198, %get3A_197, %gather3A_171 : vector<16xi1>, vector<16xi32>
        %swap3A_200 = arith.index_cast %scan3A_166 : i32 to index
        %swap3A_201 = arith.constant 32 : index
        %swap3A_202 = tpu.vector_load %arg10[%swap3A_200, %swap3A_201] {strides = array<i32>} : memref<32x64xi32, #tpu.memory_space<vmem>>, vector<16xi32>,
        tpu.vector_store %arg10[%swap3A_200, %swap3A_201], %select_n3A_199 {strides = array<i32>} : memref<32x64xi32, #tpu.memory_space<vmem>>, vector<16xi32>,
        %add3A_203 = arith.constant 48 : i32
        %add3A_204 = vector.broadcast %add3A_203 : i32 to vector<16xi32>
        %add3A_205 = arith.addi %iota3A, %add3A_204 : vector<16xi32>
        %get3A_206 = arith.index_cast %scan3A_166 : i32 to index
        %get3A_207 = arith.constant 48 : index
        %get3A_208 = tpu.vector_load %arg10[%get3A_206, %get3A_207] {strides = array<i32>} : memref<32x64xi32, #tpu.memory_space<vmem>>, vector<16xi32>,
        %lt3A_209 = arith.cmpi slt, %add3A_205, %gather3A : vector<16xi32>
        %select_n3A_210 = arith.select %lt3A_209, %get3A_208, %gather3A_171 : vector<16xi1>, vector<16xi32>
        %swap3A_211 = arith.index_cast %scan3A_166 : i32 to index
        %swap3A_212 = arith.constant 48 : index
        %swap3A_213 = tpu.vector_load %arg10[%swap3A_211, %swap3A_212] {strides = array<i32>} : memref<32x64xi32, #tpu.memory_space<vmem>>, vector<16xi32>,
        tpu.vector_store %arg10[%swap3A_211, %swap3A_212], %select_n3A_210 {strides = array<i32>} : memref<32x64xi32, #tpu.memory_space<vmem>>, vector<16xi32>,
        %scan3A_214 = arith.constant 0 : i32
        scf.yield %scan3A_214 : i32
      }
      %scan3A_148 = arith.constant 32 : i32
      %add3A_149 = arith.constant 2 : i32
      %add3A_150 = arith.addi %add3A_124, %add3A_149 : i32
      %lt3A_151 = arith.constant 4 : i32
      %lt3A_152 = arith.cmpi slt, %add3A_150, %lt3A_151 : i32
      %convert_element_type3A_153 = arith.extui %lt3A_152 : i1 to i32
      %cond3A_154 = arith.constant 0 : i32
      %cond3A_155 = arith.cmpi ne, %convert_element_type3A_153, %cond3A_154 : i32
      scf.if %cond3A_155 {
        %add3A_166 = arith.constant 2 : i32
        %add3A_167 = arith.addi %add3A_124, %add3A_166 : i32
        %mul3A_168 = arith.constant 32 : i32
        %mul3A_169 = arith.muli %add3A_167, %mul3A_168 : i32
        %add3A_170 = arith.addi %mul3A_32, %mul3A_169 : i32
        %dma_start3A_171 = arith.constant 0 : i32
        %dma_start3A_172 = tpu.memref_slice %arg2[%select_n3A, %add3A_170, %dma_start3A_171] : memref<2x2048x1024xi32, #tpu.memory_space<hbm>> -> memref<1x32x1024xi32, #tpu.memory_space<hbm>>
        %dma_start3A_173 = tpu.memref_squeeze %dma_start3A_172 : memref<1x32x1024xi32, #tpu.memory_space<hbm>> -> memref<32x1024xi32, #tpu.memory_space<hbm>>
        %dma_start3A_174 = arith.constant 0 : i32
        %dma_start3A_175 = tpu.memref_slice %arg2[%select_n3A, %add3A_170, %dma_start3A_174] : memref<2x2048x1024xi32, #tpu.memory_space<hbm>> -> memref<1x32x1024xi32, #tpu.memory_space<hbm>>
        %dma_start3A_176 = tpu.memref_squeeze %dma_start3A_175 : memref<1x32x1024xi32, #tpu.memory_space<hbm>> -> memref<32x1024xi32, #tpu.memory_space<hbm>>
        tpu.enqueue_dma source(%dma_start3A_176 : memref<32x1024xi32, #tpu.memory_space<hbm>>) target(%arg6 : memref<32x1024xi32, #tpu.memory_space<vmem>>) target_semaphore(%arg12 : memref<!tpu.dma_semaphore, #tpu.memory_space<semaphore_mem>>)
        %dma_start3A_177 = arith.constant 0 : i32
        %dma_start3A_178 = tpu.memref_slice %arg3[%select_n3A, %add3A_170, %dma_start3A_177] : memref<2x2048x1xi32, #tpu.memory_space<hbm>> -> memref<1x32x1xi32, #tpu.memory_space<hbm>>
        %dma_start3A_179 = tpu.memref_squeeze %dma_start3A_178 : memref<1x32x1xi32, #tpu.memory_space<hbm>> -> memref<32x1xi32, #tpu.memory_space<hbm>>
        %dma_start3A_180 = arith.constant 0 : i32
        %dma_start3A_181 = tpu.memref_slice %arg3[%select_n3A, %add3A_170, %dma_start3A_180] : memref<2x2048x1xi32, #tpu.memory_space<hbm>> -> memref<1x32x1xi32, #tpu.memory_space<hbm>>
        %dma_start3A_182 = tpu.memref_squeeze %dma_start3A_181 : memref<1x32x1xi32, #tpu.memory_space<hbm>> -> memref<32x1xi32, #tpu.memory_space<hbm>>
        tpu.enqueue_dma source(%dma_start3A_182 : memref<32x1xi32, #tpu.memory_space<hbm>>) target(%arg8 : memref<32x1xi32, #tpu.memory_space<vmem>>) target_semaphore(%arg14 : memref<!tpu.dma_semaphore, #tpu.memory_space<semaphore_mem>>)
      } else {
      }
      %mul3A_156 = arith.constant 32 : i32
      %mul3A_157 = arith.muli %add3A_124, %mul3A_156 : i32
      %add3A_158 = arith.addi %mul3A_32, %mul3A_157 : i32
      %dma_start3A_159 = arith.constant 0 : i32
      %dma_start3A_160 = tpu.memref_slice %arg4[%select_n3A, %add3A_158, %dma_start3A_159] : memref<2x2048x64xi32, #tpu.memory_space<hbm>> -> memref<1x32x64xi32, #tpu.memory_space<hbm>>
      %dma_start3A_161 = tpu.memref_squeeze %dma_start3A_160 : memref<1x32x64xi32, #tpu.memory_space<hbm>> -> memref<32x64xi32, #tpu.memory_space<hbm>>
      %dma_start3A_162 = arith.constant 0 : i32
      %dma_start3A_163 = tpu.memref_slice %arg4[%select_n3A, %add3A_158, %dma_start3A_162] : memref<2x2048x64xi32, #tpu.memory_space<hbm>> -> memref<1x32x64xi32, #tpu.memory_space<hbm>>
      %dma_start3A_164 = tpu.memref_squeeze %dma_start3A_163 : memref<1x32x64xi32, #tpu.memory_space<hbm>> -> memref<32x64xi32, #tpu.memory_space<hbm>>
      tpu.enqueue_dma source(%arg10 : memref<32x64xi32, #tpu.memory_space<vmem>>) target(%dma_start3A_164 : memref<32x64xi32, #tpu.memory_space<hbm>>) target_semaphore(%arg16 : memref<!tpu.dma_semaphore, #tpu.memory_space<semaphore_mem>>)
      %scan3A_165 = arith.constant 0 : i32
      scf.yield %scan3A_165 : i32
    }
    %scan3A_66 = arith.constant 2 : i32
    %dma_wait3A = arith.constant 0 : i32
    %dma_wait3A_67 = tpu.memref_slice %arg4[%select_n3A, %mul3A_32, %dma_wait3A] : memref<2x2048x64xi32, #tpu.memory_space<hbm>> -> memref<1x32x64xi32, #tpu.memory_space<hbm>>
    %dma_wait3A_68 = tpu.memref_squeeze %dma_wait3A_67 : memref<1x32x64xi32, #tpu.memory_space<hbm>> -> memref<32x64xi32, #tpu.memory_space<hbm>>
    %dma_wait3A_69 = arith.constant 0 : i32
    %dma_wait3A_70 = tpu.memref_slice %arg4[%select_n3A, %mul3A_32, %dma_wait3A_69] : memref<2x2048x64xi32, #tpu.memory_space<hbm>> -> memref<1x32x64xi32, #tpu.memory_space<hbm>>
    %dma_wait3A_71 = tpu.memref_squeeze %dma_wait3A_70 : memref<1x32x64xi32, #tpu.memory_space<hbm>> -> memref<32x64xi32, #tpu.memory_space<hbm>>
    tpu.wait_dma2 semaphore(%arg15 : memref<!tpu.dma_semaphore, #tpu.memory_space<semaphore_mem>>) src(%arg9 : memref<32x64xi32, #tpu.memory_space<vmem>>) dst(%dma_wait3A_71 : memref<32x64xi32, #tpu.memory_space<hbm>>)
    %dma_wait3A_72 = arith.constant 0 : i32
    %dma_wait3A_73 = tpu.memref_slice %arg4[%select_n3A, %mul3A_32, %dma_wait3A_72] : memref<2x2048x64xi32, #tpu.memory_space<hbm>> -> memref<1x32x64xi32, #tpu.memory_space<hbm>>
    %dma_wait3A_74 = tpu.memref_squeeze %dma_wait3A_73 : memref<1x32x64xi32, #tpu.memory_space<hbm>> -> memref<32x64xi32, #tpu.memory_space<hbm>>
    %dma_wait3A_75 = arith.constant 0 : i32
    %dma_wait3A_76 = tpu.memref_slice %arg4[%select_n3A, %mul3A_32, %dma_wait3A_75] : memref<2x2048x64xi32, #tpu.memory_space<hbm>> -> memref<1x32x64xi32, #tpu.memory_space<hbm>>
    %dma_wait3A_77 = tpu.memref_squeeze %dma_wait3A_76 : memref<1x32x64xi32, #tpu.memory_space<hbm>> -> memref<32x64xi32, #tpu.memory_space<hbm>>
    tpu.wait_dma2 semaphore(%arg16 : memref<!tpu.dma_semaphore, #tpu.memory_space<semaphore_mem>>) src(%arg10 : memref<32x64xi32, #tpu.memory_space<vmem>>) dst(%dma_wait3A_77 : memref<32x64xi32, #tpu.memory_space<hbm>>)
    return
  }
}

#map = affine_map<(d0, d1) -> (0, 0, 0)>
module attributes {stable_mosaic.version = 14 : i64} {
  func.func @_sc_scatter_kernel(%arg0: i32, %arg1: i32, %arg2: memref<2x2048x1024xi32, #tpu.memory_space<hbm>>, %arg3: memref<2x2048x1xi32, #tpu.memory_space<hbm>>, %arg4: memref<2x2048x64xi32, #tpu.memory_space<hbm>>, %arg5: memref<32x1024xi32, #tpu.memory_space<vmem>>, %arg6: memref<32x1024xi32, #tpu.memory_space<vmem>>, %arg7: memref<32x1xi32, #tpu.memory_space<vmem>>, %arg8: memref<32x1xi32, #tpu.memory_space<vmem>>, %arg9: memref<32x64xi32, #tpu.memory_space<vmem>>, %arg10: memref<32x64xi32, #tpu.memory_space<vmem>>, %arg11: memref<!tpu.dma_semaphore, #tpu.memory_space<semaphore_mem>>, %arg12: memref<!tpu.dma_semaphore, #tpu.memory_space<semaphore_mem>>, %arg13: memref<!tpu.dma_semaphore, #tpu.memory_space<semaphore_mem>>, %arg14: memref<!tpu.dma_semaphore, #tpu.memory_space<semaphore_mem>>, %arg15: memref<!tpu.dma_semaphore, #tpu.memory_space<semaphore_mem>>, %arg16: memref<!tpu.dma_semaphore, #tpu.memory_space<semaphore_mem>>) attributes {dimension_semantics = [#tpu.dimension_semantics<core_parallel>, #tpu.dimension_semantics<subcore_parallel>], iteration_bounds = array<i64: 2, 16>, scalar_prefetch = 0 : i64, scratch_operands = 12 : i64, tpu.core_type = #tpu.core_type<sc_vector_subcore>, window_params = [{transform_indices = #map}, {transform_indices = #map}, {transform_indices = #map}]} {
    %mul3A = arith.constant 2 : i32
    %mul3A_0 = arith.muli %arg1, %mul3A : i32
    %add3A = arith.addi %mul3A_0, %arg0 : i32
    %jit3A = arith.constant 16 : i32
    %div3A = arith.divsi %add3A, %jit3A : i32
    %sign3A = arith.constant 0 : i32
    %sign3A_1 = arith.cmpi sgt, %add3A, %sign3A : i32
    %sign3A_2 = arith.extui %sign3A_1 : i1 to i32
    %sign3A_3 = arith.constant 0 : i32
    %sign3A_4 = arith.cmpi slt, %add3A, %sign3A_3 : i32
    %sign3A_5 = arith.extui %sign3A_4 : i1 to i32
    %sign3A_6 = arith.subi %sign3A_2, %sign3A_5 : i32
    %sign3A_7 = arith.constant 0 : i32
    %sign3A_8 = arith.cmpi sgt, %jit3A, %sign3A_7 : i32
    %sign3A_9 = arith.extui %sign3A_8 : i1 to i32
    %sign3A_10 = arith.constant 0 : i32
    %sign3A_11 = arith.cmpi slt, %jit3A, %sign3A_10 : i32
    %sign3A_12 = arith.extui %sign3A_11 : i1 to i32
    %sign3A_13 = arith.subi %sign3A_9, %sign3A_12 : i32
    %ne3A = arith.cmpi ne, %sign3A_6, %sign3A_13 : i32
    %rem3A = arith.remsi %add3A, %jit3A : i32
    %ne3A_14 = arith.constant 0 : i32
    %ne3A_15 = arith.cmpi ne, %rem3A, %ne3A_14 : i32
    %and3A = arith.andi %ne3A, %ne3A_15 : i1
    %sub3A = arith.constant 1 : i32
    %sub3A_16 = arith.subi %div3A, %sub3A : i32
    %select_n3A = arith.select %and3A, %sub3A_16, %div3A : i32
    %jit3A_17 = arith.constant 16 : i32
    %eq3A = arith.constant 0 : i32
    %eq3A_18 = arith.cmpi eq, %jit3A_17, %eq3A : i32
    %jit3A_19 = arith.constant 1 : i32
    %select_n3A_20 = arith.select %eq3A_18, %jit3A_19, %jit3A_17 : i32
    %rem3A_21 = arith.remsi %add3A, %select_n3A_20 : i32
    %ne3A_22 = arith.constant 0 : i32
    %ne3A_23 = arith.cmpi ne, %rem3A_21, %ne3A_22 : i32
    %lt3A = arith.constant 0 : i32
    %lt3A_24 = arith.cmpi slt, %rem3A_21, %lt3A : i32
    %lt3A_25 = arith.constant 0 : i32
    %lt3A_26 = arith.cmpi slt, %select_n3A_20, %lt3A_25 : i32
    %ne3A_27 = arith.xori %lt3A_24, %lt3A_26 : i1
    %and3A_28 = arith.andi %ne3A_27, %ne3A_23 : i1
    %add3A_29 = arith.addi %rem3A_21, %select_n3A_20 : i32
    %select_n3A_30 = arith.select %and3A_28, %add3A_29, %rem3A_21 : i32
    %mul3A_31 = arith.constant 128 : i32
    %mul3A_32 = arith.muli %select_n3A_30, %mul3A_31 : i32
    %iota3A = tpu.iota {dimensions = array<i32: 0>} : vector<16xi32>
    %broadcast_in_dim3A = arith.constant 0 : i32
    %broadcast_in_dim3A_33 = vector.broadcast %broadcast_in_dim3A : i32 to vector<16xi32>
    %add3A_34 = arith.constant 0 : i32
    %add3A_35 = arith.addi %mul3A_32, %add3A_34 : i32
    %dma_start3A = arith.constant 0 : i32
    %dma_start3A_36 = tpu.memref_slice %arg2[%select_n3A, %add3A_35, %dma_start3A] : memref<2x2048x1024xi32, #tpu.memory_space<hbm>> -> memref<1x32x1024xi32, #tpu.memory_space<hbm>>
    %dma_start3A_37 = tpu.memref_squeeze %dma_start3A_36 : memref<1x32x1024xi32, #tpu.memory_space<hbm>> -> memref<32x1024xi32, #tpu.memory_space<hbm>>
    %dma_start3A_38 = arith.constant 0 : i32
    %dma_start3A_39 = tpu.memref_slice %arg2[%select_n3A, %add3A_35, %dma_start3A_38] : memref<2x2048x1024xi32, #tpu.memory_space<hbm>> -> memref<1x32x1024xi32, #tpu.memory_space<hbm>>
    %dma_start3A_40 = tpu.memref_squeeze %dma_start3A_39 : memref<1x32x1024xi32, #tpu.memory_space<hbm>> -> memref<32x1024xi32, #tpu.memory_space<hbm>>
    tpu.enqueue_dma source(%dma_start3A_40 : memref<32x1024xi32, #tpu.memory_space<hbm>>) target(%arg5 : memref<32x1024xi32, #tpu.memory_space<vmem>>) target_semaphore(%arg11 : memref<!tpu.dma_semaphore, #tpu.memory_space<semaphore_mem>>)
    %dma_start3A_41 = arith.constant 0 : i32
    %dma_start3A_42 = tpu.memref_slice %arg3[%select_n3A, %add3A_35, %dma_start3A_41] : memref<2x2048x1xi32, #tpu.memory_space<hbm>> -> memref<1x32x1xi32, #tpu.memory_space<hbm>>
    %dma_start3A_43 = tpu.memref_squeeze %dma_start3A_42 : memref<1x32x1xi32, #tpu.memory_space<hbm>> -> memref<32x1xi32, #tpu.memory_space<hbm>>
    %dma_start3A_44 = arith.constant 0 : i32
    %dma_start3A_45 = tpu.memref_slice %arg3[%select_n3A, %add3A_35, %dma_start3A_44] : memref<2x2048x1xi32, #tpu.memory_space<hbm>> -> memref<1x32x1xi32, #tpu.memory_space<hbm>>
    %dma_start3A_46 = tpu.memref_squeeze %dma_start3A_45 : memref<1x32x1xi32, #tpu.memory_space<hbm>> -> memref<32x1xi32, #tpu.memory_space<hbm>>
    tpu.enqueue_dma source(%dma_start3A_46 : memref<32x1xi32, #tpu.memory_space<hbm>>) target(%arg7 : memref<32x1xi32, #tpu.memory_space<vmem>>) target_semaphore(%arg13 : memref<!tpu.dma_semaphore, #tpu.memory_space<semaphore_mem>>)
    %add3A_47 = arith.constant 32 : i32
    %add3A_48 = arith.addi %mul3A_32, %add3A_47 : i32
    %dma_start3A_49 = arith.constant 0 : i32
    %dma_start3A_50 = tpu.memref_slice %arg2[%select_n3A, %add3A_48, %dma_start3A_49] : memref<2x2048x1024xi32, #tpu.memory_space<hbm>> -> memref<1x32x1024xi32, #tpu.memory_space<hbm>>
    %dma_start3A_51 = tpu.memref_squeeze %dma_start3A_50 : memref<1x32x1024xi32, #tpu.memory_space<hbm>> -> memref<32x1024xi32, #tpu.memory_space<hbm>>
    %dma_start3A_52 = arith.constant 0 : i32
    %dma_start3A_53 = tpu.memref_slice %arg2[%select_n3A, %add3A_48, %dma_start3A_52] : memref<2x2048x1024xi32, #tpu.memory_space<hbm>> -> memref<1x32x1024xi32, #tpu.memory_space<hbm>>
    %dma_start3A_54 = tpu.memref_squeeze %dma_start3A_53 : memref<1x32x1024xi32, #tpu.memory_space<hbm>> -> memref<32x1024xi32, #tpu.memory_space<hbm>>
    tpu.enqueue_dma source(%dma_start3A_54 : memref<32x1024xi32, #tpu.memory_space<hbm>>) target(%arg6 : memref<32x1024xi32, #tpu.memory_space<vmem>>) target_semaphore(%arg12 : memref<!tpu.dma_semaphore, #tpu.memory_space<semaphore_mem>>)
    %dma_start3A_55 = arith.constant 0 : i32
    %dma_start3A_56 = tpu.memref_slice %arg3[%select_n3A, %add3A_48, %dma_start3A_55] : memref<2x2048x1xi32, #tpu.memory_space<hbm>> -> memref<1x32x1xi32, #tpu.memory_space<hbm>>
    %dma_start3A_57 = tpu.memref_squeeze %dma_start3A_56 : memref<1x32x1xi32, #tpu.memory_space<hbm>> -> memref<32x1xi32, #tpu.memory_space<hbm>>
    %dma_start3A_58 = arith.constant 0 : i32
    %dma_start3A_59 = tpu.memref_slice %arg3[%select_n3A, %add3A_48, %dma_start3A_58] : memref<2x2048x1xi32, #tpu.memory_space<hbm>> -> memref<1x32x1xi32, #tpu.memory_space<hbm>>
    %dma_start3A_60 = tpu.memref_squeeze %dma_start3A_59 : memref<1x32x1xi32, #tpu.memory_space<hbm>> -> memref<32x1xi32, #tpu.memory_space<hbm>>
    tpu.enqueue_dma source(%dma_start3A_60 : memref<32x1xi32, #tpu.memory_space<hbm>>) target(%arg8 : memref<32x1xi32, #tpu.memory_space<vmem>>) target_semaphore(%arg14 : memref<!tpu.dma_semaphore, #tpu.memory_space<semaphore_mem>>)
    %scan3A = arith.constant 0 : i32
    %scan3A_61 = arith.constant 0 : i32
    %scan3A_62 = arith.constant 2 : i32
    %scan3A_63 = arith.addi %scan3A_61, %scan3A_62 : i32
    %scan3A_64 = arith.constant 1 : i32
    %scan3A_65 = scf.for %scan3A_78 = %scan3A_61 to %scan3A_63 step %scan3A_64 iter_args(%scan3A_79 = %scan3A) -> (i32)  : i32 {
      %mul3A_80 = arith.constant 2 : i32
      %mul3A_81 = arith.muli %mul3A_80, %scan3A_78 : i32
      %add3A_82 = arith.constant 0 : i32
      %add3A_83 = arith.addi %mul3A_81, %add3A_82 : i32
      %dma_wait3A_84 = arith.constant 0 : i32
      %dma_wait3A_85 = tpu.memref_slice %arg2[%select_n3A, %mul3A_32, %dma_wait3A_84] : memref<2x2048x1024xi32, #tpu.memory_space<hbm>> -> memref<1x32x1024xi32, #tpu.memory_space<hbm>>
      %dma_wait3A_86 = tpu.memref_squeeze %dma_wait3A_85 : memref<1x32x1024xi32, #tpu.memory_space<hbm>> -> memref<32x1024xi32, #tpu.memory_space<hbm>>
      %dma_wait3A_87 = arith.constant 0 : i32
      %dma_wait3A_88 = tpu.memref_slice %arg2[%select_n3A, %mul3A_32, %dma_wait3A_87] : memref<2x2048x1024xi32, #tpu.memory_space<hbm>> -> memref<1x32x1024xi32, #tpu.memory_space<hbm>>
      %dma_wait3A_89 = tpu.memref_squeeze %dma_wait3A_88 : memref<1x32x1024xi32, #tpu.memory_space<hbm>> -> memref<32x1024xi32, #tpu.memory_space<hbm>>
      tpu.wait_dma2 semaphore(%arg11 : memref<!tpu.dma_semaphore, #tpu.memory_space<semaphore_mem>>) src(%dma_wait3A_89 : memref<32x1024xi32, #tpu.memory_space<hbm>>) dst(%arg5 : memref<32x1024xi32, #tpu.memory_space<vmem>>)
      %dma_wait3A_90 = arith.constant 0 : i32
      %dma_wait3A_91 = tpu.memref_slice %arg3[%select_n3A, %mul3A_32, %dma_wait3A_90] : memref<2x2048x1xi32, #tpu.memory_space<hbm>> -> memref<1x32x1xi32, #tpu.memory_space<hbm>>
      %dma_wait3A_92 = tpu.memref_squeeze %dma_wait3A_91 : memref<1x32x1xi32, #tpu.memory_space<hbm>> -> memref<32x1xi32, #tpu.memory_space<hbm>>
      %dma_wait3A_93 = arith.constant 0 : i32
      %dma_wait3A_94 = tpu.memref_slice %arg3[%select_n3A, %mul3A_32, %dma_wait3A_93] : memref<2x2048x1xi32, #tpu.memory_space<hbm>> -> memref<1x32x1xi32, #tpu.memory_space<hbm>>
      %dma_wait3A_95 = tpu.memref_squeeze %dma_wait3A_94 : memref<1x32x1xi32, #tpu.memory_space<hbm>> -> memref<32x1xi32, #tpu.memory_space<hbm>>
      tpu.wait_dma2 semaphore(%arg13 : memref<!tpu.dma_semaphore, #tpu.memory_space<semaphore_mem>>) src(%dma_wait3A_95 : memref<32x1xi32, #tpu.memory_space<hbm>>) dst(%arg7 : memref<32x1xi32, #tpu.memory_space<vmem>>)
      %ge3A = arith.constant 2 : i32
      %ge3A_96 = arith.cmpi sge, %add3A_83, %ge3A : i32
      %convert_element_type3A = arith.extui %ge3A_96 : i1 to i32
      %cond3A = arith.constant 0 : i32
      %cond3A_97 = arith.cmpi ne, %convert_element_type3A, %cond3A : i32
      scf.if %cond3A_97 {
        %dma_wait3A_166 = arith.constant 0 : i32
        %dma_wait3A_167 = tpu.memref_slice %arg4[%select_n3A, %mul3A_32, %dma_wait3A_166] : memref<2x2048x64xi32, #tpu.memory_space<hbm>> -> memref<1x32x64xi32, #tpu.memory_space<hbm>>
        %dma_wait3A_168 = tpu.memref_squeeze %dma_wait3A_167 : memref<1x32x64xi32, #tpu.memory_space<hbm>> -> memref<32x64xi32, #tpu.memory_space<hbm>>
        %dma_wait3A_169 = arith.constant 0 : i32
        %dma_wait3A_170 = tpu.memref_slice %arg4[%select_n3A, %mul3A_32, %dma_wait3A_169] : memref<2x2048x64xi32, #tpu.memory_space<hbm>> -> memref<1x32x64xi32, #tpu.memory_space<hbm>>
        %dma_wait3A_171 = tpu.memref_squeeze %dma_wait3A_170 : memref<1x32x64xi32, #tpu.memory_space<hbm>> -> memref<32x64xi32, #tpu.memory_space<hbm>>
        tpu.wait_dma2 semaphore(%arg15 : memref<!tpu.dma_semaphore, #tpu.memory_space<semaphore_mem>>) src(%arg9 : memref<32x64xi32, #tpu.memory_space<vmem>>) dst(%dma_wait3A_171 : memref<32x64xi32, #tpu.memory_space<hbm>>)
      } else {
      }
      %scan3A_98 = arith.constant 0 : i32
      %scan3A_99 = arith.constant 0 : i32
      %scan3A_100 = arith.constant 32 : i32
      %scan3A_101 = arith.addi %scan3A_99, %scan3A_100 : i32
      %scan3A_102 = arith.constant 1 : i32
      %scan3A_103 = scf.for %scan3A_166 = %scan3A_99 to %scan3A_101 step %scan3A_102 iter_args(%scan3A_167 = %scan3A_98) -> (i32)  : i32 {
        %broadcast_in_dim3A_168 = vector.broadcast %scan3A_166 : i32 to vector<16xi32>
        %parallel_loop3A = arith.constant 0 : i32
        %parallel_loop3A_169 = arith.constant 64 : i32
        %parallel_loop3A_170 = arith.constant 1 : i32
        scf.for %parallel_loop3A_215 = %parallel_loop3A to %parallel_loop3A_169 step %parallel_loop3A_170  : i32 {
          %parallel_loop3A_216 = arith.constant 16 : i32
          %parallel_loop3A_217 = arith.muli %parallel_loop3A_215, %parallel_loop3A_216 : i32
          %parallel_loop3A_218 = arith.index_cast %scan3A_166 : i32 to index
          %parallel_loop3A_219 = arith.index_cast %parallel_loop3A_217 : i32 to index
          %parallel_loop3A_220 = tpu.vector_load %arg5[%parallel_loop3A_218, %parallel_loop3A_219] {strides = array<i32>} : memref<32x1024xi32, #tpu.memory_space<vmem>>, vector<16xi32>,
          %parallel_loop3A_221 = arith.constant 65535 : i32
          %parallel_loop3A_222 = vector.broadcast %parallel_loop3A_221 : i32 to vector<16xi32>
          %parallel_loop3A_223 = arith.andi %parallel_loop3A_220, %parallel_loop3A_222 : vector<16xi32>
          %parallel_loop3A_224 = arith.constant 16 : i32
          %parallel_loop3A_225 = vector.broadcast %parallel_loop3A_224 : i32 to vector<16xi32>
          %parallel_loop3A_226 = arith.shrui %parallel_loop3A_220, %parallel_loop3A_225 : vector<16xi32>
          %parallel_loop3A_227 = arith.constant 16 : i32
          %parallel_loop3A_228 = arith.muli %parallel_loop3A_215, %parallel_loop3A_227 : i32
          %parallel_loop3A_229 = vector.broadcast %parallel_loop3A_228 : i32 to vector<16xi32>
          %parallel_loop3A_230 = arith.addi %iota3A, %parallel_loop3A_229 : vector<16xi32>
          %parallel_loop3A_231 = arith.constant 32768 : i32
          %parallel_loop3A_232 = vector.broadcast %parallel_loop3A_231 : i32 to vector<16xi32>
          %parallel_loop3A_233 = arith.cmpi slt, %parallel_loop3A_223, %parallel_loop3A_232 : vector<16xi32>
          tpu.vector_store_idx %arg9[%broadcast_in_dim3A_168, %parallel_loop3A_223], %parallel_loop3A_230 masked %parallel_loop3A_233 : memref<32x64xi32, #tpu.memory_space<vmem>>[vector<16xi32>, vector<16xi32>], vector<16xi32>, vector<16xi1>
          %parallel_loop3A_234 = arith.constant 1024 : i32
          %parallel_loop3A_235 = vector.broadcast %parallel_loop3A_234 : i32 to vector<16xi32>
          %parallel_loop3A_236 = arith.addi %parallel_loop3A_230, %parallel_loop3A_235 : vector<16xi32>
          %parallel_loop3A_237 = arith.constant 32768 : i32
          %parallel_loop3A_238 = vector.broadcast %parallel_loop3A_237 : i32 to vector<16xi32>
          %parallel_loop3A_239 = arith.cmpi slt, %parallel_loop3A_226, %parallel_loop3A_238 : vector<16xi32>
          tpu.vector_store_idx %arg9[%broadcast_in_dim3A_168, %parallel_loop3A_226], %parallel_loop3A_236 masked %parallel_loop3A_239 : memref<32x64xi32, #tpu.memory_space<vmem>>[vector<16xi32>, vector<16xi32>], vector<16xi32>, vector<16xi1>
        } {sc.loop_unroll_factor = 8 : i64, sc.parallel_access}
        %gather3A = tpu.vector_load_idx %arg7[%broadcast_in_dim3A_168, %broadcast_in_dim3A_33] : memref<32x1xi32, #tpu.memory_space<vmem>>[vector<16xi32>, vector<16xi32>], vector<16xi32>,
        %gather3A_171 = tpu.vector_load_idx %arg9[%broadcast_in_dim3A_168, %broadcast_in_dim3A_33] : memref<32x64xi32, #tpu.memory_space<vmem>>[vector<16xi32>, vector<16xi32>], vector<16xi32>,
        %add3A_172 = arith.constant 0 : i32
        %add3A_173 = vector.broadcast %add3A_172 : i32 to vector<16xi32>
        %add3A_174 = arith.addi %iota3A, %add3A_173 : vector<16xi32>
        %get3A = arith.index_cast %scan3A_166 : i32 to index
        %get3A_175 = arith.constant 0 : index
        %get3A_176 = tpu.vector_load %arg9[%get3A, %get3A_175] {strides = array<i32>} : memref<32x64xi32, #tpu.memory_space<vmem>>, vector<16xi32>,
        %lt3A_177 = arith.cmpi slt, %add3A_174, %gather3A : vector<16xi32>
        %select_n3A_178 = arith.select %lt3A_177, %get3A_176, %gather3A_171 : vector<16xi1>, vector<16xi32>
        %swap3A = arith.index_cast %scan3A_166 : i32 to index
        %swap3A_179 = arith.constant 0 : index
        %swap3A_180 = tpu.vector_load %arg9[%swap3A, %swap3A_179] {strides = array<i32>} : memref<32x64xi32, #tpu.memory_space<vmem>>, vector<16xi32>,
        tpu.vector_store %arg9[%swap3A, %swap3A_179], %select_n3A_178 {strides = array<i32>} : memref<32x64xi32, #tpu.memory_space<vmem>>, vector<16xi32>,
        %add3A_181 = arith.constant 16 : i32
        %add3A_182 = vector.broadcast %add3A_181 : i32 to vector<16xi32>
        %add3A_183 = arith.addi %iota3A, %add3A_182 : vector<16xi32>
        %get3A_184 = arith.index_cast %scan3A_166 : i32 to index
        %get3A_185 = arith.constant 16 : index
        %get3A_186 = tpu.vector_load %arg9[%get3A_184, %get3A_185] {strides = array<i32>} : memref<32x64xi32, #tpu.memory_space<vmem>>, vector<16xi32>,
        %lt3A_187 = arith.cmpi slt, %add3A_183, %gather3A : vector<16xi32>
        %select_n3A_188 = arith.select %lt3A_187, %get3A_186, %gather3A_171 : vector<16xi1>, vector<16xi32>
        %swap3A_189 = arith.index_cast %scan3A_166 : i32 to index
        %swap3A_190 = arith.constant 16 : index
        %swap3A_191 = tpu.vector_load %arg9[%swap3A_189, %swap3A_190] {strides = array<i32>} : memref<32x64xi32, #tpu.memory_space<vmem>>, vector<16xi32>,
        tpu.vector_store %arg9[%swap3A_189, %swap3A_190], %select_n3A_188 {strides = array<i32>} : memref<32x64xi32, #tpu.memory_space<vmem>>, vector<16xi32>,
        %add3A_192 = arith.constant 32 : i32
        %add3A_193 = vector.broadcast %add3A_192 : i32 to vector<16xi32>
        %add3A_194 = arith.addi %iota3A, %add3A_193 : vector<16xi32>
        %get3A_195 = arith.index_cast %scan3A_166 : i32 to index
        %get3A_196 = arith.constant 32 : index
        %get3A_197 = tpu.vector_load %arg9[%get3A_195, %get3A_196] {strides = array<i32>} : memref<32x64xi32, #tpu.memory_space<vmem>>, vector<16xi32>,
        %lt3A_198 = arith.cmpi slt, %add3A_194, %gather3A : vector<16xi32>
        %select_n3A_199 = arith.select %lt3A_198, %get3A_197, %gather3A_171 : vector<16xi1>, vector<16xi32>
        %swap3A_200 = arith.index_cast %scan3A_166 : i32 to index
        %swap3A_201 = arith.constant 32 : index
        %swap3A_202 = tpu.vector_load %arg9[%swap3A_200, %swap3A_201] {strides = array<i32>} : memref<32x64xi32, #tpu.memory_space<vmem>>, vector<16xi32>,
        tpu.vector_store %arg9[%swap3A_200, %swap3A_201], %select_n3A_199 {strides = array<i32>} : memref<32x64xi32, #tpu.memory_space<vmem>>, vector<16xi32>,
        %add3A_203 = arith.constant 48 : i32
        %add3A_204 = vector.broadcast %add3A_203 : i32 to vector<16xi32>
        %add3A_205 = arith.addi %iota3A, %add3A_204 : vector<16xi32>
        %get3A_206 = arith.index_cast %scan3A_166 : i32 to index
        %get3A_207 = arith.constant 48 : index
        %get3A_208 = tpu.vector_load %arg9[%get3A_206, %get3A_207] {strides = array<i32>} : memref<32x64xi32, #tpu.memory_space<vmem>>, vector<16xi32>,
        %lt3A_209 = arith.cmpi slt, %add3A_205, %gather3A : vector<16xi32>
        %select_n3A_210 = arith.select %lt3A_209, %get3A_208, %gather3A_171 : vector<16xi1>, vector<16xi32>
        %swap3A_211 = arith.index_cast %scan3A_166 : i32 to index
        %swap3A_212 = arith.constant 48 : index
        %swap3A_213 = tpu.vector_load %arg9[%swap3A_211, %swap3A_212] {strides = array<i32>} : memref<32x64xi32, #tpu.memory_space<vmem>>, vector<16xi32>,
        tpu.vector_store %arg9[%swap3A_211, %swap3A_212], %select_n3A_210 {strides = array<i32>} : memref<32x64xi32, #tpu.memory_space<vmem>>, vector<16xi32>,
        %scan3A_214 = arith.constant 0 : i32
        scf.yield %scan3A_214 : i32
      }
      %scan3A_104 = arith.constant 32 : i32
      %add3A_105 = arith.constant 2 : i32
      %add3A_106 = arith.addi %add3A_83, %add3A_105 : i32
      %lt3A_107 = arith.constant 4 : i32
      %lt3A_108 = arith.cmpi slt, %add3A_106, %lt3A_107 : i32
      %convert_element_type3A_109 = arith.extui %lt3A_108 : i1 to i32
      %cond3A_110 = arith.constant 0 : i32
      %cond3A_111 = arith.cmpi ne, %convert_element_type3A_109, %cond3A_110 : i32
      scf.if %cond3A_111 {
        %add3A_166 = arith.constant 2 : i32
        %add3A_167 = arith.addi %add3A_83, %add3A_166 : i32
        %mul3A_168 = arith.constant 32 : i32
        %mul3A_169 = arith.muli %add3A_167, %mul3A_168 : i32
        %add3A_170 = arith.addi %mul3A_32, %mul3A_169 : i32
        %dma_start3A_171 = arith.constant 0 : i32
        %dma_start3A_172 = tpu.memref_slice %arg2[%select_n3A, %add3A_170, %dma_start3A_171] : memref<2x2048x1024xi32, #tpu.memory_space<hbm>> -> memref<1x32x1024xi32, #tpu.memory_space<hbm>>
        %dma_start3A_173 = tpu.memref_squeeze %dma_start3A_172 : memref<1x32x1024xi32, #tpu.memory_space<hbm>> -> memref<32x1024xi32, #tpu.memory_space<hbm>>
        %dma_start3A_174 = arith.constant 0 : i32
        %dma_start3A_175 = tpu.memref_slice %arg2[%select_n3A, %add3A_170, %dma_start3A_174] : memref<2x2048x1024xi32, #tpu.memory_space<hbm>> -> memref<1x32x1024xi32, #tpu.memory_space<hbm>>
        %dma_start3A_176 = tpu.memref_squeeze %dma_start3A_175 : memref<1x32x1024xi32, #tpu.memory_space<hbm>> -> memref<32x1024xi32, #tpu.memory_space<hbm>>
        tpu.enqueue_dma source(%dma_start3A_176 : memref<32x1024xi32, #tpu.memory_space<hbm>>) target(%arg5 : memref<32x1024xi32, #tpu.memory_space<vmem>>) target_semaphore(%arg11 : memref<!tpu.dma_semaphore, #tpu.memory_space<semaphore_mem>>)
        %dma_start3A_177 = arith.constant 0 : i32
        %dma_start3A_178 = tpu.memref_slice %arg3[%select_n3A, %add3A_170, %dma_start3A_177] : memref<2x2048x1xi32, #tpu.memory_space<hbm>> -> memref<1x32x1xi32, #tpu.memory_space<hbm>>
        %dma_start3A_179 = tpu.memref_squeeze %dma_start3A_178 : memref<1x32x1xi32, #tpu.memory_space<hbm>> -> memref<32x1xi32, #tpu.memory_space<hbm>>
        %dma_start3A_180 = arith.constant 0 : i32
        %dma_start3A_181 = tpu.memref_slice %arg3[%select_n3A, %add3A_170, %dma_start3A_180] : memref<2x2048x1xi32, #tpu.memory_space<hbm>> -> memref<1x32x1xi32, #tpu.memory_space<hbm>>
        %dma_start3A_182 = tpu.memref_squeeze %dma_start3A_181 : memref<1x32x1xi32, #tpu.memory_space<hbm>> -> memref<32x1xi32, #tpu.memory_space<hbm>>
        tpu.enqueue_dma source(%dma_start3A_182 : memref<32x1xi32, #tpu.memory_space<hbm>>) target(%arg7 : memref<32x1xi32, #tpu.memory_space<vmem>>) target_semaphore(%arg13 : memref<!tpu.dma_semaphore, #tpu.memory_space<semaphore_mem>>)
      } else {
      }
      %mul3A_112 = arith.constant 32 : i32
      %mul3A_113 = arith.muli %add3A_83, %mul3A_112 : i32
      %add3A_114 = arith.addi %mul3A_32, %mul3A_113 : i32
      %dma_start3A_115 = arith.constant 0 : i32
      %dma_start3A_116 = tpu.memref_slice %arg4[%select_n3A, %add3A_114, %dma_start3A_115] : memref<2x2048x64xi32, #tpu.memory_space<hbm>> -> memref<1x32x64xi32, #tpu.memory_space<hbm>>
      %dma_start3A_117 = tpu.memref_squeeze %dma_start3A_116 : memref<1x32x64xi32, #tpu.memory_space<hbm>> -> memref<32x64xi32, #tpu.memory_space<hbm>>
      %dma_start3A_118 = arith.constant 0 : i32
      %dma_start3A_119 = tpu.memref_slice %arg4[%select_n3A, %add3A_114, %dma_start3A_118] : memref<2x2048x64xi32, #tpu.memory_space<hbm>> -> memref<1x32x64xi32, #tpu.memory_space<hbm>>
      %dma_start3A_120 = tpu.memref_squeeze %dma_start3A_119 : memref<1x32x64xi32, #tpu.memory_space<hbm>> -> memref<32x64xi32, #tpu.memory_space<hbm>>
      tpu.enqueue_dma source(%arg9 : memref<32x64xi32, #tpu.memory_space<vmem>>) target(%dma_start3A_120 : memref<32x64xi32, #tpu.memory_space<hbm>>) target_semaphore(%arg15 : memref<!tpu.dma_semaphore, #tpu.memory_space<semaphore_mem>>)
      %mul3A_121 = arith.constant 2 : i32
      %mul3A_122 = arith.muli %mul3A_121, %scan3A_78 : i32
      %add3A_123 = arith.constant 1 : i32
      %add3A_124 = arith.addi %mul3A_122, %add3A_123 : i32
      %dma_wait3A_125 = arith.constant 0 : i32
      %dma_wait3A_126 = tpu.memref_slice %arg2[%select_n3A, %mul3A_32, %dma_wait3A_125] : memref<2x2048x1024xi32, #tpu.memory_space<hbm>> -> memref<1x32x1024xi32, #tpu.memory_space<hbm>>
      %dma_wait3A_127 = tpu.memref_squeeze %dma_wait3A_126 : memref<1x32x1024xi32, #tpu.memory_space<hbm>> -> memref<32x1024xi32, #tpu.memory_space<hbm>>
      %dma_wait3A_128 = arith.constant 0 : i32
      %dma_wait3A_129 = tpu.memref_slice %arg2[%select_n3A, %mul3A_32, %dma_wait3A_128] : memref<2x2048x1024xi32, #tpu.memory_space<hbm>> -> memref<1x32x1024xi32, #tpu.memory_space<hbm>>
      %dma_wait3A_130 = tpu.memref_squeeze %dma_wait3A_129 : memref<1x32x1024xi32, #tpu.memory_space<hbm>> -> memref<32x1024xi32, #tpu.memory_space<hbm>>
      tpu.wait_dma2 semaphore(%arg12 : memref<!tpu.dma_semaphore, #tpu.memory_space<semaphore_mem>>) src(%dma_wait3A_130 : memref<32x1024xi32, #tpu.memory_space<hbm>>) dst(%arg6 : memref<32x1024xi32, #tpu.memory_space<vmem>>)
      %dma_wait3A_131 = arith.constant 0 : i32
      %dma_wait3A_132 = tpu.memref_slice %arg3[%select_n3A, %mul3A_32, %dma_wait3A_131] : memref<2x2048x1xi32, #tpu.memory_space<hbm>> -> memref<1x32x1xi32, #tpu.memory_space<hbm>>
      %dma_wait3A_133 = tpu.memref_squeeze %dma_wait3A_132 : memref<1x32x1xi32, #tpu.memory_space<hbm>> -> memref<32x1xi32, #tpu.memory_space<hbm>>
      %dma_wait3A_134 = arith.constant 0 : i32
      %dma_wait3A_135 = tpu.memref_slice %arg3[%select_n3A, %mul3A_32, %dma_wait3A_134] : memref<2x2048x1xi32, #tpu.memory_space<hbm>> -> memref<1x32x1xi32, #tpu.memory_space<hbm>>
      %dma_wait3A_136 = tpu.memref_squeeze %dma_wait3A_135 : memref<1x32x1xi32, #tpu.memory_space<hbm>> -> memref<32x1xi32, #tpu.memory_space<hbm>>
      tpu.wait_dma2 semaphore(%arg14 : memref<!tpu.dma_semaphore, #tpu.memory_space<semaphore_mem>>) src(%dma_wait3A_136 : memref<32x1xi32, #tpu.memory_space<hbm>>) dst(%arg8 : memref<32x1xi32, #tpu.memory_space<vmem>>)
      %ge3A_137 = arith.constant 2 : i32
      %ge3A_138 = arith.cmpi sge, %add3A_124, %ge3A_137 : i32
      %convert_element_type3A_139 = arith.extui %ge3A_138 : i1 to i32
      %cond3A_140 = arith.constant 0 : i32
      %cond3A_141 = arith.cmpi ne, %convert_element_type3A_139, %cond3A_140 : i32
      scf.if %cond3A_141 {
        %dma_wait3A_166 = arith.constant 0 : i32
        %dma_wait3A_167 = tpu.memref_slice %arg4[%select_n3A, %mul3A_32, %dma_wait3A_166] : memref<2x2048x64xi32, #tpu.memory_space<hbm>> -> memref<1x32x64xi32, #tpu.memory_space<hbm>>
        %dma_wait3A_168 = tpu.memref_squeeze %dma_wait3A_167 : memref<1x32x64xi32, #tpu.memory_space<hbm>> -> memref<32x64xi32, #tpu.memory_space<hbm>>
        %dma_wait3A_169 = arith.constant 0 : i32
        %dma_wait3A_170 = tpu.memref_slice %arg4[%select_n3A, %mul3A_32, %dma_wait3A_169] : memref<2x2048x64xi32, #tpu.memory_space<hbm>> -> memref<1x32x64xi32, #tpu.memory_space<hbm>>
        %dma_wait3A_171 = tpu.memref_squeeze %dma_wait3A_170 : memref<1x32x64xi32, #tpu.memory_space<hbm>> -> memref<32x64xi32, #tpu.memory_space<hbm>>
        tpu.wait_dma2 semaphore(%arg16 : memref<!tpu.dma_semaphore, #tpu.memory_space<semaphore_mem>>) src(%arg10 : memref<32x64xi32, #tpu.memory_space<vmem>>) dst(%dma_wait3A_171 : memref<32x64xi32, #tpu.memory_space<hbm>>)
      } else {
      }
      %scan3A_142 = arith.constant 0 : i32
      %scan3A_143 = arith.constant 0 : i32
      %scan3A_144 = arith.constant 32 : i32
      %scan3A_145 = arith.addi %scan3A_143, %scan3A_144 : i32
      %scan3A_146 = arith.constant 1 : i32
      %scan3A_147 = scf.for %scan3A_166 = %scan3A_143 to %scan3A_145 step %scan3A_146 iter_args(%scan3A_167 = %scan3A_142) -> (i32)  : i32 {
        %broadcast_in_dim3A_168 = vector.broadcast %scan3A_166 : i32 to vector<16xi32>
        %parallel_loop3A = arith.constant 0 : i32
        %parallel_loop3A_169 = arith.constant 64 : i32
        %parallel_loop3A_170 = arith.constant 1 : i32
        scf.for %parallel_loop3A_215 = %parallel_loop3A to %parallel_loop3A_169 step %parallel_loop3A_170  : i32 {
          %parallel_loop3A_216 = arith.constant 16 : i32
          %parallel_loop3A_217 = arith.muli %parallel_loop3A_215, %parallel_loop3A_216 : i32
          %parallel_loop3A_218 = arith.index_cast %scan3A_166 : i32 to index
          %parallel_loop3A_219 = arith.index_cast %parallel_loop3A_217 : i32 to index
          %parallel_loop3A_220 = tpu.vector_load %arg6[%parallel_loop3A_218, %parallel_loop3A_219] {strides = array<i32>} : memref<32x1024xi32, #tpu.memory_space<vmem>>, vector<16xi32>,
          %parallel_loop3A_221 = arith.constant 65535 : i32
          %parallel_loop3A_222 = vector.broadcast %parallel_loop3A_221 : i32 to vector<16xi32>
          %parallel_loop3A_223 = arith.andi %parallel_loop3A_220, %parallel_loop3A_222 : vector<16xi32>
          %parallel_loop3A_224 = arith.constant 16 : i32
          %parallel_loop3A_225 = vector.broadcast %parallel_loop3A_224 : i32 to vector<16xi32>
          %parallel_loop3A_226 = arith.shrui %parallel_loop3A_220, %parallel_loop3A_225 : vector<16xi32>
          %parallel_loop3A_227 = arith.constant 16 : i32
          %parallel_loop3A_228 = arith.muli %parallel_loop3A_215, %parallel_loop3A_227 : i32
          %parallel_loop3A_229 = vector.broadcast %parallel_loop3A_228 : i32 to vector<16xi32>
          %parallel_loop3A_230 = arith.addi %iota3A, %parallel_loop3A_229 : vector<16xi32>
          %parallel_loop3A_231 = arith.constant 32768 : i32
          %parallel_loop3A_232 = vector.broadcast %parallel_loop3A_231 : i32 to vector<16xi32>
          %parallel_loop3A_233 = arith.cmpi slt, %parallel_loop3A_223, %parallel_loop3A_232 : vector<16xi32>
          tpu.vector_store_idx %arg10[%broadcast_in_dim3A_168, %parallel_loop3A_223], %parallel_loop3A_230 masked %parallel_loop3A_233 : memref<32x64xi32, #tpu.memory_space<vmem>>[vector<16xi32>, vector<16xi32>], vector<16xi32>, vector<16xi1>
          %parallel_loop3A_234 = arith.constant 1024 : i32
          %parallel_loop3A_235 = vector.broadcast %parallel_loop3A_234 : i32 to vector<16xi32>
          %parallel_loop3A_236 = arith.addi %parallel_loop3A_230, %parallel_loop3A_235 : vector<16xi32>
          %parallel_loop3A_237 = arith.constant 32768 : i32
          %parallel_loop3A_238 = vector.broadcast %parallel_loop3A_237 : i32 to vector<16xi32>
          %parallel_loop3A_239 = arith.cmpi slt, %parallel_loop3A_226, %parallel_loop3A_238 : vector<16xi32>
          tpu.vector_store_idx %arg10[%broadcast_in_dim3A_168, %parallel_loop3A_226], %parallel_loop3A_236 masked %parallel_loop3A_239 : memref<32x64xi32, #tpu.memory_space<vmem>>[vector<16xi32>, vector<16xi32>], vector<16xi32>, vector<16xi1>
        } {sc.loop_unroll_factor = 8 : i64, sc.parallel_access}
        %gather3A = tpu.vector_load_idx %arg8[%broadcast_in_dim3A_168, %broadcast_in_dim3A_33] : memref<32x1xi32, #tpu.memory_space<vmem>>[vector<16xi32>, vector<16xi32>], vector<16xi32>,
        %gather3A_171 = tpu.vector_load_idx %arg10[%broadcast_in_dim3A_168, %broadcast_in_dim3A_33] : memref<32x64xi32, #tpu.memory_space<vmem>>[vector<16xi32>, vector<16xi32>], vector<16xi32>,
        %add3A_172 = arith.constant 0 : i32
        %add3A_173 = vector.broadcast %add3A_172 : i32 to vector<16xi32>
        %add3A_174 = arith.addi %iota3A, %add3A_173 : vector<16xi32>
        %get3A = arith.index_cast %scan3A_166 : i32 to index
        %get3A_175 = arith.constant 0 : index
        %get3A_176 = tpu.vector_load %arg10[%get3A, %get3A_175] {strides = array<i32>} : memref<32x64xi32, #tpu.memory_space<vmem>>, vector<16xi32>,
        %lt3A_177 = arith.cmpi slt, %add3A_174, %gather3A : vector<16xi32>
        %select_n3A_178 = arith.select %lt3A_177, %get3A_176, %gather3A_171 : vector<16xi1>, vector<16xi32>
        %swap3A = arith.index_cast %scan3A_166 : i32 to index
        %swap3A_179 = arith.constant 0 : index
        %swap3A_180 = tpu.vector_load %arg10[%swap3A, %swap3A_179] {strides = array<i32>} : memref<32x64xi32, #tpu.memory_space<vmem>>, vector<16xi32>,
        tpu.vector_store %arg10[%swap3A, %swap3A_179], %select_n3A_178 {strides = array<i32>} : memref<32x64xi32, #tpu.memory_space<vmem>>, vector<16xi32>,
        %add3A_181 = arith.constant 16 : i32
        %add3A_182 = vector.broadcast %add3A_181 : i32 to vector<16xi32>
        %add3A_183 = arith.addi %iota3A, %add3A_182 : vector<16xi32>
        %get3A_184 = arith.index_cast %scan3A_166 : i32 to index
        %get3A_185 = arith.constant 16 : index
        %get3A_186 = tpu.vector_load %arg10[%get3A_184, %get3A_185] {strides = array<i32>} : memref<32x64xi32, #tpu.memory_space<vmem>>, vector<16xi32>,
        %lt3A_187 = arith.cmpi slt, %add3A_183, %gather3A : vector<16xi32>
        %select_n3A_188 = arith.select %lt3A_187, %get3A_186, %gather3A_171 : vector<16xi1>, vector<16xi32>
        %swap3A_189 = arith.index_cast %scan3A_166 : i32 to index
        %swap3A_190 = arith.constant 16 : index
        %swap3A_191 = tpu.vector_load %arg10[%swap3A_189, %swap3A_190] {strides = array<i32>} : memref<32x64xi32, #tpu.memory_space<vmem>>, vector<16xi32>,
        tpu.vector_store %arg10[%swap3A_189, %swap3A_190], %select_n3A_188 {strides = array<i32>} : memref<32x64xi32, #tpu.memory_space<vmem>>, vector<16xi32>,
        %add3A_192 = arith.constant 32 : i32
        %add3A_193 = vector.broadcast %add3A_192 : i32 to vector<16xi32>
        %add3A_194 = arith.addi %iota3A, %add3A_193 : vector<16xi32>
        %get3A_195 = arith.index_cast %scan3A_166 : i32 to index
        %get3A_196 = arith.constant 32 : index
        %get3A_197 = tpu.vector_load %arg10[%get3A_195, %get3A_196] {strides = array<i32>} : memref<32x64xi32, #tpu.memory_space<vmem>>, vector<16xi32>,
        %lt3A_198 = arith.cmpi slt, %add3A_194, %gather3A : vector<16xi32>
        %select_n3A_199 = arith.select %lt3A_198, %get3A_197, %gather3A_171 : vector<16xi1>, vector<16xi32>
        %swap3A_200 = arith.index_cast %scan3A_166 : i32 to index
        %swap3A_201 = arith.constant 32 : index
        %swap3A_202 = tpu.vector_load %arg10[%swap3A_200, %swap3A_201] {strides = array<i32>} : memref<32x64xi32, #tpu.memory_space<vmem>>, vector<16xi32>,
        tpu.vector_store %arg10[%swap3A_200, %swap3A_201], %select_n3A_199 {strides = array<i32>} : memref<32x64xi32, #tpu.memory_space<vmem>>, vector<16xi32>,
        %add3A_203 = arith.constant 48 : i32
        %add3A_204 = vector.broadcast %add3A_203 : i32 to vector<16xi32>
        %add3A_205 = arith.addi %iota3A, %add3A_204 : vector<16xi32>
        %get3A_206 = arith.index_cast %scan3A_166 : i32 to index
        %get3A_207 = arith.constant 48 : index
        %get3A_208 = tpu.vector_load %arg10[%get3A_206, %get3A_207] {strides = array<i32>} : memref<32x64xi32, #tpu.memory_space<vmem>>, vector<16xi32>,
        %lt3A_209 = arith.cmpi slt, %add3A_205, %gather3A : vector<16xi32>
        %select_n3A_210 = arith.select %lt3A_209, %get3A_208, %gather3A_171 : vector<16xi1>, vector<16xi32>
        %swap3A_211 = arith.index_cast %scan3A_166 : i32 to index
        %swap3A_212 = arith.constant 48 : index
        %swap3A_213 = tpu.vector_load %arg10[%swap3A_211, %swap3A_212] {strides = array<i32>} : memref<32x64xi32, #tpu.memory_space<vmem>>, vector<16xi32>,
        tpu.vector_store %arg10[%swap3A_211, %swap3A_212], %select_n3A_210 {strides = array<i32>} : memref<32x64xi32, #tpu.memory_space<vmem>>, vector<16xi32>,
        %scan3A_214 = arith.constant 0 : i32
        scf.yield %scan3A_214 : i32
      }
      %scan3A_148 = arith.constant 32 : i32
      %add3A_149 = arith.constant 2 : i32
      %add3A_150 = arith.addi %add3A_124, %add3A_149 : i32
      %lt3A_151 = arith.constant 4 : i32
      %lt3A_152 = arith.cmpi slt, %add3A_150, %lt3A_151 : i32
      %convert_element_type3A_153 = arith.extui %lt3A_152 : i1 to i32
      %cond3A_154 = arith.constant 0 : i32
      %cond3A_155 = arith.cmpi ne, %convert_element_type3A_153, %cond3A_154 : i32
      scf.if %cond3A_155 {
        %add3A_166 = arith.constant 2 : i32
        %add3A_167 = arith.addi %add3A_124, %add3A_166 : i32
        %mul3A_168 = arith.constant 32 : i32
        %mul3A_169 = arith.muli %add3A_167, %mul3A_168 : i32
        %add3A_170 = arith.addi %mul3A_32, %mul3A_169 : i32
        %dma_start3A_171 = arith.constant 0 : i32
        %dma_start3A_172 = tpu.memref_slice %arg2[%select_n3A, %add3A_170, %dma_start3A_171] : memref<2x2048x1024xi32, #tpu.memory_space<hbm>> -> memref<1x32x1024xi32, #tpu.memory_space<hbm>>
        %dma_start3A_173 = tpu.memref_squeeze %dma_start3A_172 : memref<1x32x1024xi32, #tpu.memory_space<hbm>> -> memref<32x1024xi32, #tpu.memory_space<hbm>>
        %dma_start3A_174 = arith.constant 0 : i32
        %dma_start3A_175 = tpu.memref_slice %arg2[%select_n3A, %add3A_170, %dma_start3A_174] : memref<2x2048x1024xi32, #tpu.memory_space<hbm>> -> memref<1x32x1024xi32, #tpu.memory_space<hbm>>
        %dma_start3A_176 = tpu.memref_squeeze %dma_start3A_175 : memref<1x32x1024xi32, #tpu.memory_space<hbm>> -> memref<32x1024xi32, #tpu.memory_space<hbm>>
        tpu.enqueue_dma source(%dma_start3A_176 : memref<32x1024xi32, #tpu.memory_space<hbm>>) target(%arg6 : memref<32x1024xi32, #tpu.memory_space<vmem>>) target_semaphore(%arg12 : memref<!tpu.dma_semaphore, #tpu.memory_space<semaphore_mem>>)
        %dma_start3A_177 = arith.constant 0 : i32
        %dma_start3A_178 = tpu.memref_slice %arg3[%select_n3A, %add3A_170, %dma_start3A_177] : memref<2x2048x1xi32, #tpu.memory_space<hbm>> -> memref<1x32x1xi32, #tpu.memory_space<hbm>>
        %dma_start3A_179 = tpu.memref_squeeze %dma_start3A_178 : memref<1x32x1xi32, #tpu.memory_space<hbm>> -> memref<32x1xi32, #tpu.memory_space<hbm>>
        %dma_start3A_180 = arith.constant 0 : i32
        %dma_start3A_181 = tpu.memref_slice %arg3[%select_n3A, %add3A_170, %dma_start3A_180] : memref<2x2048x1xi32, #tpu.memory_space<hbm>> -> memref<1x32x1xi32, #tpu.memory_space<hbm>>
        %dma_start3A_182 = tpu.memref_squeeze %dma_start3A_181 : memref<1x32x1xi32, #tpu.memory_space<hbm>> -> memref<32x1xi32, #tpu.memory_space<hbm>>
        tpu.enqueue_dma source(%dma_start3A_182 : memref<32x1xi32, #tpu.memory_space<hbm>>) target(%arg8 : memref<32x1xi32, #tpu.memory_space<vmem>>) target_semaphore(%arg14 : memref<!tpu.dma_semaphore, #tpu.memory_space<semaphore_mem>>)
      } else {
      }
      %mul3A_156 = arith.constant 32 : i32
      %mul3A_157 = arith.muli %add3A_124, %mul3A_156 : i32
      %add3A_158 = arith.addi %mul3A_32, %mul3A_157 : i32
      %dma_start3A_159 = arith.constant 0 : i32
      %dma_start3A_160 = tpu.memref_slice %arg4[%select_n3A, %add3A_158, %dma_start3A_159] : memref<2x2048x64xi32, #tpu.memory_space<hbm>> -> memref<1x32x64xi32, #tpu.memory_space<hbm>>
      %dma_start3A_161 = tpu.memref_squeeze %dma_start3A_160 : memref<1x32x64xi32, #tpu.memory_space<hbm>> -> memref<32x64xi32, #tpu.memory_space<hbm>>
      %dma_start3A_162 = arith.constant 0 : i32
      %dma_start3A_163 = tpu.memref_slice %arg4[%select_n3A, %add3A_158, %dma_start3A_162] : memref<2x2048x64xi32, #tpu.memory_space<hbm>> -> memref<1x32x64xi32, #tpu.memory_space<hbm>>
      %dma_start3A_164 = tpu.memref_squeeze %dma_start3A_163 : memref<1x32x64xi32, #tpu.memory_space<hbm>> -> memref<32x64xi32, #tpu.memory_space<hbm>>
      tpu.enqueue_dma source(%arg10 : memref<32x64xi32, #tpu.memory_space<vmem>>) target(%dma_start3A_164 : memref<32x64xi32, #tpu.memory_space<hbm>>) target_semaphore(%arg16 : memref<!tpu.dma_semaphore, #tpu.memory_space<semaphore_mem>>)
      %scan3A_165 = arith.constant 0 : i32
      scf.yield %scan3A_165 : i32
    }
    %scan3A_66 = arith.constant 2 : i32
    %dma_wait3A = arith.constant 0 : i32
    %dma_wait3A_67 = tpu.memref_slice %arg4[%select_n3A, %mul3A_32, %dma_wait3A] : memref<2x2048x64xi32, #tpu.memory_space<hbm>> -> memref<1x32x64xi32, #tpu.memory_space<hbm>>
    %dma_wait3A_68 = tpu.memref_squeeze %dma_wait3A_67 : memref<1x32x64xi32, #tpu.memory_space<hbm>> -> memref<32x64xi32, #tpu.memory_space<hbm>>
    %dma_wait3A_69 = arith.constant 0 : i32
    %dma_wait3A_70 = tpu.memref_slice %arg4[%select_n3A, %mul3A_32, %dma_wait3A_69] : memref<2x2048x64xi32, #tpu.memory_space<hbm>> -> memref<1x32x64xi32, #tpu.memory_space<hbm>>
    %dma_wait3A_71 = tpu.memref_squeeze %dma_wait3A_70 : memref<1x32x64xi32, #tpu.memory_space<hbm>> -> memref<32x64xi32, #tpu.memory_space<hbm>>
    tpu.wait_dma2 semaphore(%arg15 : memref<!tpu.dma_semaphore, #tpu.memory_space<semaphore_mem>>) src(%arg9 : memref<32x64xi32, #tpu.memory_space<vmem>>) dst(%dma_wait3A_71 : memref<32x64xi32, #tpu.memory_space<hbm>>)
    %dma_wait3A_72 = arith.constant 0 : i32
    %dma_wait3A_73 = tpu.memref_slice %arg4[%select_n3A, %mul3A_32, %dma_wait3A_72] : memref<2x2048x64xi32, #tpu.memory_space<hbm>> -> memref<1x32x64xi32, #tpu.memory_space<hbm>>
    %dma_wait3A_74 = tpu.memref_squeeze %dma_wait3A_73 : memref<1x32x64xi32, #tpu.memory_space<hbm>> -> memref<32x64xi32, #tpu.memory_space<hbm>>
    %dma_wait3A_75 = arith.constant 0 : i32
    %dma_wait3A_76 = tpu.memref_slice %arg4[%select_n3A, %mul3A_32, %dma_wait3A_75] : memref<2x2048x64xi32, #tpu.memory_space<hbm>> -> memref<1x32x64xi32, #tpu.memory_space<hbm>>
    %dma_wait3A_77 = tpu.memref_squeeze %dma_wait3A_76 : memref<1x32x64xi32, #tpu.memory_space<hbm>> -> memref<32x64xi32, #tpu.memory_space<hbm>>
    tpu.wait_dma2 semaphore(%arg16 : memref<!tpu.dma_semaphore, #tpu.memory_space<semaphore_mem>>) src(%arg10 : memref<32x64xi32, #tpu.memory_space<vmem>>) dst(%dma_wait3A_77 : memref<32x64xi32, #tpu.memory_space<hbm>>)
    return
  }
}

#map = affine_map<(d0, d1) -> (0, 0, 0)>
module attributes {stable_mosaic.version = 14 : i64} {
  func.func @_sc_scatter_kernel(%arg0: i32, %arg1: i32, %arg2: memref<2x2048x1024xi32, #tpu.memory_space<hbm>>, %arg3: memref<2x2048x1xi32, #tpu.memory_space<hbm>>, %arg4: memref<2x2048x64xi32, #tpu.memory_space<hbm>>, %arg5: memref<32x1024xi32, #tpu.memory_space<vmem>>, %arg6: memref<32x1024xi32, #tpu.memory_space<vmem>>, %arg7: memref<32x1xi32, #tpu.memory_space<vmem>>, %arg8: memref<32x1xi32, #tpu.memory_space<vmem>>, %arg9: memref<32x64xi32, #tpu.memory_space<vmem>>, %arg10: memref<32x64xi32, #tpu.memory_space<vmem>>, %arg11: memref<!tpu.dma_semaphore, #tpu.memory_space<semaphore_mem>>, %arg12: memref<!tpu.dma_semaphore, #tpu.memory_space<semaphore_mem>>, %arg13: memref<!tpu.dma_semaphore, #tpu.memory_space<semaphore_mem>>, %arg14: memref<!tpu.dma_semaphore, #tpu.memory_space<semaphore_mem>>, %arg15: memref<!tpu.dma_semaphore, #tpu.memory_space<semaphore_mem>>, %arg16: memref<!tpu.dma_semaphore, #tpu.memory_space<semaphore_mem>>) attributes {dimension_semantics = [#tpu.dimension_semantics<core_parallel>, #tpu.dimension_semantics<subcore_parallel>], iteration_bounds = array<i64: 2, 16>, scalar_prefetch = 0 : i64, scratch_operands = 12 : i64, tpu.core_type = #tpu.core_type<sc_vector_subcore>, window_params = [{transform_indices = #map}, {transform_indices = #map}, {transform_indices = #map}]} {
    %mul3A = arith.constant 2 : i32
    %mul3A_0 = arith.muli %arg1, %mul3A : i32
    %add3A = arith.addi %mul3A_0, %arg0 : i32
    %jit3A = arith.constant 16 : i32
    %div3A = arith.divsi %add3A, %jit3A : i32
    %sign3A = arith.constant 0 : i32
    %sign3A_1 = arith.cmpi sgt, %add3A, %sign3A : i32
    %sign3A_2 = arith.extui %sign3A_1 : i1 to i32
    %sign3A_3 = arith.constant 0 : i32
    %sign3A_4 = arith.cmpi slt, %add3A, %sign3A_3 : i32
    %sign3A_5 = arith.extui %sign3A_4 : i1 to i32
    %sign3A_6 = arith.subi %sign3A_2, %sign3A_5 : i32
    %sign3A_7 = arith.constant 0 : i32
    %sign3A_8 = arith.cmpi sgt, %jit3A, %sign3A_7 : i32
    %sign3A_9 = arith.extui %sign3A_8 : i1 to i32
    %sign3A_10 = arith.constant 0 : i32
    %sign3A_11 = arith.cmpi slt, %jit3A, %sign3A_10 : i32
    %sign3A_12 = arith.extui %sign3A_11 : i1 to i32
    %sign3A_13 = arith.subi %sign3A_9, %sign3A_12 : i32
    %ne3A = arith.cmpi ne, %sign3A_6, %sign3A_13 : i32
    %rem3A = arith.remsi %add3A, %jit3A : i32
    %ne3A_14 = arith.constant 0 : i32
    %ne3A_15 = arith.cmpi ne, %rem3A, %ne3A_14 : i32
    %and3A = arith.andi %ne3A, %ne3A_15 : i1
    %sub3A = arith.constant 1 : i32
    %sub3A_16 = arith.subi %div3A, %sub3A : i32
    %select_n3A = arith.select %and3A, %sub3A_16, %div3A : i32
    %jit3A_17 = arith.constant 16 : i32
    %eq3A = arith.constant 0 : i32
    %eq3A_18 = arith.cmpi eq, %jit3A_17, %eq3A : i32
    %jit3A_19 = arith.constant 1 : i32
    %select_n3A_20 = arith.select %eq3A_18, %jit3A_19, %jit3A_17 : i32
    %rem3A_21 = arith.remsi %add3A, %select_n3A_20 : i32
    %ne3A_22 = arith.constant 0 : i32
    %ne3A_23 = arith.cmpi ne, %rem3A_21, %ne3A_22 : i32
    %lt3A = arith.constant 0 : i32
    %lt3A_24 = arith.cmpi slt, %rem3A_21, %lt3A : i32
    %lt3A_25 = arith.constant 0 : i32
    %lt3A_26 = arith.cmpi slt, %select_n3A_20, %lt3A_25 : i32
    %ne3A_27 = arith.xori %lt3A_24, %lt3A_26 : i1
    %and3A_28 = arith.andi %ne3A_27, %ne3A_23 : i1
    %add3A_29 = arith.addi %rem3A_21, %select_n3A_20 : i32
    %select_n3A_30 = arith.select %and3A_28, %add3A_29, %rem3A_21 : i32
    %mul3A_31 = arith.constant 128 : i32
    %mul3A_32 = arith.muli %select_n3A_30, %mul3A_31 : i32
    %iota3A = tpu.iota {dimensions = array<i32: 0>} : vector<16xi32>
    %broadcast_in_dim3A = arith.constant 0 : i32
    %broadcast_in_dim3A_33 = vector.broadcast %broadcast_in_dim3A : i32 to vector<16xi32>
    %add3A_34 = arith.constant 0 : i32
    %add3A_35 = arith.addi %mul3A_32, %add3A_34 : i32
    %dma_start3A = arith.constant 0 : i32
    %dma_start3A_36 = tpu.memref_slice %arg2[%select_n3A, %add3A_35, %dma_start3A] : memref<2x2048x1024xi32, #tpu.memory_space<hbm>> -> memref<1x32x1024xi32, #tpu.memory_space<hbm>>
    %dma_start3A_37 = tpu.memref_squeeze %dma_start3A_36 : memref<1x32x1024xi32, #tpu.memory_space<hbm>> -> memref<32x1024xi32, #tpu.memory_space<hbm>>
    %dma_start3A_38 = arith.constant 0 : i32
    %dma_start3A_39 = tpu.memref_slice %arg2[%select_n3A, %add3A_35, %dma_start3A_38] : memref<2x2048x1024xi32, #tpu.memory_space<hbm>> -> memref<1x32x1024xi32, #tpu.memory_space<hbm>>
    %dma_start3A_40 = tpu.memref_squeeze %dma_start3A_39 : memref<1x32x1024xi32, #tpu.memory_space<hbm>> -> memref<32x1024xi32, #tpu.memory_space<hbm>>
    tpu.enqueue_dma source(%dma_start3A_40 : memref<32x1024xi32, #tpu.memory_space<hbm>>) target(%arg5 : memref<32x1024xi32, #tpu.memory_space<vmem>>) target_semaphore(%arg11 : memref<!tpu.dma_semaphore, #tpu.memory_space<semaphore_mem>>)
    %dma_start3A_41 = arith.constant 0 : i32
    %dma_start3A_42 = tpu.memref_slice %arg3[%select_n3A, %add3A_35, %dma_start3A_41] : memref<2x2048x1xi32, #tpu.memory_space<hbm>> -> memref<1x32x1xi32, #tpu.memory_space<hbm>>
    %dma_start3A_43 = tpu.memref_squeeze %dma_start3A_42 : memref<1x32x1xi32, #tpu.memory_space<hbm>> -> memref<32x1xi32, #tpu.memory_space<hbm>>
    %dma_start3A_44 = arith.constant 0 : i32
    %dma_start3A_45 = tpu.memref_slice %arg3[%select_n3A, %add3A_35, %dma_start3A_44] : memref<2x2048x1xi32, #tpu.memory_space<hbm>> -> memref<1x32x1xi32, #tpu.memory_space<hbm>>
    %dma_start3A_46 = tpu.memref_squeeze %dma_start3A_45 : memref<1x32x1xi32, #tpu.memory_space<hbm>> -> memref<32x1xi32, #tpu.memory_space<hbm>>
    tpu.enqueue_dma source(%dma_start3A_46 : memref<32x1xi32, #tpu.memory_space<hbm>>) target(%arg7 : memref<32x1xi32, #tpu.memory_space<vmem>>) target_semaphore(%arg13 : memref<!tpu.dma_semaphore, #tpu.memory_space<semaphore_mem>>)
    %add3A_47 = arith.constant 32 : i32
    %add3A_48 = arith.addi %mul3A_32, %add3A_47 : i32
    %dma_start3A_49 = arith.constant 0 : i32
    %dma_start3A_50 = tpu.memref_slice %arg2[%select_n3A, %add3A_48, %dma_start3A_49] : memref<2x2048x1024xi32, #tpu.memory_space<hbm>> -> memref<1x32x1024xi32, #tpu.memory_space<hbm>>
    %dma_start3A_51 = tpu.memref_squeeze %dma_start3A_50 : memref<1x32x1024xi32, #tpu.memory_space<hbm>> -> memref<32x1024xi32, #tpu.memory_space<hbm>>
    %dma_start3A_52 = arith.constant 0 : i32
    %dma_start3A_53 = tpu.memref_slice %arg2[%select_n3A, %add3A_48, %dma_start3A_52] : memref<2x2048x1024xi32, #tpu.memory_space<hbm>> -> memref<1x32x1024xi32, #tpu.memory_space<hbm>>
    %dma_start3A_54 = tpu.memref_squeeze %dma_start3A_53 : memref<1x32x1024xi32, #tpu.memory_space<hbm>> -> memref<32x1024xi32, #tpu.memory_space<hbm>>
    tpu.enqueue_dma source(%dma_start3A_54 : memref<32x1024xi32, #tpu.memory_space<hbm>>) target(%arg6 : memref<32x1024xi32, #tpu.memory_space<vmem>>) target_semaphore(%arg12 : memref<!tpu.dma_semaphore, #tpu.memory_space<semaphore_mem>>)
    %dma_start3A_55 = arith.constant 0 : i32
    %dma_start3A_56 = tpu.memref_slice %arg3[%select_n3A, %add3A_48, %dma_start3A_55] : memref<2x2048x1xi32, #tpu.memory_space<hbm>> -> memref<1x32x1xi32, #tpu.memory_space<hbm>>
    %dma_start3A_57 = tpu.memref_squeeze %dma_start3A_56 : memref<1x32x1xi32, #tpu.memory_space<hbm>> -> memref<32x1xi32, #tpu.memory_space<hbm>>
    %dma_start3A_58 = arith.constant 0 : i32
    %dma_start3A_59 = tpu.memref_slice %arg3[%select_n3A, %add3A_48, %dma_start3A_58] : memref<2x2048x1xi32, #tpu.memory_space<hbm>> -> memref<1x32x1xi32, #tpu.memory_space<hbm>>
    %dma_start3A_60 = tpu.memref_squeeze %dma_start3A_59 : memref<1x32x1xi32, #tpu.memory_space<hbm>> -> memref<32x1xi32, #tpu.memory_space<hbm>>
    tpu.enqueue_dma source(%dma_start3A_60 : memref<32x1xi32, #tpu.memory_space<hbm>>) target(%arg8 : memref<32x1xi32, #tpu.memory_space<vmem>>) target_semaphore(%arg14 : memref<!tpu.dma_semaphore, #tpu.memory_space<semaphore_mem>>)
    %scan3A = arith.constant 0 : i32
    %scan3A_61 = arith.constant 0 : i32
    %scan3A_62 = arith.constant 2 : i32
    %scan3A_63 = arith.addi %scan3A_61, %scan3A_62 : i32
    %scan3A_64 = arith.constant 1 : i32
    %scan3A_65 = scf.for %scan3A_78 = %scan3A_61 to %scan3A_63 step %scan3A_64 iter_args(%scan3A_79 = %scan3A) -> (i32)  : i32 {
      %mul3A_80 = arith.constant 2 : i32
      %mul3A_81 = arith.muli %mul3A_80, %scan3A_78 : i32
      %add3A_82 = arith.constant 0 : i32
      %add3A_83 = arith.addi %mul3A_81, %add3A_82 : i32
      %dma_wait3A_84 = arith.constant 0 : i32
      %dma_wait3A_85 = tpu.memref_slice %arg2[%select_n3A, %mul3A_32, %dma_wait3A_84] : memref<2x2048x1024xi32, #tpu.memory_space<hbm>> -> memref<1x32x1024xi32, #tpu.memory_space<hbm>>
      %dma_wait3A_86 = tpu.memref_squeeze %dma_wait3A_85 : memref<1x32x1024xi32, #tpu.memory_space<hbm>> -> memref<32x1024xi32, #tpu.memory_space<hbm>>
      %dma_wait3A_87 = arith.constant 0 : i32
      %dma_wait3A_88 = tpu.memref_slice %arg2[%select_n3A, %mul3A_32, %dma_wait3A_87] : memref<2x2048x1024xi32, #tpu.memory_space<hbm>> -> memref<1x32x1024xi32, #tpu.memory_space<hbm>>
      %dma_wait3A_89 = tpu.memref_squeeze %dma_wait3A_88 : memref<1x32x1024xi32, #tpu.memory_space<hbm>> -> memref<32x1024xi32, #tpu.memory_space<hbm>>
      tpu.wait_dma2 semaphore(%arg11 : memref<!tpu.dma_semaphore, #tpu.memory_space<semaphore_mem>>) src(%dma_wait3A_89 : memref<32x1024xi32, #tpu.memory_space<hbm>>) dst(%arg5 : memref<32x1024xi32, #tpu.memory_space<vmem>>)
      %dma_wait3A_90 = arith.constant 0 : i32
      %dma_wait3A_91 = tpu.memref_slice %arg3[%select_n3A, %mul3A_32, %dma_wait3A_90] : memref<2x2048x1xi32, #tpu.memory_space<hbm>> -> memref<1x32x1xi32, #tpu.memory_space<hbm>>
      %dma_wait3A_92 = tpu.memref_squeeze %dma_wait3A_91 : memref<1x32x1xi32, #tpu.memory_space<hbm>> -> memref<32x1xi32, #tpu.memory_space<hbm>>
      %dma_wait3A_93 = arith.constant 0 : i32
      %dma_wait3A_94 = tpu.memref_slice %arg3[%select_n3A, %mul3A_32, %dma_wait3A_93] : memref<2x2048x1xi32, #tpu.memory_space<hbm>> -> memref<1x32x1xi32, #tpu.memory_space<hbm>>
      %dma_wait3A_95 = tpu.memref_squeeze %dma_wait3A_94 : memref<1x32x1xi32, #tpu.memory_space<hbm>> -> memref<32x1xi32, #tpu.memory_space<hbm>>
      tpu.wait_dma2 semaphore(%arg13 : memref<!tpu.dma_semaphore, #tpu.memory_space<semaphore_mem>>) src(%dma_wait3A_95 : memref<32x1xi32, #tpu.memory_space<hbm>>) dst(%arg7 : memref<32x1xi32, #tpu.memory_space<vmem>>)
      %ge3A = arith.constant 2 : i32
      %ge3A_96 = arith.cmpi sge, %add3A_83, %ge3A : i32
      %convert_element_type3A = arith.extui %ge3A_96 : i1 to i32
      %cond3A = arith.constant 0 : i32
      %cond3A_97 = arith.cmpi ne, %convert_element_type3A, %cond3A : i32
      scf.if %cond3A_97 {
        %dma_wait3A_166 = arith.constant 0 : i32
        %dma_wait3A_167 = tpu.memref_slice %arg4[%select_n3A, %mul3A_32, %dma_wait3A_166] : memref<2x2048x64xi32, #tpu.memory_space<hbm>> -> memref<1x32x64xi32, #tpu.memory_space<hbm>>
        %dma_wait3A_168 = tpu.memref_squeeze %dma_wait3A_167 : memref<1x32x64xi32, #tpu.memory_space<hbm>> -> memref<32x64xi32, #tpu.memory_space<hbm>>
        %dma_wait3A_169 = arith.constant 0 : i32
        %dma_wait3A_170 = tpu.memref_slice %arg4[%select_n3A, %mul3A_32, %dma_wait3A_169] : memref<2x2048x64xi32, #tpu.memory_space<hbm>> -> memref<1x32x64xi32, #tpu.memory_space<hbm>>
        %dma_wait3A_171 = tpu.memref_squeeze %dma_wait3A_170 : memref<1x32x64xi32, #tpu.memory_space<hbm>> -> memref<32x64xi32, #tpu.memory_space<hbm>>
        tpu.wait_dma2 semaphore(%arg15 : memref<!tpu.dma_semaphore, #tpu.memory_space<semaphore_mem>>) src(%arg9 : memref<32x64xi32, #tpu.memory_space<vmem>>) dst(%dma_wait3A_171 : memref<32x64xi32, #tpu.memory_space<hbm>>)
      } else {
      }
      %scan3A_98 = arith.constant 0 : i32
      %scan3A_99 = arith.constant 0 : i32
      %scan3A_100 = arith.constant 32 : i32
      %scan3A_101 = arith.addi %scan3A_99, %scan3A_100 : i32
      %scan3A_102 = arith.constant 1 : i32
      %scan3A_103 = scf.for %scan3A_166 = %scan3A_99 to %scan3A_101 step %scan3A_102 iter_args(%scan3A_167 = %scan3A_98) -> (i32)  : i32 {
        %broadcast_in_dim3A_168 = vector.broadcast %scan3A_166 : i32 to vector<16xi32>
        %parallel_loop3A = arith.constant 0 : i32
        %parallel_loop3A_169 = arith.constant 64 : i32
        %parallel_loop3A_170 = arith.constant 1 : i32
        scf.for %parallel_loop3A_215 = %parallel_loop3A to %parallel_loop3A_169 step %parallel_loop3A_170  : i32 {
          %parallel_loop3A_216 = arith.constant 16 : i32
          %parallel_loop3A_217 = arith.muli %parallel_loop3A_215, %parallel_loop3A_216 : i32
          %parallel_loop3A_218 = arith.index_cast %scan3A_166 : i32 to index
          %parallel_loop3A_219 = arith.index_cast %parallel_loop3A_217 : i32 to index
          %parallel_loop3A_220 = tpu.vector_load %arg5[%parallel_loop3A_218, %parallel_loop3A_219] {strides = array<i32>} : memref<32x1024xi32, #tpu.memory_space<vmem>>, vector<16xi32>,
          %parallel_loop3A_221 = arith.constant 65535 : i32
          %parallel_loop3A_222 = vector.broadcast %parallel_loop3A_221 : i32 to vector<16xi32>
          %parallel_loop3A_223 = arith.andi %parallel_loop3A_220, %parallel_loop3A_222 : vector<16xi32>
          %parallel_loop3A_224 = arith.constant 16 : i32
          %parallel_loop3A_225 = vector.broadcast %parallel_loop3A_224 : i32 to vector<16xi32>
          %parallel_loop3A_226 = arith.shrui %parallel_loop3A_220, %parallel_loop3A_225 : vector<16xi32>
          %parallel_loop3A_227 = arith.constant 16 : i32
          %parallel_loop3A_228 = arith.muli %parallel_loop3A_215, %parallel_loop3A_227 : i32
          %parallel_loop3A_229 = vector.broadcast %parallel_loop3A_228 : i32 to vector<16xi32>
          %parallel_loop3A_230 = arith.addi %iota3A, %parallel_loop3A_229 : vector<16xi32>
          %parallel_loop3A_231 = arith.constant 32768 : i32
          %parallel_loop3A_232 = vector.broadcast %parallel_loop3A_231 : i32 to vector<16xi32>
          %parallel_loop3A_233 = arith.cmpi slt, %parallel_loop3A_223, %parallel_loop3A_232 : vector<16xi32>
          tpu.vector_store_idx %arg9[%broadcast_in_dim3A_168, %parallel_loop3A_223], %parallel_loop3A_230 masked %parallel_loop3A_233 : memref<32x64xi32, #tpu.memory_space<vmem>>[vector<16xi32>, vector<16xi32>], vector<16xi32>, vector<16xi1>
          %parallel_loop3A_234 = arith.constant 1024 : i32
          %parallel_loop3A_235 = vector.broadcast %parallel_loop3A_234 : i32 to vector<16xi32>
          %parallel_loop3A_236 = arith.addi %parallel_loop3A_230, %parallel_loop3A_235 : vector<16xi32>
          %parallel_loop3A_237 = arith.constant 32768 : i32
          %parallel_loop3A_238 = vector.broadcast %parallel_loop3A_237 : i32 to vector<16xi32>
          %parallel_loop3A_239 = arith.cmpi slt, %parallel_loop3A_226, %parallel_loop3A_238 : vector<16xi32>
          tpu.vector_store_idx %arg9[%broadcast_in_dim3A_168, %parallel_loop3A_226], %parallel_loop3A_236 masked %parallel_loop3A_239 : memref<32x64xi32, #tpu.memory_space<vmem>>[vector<16xi32>, vector<16xi32>], vector<16xi32>, vector<16xi1>
        } {sc.loop_unroll_factor = 8 : i64, sc.parallel_access}
        %gather3A = tpu.vector_load_idx %arg7[%broadcast_in_dim3A_168, %broadcast_in_dim3A_33] : memref<32x1xi32, #tpu.memory_space<vmem>>[vector<16xi32>, vector<16xi32>], vector<16xi32>,
        %gather3A_171 = tpu.vector_load_idx %arg9[%broadcast_in_dim3A_168, %broadcast_in_dim3A_33] : memref<32x64xi32, #tpu.memory_space<vmem>>[vector<16xi32>, vector<16xi32>], vector<16xi32>,
        %add3A_172 = arith.constant 0 : i32
        %add3A_173 = vector.broadcast %add3A_172 : i32 to vector<16xi32>
        %add3A_174 = arith.addi %iota3A, %add3A_173 : vector<16xi32>
        %get3A = arith.index_cast %scan3A_166 : i32 to index
        %get3A_175 = arith.constant 0 : index
        %get3A_176 = tpu.vector_load %arg9[%get3A, %get3A_175] {strides = array<i32>} : memref<32x64xi32, #tpu.memory_space<vmem>>, vector<16xi32>,
        %lt3A_177 = arith.cmpi slt, %add3A_174, %gather3A : vector<16xi32>
        %select_n3A_178 = arith.select %lt3A_177, %get3A_176, %gather3A_171 : vector<16xi1>, vector<16xi32>
        %swap3A = arith.index_cast %scan3A_166 : i32 to index
        %swap3A_179 = arith.constant 0 : index
        %swap3A_180 = tpu.vector_load %arg9[%swap3A, %swap3A_179] {strides = array<i32>} : memref<32x64xi32, #tpu.memory_space<vmem>>, vector<16xi32>,
        tpu.vector_store %arg9[%swap3A, %swap3A_179], %select_n3A_178 {strides = array<i32>} : memref<32x64xi32, #tpu.memory_space<vmem>>, vector<16xi32>,
        %add3A_181 = arith.constant 16 : i32
        %add3A_182 = vector.broadcast %add3A_181 : i32 to vector<16xi32>
        %add3A_183 = arith.addi %iota3A, %add3A_182 : vector<16xi32>
        %get3A_184 = arith.index_cast %scan3A_166 : i32 to index
        %get3A_185 = arith.constant 16 : index
        %get3A_186 = tpu.vector_load %arg9[%get3A_184, %get3A_185] {strides = array<i32>} : memref<32x64xi32, #tpu.memory_space<vmem>>, vector<16xi32>,
        %lt3A_187 = arith.cmpi slt, %add3A_183, %gather3A : vector<16xi32>
        %select_n3A_188 = arith.select %lt3A_187, %get3A_186, %gather3A_171 : vector<16xi1>, vector<16xi32>
        %swap3A_189 = arith.index_cast %scan3A_166 : i32 to index
        %swap3A_190 = arith.constant 16 : index
        %swap3A_191 = tpu.vector_load %arg9[%swap3A_189, %swap3A_190] {strides = array<i32>} : memref<32x64xi32, #tpu.memory_space<vmem>>, vector<16xi32>,
        tpu.vector_store %arg9[%swap3A_189, %swap3A_190], %select_n3A_188 {strides = array<i32>} : memref<32x64xi32, #tpu.memory_space<vmem>>, vector<16xi32>,
        %add3A_192 = arith.constant 32 : i32
        %add3A_193 = vector.broadcast %add3A_192 : i32 to vector<16xi32>
        %add3A_194 = arith.addi %iota3A, %add3A_193 : vector<16xi32>
        %get3A_195 = arith.index_cast %scan3A_166 : i32 to index
        %get3A_196 = arith.constant 32 : index
        %get3A_197 = tpu.vector_load %arg9[%get3A_195, %get3A_196] {strides = array<i32>} : memref<32x64xi32, #tpu.memory_space<vmem>>, vector<16xi32>,
        %lt3A_198 = arith.cmpi slt, %add3A_194, %gather3A : vector<16xi32>
        %select_n3A_199 = arith.select %lt3A_198, %get3A_197, %gather3A_171 : vector<16xi1>, vector<16xi32>
        %swap3A_200 = arith.index_cast %scan3A_166 : i32 to index
        %swap3A_201 = arith.constant 32 : index
        %swap3A_202 = tpu.vector_load %arg9[%swap3A_200, %swap3A_201] {strides = array<i32>} : memref<32x64xi32, #tpu.memory_space<vmem>>, vector<16xi32>,
        tpu.vector_store %arg9[%swap3A_200, %swap3A_201], %select_n3A_199 {strides = array<i32>} : memref<32x64xi32, #tpu.memory_space<vmem>>, vector<16xi32>,
        %add3A_203 = arith.constant 48 : i32
        %add3A_204 = vector.broadcast %add3A_203 : i32 to vector<16xi32>
        %add3A_205 = arith.addi %iota3A, %add3A_204 : vector<16xi32>
        %get3A_206 = arith.index_cast %scan3A_166 : i32 to index
        %get3A_207 = arith.constant 48 : index
        %get3A_208 = tpu.vector_load %arg9[%get3A_206, %get3A_207] {strides = array<i32>} : memref<32x64xi32, #tpu.memory_space<vmem>>, vector<16xi32>,
        %lt3A_209 = arith.cmpi slt, %add3A_205, %gather3A : vector<16xi32>
        %select_n3A_210 = arith.select %lt3A_209, %get3A_208, %gather3A_171 : vector<16xi1>, vector<16xi32>
        %swap3A_211 = arith.index_cast %scan3A_166 : i32 to index
        %swap3A_212 = arith.constant 48 : index
        %swap3A_213 = tpu.vector_load %arg9[%swap3A_211, %swap3A_212] {strides = array<i32>} : memref<32x64xi32, #tpu.memory_space<vmem>>, vector<16xi32>,
        tpu.vector_store %arg9[%swap3A_211, %swap3A_212], %select_n3A_210 {strides = array<i32>} : memref<32x64xi32, #tpu.memory_space<vmem>>, vector<16xi32>,
        %scan3A_214 = arith.constant 0 : i32
        scf.yield %scan3A_214 : i32
      }
      %scan3A_104 = arith.constant 32 : i32
      %add3A_105 = arith.constant 2 : i32
      %add3A_106 = arith.addi %add3A_83, %add3A_105 : i32
      %lt3A_107 = arith.constant 4 : i32
      %lt3A_108 = arith.cmpi slt, %add3A_106, %lt3A_107 : i32
      %convert_element_type3A_109 = arith.extui %lt3A_108 : i1 to i32
      %cond3A_110 = arith.constant 0 : i32
      %cond3A_111 = arith.cmpi ne, %convert_element_type3A_109, %cond3A_110 : i32
      scf.if %cond3A_111 {
        %add3A_166 = arith.constant 2 : i32
        %add3A_167 = arith.addi %add3A_83, %add3A_166 : i32
        %mul3A_168 = arith.constant 32 : i32
        %mul3A_169 = arith.muli %add3A_167, %mul3A_168 : i32
        %add3A_170 = arith.addi %mul3A_32, %mul3A_169 : i32
        %dma_start3A_171 = arith.constant 0 : i32
        %dma_start3A_172 = tpu.memref_slice %arg2[%select_n3A, %add3A_170, %dma_start3A_171] : memref<2x2048x1024xi32, #tpu.memory_space<hbm>> -> memref<1x32x1024xi32, #tpu.memory_space<hbm>>
        %dma_start3A_173 = tpu.memref_squeeze %dma_start3A_172 : memref<1x32x1024xi32, #tpu.memory_space<hbm>> -> memref<32x1024xi32, #tpu.memory_space<hbm>>
        %dma_start3A_174 = arith.constant 0 : i32
        %dma_start3A_175 = tpu.memref_slice %arg2[%select_n3A, %add3A_170, %dma_start3A_174] : memref<2x2048x1024xi32, #tpu.memory_space<hbm>> -> memref<1x32x1024xi32, #tpu.memory_space<hbm>>
        %dma_start3A_176 = tpu.memref_squeeze %dma_start3A_175 : memref<1x32x1024xi32, #tpu.memory_space<hbm>> -> memref<32x1024xi32, #tpu.memory_space<hbm>>
        tpu.enqueue_dma source(%dma_start3A_176 : memref<32x1024xi32, #tpu.memory_space<hbm>>) target(%arg5 : memref<32x1024xi32, #tpu.memory_space<vmem>>) target_semaphore(%arg11 : memref<!tpu.dma_semaphore, #tpu.memory_space<semaphore_mem>>)
        %dma_start3A_177 = arith.constant 0 : i32
        %dma_start3A_178 = tpu.memref_slice %arg3[%select_n3A, %add3A_170, %dma_start3A_177] : memref<2x2048x1xi32, #tpu.memory_space<hbm>> -> memref<1x32x1xi32, #tpu.memory_space<hbm>>
        %dma_start3A_179 = tpu.memref_squeeze %dma_start3A_178 : memref<1x32x1xi32, #tpu.memory_space<hbm>> -> memref<32x1xi32, #tpu.memory_space<hbm>>
        %dma_start3A_180 = arith.constant 0 : i32
        %dma_start3A_181 = tpu.memref_slice %arg3[%select_n3A, %add3A_170, %dma_start3A_180] : memref<2x2048x1xi32, #tpu.memory_space<hbm>> -> memref<1x32x1xi32, #tpu.memory_space<hbm>>
        %dma_start3A_182 = tpu.memref_squeeze %dma_start3A_181 : memref<1x32x1xi32, #tpu.memory_space<hbm>> -> memref<32x1xi32, #tpu.memory_space<hbm>>
        tpu.enqueue_dma source(%dma_start3A_182 : memref<32x1xi32, #tpu.memory_space<hbm>>) target(%arg7 : memref<32x1xi32, #tpu.memory_space<vmem>>) target_semaphore(%arg13 : memref<!tpu.dma_semaphore, #tpu.memory_space<semaphore_mem>>)
      } else {
      }
      %mul3A_112 = arith.constant 32 : i32
      %mul3A_113 = arith.muli %add3A_83, %mul3A_112 : i32
      %add3A_114 = arith.addi %mul3A_32, %mul3A_113 : i32
      %dma_start3A_115 = arith.constant 0 : i32
      %dma_start3A_116 = tpu.memref_slice %arg4[%select_n3A, %add3A_114, %dma_start3A_115] : memref<2x2048x64xi32, #tpu.memory_space<hbm>> -> memref<1x32x64xi32, #tpu.memory_space<hbm>>
      %dma_start3A_117 = tpu.memref_squeeze %dma_start3A_116 : memref<1x32x64xi32, #tpu.memory_space<hbm>> -> memref<32x64xi32, #tpu.memory_space<hbm>>
      %dma_start3A_118 = arith.constant 0 : i32
      %dma_start3A_119 = tpu.memref_slice %arg4[%select_n3A, %add3A_114, %dma_start3A_118] : memref<2x2048x64xi32, #tpu.memory_space<hbm>> -> memref<1x32x64xi32, #tpu.memory_space<hbm>>
      %dma_start3A_120 = tpu.memref_squeeze %dma_start3A_119 : memref<1x32x64xi32, #tpu.memory_space<hbm>> -> memref<32x64xi32, #tpu.memory_space<hbm>>
      tpu.enqueue_dma source(%arg9 : memref<32x64xi32, #tpu.memory_space<vmem>>) target(%dma_start3A_120 : memref<32x64xi32, #tpu.memory_space<hbm>>) target_semaphore(%arg15 : memref<!tpu.dma_semaphore, #tpu.memory_space<semaphore_mem>>)
      %mul3A_121 = arith.constant 2 : i32
      %mul3A_122 = arith.muli %mul3A_121, %scan3A_78 : i32
      %add3A_123 = arith.constant 1 : i32
      %add3A_124 = arith.addi %mul3A_122, %add3A_123 : i32
      %dma_wait3A_125 = arith.constant 0 : i32
      %dma_wait3A_126 = tpu.memref_slice %arg2[%select_n3A, %mul3A_32, %dma_wait3A_125] : memref<2x2048x1024xi32, #tpu.memory_space<hbm>> -> memref<1x32x1024xi32, #tpu.memory_space<hbm>>
      %dma_wait3A_127 = tpu.memref_squeeze %dma_wait3A_126 : memref<1x32x1024xi32, #tpu.memory_space<hbm>> -> memref<32x1024xi32, #tpu.memory_space<hbm>>
      %dma_wait3A_128 = arith.constant 0 : i32
      %dma_wait3A_129 = tpu.memref_slice %arg2[%select_n3A, %mul3A_32, %dma_wait3A_128] : memref<2x2048x1024xi32, #tpu.memory_space<hbm>> -> memref<1x32x1024xi32, #tpu.memory_space<hbm>>
      %dma_wait3A_130 = tpu.memref_squeeze %dma_wait3A_129 : memref<1x32x1024xi32, #tpu.memory_space<hbm>> -> memref<32x1024xi32, #tpu.memory_space<hbm>>
      tpu.wait_dma2 semaphore(%arg12 : memref<!tpu.dma_semaphore, #tpu.memory_space<semaphore_mem>>) src(%dma_wait3A_130 : memref<32x1024xi32, #tpu.memory_space<hbm>>) dst(%arg6 : memref<32x1024xi32, #tpu.memory_space<vmem>>)
      %dma_wait3A_131 = arith.constant 0 : i32
      %dma_wait3A_132 = tpu.memref_slice %arg3[%select_n3A, %mul3A_32, %dma_wait3A_131] : memref<2x2048x1xi32, #tpu.memory_space<hbm>> -> memref<1x32x1xi32, #tpu.memory_space<hbm>>
      %dma_wait3A_133 = tpu.memref_squeeze %dma_wait3A_132 : memref<1x32x1xi32, #tpu.memory_space<hbm>> -> memref<32x1xi32, #tpu.memory_space<hbm>>
      %dma_wait3A_134 = arith.constant 0 : i32
      %dma_wait3A_135 = tpu.memref_slice %arg3[%select_n3A, %mul3A_32, %dma_wait3A_134] : memref<2x2048x1xi32, #tpu.memory_space<hbm>> -> memref<1x32x1xi32, #tpu.memory_space<hbm>>
      %dma_wait3A_136 = tpu.memref_squeeze %dma_wait3A_135 : memref<1x32x1xi32, #tpu.memory_space<hbm>> -> memref<32x1xi32, #tpu.memory_space<hbm>>
      tpu.wait_dma2 semaphore(%arg14 : memref<!tpu.dma_semaphore, #tpu.memory_space<semaphore_mem>>) src(%dma_wait3A_136 : memref<32x1xi32, #tpu.memory_space<hbm>>) dst(%arg8 : memref<32x1xi32, #tpu.memory_space<vmem>>)
      %ge3A_137 = arith.constant 2 : i32
      %ge3A_138 = arith.cmpi sge, %add3A_124, %ge3A_137 : i32
      %convert_element_type3A_139 = arith.extui %ge3A_138 : i1 to i32
      %cond3A_140 = arith.constant 0 : i32
      %cond3A_141 = arith.cmpi ne, %convert_element_type3A_139, %cond3A_140 : i32
      scf.if %cond3A_141 {
        %dma_wait3A_166 = arith.constant 0 : i32
        %dma_wait3A_167 = tpu.memref_slice %arg4[%select_n3A, %mul3A_32, %dma_wait3A_166] : memref<2x2048x64xi32, #tpu.memory_space<hbm>> -> memref<1x32x64xi32, #tpu.memory_space<hbm>>
        %dma_wait3A_168 = tpu.memref_squeeze %dma_wait3A_167 : memref<1x32x64xi32, #tpu.memory_space<hbm>> -> memref<32x64xi32, #tpu.memory_space<hbm>>
        %dma_wait3A_169 = arith.constant 0 : i32
        %dma_wait3A_170 = tpu.memref_slice %arg4[%select_n3A, %mul3A_32, %dma_wait3A_169] : memref<2x2048x64xi32, #tpu.memory_space<hbm>> -> memref<1x32x64xi32, #tpu.memory_space<hbm>>
        %dma_wait3A_171 = tpu.memref_squeeze %dma_wait3A_170 : memref<1x32x64xi32, #tpu.memory_space<hbm>> -> memref<32x64xi32, #tpu.memory_space<hbm>>
        tpu.wait_dma2 semaphore(%arg16 : memref<!tpu.dma_semaphore, #tpu.memory_space<semaphore_mem>>) src(%arg10 : memref<32x64xi32, #tpu.memory_space<vmem>>) dst(%dma_wait3A_171 : memref<32x64xi32, #tpu.memory_space<hbm>>)
      } else {
      }
      %scan3A_142 = arith.constant 0 : i32
      %scan3A_143 = arith.constant 0 : i32
      %scan3A_144 = arith.constant 32 : i32
      %scan3A_145 = arith.addi %scan3A_143, %scan3A_144 : i32
      %scan3A_146 = arith.constant 1 : i32
      %scan3A_147 = scf.for %scan3A_166 = %scan3A_143 to %scan3A_145 step %scan3A_146 iter_args(%scan3A_167 = %scan3A_142) -> (i32)  : i32 {
        %broadcast_in_dim3A_168 = vector.broadcast %scan3A_166 : i32 to vector<16xi32>
        %parallel_loop3A = arith.constant 0 : i32
        %parallel_loop3A_169 = arith.constant 64 : i32
        %parallel_loop3A_170 = arith.constant 1 : i32
        scf.for %parallel_loop3A_215 = %parallel_loop3A to %parallel_loop3A_169 step %parallel_loop3A_170  : i32 {
          %parallel_loop3A_216 = arith.constant 16 : i32
          %parallel_loop3A_217 = arith.muli %parallel_loop3A_215, %parallel_loop3A_216 : i32
          %parallel_loop3A_218 = arith.index_cast %scan3A_166 : i32 to index
          %parallel_loop3A_219 = arith.index_cast %parallel_loop3A_217 : i32 to index
          %parallel_loop3A_220 = tpu.vector_load %arg6[%parallel_loop3A_218, %parallel_loop3A_219] {strides = array<i32>} : memref<32x1024xi32, #tpu.memory_space<vmem>>, vector<16xi32>,
          %parallel_loop3A_221 = arith.constant 65535 : i32
          %parallel_loop3A_222 = vector.broadcast %parallel_loop3A_221 : i32 to vector<16xi32>
          %parallel_loop3A_223 = arith.andi %parallel_loop3A_220, %parallel_loop3A_222 : vector<16xi32>
          %parallel_loop3A_224 = arith.constant 16 : i32
          %parallel_loop3A_225 = vector.broadcast %parallel_loop3A_224 : i32 to vector<16xi32>
          %parallel_loop3A_226 = arith.shrui %parallel_loop3A_220, %parallel_loop3A_225 : vector<16xi32>
          %parallel_loop3A_227 = arith.constant 16 : i32
          %parallel_loop3A_228 = arith.muli %parallel_loop3A_215, %parallel_loop3A_227 : i32
          %parallel_loop3A_229 = vector.broadcast %parallel_loop3A_228 : i32 to vector<16xi32>
          %parallel_loop3A_230 = arith.addi %iota3A, %parallel_loop3A_229 : vector<16xi32>
          %parallel_loop3A_231 = arith.constant 32768 : i32
          %parallel_loop3A_232 = vector.broadcast %parallel_loop3A_231 : i32 to vector<16xi32>
          %parallel_loop3A_233 = arith.cmpi slt, %parallel_loop3A_223, %parallel_loop3A_232 : vector<16xi32>
          tpu.vector_store_idx %arg10[%broadcast_in_dim3A_168, %parallel_loop3A_223], %parallel_loop3A_230 masked %parallel_loop3A_233 : memref<32x64xi32, #tpu.memory_space<vmem>>[vector<16xi32>, vector<16xi32>], vector<16xi32>, vector<16xi1>
          %parallel_loop3A_234 = arith.constant 1024 : i32
          %parallel_loop3A_235 = vector.broadcast %parallel_loop3A_234 : i32 to vector<16xi32>
          %parallel_loop3A_236 = arith.addi %parallel_loop3A_230, %parallel_loop3A_235 : vector<16xi32>
          %parallel_loop3A_237 = arith.constant 32768 : i32
          %parallel_loop3A_238 = vector.broadcast %parallel_loop3A_237 : i32 to vector<16xi32>
          %parallel_loop3A_239 = arith.cmpi slt, %parallel_loop3A_226, %parallel_loop3A_238 : vector<16xi32>
          tpu.vector_store_idx %arg10[%broadcast_in_dim3A_168, %parallel_loop3A_226], %parallel_loop3A_236 masked %parallel_loop3A_239 : memref<32x64xi32, #tpu.memory_space<vmem>>[vector<16xi32>, vector<16xi32>], vector<16xi32>, vector<16xi1>
        } {sc.loop_unroll_factor = 8 : i64, sc.parallel_access}
        %gather3A = tpu.vector_load_idx %arg8[%broadcast_in_dim3A_168, %broadcast_in_dim3A_33] : memref<32x1xi32, #tpu.memory_space<vmem>>[vector<16xi32>, vector<16xi32>], vector<16xi32>,
        %gather3A_171 = tpu.vector_load_idx %arg10[%broadcast_in_dim3A_168, %broadcast_in_dim3A_33] : memref<32x64xi32, #tpu.memory_space<vmem>>[vector<16xi32>, vector<16xi32>], vector<16xi32>,
        %add3A_172 = arith.constant 0 : i32
        %add3A_173 = vector.broadcast %add3A_172 : i32 to vector<16xi32>
        %add3A_174 = arith.addi %iota3A, %add3A_173 : vector<16xi32>
        %get3A = arith.index_cast %scan3A_166 : i32 to index
        %get3A_175 = arith.constant 0 : index
        %get3A_176 = tpu.vector_load %arg10[%get3A, %get3A_175] {strides = array<i32>} : memref<32x64xi32, #tpu.memory_space<vmem>>, vector<16xi32>,
        %lt3A_177 = arith.cmpi slt, %add3A_174, %gather3A : vector<16xi32>
        %select_n3A_178 = arith.select %lt3A_177, %get3A_176, %gather3A_171 : vector<16xi1>, vector<16xi32>
        %swap3A = arith.index_cast %scan3A_166 : i32 to index
        %swap3A_179 = arith.constant 0 : index
        %swap3A_180 = tpu.vector_load %arg10[%swap3A, %swap3A_179] {strides = array<i32>} : memref<32x64xi32, #tpu.memory_space<vmem>>, vector<16xi32>,
        tpu.vector_store %arg10[%swap3A, %swap3A_179], %select_n3A_178 {strides = array<i32>} : memref<32x64xi32, #tpu.memory_space<vmem>>, vector<16xi32>,
        %add3A_181 = arith.constant 16 : i32
        %add3A_182 = vector.broadcast %add3A_181 : i32 to vector<16xi32>
        %add3A_183 = arith.addi %iota3A, %add3A_182 : vector<16xi32>
        %get3A_184 = arith.index_cast %scan3A_166 : i32 to index
        %get3A_185 = arith.constant 16 : index
        %get3A_186 = tpu.vector_load %arg10[%get3A_184, %get3A_185] {strides = array<i32>} : memref<32x64xi32, #tpu.memory_space<vmem>>, vector<16xi32>,
        %lt3A_187 = arith.cmpi slt, %add3A_183, %gather3A : vector<16xi32>
        %select_n3A_188 = arith.select %lt3A_187, %get3A_186, %gather3A_171 : vector<16xi1>, vector<16xi32>
        %swap3A_189 = arith.index_cast %scan3A_166 : i32 to index
        %swap3A_190 = arith.constant 16 : index
        %swap3A_191 = tpu.vector_load %arg10[%swap3A_189, %swap3A_190] {strides = array<i32>} : memref<32x64xi32, #tpu.memory_space<vmem>>, vector<16xi32>,
        tpu.vector_store %arg10[%swap3A_189, %swap3A_190], %select_n3A_188 {strides = array<i32>} : memref<32x64xi32, #tpu.memory_space<vmem>>, vector<16xi32>,
        %add3A_192 = arith.constant 32 : i32
        %add3A_193 = vector.broadcast %add3A_192 : i32 to vector<16xi32>
        %add3A_194 = arith.addi %iota3A, %add3A_193 : vector<16xi32>
        %get3A_195 = arith.index_cast %scan3A_166 : i32 to index
        %get3A_196 = arith.constant 32 : index
        %get3A_197 = tpu.vector_load %arg10[%get3A_195, %get3A_196] {strides = array<i32>} : memref<32x64xi32, #tpu.memory_space<vmem>>, vector<16xi32>,
        %lt3A_198 = arith.cmpi slt, %add3A_194, %gather3A : vector<16xi32>
        %select_n3A_199 = arith.select %lt3A_198, %get3A_197, %gather3A_171 : vector<16xi1>, vector<16xi32>
        %swap3A_200 = arith.index_cast %scan3A_166 : i32 to index
        %swap3A_201 = arith.constant 32 : index
        %swap3A_202 = tpu.vector_load %arg10[%swap3A_200, %swap3A_201] {strides = array<i32>} : memref<32x64xi32, #tpu.memory_space<vmem>>, vector<16xi32>,
        tpu.vector_store %arg10[%swap3A_200, %swap3A_201], %select_n3A_199 {strides = array<i32>} : memref<32x64xi32, #tpu.memory_space<vmem>>, vector<16xi32>,
        %add3A_203 = arith.constant 48 : i32
        %add3A_204 = vector.broadcast %add3A_203 : i32 to vector<16xi32>
        %add3A_205 = arith.addi %iota3A, %add3A_204 : vector<16xi32>
        %get3A_206 = arith.index_cast %scan3A_166 : i32 to index
        %get3A_207 = arith.constant 48 : index
        %get3A_208 = tpu.vector_load %arg10[%get3A_206, %get3A_207] {strides = array<i32>} : memref<32x64xi32, #tpu.memory_space<vmem>>, vector<16xi32>,
        %lt3A_209 = arith.cmpi slt, %add3A_205, %gather3A : vector<16xi32>
        %select_n3A_210 = arith.select %lt3A_209, %get3A_208, %gather3A_171 : vector<16xi1>, vector<16xi32>
        %swap3A_211 = arith.index_cast %scan3A_166 : i32 to index
        %swap3A_212 = arith.constant 48 : index
        %swap3A_213 = tpu.vector_load %arg10[%swap3A_211, %swap3A_212] {strides = array<i32>} : memref<32x64xi32, #tpu.memory_space<vmem>>, vector<16xi32>,
        tpu.vector_store %arg10[%swap3A_211, %swap3A_212], %select_n3A_210 {strides = array<i32>} : memref<32x64xi32, #tpu.memory_space<vmem>>, vector<16xi32>,
        %scan3A_214 = arith.constant 0 : i32
        scf.yield %scan3A_214 : i32
      }
      %scan3A_148 = arith.constant 32 : i32
      %add3A_149 = arith.constant 2 : i32
      %add3A_150 = arith.addi %add3A_124, %add3A_149 : i32
      %lt3A_151 = arith.constant 4 : i32
      %lt3A_152 = arith.cmpi slt, %add3A_150, %lt3A_151 : i32
      %convert_element_type3A_153 = arith.extui %lt3A_152 : i1 to i32
      %cond3A_154 = arith.constant 0 : i32
      %cond3A_155 = arith.cmpi ne, %convert_element_type3A_153, %cond3A_154 : i32
      scf.if %cond3A_155 {
        %add3A_166 = arith.constant 2 : i32
        %add3A_167 = arith.addi %add3A_124, %add3A_166 : i32
        %mul3A_168 = arith.constant 32 : i32
        %mul3A_169 = arith.muli %add3A_167, %mul3A_168 : i32
        %add3A_170 = arith.addi %mul3A_32, %mul3A_169 : i32
        %dma_start3A_171 = arith.constant 0 : i32
        %dma_start3A_172 = tpu.memref_slice %arg2[%select_n3A, %add3A_170, %dma_start3A_171] : memref<2x2048x1024xi32, #tpu.memory_space<hbm>> -> memref<1x32x1024xi32, #tpu.memory_space<hbm>>
        %dma_start3A_173 = tpu.memref_squeeze %dma_start3A_172 : memref<1x32x1024xi32, #tpu.memory_space<hbm>> -> memref<32x1024xi32, #tpu.memory_space<hbm>>
        %dma_start3A_174 = arith.constant 0 : i32
        %dma_start3A_175 = tpu.memref_slice %arg2[%select_n3A, %add3A_170, %dma_start3A_174] : memref<2x2048x1024xi32, #tpu.memory_space<hbm>> -> memref<1x32x1024xi32, #tpu.memory_space<hbm>>
        %dma_start3A_176 = tpu.memref_squeeze %dma_start3A_175 : memref<1x32x1024xi32, #tpu.memory_space<hbm>> -> memref<32x1024xi32, #tpu.memory_space<hbm>>
        tpu.enqueue_dma source(%dma_start3A_176 : memref<32x1024xi32, #tpu.memory_space<hbm>>) target(%arg6 : memref<32x1024xi32, #tpu.memory_space<vmem>>) target_semaphore(%arg12 : memref<!tpu.dma_semaphore, #tpu.memory_space<semaphore_mem>>)
        %dma_start3A_177 = arith.constant 0 : i32
        %dma_start3A_178 = tpu.memref_slice %arg3[%select_n3A, %add3A_170, %dma_start3A_177] : memref<2x2048x1xi32, #tpu.memory_space<hbm>> -> memref<1x32x1xi32, #tpu.memory_space<hbm>>
        %dma_start3A_179 = tpu.memref_squeeze %dma_start3A_178 : memref<1x32x1xi32, #tpu.memory_space<hbm>> -> memref<32x1xi32, #tpu.memory_space<hbm>>
        %dma_start3A_180 = arith.constant 0 : i32
        %dma_start3A_181 = tpu.memref_slice %arg3[%select_n3A, %add3A_170, %dma_start3A_180] : memref<2x2048x1xi32, #tpu.memory_space<hbm>> -> memref<1x32x1xi32, #tpu.memory_space<hbm>>
        %dma_start3A_182 = tpu.memref_squeeze %dma_start3A_181 : memref<1x32x1xi32, #tpu.memory_space<hbm>> -> memref<32x1xi32, #tpu.memory_space<hbm>>
        tpu.enqueue_dma source(%dma_start3A_182 : memref<32x1xi32, #tpu.memory_space<hbm>>) target(%arg8 : memref<32x1xi32, #tpu.memory_space<vmem>>) target_semaphore(%arg14 : memref<!tpu.dma_semaphore, #tpu.memory_space<semaphore_mem>>)
      } else {
      }
      %mul3A_156 = arith.constant 32 : i32
      %mul3A_157 = arith.muli %add3A_124, %mul3A_156 : i32
      %add3A_158 = arith.addi %mul3A_32, %mul3A_157 : i32
      %dma_start3A_159 = arith.constant 0 : i32
      %dma_start3A_160 = tpu.memref_slice %arg4[%select_n3A, %add3A_158, %dma_start3A_159] : memref<2x2048x64xi32, #tpu.memory_space<hbm>> -> memref<1x32x64xi32, #tpu.memory_space<hbm>>
      %dma_start3A_161 = tpu.memref_squeeze %dma_start3A_160 : memref<1x32x64xi32, #tpu.memory_space<hbm>> -> memref<32x64xi32, #tpu.memory_space<hbm>>
      %dma_start3A_162 = arith.constant 0 : i32
      %dma_start3A_163 = tpu.memref_slice %arg4[%select_n3A, %add3A_158, %dma_start3A_162] : memref<2x2048x64xi32, #tpu.memory_space<hbm>> -> memref<1x32x64xi32, #tpu.memory_space<hbm>>
      %dma_start3A_164 = tpu.memref_squeeze %dma_start3A_163 : memref<1x32x64xi32, #tpu.memory_space<hbm>> -> memref<32x64xi32, #tpu.memory_space<hbm>>
      tpu.enqueue_dma source(%arg10 : memref<32x64xi32, #tpu.memory_space<vmem>>) target(%dma_start3A_164 : memref<32x64xi32, #tpu.memory_space<hbm>>) target_semaphore(%arg16 : memref<!tpu.dma_semaphore, #tpu.memory_space<semaphore_mem>>)
      %scan3A_165 = arith.constant 0 : i32
      scf.yield %scan3A_165 : i32
    }
    %scan3A_66 = arith.constant 2 : i32
    %dma_wait3A = arith.constant 0 : i32
    %dma_wait3A_67 = tpu.memref_slice %arg4[%select_n3A, %mul3A_32, %dma_wait3A] : memref<2x2048x64xi32, #tpu.memory_space<hbm>> -> memref<1x32x64xi32, #tpu.memory_space<hbm>>
    %dma_wait3A_68 = tpu.memref_squeeze %dma_wait3A_67 : memref<1x32x64xi32, #tpu.memory_space<hbm>> -> memref<32x64xi32, #tpu.memory_space<hbm>>
    %dma_wait3A_69 = arith.constant 0 : i32
    %dma_wait3A_70 = tpu.memref_slice %arg4[%select_n3A, %mul3A_32, %dma_wait3A_69] : memref<2x2048x64xi32, #tpu.memory_space<hbm>> -> memref<1x32x64xi32, #tpu.memory_space<hbm>>
    %dma_wait3A_71 = tpu.memref_squeeze %dma_wait3A_70 : memref<1x32x64xi32, #tpu.memory_space<hbm>> -> memref<32x64xi32, #tpu.memory_space<hbm>>
    tpu.wait_dma2 semaphore(%arg15 : memref<!tpu.dma_semaphore, #tpu.memory_space<semaphore_mem>>) src(%arg9 : memref<32x64xi32, #tpu.memory_space<vmem>>) dst(%dma_wait3A_71 : memref<32x64xi32, #tpu.memory_space<hbm>>)
    %dma_wait3A_72 = arith.constant 0 : i32
    %dma_wait3A_73 = tpu.memref_slice %arg4[%select_n3A, %mul3A_32, %dma_wait3A_72] : memref<2x2048x64xi32, #tpu.memory_space<hbm>> -> memref<1x32x64xi32, #tpu.memory_space<hbm>>
    %dma_wait3A_74 = tpu.memref_squeeze %dma_wait3A_73 : memref<1x32x64xi32, #tpu.memory_space<hbm>> -> memref<32x64xi32, #tpu.memory_space<hbm>>
    %dma_wait3A_75 = arith.constant 0 : i32
    %dma_wait3A_76 = tpu.memref_slice %arg4[%select_n3A, %mul3A_32, %dma_wait3A_75] : memref<2x2048x64xi32, #tpu.memory_space<hbm>> -> memref<1x32x64xi32, #tpu.memory_space<hbm>>
    %dma_wait3A_77 = tpu.memref_squeeze %dma_wait3A_76 : memref<1x32x64xi32, #tpu.memory_space<hbm>> -> memref<32x64xi32, #tpu.memory_space<hbm>>
    tpu.wait_dma2 semaphore(%arg16 : memref<!tpu.dma_semaphore, #tpu.memory_space<semaphore_mem>>) src(%arg10 : memref<32x64xi32, #tpu.memory_space<vmem>>) dst(%dma_wait3A_77 : memref<32x64xi32, #tpu.memory_space<hbm>>)
    return
  }
}

#map = affine_map<(d0, d1) -> (0, 0, 0)>
module attributes {stable_mosaic.version = 14 : i64} {
  func.func @_sc_scatter_kernel(%arg0: i32, %arg1: i32, %arg2: memref<2x2048x1024xi32, #tpu.memory_space<hbm>>, %arg3: memref<2x2048x1xi32, #tpu.memory_space<hbm>>, %arg4: memref<2x2048x64xi32, #tpu.memory_space<hbm>>, %arg5: memref<32x1024xi32, #tpu.memory_space<vmem>>, %arg6: memref<32x1024xi32, #tpu.memory_space<vmem>>, %arg7: memref<32x1xi32, #tpu.memory_space<vmem>>, %arg8: memref<32x1xi32, #tpu.memory_space<vmem>>, %arg9: memref<32x64xi32, #tpu.memory_space<vmem>>, %arg10: memref<32x64xi32, #tpu.memory_space<vmem>>, %arg11: memref<!tpu.dma_semaphore, #tpu.memory_space<semaphore_mem>>, %arg12: memref<!tpu.dma_semaphore, #tpu.memory_space<semaphore_mem>>, %arg13: memref<!tpu.dma_semaphore, #tpu.memory_space<semaphore_mem>>, %arg14: memref<!tpu.dma_semaphore, #tpu.memory_space<semaphore_mem>>, %arg15: memref<!tpu.dma_semaphore, #tpu.memory_space<semaphore_mem>>, %arg16: memref<!tpu.dma_semaphore, #tpu.memory_space<semaphore_mem>>) attributes {dimension_semantics = [#tpu.dimension_semantics<core_parallel>, #tpu.dimension_semantics<subcore_parallel>], iteration_bounds = array<i64: 2, 16>, scalar_prefetch = 0 : i64, scratch_operands = 12 : i64, tpu.core_type = #tpu.core_type<sc_vector_subcore>, window_params = [{transform_indices = #map}, {transform_indices = #map}, {transform_indices = #map}]} {
    %mul3A = arith.constant 2 : i32
    %mul3A_0 = arith.muli %arg1, %mul3A : i32
    %add3A = arith.addi %mul3A_0, %arg0 : i32
    %jit3A = arith.constant 16 : i32
    %div3A = arith.divsi %add3A, %jit3A : i32
    %sign3A = arith.constant 0 : i32
    %sign3A_1 = arith.cmpi sgt, %add3A, %sign3A : i32
    %sign3A_2 = arith.extui %sign3A_1 : i1 to i32
    %sign3A_3 = arith.constant 0 : i32
    %sign3A_4 = arith.cmpi slt, %add3A, %sign3A_3 : i32
    %sign3A_5 = arith.extui %sign3A_4 : i1 to i32
    %sign3A_6 = arith.subi %sign3A_2, %sign3A_5 : i32
    %sign3A_7 = arith.constant 0 : i32
    %sign3A_8 = arith.cmpi sgt, %jit3A, %sign3A_7 : i32
    %sign3A_9 = arith.extui %sign3A_8 : i1 to i32
    %sign3A_10 = arith.constant 0 : i32
    %sign3A_11 = arith.cmpi slt, %jit3A, %sign3A_10 : i32
    %sign3A_12 = arith.extui %sign3A_11 : i1 to i32
    %sign3A_13 = arith.subi %sign3A_9, %sign3A_12 : i32
    %ne3A = arith.cmpi ne, %sign3A_6, %sign3A_13 : i32
    %rem3A = arith.remsi %add3A, %jit3A : i32
    %ne3A_14 = arith.constant 0 : i32
    %ne3A_15 = arith.cmpi ne, %rem3A, %ne3A_14 : i32
    %and3A = arith.andi %ne3A, %ne3A_15 : i1
    %sub3A = arith.constant 1 : i32
    %sub3A_16 = arith.subi %div3A, %sub3A : i32
    %select_n3A = arith.select %and3A, %sub3A_16, %div3A : i32
    %jit3A_17 = arith.constant 16 : i32
    %eq3A = arith.constant 0 : i32
    %eq3A_18 = arith.cmpi eq, %jit3A_17, %eq3A : i32
    %jit3A_19 = arith.constant 1 : i32
    %select_n3A_20 = arith.select %eq3A_18, %jit3A_19, %jit3A_17 : i32
    %rem3A_21 = arith.remsi %add3A, %select_n3A_20 : i32
    %ne3A_22 = arith.constant 0 : i32
    %ne3A_23 = arith.cmpi ne, %rem3A_21, %ne3A_22 : i32
    %lt3A = arith.constant 0 : i32
    %lt3A_24 = arith.cmpi slt, %rem3A_21, %lt3A : i32
    %lt3A_25 = arith.constant 0 : i32
    %lt3A_26 = arith.cmpi slt, %select_n3A_20, %lt3A_25 : i32
    %ne3A_27 = arith.xori %lt3A_24, %lt3A_26 : i1
    %and3A_28 = arith.andi %ne3A_27, %ne3A_23 : i1
    %add3A_29 = arith.addi %rem3A_21, %select_n3A_20 : i32
    %select_n3A_30 = arith.select %and3A_28, %add3A_29, %rem3A_21 : i32
    %mul3A_31 = arith.constant 128 : i32
    %mul3A_32 = arith.muli %select_n3A_30, %mul3A_31 : i32
    %iota3A = tpu.iota {dimensions = array<i32: 0>} : vector<16xi32>
    %broadcast_in_dim3A = arith.constant 0 : i32
    %broadcast_in_dim3A_33 = vector.broadcast %broadcast_in_dim3A : i32 to vector<16xi32>
    %add3A_34 = arith.constant 0 : i32
    %add3A_35 = arith.addi %mul3A_32, %add3A_34 : i32
    %dma_start3A = arith.constant 0 : i32
    %dma_start3A_36 = tpu.memref_slice %arg2[%select_n3A, %add3A_35, %dma_start3A] : memref<2x2048x1024xi32, #tpu.memory_space<hbm>> -> memref<1x32x1024xi32, #tpu.memory_space<hbm>>
    %dma_start3A_37 = tpu.memref_squeeze %dma_start3A_36 : memref<1x32x1024xi32, #tpu.memory_space<hbm>> -> memref<32x1024xi32, #tpu.memory_space<hbm>>
    %dma_start3A_38 = arith.constant 0 : i32
    %dma_start3A_39 = tpu.memref_slice %arg2[%select_n3A, %add3A_35, %dma_start3A_38] : memref<2x2048x1024xi32, #tpu.memory_space<hbm>> -> memref<1x32x1024xi32, #tpu.memory_space<hbm>>
    %dma_start3A_40 = tpu.memref_squeeze %dma_start3A_39 : memref<1x32x1024xi32, #tpu.memory_space<hbm>> -> memref<32x1024xi32, #tpu.memory_space<hbm>>
    tpu.enqueue_dma source(%dma_start3A_40 : memref<32x1024xi32, #tpu.memory_space<hbm>>) target(%arg5 : memref<32x1024xi32, #tpu.memory_space<vmem>>) target_semaphore(%arg11 : memref<!tpu.dma_semaphore, #tpu.memory_space<semaphore_mem>>)
    %dma_start3A_41 = arith.constant 0 : i32
    %dma_start3A_42 = tpu.memref_slice %arg3[%select_n3A, %add3A_35, %dma_start3A_41] : memref<2x2048x1xi32, #tpu.memory_space<hbm>> -> memref<1x32x1xi32, #tpu.memory_space<hbm>>
    %dma_start3A_43 = tpu.memref_squeeze %dma_start3A_42 : memref<1x32x1xi32, #tpu.memory_space<hbm>> -> memref<32x1xi32, #tpu.memory_space<hbm>>
    %dma_start3A_44 = arith.constant 0 : i32
    %dma_start3A_45 = tpu.memref_slice %arg3[%select_n3A, %add3A_35, %dma_start3A_44] : memref<2x2048x1xi32, #tpu.memory_space<hbm>> -> memref<1x32x1xi32, #tpu.memory_space<hbm>>
    %dma_start3A_46 = tpu.memref_squeeze %dma_start3A_45 : memref<1x32x1xi32, #tpu.memory_space<hbm>> -> memref<32x1xi32, #tpu.memory_space<hbm>>
    tpu.enqueue_dma source(%dma_start3A_46 : memref<32x1xi32, #tpu.memory_space<hbm>>) target(%arg7 : memref<32x1xi32, #tpu.memory_space<vmem>>) target_semaphore(%arg13 : memref<!tpu.dma_semaphore, #tpu.memory_space<semaphore_mem>>)
    %add3A_47 = arith.constant 32 : i32
    %add3A_48 = arith.addi %mul3A_32, %add3A_47 : i32
    %dma_start3A_49 = arith.constant 0 : i32
    %dma_start3A_50 = tpu.memref_slice %arg2[%select_n3A, %add3A_48, %dma_start3A_49] : memref<2x2048x1024xi32, #tpu.memory_space<hbm>> -> memref<1x32x1024xi32, #tpu.memory_space<hbm>>
    %dma_start3A_51 = tpu.memref_squeeze %dma_start3A_50 : memref<1x32x1024xi32, #tpu.memory_space<hbm>> -> memref<32x1024xi32, #tpu.memory_space<hbm>>
    %dma_start3A_52 = arith.constant 0 : i32
    %dma_start3A_53 = tpu.memref_slice %arg2[%select_n3A, %add3A_48, %dma_start3A_52] : memref<2x2048x1024xi32, #tpu.memory_space<hbm>> -> memref<1x32x1024xi32, #tpu.memory_space<hbm>>
    %dma_start3A_54 = tpu.memref_squeeze %dma_start3A_53 : memref<1x32x1024xi32, #tpu.memory_space<hbm>> -> memref<32x1024xi32, #tpu.memory_space<hbm>>
    tpu.enqueue_dma source(%dma_start3A_54 : memref<32x1024xi32, #tpu.memory_space<hbm>>) target(%arg6 : memref<32x1024xi32, #tpu.memory_space<vmem>>) target_semaphore(%arg12 : memref<!tpu.dma_semaphore, #tpu.memory_space<semaphore_mem>>)
    %dma_start3A_55 = arith.constant 0 : i32
    %dma_start3A_56 = tpu.memref_slice %arg3[%select_n3A, %add3A_48, %dma_start3A_55] : memref<2x2048x1xi32, #tpu.memory_space<hbm>> -> memref<1x32x1xi32, #tpu.memory_space<hbm>>
    %dma_start3A_57 = tpu.memref_squeeze %dma_start3A_56 : memref<1x32x1xi32, #tpu.memory_space<hbm>> -> memref<32x1xi32, #tpu.memory_space<hbm>>
    %dma_start3A_58 = arith.constant 0 : i32
    %dma_start3A_59 = tpu.memref_slice %arg3[%select_n3A, %add3A_48, %dma_start3A_58] : memref<2x2048x1xi32, #tpu.memory_space<hbm>> -> memref<1x32x1xi32, #tpu.memory_space<hbm>>
    %dma_start3A_60 = tpu.memref_squeeze %dma_start3A_59 : memref<1x32x1xi32, #tpu.memory_space<hbm>> -> memref<32x1xi32, #tpu.memory_space<hbm>>
    tpu.enqueue_dma source(%dma_start3A_60 : memref<32x1xi32, #tpu.memory_space<hbm>>) target(%arg8 : memref<32x1xi32, #tpu.memory_space<vmem>>) target_semaphore(%arg14 : memref<!tpu.dma_semaphore, #tpu.memory_space<semaphore_mem>>)
    %scan3A = arith.constant 0 : i32
    %scan3A_61 = arith.constant 0 : i32
    %scan3A_62 = arith.constant 2 : i32
    %scan3A_63 = arith.addi %scan3A_61, %scan3A_62 : i32
    %scan3A_64 = arith.constant 1 : i32
    %scan3A_65 = scf.for %scan3A_78 = %scan3A_61 to %scan3A_63 step %scan3A_64 iter_args(%scan3A_79 = %scan3A) -> (i32)  : i32 {
      %mul3A_80 = arith.constant 2 : i32
      %mul3A_81 = arith.muli %mul3A_80, %scan3A_78 : i32
      %add3A_82 = arith.constant 0 : i32
      %add3A_83 = arith.addi %mul3A_81, %add3A_82 : i32
      %dma_wait3A_84 = arith.constant 0 : i32
      %dma_wait3A_85 = tpu.memref_slice %arg2[%select_n3A, %mul3A_32, %dma_wait3A_84] : memref<2x2048x1024xi32, #tpu.memory_space<hbm>> -> memref<1x32x1024xi32, #tpu.memory_space<hbm>>
      %dma_wait3A_86 = tpu.memref_squeeze %dma_wait3A_85 : memref<1x32x1024xi32, #tpu.memory_space<hbm>> -> memref<32x1024xi32, #tpu.memory_space<hbm>>
      %dma_wait3A_87 = arith.constant 0 : i32
      %dma_wait3A_88 = tpu.memref_slice %arg2[%select_n3A, %mul3A_32, %dma_wait3A_87] : memref<2x2048x1024xi32, #tpu.memory_space<hbm>> -> memref<1x32x1024xi32, #tpu.memory_space<hbm>>
      %dma_wait3A_89 = tpu.memref_squeeze %dma_wait3A_88 : memref<1x32x1024xi32, #tpu.memory_space<hbm>> -> memref<32x1024xi32, #tpu.memory_space<hbm>>
      tpu.wait_dma2 semaphore(%arg11 : memref<!tpu.dma_semaphore, #tpu.memory_space<semaphore_mem>>) src(%dma_wait3A_89 : memref<32x1024xi32, #tpu.memory_space<hbm>>) dst(%arg5 : memref<32x1024xi32, #tpu.memory_space<vmem>>)
      %dma_wait3A_90 = arith.constant 0 : i32
      %dma_wait3A_91 = tpu.memref_slice %arg3[%select_n3A, %mul3A_32, %dma_wait3A_90] : memref<2x2048x1xi32, #tpu.memory_space<hbm>> -> memref<1x32x1xi32, #tpu.memory_space<hbm>>
      %dma_wait3A_92 = tpu.memref_squeeze %dma_wait3A_91 : memref<1x32x1xi32, #tpu.memory_space<hbm>> -> memref<32x1xi32, #tpu.memory_space<hbm>>
      %dma_wait3A_93 = arith.constant 0 : i32
      %dma_wait3A_94 = tpu.memref_slice %arg3[%select_n3A, %mul3A_32, %dma_wait3A_93] : memref<2x2048x1xi32, #tpu.memory_space<hbm>> -> memref<1x32x1xi32, #tpu.memory_space<hbm>>
      %dma_wait3A_95 = tpu.memref_squeeze %dma_wait3A_94 : memref<1x32x1xi32, #tpu.memory_space<hbm>> -> memref<32x1xi32, #tpu.memory_space<hbm>>
      tpu.wait_dma2 semaphore(%arg13 : memref<!tpu.dma_semaphore, #tpu.memory_space<semaphore_mem>>) src(%dma_wait3A_95 : memref<32x1xi32, #tpu.memory_space<hbm>>) dst(%arg7 : memref<32x1xi32, #tpu.memory_space<vmem>>)
      %ge3A = arith.constant 2 : i32
      %ge3A_96 = arith.cmpi sge, %add3A_83, %ge3A : i32
      %convert_element_type3A = arith.extui %ge3A_96 : i1 to i32
      %cond3A = arith.constant 0 : i32
      %cond3A_97 = arith.cmpi ne, %convert_element_type3A, %cond3A : i32
      scf.if %cond3A_97 {
        %dma_wait3A_166 = arith.constant 0 : i32
        %dma_wait3A_167 = tpu.memref_slice %arg4[%select_n3A, %mul3A_32, %dma_wait3A_166] : memref<2x2048x64xi32, #tpu.memory_space<hbm>> -> memref<1x32x64xi32, #tpu.memory_space<hbm>>
        %dma_wait3A_168 = tpu.memref_squeeze %dma_wait3A_167 : memref<1x32x64xi32, #tpu.memory_space<hbm>> -> memref<32x64xi32, #tpu.memory_space<hbm>>
        %dma_wait3A_169 = arith.constant 0 : i32
        %dma_wait3A_170 = tpu.memref_slice %arg4[%select_n3A, %mul3A_32, %dma_wait3A_169] : memref<2x2048x64xi32, #tpu.memory_space<hbm>> -> memref<1x32x64xi32, #tpu.memory_space<hbm>>
        %dma_wait3A_171 = tpu.memref_squeeze %dma_wait3A_170 : memref<1x32x64xi32, #tpu.memory_space<hbm>> -> memref<32x64xi32, #tpu.memory_space<hbm>>
        tpu.wait_dma2 semaphore(%arg15 : memref<!tpu.dma_semaphore, #tpu.memory_space<semaphore_mem>>) src(%arg9 : memref<32x64xi32, #tpu.memory_space<vmem>>) dst(%dma_wait3A_171 : memref<32x64xi32, #tpu.memory_space<hbm>>)
      } else {
      }
      %scan3A_98 = arith.constant 0 : i32
      %scan3A_99 = arith.constant 0 : i32
      %scan3A_100 = arith.constant 32 : i32
      %scan3A_101 = arith.addi %scan3A_99, %scan3A_100 : i32
      %scan3A_102 = arith.constant 1 : i32
      %scan3A_103 = scf.for %scan3A_166 = %scan3A_99 to %scan3A_101 step %scan3A_102 iter_args(%scan3A_167 = %scan3A_98) -> (i32)  : i32 {
        %broadcast_in_dim3A_168 = vector.broadcast %scan3A_166 : i32 to vector<16xi32>
        %parallel_loop3A = arith.constant 0 : i32
        %parallel_loop3A_169 = arith.constant 64 : i32
        %parallel_loop3A_170 = arith.constant 1 : i32
        scf.for %parallel_loop3A_215 = %parallel_loop3A to %parallel_loop3A_169 step %parallel_loop3A_170  : i32 {
          %parallel_loop3A_216 = arith.constant 16 : i32
          %parallel_loop3A_217 = arith.muli %parallel_loop3A_215, %parallel_loop3A_216 : i32
          %parallel_loop3A_218 = arith.index_cast %scan3A_166 : i32 to index
          %parallel_loop3A_219 = arith.index_cast %parallel_loop3A_217 : i32 to index
          %parallel_loop3A_220 = tpu.vector_load %arg5[%parallel_loop3A_218, %parallel_loop3A_219] {strides = array<i32>} : memref<32x1024xi32, #tpu.memory_space<vmem>>, vector<16xi32>,
          %parallel_loop3A_221 = arith.constant 65535 : i32
          %parallel_loop3A_222 = vector.broadcast %parallel_loop3A_221 : i32 to vector<16xi32>
          %parallel_loop3A_223 = arith.andi %parallel_loop3A_220, %parallel_loop3A_222 : vector<16xi32>
          %parallel_loop3A_224 = arith.constant 16 : i32
          %parallel_loop3A_225 = vector.broadcast %parallel_loop3A_224 : i32 to vector<16xi32>
          %parallel_loop3A_226 = arith.shrui %parallel_loop3A_220, %parallel_loop3A_225 : vector<16xi32>
          %parallel_loop3A_227 = arith.constant 16 : i32
          %parallel_loop3A_228 = arith.muli %parallel_loop3A_215, %parallel_loop3A_227 : i32
          %parallel_loop3A_229 = vector.broadcast %parallel_loop3A_228 : i32 to vector<16xi32>
          %parallel_loop3A_230 = arith.addi %iota3A, %parallel_loop3A_229 : vector<16xi32>
          %parallel_loop3A_231 = arith.constant 32768 : i32
          %parallel_loop3A_232 = vector.broadcast %parallel_loop3A_231 : i32 to vector<16xi32>
          %parallel_loop3A_233 = arith.cmpi slt, %parallel_loop3A_223, %parallel_loop3A_232 : vector<16xi32>
          tpu.vector_store_idx %arg9[%broadcast_in_dim3A_168, %parallel_loop3A_223], %parallel_loop3A_230 masked %parallel_loop3A_233 : memref<32x64xi32, #tpu.memory_space<vmem>>[vector<16xi32>, vector<16xi32>], vector<16xi32>, vector<16xi1>
          %parallel_loop3A_234 = arith.constant 1024 : i32
          %parallel_loop3A_235 = vector.broadcast %parallel_loop3A_234 : i32 to vector<16xi32>
          %parallel_loop3A_236 = arith.addi %parallel_loop3A_230, %parallel_loop3A_235 : vector<16xi32>
          %parallel_loop3A_237 = arith.constant 32768 : i32
          %parallel_loop3A_238 = vector.broadcast %parallel_loop3A_237 : i32 to vector<16xi32>
          %parallel_loop3A_239 = arith.cmpi slt, %parallel_loop3A_226, %parallel_loop3A_238 : vector<16xi32>
          tpu.vector_store_idx %arg9[%broadcast_in_dim3A_168, %parallel_loop3A_226], %parallel_loop3A_236 masked %parallel_loop3A_239 : memref<32x64xi32, #tpu.memory_space<vmem>>[vector<16xi32>, vector<16xi32>], vector<16xi32>, vector<16xi1>
        } {sc.loop_unroll_factor = 8 : i64, sc.parallel_access}
        %gather3A = tpu.vector_load_idx %arg7[%broadcast_in_dim3A_168, %broadcast_in_dim3A_33] : memref<32x1xi32, #tpu.memory_space<vmem>>[vector<16xi32>, vector<16xi32>], vector<16xi32>,
        %gather3A_171 = tpu.vector_load_idx %arg9[%broadcast_in_dim3A_168, %broadcast_in_dim3A_33] : memref<32x64xi32, #tpu.memory_space<vmem>>[vector<16xi32>, vector<16xi32>], vector<16xi32>,
        %add3A_172 = arith.constant 0 : i32
        %add3A_173 = vector.broadcast %add3A_172 : i32 to vector<16xi32>
        %add3A_174 = arith.addi %iota3A, %add3A_173 : vector<16xi32>
        %get3A = arith.index_cast %scan3A_166 : i32 to index
        %get3A_175 = arith.constant 0 : index
        %get3A_176 = tpu.vector_load %arg9[%get3A, %get3A_175] {strides = array<i32>} : memref<32x64xi32, #tpu.memory_space<vmem>>, vector<16xi32>,
        %lt3A_177 = arith.cmpi slt, %add3A_174, %gather3A : vector<16xi32>
        %select_n3A_178 = arith.select %lt3A_177, %get3A_176, %gather3A_171 : vector<16xi1>, vector<16xi32>
        %swap3A = arith.index_cast %scan3A_166 : i32 to index
        %swap3A_179 = arith.constant 0 : index
        %swap3A_180 = tpu.vector_load %arg9[%swap3A, %swap3A_179] {strides = array<i32>} : memref<32x64xi32, #tpu.memory_space<vmem>>, vector<16xi32>,
        tpu.vector_store %arg9[%swap3A, %swap3A_179], %select_n3A_178 {strides = array<i32>} : memref<32x64xi32, #tpu.memory_space<vmem>>, vector<16xi32>,
        %add3A_181 = arith.constant 16 : i32
        %add3A_182 = vector.broadcast %add3A_181 : i32 to vector<16xi32>
        %add3A_183 = arith.addi %iota3A, %add3A_182 : vector<16xi32>
        %get3A_184 = arith.index_cast %scan3A_166 : i32 to index
        %get3A_185 = arith.constant 16 : index
        %get3A_186 = tpu.vector_load %arg9[%get3A_184, %get3A_185] {strides = array<i32>} : memref<32x64xi32, #tpu.memory_space<vmem>>, vector<16xi32>,
        %lt3A_187 = arith.cmpi slt, %add3A_183, %gather3A : vector<16xi32>
        %select_n3A_188 = arith.select %lt3A_187, %get3A_186, %gather3A_171 : vector<16xi1>, vector<16xi32>
        %swap3A_189 = arith.index_cast %scan3A_166 : i32 to index
        %swap3A_190 = arith.constant 16 : index
        %swap3A_191 = tpu.vector_load %arg9[%swap3A_189, %swap3A_190] {strides = array<i32>} : memref<32x64xi32, #tpu.memory_space<vmem>>, vector<16xi32>,
        tpu.vector_store %arg9[%swap3A_189, %swap3A_190], %select_n3A_188 {strides = array<i32>} : memref<32x64xi32, #tpu.memory_space<vmem>>, vector<16xi32>,
        %add3A_192 = arith.constant 32 : i32
        %add3A_193 = vector.broadcast %add3A_192 : i32 to vector<16xi32>
        %add3A_194 = arith.addi %iota3A, %add3A_193 : vector<16xi32>
        %get3A_195 = arith.index_cast %scan3A_166 : i32 to index
        %get3A_196 = arith.constant 32 : index
        %get3A_197 = tpu.vector_load %arg9[%get3A_195, %get3A_196] {strides = array<i32>} : memref<32x64xi32, #tpu.memory_space<vmem>>, vector<16xi32>,
        %lt3A_198 = arith.cmpi slt, %add3A_194, %gather3A : vector<16xi32>
        %select_n3A_199 = arith.select %lt3A_198, %get3A_197, %gather3A_171 : vector<16xi1>, vector<16xi32>
        %swap3A_200 = arith.index_cast %scan3A_166 : i32 to index
        %swap3A_201 = arith.constant 32 : index
        %swap3A_202 = tpu.vector_load %arg9[%swap3A_200, %swap3A_201] {strides = array<i32>} : memref<32x64xi32, #tpu.memory_space<vmem>>, vector<16xi32>,
        tpu.vector_store %arg9[%swap3A_200, %swap3A_201], %select_n3A_199 {strides = array<i32>} : memref<32x64xi32, #tpu.memory_space<vmem>>, vector<16xi32>,
        %add3A_203 = arith.constant 48 : i32
        %add3A_204 = vector.broadcast %add3A_203 : i32 to vector<16xi32>
        %add3A_205 = arith.addi %iota3A, %add3A_204 : vector<16xi32>
        %get3A_206 = arith.index_cast %scan3A_166 : i32 to index
        %get3A_207 = arith.constant 48 : index
        %get3A_208 = tpu.vector_load %arg9[%get3A_206, %get3A_207] {strides = array<i32>} : memref<32x64xi32, #tpu.memory_space<vmem>>, vector<16xi32>,
        %lt3A_209 = arith.cmpi slt, %add3A_205, %gather3A : vector<16xi32>
        %select_n3A_210 = arith.select %lt3A_209, %get3A_208, %gather3A_171 : vector<16xi1>, vector<16xi32>
        %swap3A_211 = arith.index_cast %scan3A_166 : i32 to index
        %swap3A_212 = arith.constant 48 : index
        %swap3A_213 = tpu.vector_load %arg9[%swap3A_211, %swap3A_212] {strides = array<i32>} : memref<32x64xi32, #tpu.memory_space<vmem>>, vector<16xi32>,
        tpu.vector_store %arg9[%swap3A_211, %swap3A_212], %select_n3A_210 {strides = array<i32>} : memref<32x64xi32, #tpu.memory_space<vmem>>, vector<16xi32>,
        %scan3A_214 = arith.constant 0 : i32
        scf.yield %scan3A_214 : i32
      }
      %scan3A_104 = arith.constant 32 : i32
      %add3A_105 = arith.constant 2 : i32
      %add3A_106 = arith.addi %add3A_83, %add3A_105 : i32
      %lt3A_107 = arith.constant 4 : i32
      %lt3A_108 = arith.cmpi slt, %add3A_106, %lt3A_107 : i32
      %convert_element_type3A_109 = arith.extui %lt3A_108 : i1 to i32
      %cond3A_110 = arith.constant 0 : i32
      %cond3A_111 = arith.cmpi ne, %convert_element_type3A_109, %cond3A_110 : i32
      scf.if %cond3A_111 {
        %add3A_166 = arith.constant 2 : i32
        %add3A_167 = arith.addi %add3A_83, %add3A_166 : i32
        %mul3A_168 = arith.constant 32 : i32
        %mul3A_169 = arith.muli %add3A_167, %mul3A_168 : i32
        %add3A_170 = arith.addi %mul3A_32, %mul3A_169 : i32
        %dma_start3A_171 = arith.constant 0 : i32
        %dma_start3A_172 = tpu.memref_slice %arg2[%select_n3A, %add3A_170, %dma_start3A_171] : memref<2x2048x1024xi32, #tpu.memory_space<hbm>> -> memref<1x32x1024xi32, #tpu.memory_space<hbm>>
        %dma_start3A_173 = tpu.memref_squeeze %dma_start3A_172 : memref<1x32x1024xi32, #tpu.memory_space<hbm>> -> memref<32x1024xi32, #tpu.memory_space<hbm>>
        %dma_start3A_174 = arith.constant 0 : i32
        %dma_start3A_175 = tpu.memref_slice %arg2[%select_n3A, %add3A_170, %dma_start3A_174] : memref<2x2048x1024xi32, #tpu.memory_space<hbm>> -> memref<1x32x1024xi32, #tpu.memory_space<hbm>>
        %dma_start3A_176 = tpu.memref_squeeze %dma_start3A_175 : memref<1x32x1024xi32, #tpu.memory_space<hbm>> -> memref<32x1024xi32, #tpu.memory_space<hbm>>
        tpu.enqueue_dma source(%dma_start3A_176 : memref<32x1024xi32, #tpu.memory_space<hbm>>) target(%arg5 : memref<32x1024xi32, #tpu.memory_space<vmem>>) target_semaphore(%arg11 : memref<!tpu.dma_semaphore, #tpu.memory_space<semaphore_mem>>)
        %dma_start3A_177 = arith.constant 0 : i32
        %dma_start3A_178 = tpu.memref_slice %arg3[%select_n3A, %add3A_170, %dma_start3A_177] : memref<2x2048x1xi32, #tpu.memory_space<hbm>> -> memref<1x32x1xi32, #tpu.memory_space<hbm>>
        %dma_start3A_179 = tpu.memref_squeeze %dma_start3A_178 : memref<1x32x1xi32, #tpu.memory_space<hbm>> -> memref<32x1xi32, #tpu.memory_space<hbm>>
        %dma_start3A_180 = arith.constant 0 : i32
        %dma_start3A_181 = tpu.memref_slice %arg3[%select_n3A, %add3A_170, %dma_start3A_180] : memref<2x2048x1xi32, #tpu.memory_space<hbm>> -> memref<1x32x1xi32, #tpu.memory_space<hbm>>
        %dma_start3A_182 = tpu.memref_squeeze %dma_start3A_181 : memref<1x32x1xi32, #tpu.memory_space<hbm>> -> memref<32x1xi32, #tpu.memory_space<hbm>>
        tpu.enqueue_dma source(%dma_start3A_182 : memref<32x1xi32, #tpu.memory_space<hbm>>) target(%arg7 : memref<32x1xi32, #tpu.memory_space<vmem>>) target_semaphore(%arg13 : memref<!tpu.dma_semaphore, #tpu.memory_space<semaphore_mem>>)
      } else {
      }
      %mul3A_112 = arith.constant 32 : i32
      %mul3A_113 = arith.muli %add3A_83, %mul3A_112 : i32
      %add3A_114 = arith.addi %mul3A_32, %mul3A_113 : i32
      %dma_start3A_115 = arith.constant 0 : i32
      %dma_start3A_116 = tpu.memref_slice %arg4[%select_n3A, %add3A_114, %dma_start3A_115] : memref<2x2048x64xi32, #tpu.memory_space<hbm>> -> memref<1x32x64xi32, #tpu.memory_space<hbm>>
      %dma_start3A_117 = tpu.memref_squeeze %dma_start3A_116 : memref<1x32x64xi32, #tpu.memory_space<hbm>> -> memref<32x64xi32, #tpu.memory_space<hbm>>
      %dma_start3A_118 = arith.constant 0 : i32
      %dma_start3A_119 = tpu.memref_slice %arg4[%select_n3A, %add3A_114, %dma_start3A_118] : memref<2x2048x64xi32, #tpu.memory_space<hbm>> -> memref<1x32x64xi32, #tpu.memory_space<hbm>>
      %dma_start3A_120 = tpu.memref_squeeze %dma_start3A_119 : memref<1x32x64xi32, #tpu.memory_space<hbm>> -> memref<32x64xi32, #tpu.memory_space<hbm>>
      tpu.enqueue_dma source(%arg9 : memref<32x64xi32, #tpu.memory_space<vmem>>) target(%dma_start3A_120 : memref<32x64xi32, #tpu.memory_space<hbm>>) target_semaphore(%arg15 : memref<!tpu.dma_semaphore, #tpu.memory_space<semaphore_mem>>)
      %mul3A_121 = arith.constant 2 : i32
      %mul3A_122 = arith.muli %mul3A_121, %scan3A_78 : i32
      %add3A_123 = arith.constant 1 : i32
      %add3A_124 = arith.addi %mul3A_122, %add3A_123 : i32
      %dma_wait3A_125 = arith.constant 0 : i32
      %dma_wait3A_126 = tpu.memref_slice %arg2[%select_n3A, %mul3A_32, %dma_wait3A_125] : memref<2x2048x1024xi32, #tpu.memory_space<hbm>> -> memref<1x32x1024xi32, #tpu.memory_space<hbm>>
      %dma_wait3A_127 = tpu.memref_squeeze %dma_wait3A_126 : memref<1x32x1024xi32, #tpu.memory_space<hbm>> -> memref<32x1024xi32, #tpu.memory_space<hbm>>
      %dma_wait3A_128 = arith.constant 0 : i32
      %dma_wait3A_129 = tpu.memref_slice %arg2[%select_n3A, %mul3A_32, %dma_wait3A_128] : memref<2x2048x1024xi32, #tpu.memory_space<hbm>> -> memref<1x32x1024xi32, #tpu.memory_space<hbm>>
      %dma_wait3A_130 = tpu.memref_squeeze %dma_wait3A_129 : memref<1x32x1024xi32, #tpu.memory_space<hbm>> -> memref<32x1024xi32, #tpu.memory_space<hbm>>
      tpu.wait_dma2 semaphore(%arg12 : memref<!tpu.dma_semaphore, #tpu.memory_space<semaphore_mem>>) src(%dma_wait3A_130 : memref<32x1024xi32, #tpu.memory_space<hbm>>) dst(%arg6 : memref<32x1024xi32, #tpu.memory_space<vmem>>)
      %dma_wait3A_131 = arith.constant 0 : i32
      %dma_wait3A_132 = tpu.memref_slice %arg3[%select_n3A, %mul3A_32, %dma_wait3A_131] : memref<2x2048x1xi32, #tpu.memory_space<hbm>> -> memref<1x32x1xi32, #tpu.memory_space<hbm>>
      %dma_wait3A_133 = tpu.memref_squeeze %dma_wait3A_132 : memref<1x32x1xi32, #tpu.memory_space<hbm>> -> memref<32x1xi32, #tpu.memory_space<hbm>>
      %dma_wait3A_134 = arith.constant 0 : i32
      %dma_wait3A_135 = tpu.memref_slice %arg3[%select_n3A, %mul3A_32, %dma_wait3A_134] : memref<2x2048x1xi32, #tpu.memory_space<hbm>> -> memref<1x32x1xi32, #tpu.memory_space<hbm>>
      %dma_wait3A_136 = tpu.memref_squeeze %dma_wait3A_135 : memref<1x32x1xi32, #tpu.memory_space<hbm>> -> memref<32x1xi32, #tpu.memory_space<hbm>>
      tpu.wait_dma2 semaphore(%arg14 : memref<!tpu.dma_semaphore, #tpu.memory_space<semaphore_mem>>) src(%dma_wait3A_136 : memref<32x1xi32, #tpu.memory_space<hbm>>) dst(%arg8 : memref<32x1xi32, #tpu.memory_space<vmem>>)
      %ge3A_137 = arith.constant 2 : i32
      %ge3A_138 = arith.cmpi sge, %add3A_124, %ge3A_137 : i32
      %convert_element_type3A_139 = arith.extui %ge3A_138 : i1 to i32
      %cond3A_140 = arith.constant 0 : i32
      %cond3A_141 = arith.cmpi ne, %convert_element_type3A_139, %cond3A_140 : i32
      scf.if %cond3A_141 {
        %dma_wait3A_166 = arith.constant 0 : i32
        %dma_wait3A_167 = tpu.memref_slice %arg4[%select_n3A, %mul3A_32, %dma_wait3A_166] : memref<2x2048x64xi32, #tpu.memory_space<hbm>> -> memref<1x32x64xi32, #tpu.memory_space<hbm>>
        %dma_wait3A_168 = tpu.memref_squeeze %dma_wait3A_167 : memref<1x32x64xi32, #tpu.memory_space<hbm>> -> memref<32x64xi32, #tpu.memory_space<hbm>>
        %dma_wait3A_169 = arith.constant 0 : i32
        %dma_wait3A_170 = tpu.memref_slice %arg4[%select_n3A, %mul3A_32, %dma_wait3A_169] : memref<2x2048x64xi32, #tpu.memory_space<hbm>> -> memref<1x32x64xi32, #tpu.memory_space<hbm>>
        %dma_wait3A_171 = tpu.memref_squeeze %dma_wait3A_170 : memref<1x32x64xi32, #tpu.memory_space<hbm>> -> memref<32x64xi32, #tpu.memory_space<hbm>>
        tpu.wait_dma2 semaphore(%arg16 : memref<!tpu.dma_semaphore, #tpu.memory_space<semaphore_mem>>) src(%arg10 : memref<32x64xi32, #tpu.memory_space<vmem>>) dst(%dma_wait3A_171 : memref<32x64xi32, #tpu.memory_space<hbm>>)
      } else {
      }
      %scan3A_142 = arith.constant 0 : i32
      %scan3A_143 = arith.constant 0 : i32
      %scan3A_144 = arith.constant 32 : i32
      %scan3A_145 = arith.addi %scan3A_143, %scan3A_144 : i32
      %scan3A_146 = arith.constant 1 : i32
      %scan3A_147 = scf.for %scan3A_166 = %scan3A_143 to %scan3A_145 step %scan3A_146 iter_args(%scan3A_167 = %scan3A_142) -> (i32)  : i32 {
        %broadcast_in_dim3A_168 = vector.broadcast %scan3A_166 : i32 to vector<16xi32>
        %parallel_loop3A = arith.constant 0 : i32
        %parallel_loop3A_169 = arith.constant 64 : i32
        %parallel_loop3A_170 = arith.constant 1 : i32
        scf.for %parallel_loop3A_215 = %parallel_loop3A to %parallel_loop3A_169 step %parallel_loop3A_170  : i32 {
          %parallel_loop3A_216 = arith.constant 16 : i32
          %parallel_loop3A_217 = arith.muli %parallel_loop3A_215, %parallel_loop3A_216 : i32
          %parallel_loop3A_218 = arith.index_cast %scan3A_166 : i32 to index
          %parallel_loop3A_219 = arith.index_cast %parallel_loop3A_217 : i32 to index
          %parallel_loop3A_220 = tpu.vector_load %arg6[%parallel_loop3A_218, %parallel_loop3A_219] {strides = array<i32>} : memref<32x1024xi32, #tpu.memory_space<vmem>>, vector<16xi32>,
          %parallel_loop3A_221 = arith.constant 65535 : i32
          %parallel_loop3A_222 = vector.broadcast %parallel_loop3A_221 : i32 to vector<16xi32>
          %parallel_loop3A_223 = arith.andi %parallel_loop3A_220, %parallel_loop3A_222 : vector<16xi32>
          %parallel_loop3A_224 = arith.constant 16 : i32
          %parallel_loop3A_225 = vector.broadcast %parallel_loop3A_224 : i32 to vector<16xi32>
          %parallel_loop3A_226 = arith.shrui %parallel_loop3A_220, %parallel_loop3A_225 : vector<16xi32>
          %parallel_loop3A_227 = arith.constant 16 : i32
          %parallel_loop3A_228 = arith.muli %parallel_loop3A_215, %parallel_loop3A_227 : i32
          %parallel_loop3A_229 = vector.broadcast %parallel_loop3A_228 : i32 to vector<16xi32>
          %parallel_loop3A_230 = arith.addi %iota3A, %parallel_loop3A_229 : vector<16xi32>
          %parallel_loop3A_231 = arith.constant 32768 : i32
          %parallel_loop3A_232 = vector.broadcast %parallel_loop3A_231 : i32 to vector<16xi32>
          %parallel_loop3A_233 = arith.cmpi slt, %parallel_loop3A_223, %parallel_loop3A_232 : vector<16xi32>
          tpu.vector_store_idx %arg10[%broadcast_in_dim3A_168, %parallel_loop3A_223], %parallel_loop3A_230 masked %parallel_loop3A_233 : memref<32x64xi32, #tpu.memory_space<vmem>>[vector<16xi32>, vector<16xi32>], vector<16xi32>, vector<16xi1>
          %parallel_loop3A_234 = arith.constant 1024 : i32
          %parallel_loop3A_235 = vector.broadcast %parallel_loop3A_234 : i32 to vector<16xi32>
          %parallel_loop3A_236 = arith.addi %parallel_loop3A_230, %parallel_loop3A_235 : vector<16xi32>
          %parallel_loop3A_237 = arith.constant 32768 : i32
          %parallel_loop3A_238 = vector.broadcast %parallel_loop3A_237 : i32 to vector<16xi32>
          %parallel_loop3A_239 = arith.cmpi slt, %parallel_loop3A_226, %parallel_loop3A_238 : vector<16xi32>
          tpu.vector_store_idx %arg10[%broadcast_in_dim3A_168, %parallel_loop3A_226], %parallel_loop3A_236 masked %parallel_loop3A_239 : memref<32x64xi32, #tpu.memory_space<vmem>>[vector<16xi32>, vector<16xi32>], vector<16xi32>, vector<16xi1>
        } {sc.loop_unroll_factor = 8 : i64, sc.parallel_access}
        %gather3A = tpu.vector_load_idx %arg8[%broadcast_in_dim3A_168, %broadcast_in_dim3A_33] : memref<32x1xi32, #tpu.memory_space<vmem>>[vector<16xi32>, vector<16xi32>], vector<16xi32>,
        %gather3A_171 = tpu.vector_load_idx %arg10[%broadcast_in_dim3A_168, %broadcast_in_dim3A_33] : memref<32x64xi32, #tpu.memory_space<vmem>>[vector<16xi32>, vector<16xi32>], vector<16xi32>,
        %add3A_172 = arith.constant 0 : i32
        %add3A_173 = vector.broadcast %add3A_172 : i32 to vector<16xi32>
        %add3A_174 = arith.addi %iota3A, %add3A_173 : vector<16xi32>
        %get3A = arith.index_cast %scan3A_166 : i32 to index
        %get3A_175 = arith.constant 0 : index
        %get3A_176 = tpu.vector_load %arg10[%get3A, %get3A_175] {strides = array<i32>} : memref<32x64xi32, #tpu.memory_space<vmem>>, vector<16xi32>,
        %lt3A_177 = arith.cmpi slt, %add3A_174, %gather3A : vector<16xi32>
        %select_n3A_178 = arith.select %lt3A_177, %get3A_176, %gather3A_171 : vector<16xi1>, vector<16xi32>
        %swap3A = arith.index_cast %scan3A_166 : i32 to index
        %swap3A_179 = arith.constant 0 : index
        %swap3A_180 = tpu.vector_load %arg10[%swap3A, %swap3A_179] {strides = array<i32>} : memref<32x64xi32, #tpu.memory_space<vmem>>, vector<16xi32>,
        tpu.vector_store %arg10[%swap3A, %swap3A_179], %select_n3A_178 {strides = array<i32>} : memref<32x64xi32, #tpu.memory_space<vmem>>, vector<16xi32>,
        %add3A_181 = arith.constant 16 : i32
        %add3A_182 = vector.broadcast %add3A_181 : i32 to vector<16xi32>
        %add3A_183 = arith.addi %iota3A, %add3A_182 : vector<16xi32>
        %get3A_184 = arith.index_cast %scan3A_166 : i32 to index
        %get3A_185 = arith.constant 16 : index
        %get3A_186 = tpu.vector_load %arg10[%get3A_184, %get3A_185] {strides = array<i32>} : memref<32x64xi32, #tpu.memory_space<vmem>>, vector<16xi32>,
        %lt3A_187 = arith.cmpi slt, %add3A_183, %gather3A : vector<16xi32>
        %select_n3A_188 = arith.select %lt3A_187, %get3A_186, %gather3A_171 : vector<16xi1>, vector<16xi32>
        %swap3A_189 = arith.index_cast %scan3A_166 : i32 to index
        %swap3A_190 = arith.constant 16 : index
        %swap3A_191 = tpu.vector_load %arg10[%swap3A_189, %swap3A_190] {strides = array<i32>} : memref<32x64xi32, #tpu.memory_space<vmem>>, vector<16xi32>,
        tpu.vector_store %arg10[%swap3A_189, %swap3A_190], %select_n3A_188 {strides = array<i32>} : memref<32x64xi32, #tpu.memory_space<vmem>>, vector<16xi32>,
        %add3A_192 = arith.constant 32 : i32
        %add3A_193 = vector.broadcast %add3A_192 : i32 to vector<16xi32>
        %add3A_194 = arith.addi %iota3A, %add3A_193 : vector<16xi32>
        %get3A_195 = arith.index_cast %scan3A_166 : i32 to index
        %get3A_196 = arith.constant 32 : index
        %get3A_197 = tpu.vector_load %arg10[%get3A_195, %get3A_196] {strides = array<i32>} : memref<32x64xi32, #tpu.memory_space<vmem>>, vector<16xi32>,
        %lt3A_198 = arith.cmpi slt, %add3A_194, %gather3A : vector<16xi32>
        %select_n3A_199 = arith.select %lt3A_198, %get3A_197, %gather3A_171 : vector<16xi1>, vector<16xi32>
        %swap3A_200 = arith.index_cast %scan3A_166 : i32 to index
        %swap3A_201 = arith.constant 32 : index
        %swap3A_202 = tpu.vector_load %arg10[%swap3A_200, %swap3A_201] {strides = array<i32>} : memref<32x64xi32, #tpu.memory_space<vmem>>, vector<16xi32>,
        tpu.vector_store %arg10[%swap3A_200, %swap3A_201], %select_n3A_199 {strides = array<i32>} : memref<32x64xi32, #tpu.memory_space<vmem>>, vector<16xi32>,
        %add3A_203 = arith.constant 48 : i32
        %add3A_204 = vector.broadcast %add3A_203 : i32 to vector<16xi32>
        %add3A_205 = arith.addi %iota3A, %add3A_204 : vector<16xi32>
        %get3A_206 = arith.index_cast %scan3A_166 : i32 to index
        %get3A_207 = arith.constant 48 : index
        %get3A_208 = tpu.vector_load %arg10[%get3A_206, %get3A_207] {strides = array<i32>} : memref<32x64xi32, #tpu.memory_space<vmem>>, vector<16xi32>,
        %lt3A_209 = arith.cmpi slt, %add3A_205, %gather3A : vector<16xi32>
        %select_n3A_210 = arith.select %lt3A_209, %get3A_208, %gather3A_171 : vector<16xi1>, vector<16xi32>
        %swap3A_211 = arith.index_cast %scan3A_166 : i32 to index
        %swap3A_212 = arith.constant 48 : index
        %swap3A_213 = tpu.vector_load %arg10[%swap3A_211, %swap3A_212] {strides = array<i32>} : memref<32x64xi32, #tpu.memory_space<vmem>>, vector<16xi32>,
        tpu.vector_store %arg10[%swap3A_211, %swap3A_212], %select_n3A_210 {strides = array<i32>} : memref<32x64xi32, #tpu.memory_space<vmem>>, vector<16xi32>,
        %scan3A_214 = arith.constant 0 : i32
        scf.yield %scan3A_214 : i32
      }
      %scan3A_148 = arith.constant 32 : i32
      %add3A_149 = arith.constant 2 : i32
      %add3A_150 = arith.addi %add3A_124, %add3A_149 : i32
      %lt3A_151 = arith.constant 4 : i32
      %lt3A_152 = arith.cmpi slt, %add3A_150, %lt3A_151 : i32
      %convert_element_type3A_153 = arith.extui %lt3A_152 : i1 to i32
      %cond3A_154 = arith.constant 0 : i32
      %cond3A_155 = arith.cmpi ne, %convert_element_type3A_153, %cond3A_154 : i32
      scf.if %cond3A_155 {
        %add3A_166 = arith.constant 2 : i32
        %add3A_167 = arith.addi %add3A_124, %add3A_166 : i32
        %mul3A_168 = arith.constant 32 : i32
        %mul3A_169 = arith.muli %add3A_167, %mul3A_168 : i32
        %add3A_170 = arith.addi %mul3A_32, %mul3A_169 : i32
        %dma_start3A_171 = arith.constant 0 : i32
        %dma_start3A_172 = tpu.memref_slice %arg2[%select_n3A, %add3A_170, %dma_start3A_171] : memref<2x2048x1024xi32, #tpu.memory_space<hbm>> -> memref<1x32x1024xi32, #tpu.memory_space<hbm>>
        %dma_start3A_173 = tpu.memref_squeeze %dma_start3A_172 : memref<1x32x1024xi32, #tpu.memory_space<hbm>> -> memref<32x1024xi32, #tpu.memory_space<hbm>>
        %dma_start3A_174 = arith.constant 0 : i32
        %dma_start3A_175 = tpu.memref_slice %arg2[%select_n3A, %add3A_170, %dma_start3A_174] : memref<2x2048x1024xi32, #tpu.memory_space<hbm>> -> memref<1x32x1024xi32, #tpu.memory_space<hbm>>
        %dma_start3A_176 = tpu.memref_squeeze %dma_start3A_175 : memref<1x32x1024xi32, #tpu.memory_space<hbm>> -> memref<32x1024xi32, #tpu.memory_space<hbm>>
        tpu.enqueue_dma source(%dma_start3A_176 : memref<32x1024xi32, #tpu.memory_space<hbm>>) target(%arg6 : memref<32x1024xi32, #tpu.memory_space<vmem>>) target_semaphore(%arg12 : memref<!tpu.dma_semaphore, #tpu.memory_space<semaphore_mem>>)
        %dma_start3A_177 = arith.constant 0 : i32
        %dma_start3A_178 = tpu.memref_slice %arg3[%select_n3A, %add3A_170, %dma_start3A_177] : memref<2x2048x1xi32, #tpu.memory_space<hbm>> -> memref<1x32x1xi32, #tpu.memory_space<hbm>>
        %dma_start3A_179 = tpu.memref_squeeze %dma_start3A_178 : memref<1x32x1xi32, #tpu.memory_space<hbm>> -> memref<32x1xi32, #tpu.memory_space<hbm>>
        %dma_start3A_180 = arith.constant 0 : i32
        %dma_start3A_181 = tpu.memref_slice %arg3[%select_n3A, %add3A_170, %dma_start3A_180] : memref<2x2048x1xi32, #tpu.memory_space<hbm>> -> memref<1x32x1xi32, #tpu.memory_space<hbm>>
        %dma_start3A_182 = tpu.memref_squeeze %dma_start3A_181 : memref<1x32x1xi32, #tpu.memory_space<hbm>> -> memref<32x1xi32, #tpu.memory_space<hbm>>
        tpu.enqueue_dma source(%dma_start3A_182 : memref<32x1xi32, #tpu.memory_space<hbm>>) target(%arg8 : memref<32x1xi32, #tpu.memory_space<vmem>>) target_semaphore(%arg14 : memref<!tpu.dma_semaphore, #tpu.memory_space<semaphore_mem>>)
      } else {
      }
      %mul3A_156 = arith.constant 32 : i32
      %mul3A_157 = arith.muli %add3A_124, %mul3A_156 : i32
      %add3A_158 = arith.addi %mul3A_32, %mul3A_157 : i32
      %dma_start3A_159 = arith.constant 0 : i32
      %dma_start3A_160 = tpu.memref_slice %arg4[%select_n3A, %add3A_158, %dma_start3A_159] : memref<2x2048x64xi32, #tpu.memory_space<hbm>> -> memref<1x32x64xi32, #tpu.memory_space<hbm>>
      %dma_start3A_161 = tpu.memref_squeeze %dma_start3A_160 : memref<1x32x64xi32, #tpu.memory_space<hbm>> -> memref<32x64xi32, #tpu.memory_space<hbm>>
      %dma_start3A_162 = arith.constant 0 : i32
      %dma_start3A_163 = tpu.memref_slice %arg4[%select_n3A, %add3A_158, %dma_start3A_162] : memref<2x2048x64xi32, #tpu.memory_space<hbm>> -> memref<1x32x64xi32, #tpu.memory_space<hbm>>
      %dma_start3A_164 = tpu.memref_squeeze %dma_start3A_163 : memref<1x32x64xi32, #tpu.memory_space<hbm>> -> memref<32x64xi32, #tpu.memory_space<hbm>>
      tpu.enqueue_dma source(%arg10 : memref<32x64xi32, #tpu.memory_space<vmem>>) target(%dma_start3A_164 : memref<32x64xi32, #tpu.memory_space<hbm>>) target_semaphore(%arg16 : memref<!tpu.dma_semaphore, #tpu.memory_space<semaphore_mem>>)
      %scan3A_165 = arith.constant 0 : i32
      scf.yield %scan3A_165 : i32
    }
    %scan3A_66 = arith.constant 2 : i32
    %dma_wait3A = arith.constant 0 : i32
    %dma_wait3A_67 = tpu.memref_slice %arg4[%select_n3A, %mul3A_32, %dma_wait3A] : memref<2x2048x64xi32, #tpu.memory_space<hbm>> -> memref<1x32x64xi32, #tpu.memory_space<hbm>>
    %dma_wait3A_68 = tpu.memref_squeeze %dma_wait3A_67 : memref<1x32x64xi32, #tpu.memory_space<hbm>> -> memref<32x64xi32, #tpu.memory_space<hbm>>
    %dma_wait3A_69 = arith.constant 0 : i32
    %dma_wait3A_70 = tpu.memref_slice %arg4[%select_n3A, %mul3A_32, %dma_wait3A_69] : memref<2x2048x64xi32, #tpu.memory_space<hbm>> -> memref<1x32x64xi32, #tpu.memory_space<hbm>>
    %dma_wait3A_71 = tpu.memref_squeeze %dma_wait3A_70 : memref<1x32x64xi32, #tpu.memory_space<hbm>> -> memref<32x64xi32, #tpu.memory_space<hbm>>
    tpu.wait_dma2 semaphore(%arg15 : memref<!tpu.dma_semaphore, #tpu.memory_space<semaphore_mem>>) src(%arg9 : memref<32x64xi32, #tpu.memory_space<vmem>>) dst(%dma_wait3A_71 : memref<32x64xi32, #tpu.memory_space<hbm>>)
    %dma_wait3A_72 = arith.constant 0 : i32
    %dma_wait3A_73 = tpu.memref_slice %arg4[%select_n3A, %mul3A_32, %dma_wait3A_72] : memref<2x2048x64xi32, #tpu.memory_space<hbm>> -> memref<1x32x64xi32, #tpu.memory_space<hbm>>
    %dma_wait3A_74 = tpu.memref_squeeze %dma_wait3A_73 : memref<1x32x64xi32, #tpu.memory_space<hbm>> -> memref<32x64xi32, #tpu.memory_space<hbm>>
    %dma_wait3A_75 = arith.constant 0 : i32
    %dma_wait3A_76 = tpu.memref_slice %arg4[%select_n3A, %mul3A_32, %dma_wait3A_75] : memref<2x2048x64xi32, #tpu.memory_space<hbm>> -> memref<1x32x64xi32, #tpu.memory_space<hbm>>
    %dma_wait3A_77 = tpu.memref_squeeze %dma_wait3A_76 : memref<1x32x64xi32, #tpu.memory_space<hbm>> -> memref<32x64xi32, #tpu.memory_space<hbm>>
    tpu.wait_dma2 semaphore(%arg16 : memref<!tpu.dma_semaphore, #tpu.memory_space<semaphore_mem>>) src(%arg10 : memref<32x64xi32, #tpu.memory_space<vmem>>) dst(%dma_wait3A_77 : memref<32x64xi32, #tpu.memory_space<hbm>>)
    return
  }
}

module attributes {stable_mosaic.version = 14 : i64} {
  func.func @_rank_tc_kernel(%arg0: i32, %arg1: i32, %arg2: memref<1x3x2048xf32, #tpu.memory_space<vmem>>, %arg3: memref<1x256x1024xi32, #tpu.memory_space<vmem>>, %arg4: memref<1x256x1xi32, #tpu.memory_space<vmem>>) attributes {dimension_semantics = [#tpu.dimension_semantics<arbitrary>, #tpu.dimension_semantics<arbitrary>], iteration_bounds = array<i64: 2, 8>, scalar_prefetch = 0 : i64, scratch_operands = 0 : i64, tpu.core_type = #tpu.core_type<tc>, window_params = [{transform_indices = @transform_0, window_bounds = array<i64: 1, 3, 2048>}, {transform_indices = @transform_1, window_bounds = array<i64: 1, 256, 1024>}, {transform_indices = @transform_2, window_bounds = array<i64: 1, 256, 1>}]} {
    %get3A = arith.constant 0 : index
    %get3A_0 = arith.constant 0 : index
    %get3A_1 = arith.constant 0 : index
    %get3A_2 = vector.load %arg2[%get3A, %get3A_0, %get3A_1] : memref<1x3x2048xf32, #tpu.memory_space<vmem>>, vector<1x3x2048xf32>
    %get3A_3 = vector.shape_cast %get3A_2 : vector<1x3x2048xf32> to vector<3x2048xf32>
    %mul3A = arith.constant 256 : i32
    %mul3A_4 = arith.muli %arg1, %mul3A : i32
    %get3A_5 = arith.constant 0 : index
    %get3A_6 = arith.constant 0 : index
    %get3A_7 = arith.index_cast %mul3A_4 : i32 to index
    %get3A_8 = vector.load %arg2[%get3A_5, %get3A_6, %get3A_7] : memref<1x3x2048xf32, #tpu.memory_space<vmem>>, vector<1x3x256xf32>
    %get3A_9 = vector.shape_cast %get3A_8 : vector<1x3x256xf32> to vector<3x256xf32>
    %slice3A = vector.extract_strided_slice %get3A_3 {offsets = [0, 0], sizes = [1, 2048], strides = [1, 1]} : vector<3x2048xf32> to vector<1x2048xf32>
    %squeeze3A = vector.shape_cast %slice3A : vector<1x2048xf32> to vector<2048xf32>
    %slice3A_10 = vector.extract_strided_slice %get3A_3 {offsets = [0, 0], sizes = [1, 2048], strides = [1, 1]} : vector<3x2048xf32> to vector<1x2048xf32>
    %squeeze3A_11 = vector.shape_cast %slice3A_10 : vector<1x2048xf32> to vector<2048xf32>
    %mul3A_12 = arith.mulf %squeeze3A, %squeeze3A_11 : vector<2048xf32>
    %slice3A_13 = vector.extract_strided_slice %get3A_3 {offsets = [1, 0], sizes = [1, 2048], strides = [1, 1]} : vector<3x2048xf32> to vector<1x2048xf32>
    %squeeze3A_14 = vector.shape_cast %slice3A_13 : vector<1x2048xf32> to vector<2048xf32>
    %slice3A_15 = vector.extract_strided_slice %get3A_3 {offsets = [1, 0], sizes = [1, 2048], strides = [1, 1]} : vector<3x2048xf32> to vector<1x2048xf32>
    %squeeze3A_16 = vector.shape_cast %slice3A_15 : vector<1x2048xf32> to vector<2048xf32>
    %mul3A_17 = arith.mulf %squeeze3A_14, %squeeze3A_16 : vector<2048xf32>
    %add3A = arith.addf %mul3A_12, %mul3A_17 : vector<2048xf32>
    %slice3A_18 = vector.extract_strided_slice %get3A_3 {offsets = [2, 0], sizes = [1, 2048], strides = [1, 1]} : vector<3x2048xf32> to vector<1x2048xf32>
    %squeeze3A_19 = vector.shape_cast %slice3A_18 : vector<1x2048xf32> to vector<2048xf32>
    %slice3A_20 = vector.extract_strided_slice %get3A_3 {offsets = [2, 0], sizes = [1, 2048], strides = [1, 1]} : vector<3x2048xf32> to vector<1x2048xf32>
    %squeeze3A_21 = vector.shape_cast %slice3A_20 : vector<1x2048xf32> to vector<2048xf32>
    %mul3A_22 = arith.mulf %squeeze3A_19, %squeeze3A_21 : vector<2048xf32>
    %add3A_23 = arith.addf %add3A, %mul3A_22 : vector<2048xf32>
    %slice3A_24 = vector.extract_strided_slice %get3A_9 {offsets = [0, 0], sizes = [1, 256], strides = [1, 1]} : vector<3x256xf32> to vector<1x256xf32>
    %squeeze3A_25 = vector.shape_cast %slice3A_24 : vector<1x256xf32> to vector<256xf32>
    %slice3A_26 = vector.extract_strided_slice %get3A_9 {offsets = [0, 0], sizes = [1, 256], strides = [1, 1]} : vector<3x256xf32> to vector<1x256xf32>
    %squeeze3A_27 = vector.shape_cast %slice3A_26 : vector<1x256xf32> to vector<256xf32>
    %mul3A_28 = arith.mulf %squeeze3A_25, %squeeze3A_27 : vector<256xf32>
    %slice3A_29 = vector.extract_strided_slice %get3A_9 {offsets = [1, 0], sizes = [1, 256], strides = [1, 1]} : vector<3x256xf32> to vector<1x256xf32>
    %squeeze3A_30 = vector.shape_cast %slice3A_29 : vector<1x256xf32> to vector<256xf32>
    %slice3A_31 = vector.extract_strided_slice %get3A_9 {offsets = [1, 0], sizes = [1, 256], strides = [1, 1]} : vector<3x256xf32> to vector<1x256xf32>
    %squeeze3A_32 = vector.shape_cast %slice3A_31 : vector<1x256xf32> to vector<256xf32>
    %mul3A_33 = arith.mulf %squeeze3A_30, %squeeze3A_32 : vector<256xf32>
    %add3A_34 = arith.addf %mul3A_28, %mul3A_33 : vector<256xf32>
    %slice3A_35 = vector.extract_strided_slice %get3A_9 {offsets = [2, 0], sizes = [1, 256], strides = [1, 1]} : vector<3x256xf32> to vector<1x256xf32>
    %squeeze3A_36 = vector.shape_cast %slice3A_35 : vector<1x256xf32> to vector<256xf32>
    %slice3A_37 = vector.extract_strided_slice %get3A_9 {offsets = [2, 0], sizes = [1, 256], strides = [1, 1]} : vector<3x256xf32> to vector<1x256xf32>
    %squeeze3A_38 = vector.shape_cast %slice3A_37 : vector<1x256xf32> to vector<256xf32>
    %mul3A_39 = arith.mulf %squeeze3A_36, %squeeze3A_38 : vector<256xf32>
    %add3A_40 = arith.addf %add3A_34, %mul3A_39 : vector<256xf32>
    %transpose3A = tpu.transpose %get3A_9, [1, 0] : vector<3x256xf32> -> vector<256x3xf32>
    %dot_general3A = arith.constant dense<0.000000e+00> : vector<256x2048xf32>
    %dot_general3A_41 = tpu.matmul %transpose3A, %get3A_3, %dot_general3A {dimension_numbers = #tpu.dot_dimension_numbers<[1], [0], [0], [1], [0, 0, 1, 1], [], []>, transpose_lhs_hint = false} : vector<256x3xf32>, vector<3x2048xf32>, vector<256x2048xf32> -> vector<256x2048xf32>
    %broadcast_in_dim3A = vector.shape_cast %add3A_40 : vector<256xf32> to vector<256x1xf32>
    %broadcast_in_dim3A_42 = vector.shape_cast %add3A_23 : vector<2048xf32> to vector<1x2048xf32>
    %add3A_43 = vector.broadcast %broadcast_in_dim3A : vector<256x1xf32> to vector<256x2048xf32>
    %add3A_44 = vector.broadcast %broadcast_in_dim3A_42 : vector<1x2048xf32> to vector<256x2048xf32>
    %add3A_45 = arith.addf %add3A_43, %add3A_44 : vector<256x2048xf32>
    %mul3A_46 = arith.constant 2.000000e+00 : f32
    %mul3A_47 = vector.broadcast %mul3A_46 : f32 to vector<256x2048xf32>
    %mul3A_48 = arith.mulf %mul3A_47, %dot_general3A_41 : vector<256x2048xf32>
    %sub3A = arith.subf %add3A_45, %mul3A_48 : vector<256x2048xf32>
    %lt3A = arith.constant 4.000000e-02 : f32
    %lt3A_49 = vector.broadcast %lt3A : f32 to vector<256x2048xf32>
    %lt3A_50 = arith.cmpf olt, %sub3A, %lt3A_49 : vector<256x2048xf32>
    %convert_element_type3A = arith.extui %lt3A_50 : vector<256x2048xi1> to vector<256x2048xi32>
    %convert_element_type3A_51 = arith.sitofp %convert_element_type3A : vector<256x2048xi32> to vector<256x2048xf32>
    %convert_element_type3A_52 = arith.truncf %convert_element_type3A_51 : vector<256x2048xf32> to vector<256x2048xbf16>
    %iota3A = tpu.iota {dimensions = array<i32: 0>} : vector<128x128xi32>
    %iota3A_53 = tpu.iota {dimensions = array<i32: 1>} : vector<128x128xi32>
    %le3A = arith.cmpi sle, %iota3A, %iota3A_53 : vector<128x128xi32>
    %convert_element_type3A_54 = arith.extui %le3A : vector<128x128xi1> to vector<128x128xi32>
    %convert_element_type3A_55 = arith.sitofp %convert_element_type3A_54 : vector<128x128xi32> to vector<128x128xf32>
    %convert_element_type3A_56 = arith.truncf %convert_element_type3A_55 : vector<128x128xf32> to vector<128x128xbf16>
    %slice3A_57 = vector.extract_strided_slice %convert_element_type3A_52 {offsets = [0, 0], sizes = [256, 128], strides = [1, 1]} : vector<256x2048xbf16> to vector<256x128xbf16>
    %dot_general3A_58 = arith.constant dense<0.000000e+00> : vector<256x128xf32>
    %dot_general3A_59 = tpu.matmul %slice3A_57, %convert_element_type3A_56, %dot_general3A_58 {dimension_numbers = #tpu.dot_dimension_numbers<[1], [0], [0], [1], [0, 0, 1, 1], [], []>, transpose_lhs_hint = false} : vector<256x128xbf16>, vector<128x128xbf16>, vector<256x128xf32> -> vector<256x128xf32>
    %slice3A_60 = vector.extract_strided_slice %convert_element_type3A_52 {offsets = [0, 128], sizes = [256, 128], strides = [1, 1]} : vector<256x2048xbf16> to vector<256x128xbf16>
    %dot_general3A_61 = arith.constant dense<0.000000e+00> : vector<256x128xf32>
    %dot_general3A_62 = tpu.matmul %slice3A_60, %convert_element_type3A_56, %dot_general3A_61 {dimension_numbers = #tpu.dot_dimension_numbers<[1], [0], [0], [1], [0, 0, 1, 1], [], []>, transpose_lhs_hint = false} : vector<256x128xbf16>, vector<128x128xbf16>, vector<256x128xf32> -> vector<256x128xf32>
    %slice3A_63 = vector.extract_strided_slice %convert_element_type3A_52 {offsets = [0, 256], sizes = [256, 128], strides = [1, 1]} : vector<256x2048xbf16> to vector<256x128xbf16>
    %dot_general3A_64 = arith.constant dense<0.000000e+00> : vector<256x128xf32>
    %dot_general3A_65 = tpu.matmul %slice3A_63, %convert_element_type3A_56, %dot_general3A_64 {dimension_numbers = #tpu.dot_dimension_numbers<[1], [0], [0], [1], [0, 0, 1, 1], [], []>, transpose_lhs_hint = false} : vector<256x128xbf16>, vector<128x128xbf16>, vector<256x128xf32> -> vector<256x128xf32>
    %slice3A_66 = vector.extract_strided_slice %convert_element_type3A_52 {offsets = [0, 384], sizes = [256, 128], strides = [1, 1]} : vector<256x2048xbf16> to vector<256x128xbf16>
    %dot_general3A_67 = arith.constant dense<0.000000e+00> : vector<256x128xf32>
    %dot_general3A_68 = tpu.matmul %slice3A_66, %convert_element_type3A_56, %dot_general3A_67 {dimension_numbers = #tpu.dot_dimension_numbers<[1], [0], [0], [1], [0, 0, 1, 1], [], []>, transpose_lhs_hint = false} : vector<256x128xbf16>, vector<128x128xbf16>, vector<256x128xf32> -> vector<256x128xf32>
    %slice3A_69 = vector.extract_strided_slice %convert_element_type3A_52 {offsets = [0, 512], sizes = [256, 128], strides = [1, 1]} : vector<256x2048xbf16> to vector<256x128xbf16>
    %dot_general3A_70 = arith.constant dense<0.000000e+00> : vector<256x128xf32>
    %dot_general3A_71 = tpu.matmul %slice3A_69, %convert_element_type3A_56, %dot_general3A_70 {dimension_numbers = #tpu.dot_dimension_numbers<[1], [0], [0], [1], [0, 0, 1, 1], [], []>, transpose_lhs_hint = false} : vector<256x128xbf16>, vector<128x128xbf16>, vector<256x128xf32> -> vector<256x128xf32>
    %slice3A_72 = vector.extract_strided_slice %convert_element_type3A_52 {offsets = [0, 640], sizes = [256, 128], strides = [1, 1]} : vector<256x2048xbf16> to vector<256x128xbf16>
    %dot_general3A_73 = arith.constant dense<0.000000e+00> : vector<256x128xf32>
    %dot_general3A_74 = tpu.matmul %slice3A_72, %convert_element_type3A_56, %dot_general3A_73 {dimension_numbers = #tpu.dot_dimension_numbers<[1], [0], [0], [1], [0, 0, 1, 1], [], []>, transpose_lhs_hint = false} : vector<256x128xbf16>, vector<128x128xbf16>, vector<256x128xf32> -> vector<256x128xf32>
    %slice3A_75 = vector.extract_strided_slice %convert_element_type3A_52 {offsets = [0, 768], sizes = [256, 128], strides = [1, 1]} : vector<256x2048xbf16> to vector<256x128xbf16>
    %dot_general3A_76 = arith.constant dense<0.000000e+00> : vector<256x128xf32>
    %dot_general3A_77 = tpu.matmul %slice3A_75, %convert_element_type3A_56, %dot_general3A_76 {dimension_numbers = #tpu.dot_dimension_numbers<[1], [0], [0], [1], [0, 0, 1, 1], [], []>, transpose_lhs_hint = false} : vector<256x128xbf16>, vector<128x128xbf16>, vector<256x128xf32> -> vector<256x128xf32>
    %slice3A_78 = vector.extract_strided_slice %convert_element_type3A_52 {offsets = [0, 896], sizes = [256, 128], strides = [1, 1]} : vector<256x2048xbf16> to vector<256x128xbf16>
    %dot_general3A_79 = arith.constant dense<0.000000e+00> : vector<256x128xf32>
    %dot_general3A_80 = tpu.matmul %slice3A_78, %convert_element_type3A_56, %dot_general3A_79 {dimension_numbers = #tpu.dot_dimension_numbers<[1], [0], [0], [1], [0, 0, 1, 1], [], []>, transpose_lhs_hint = false} : vector<256x128xbf16>, vector<128x128xbf16>, vector<256x128xf32> -> vector<256x128xf32>
    %slice3A_81 = vector.extract_strided_slice %convert_element_type3A_52 {offsets = [0, 1024], sizes = [256, 128], strides = [1, 1]} : vector<256x2048xbf16> to vector<256x128xbf16>
    %dot_general3A_82 = arith.constant dense<0.000000e+00> : vector<256x128xf32>
    %dot_general3A_83 = tpu.matmul %slice3A_81, %convert_element_type3A_56, %dot_general3A_82 {dimension_numbers = #tpu.dot_dimension_numbers<[1], [0], [0], [1], [0, 0, 1, 1], [], []>, transpose_lhs_hint = false} : vector<256x128xbf16>, vector<128x128xbf16>, vector<256x128xf32> -> vector<256x128xf32>
    %slice3A_84 = vector.extract_strided_slice %convert_element_type3A_52 {offsets = [0, 1152], sizes = [256, 128], strides = [1, 1]} : vector<256x2048xbf16> to vector<256x128xbf16>
    %dot_general3A_85 = arith.constant dense<0.000000e+00> : vector<256x128xf32>
    %dot_general3A_86 = tpu.matmul %slice3A_84, %convert_element_type3A_56, %dot_general3A_85 {dimension_numbers = #tpu.dot_dimension_numbers<[1], [0], [0], [1], [0, 0, 1, 1], [], []>, transpose_lhs_hint = false} : vector<256x128xbf16>, vector<128x128xbf16>, vector<256x128xf32> -> vector<256x128xf32>
    %slice3A_87 = vector.extract_strided_slice %convert_element_type3A_52 {offsets = [0, 1280], sizes = [256, 128], strides = [1, 1]} : vector<256x2048xbf16> to vector<256x128xbf16>
    %dot_general3A_88 = arith.constant dense<0.000000e+00> : vector<256x128xf32>
    %dot_general3A_89 = tpu.matmul %slice3A_87, %convert_element_type3A_56, %dot_general3A_88 {dimension_numbers = #tpu.dot_dimension_numbers<[1], [0], [0], [1], [0, 0, 1, 1], [], []>, transpose_lhs_hint = false} : vector<256x128xbf16>, vector<128x128xbf16>, vector<256x128xf32> -> vector<256x128xf32>
    %slice3A_90 = vector.extract_strided_slice %convert_element_type3A_52 {offsets = [0, 1408], sizes = [256, 128], strides = [1, 1]} : vector<256x2048xbf16> to vector<256x128xbf16>
    %dot_general3A_91 = arith.constant dense<0.000000e+00> : vector<256x128xf32>
    %dot_general3A_92 = tpu.matmul %slice3A_90, %convert_element_type3A_56, %dot_general3A_91 {dimension_numbers = #tpu.dot_dimension_numbers<[1], [0], [0], [1], [0, 0, 1, 1], [], []>, transpose_lhs_hint = false} : vector<256x128xbf16>, vector<128x128xbf16>, vector<256x128xf32> -> vector<256x128xf32>
    %slice3A_93 = vector.extract_strided_slice %convert_element_type3A_52 {offsets = [0, 1536], sizes = [256, 128], strides = [1, 1]} : vector<256x2048xbf16> to vector<256x128xbf16>
    %dot_general3A_94 = arith.constant dense<0.000000e+00> : vector<256x128xf32>
    %dot_general3A_95 = tpu.matmul %slice3A_93, %convert_element_type3A_56, %dot_general3A_94 {dimension_numbers = #tpu.dot_dimension_numbers<[1], [0], [0], [1], [0, 0, 1, 1], [], []>, transpose_lhs_hint = false} : vector<256x128xbf16>, vector<128x128xbf16>, vector<256x128xf32> -> vector<256x128xf32>
    %slice3A_96 = vector.extract_strided_slice %convert_element_type3A_52 {offsets = [0, 1664], sizes = [256, 128], strides = [1, 1]} : vector<256x2048xbf16> to vector<256x128xbf16>
    %dot_general3A_97 = arith.constant dense<0.000000e+00> : vector<256x128xf32>
    %dot_general3A_98 = tpu.matmul %slice3A_96, %convert_element_type3A_56, %dot_general3A_97 {dimension_numbers = #tpu.dot_dimension_numbers<[1], [0], [0], [1], [0, 0, 1, 1], [], []>, transpose_lhs_hint = false} : vector<256x128xbf16>, vector<128x128xbf16>, vector<256x128xf32> -> vector<256x128xf32>
    %slice3A_99 = vector.extract_strided_slice %convert_element_type3A_52 {offsets = [0, 1792], sizes = [256, 128], strides = [1, 1]} : vector<256x2048xbf16> to vector<256x128xbf16>
    %dot_general3A_100 = arith.constant dense<0.000000e+00> : vector<256x128xf32>
    %dot_general3A_101 = tpu.matmul %slice3A_99, %convert_element_type3A_56, %dot_general3A_100 {dimension_numbers = #tpu.dot_dimension_numbers<[1], [0], [0], [1], [0, 0, 1, 1], [], []>, transpose_lhs_hint = false} : vector<256x128xbf16>, vector<128x128xbf16>, vector<256x128xf32> -> vector<256x128xf32>
    %slice3A_102 = vector.extract_strided_slice %convert_element_type3A_52 {offsets = [0, 1920], sizes = [256, 128], strides = [1, 1]} : vector<256x2048xbf16> to vector<256x128xbf16>
    %dot_general3A_103 = arith.constant dense<0.000000e+00> : vector<256x128xf32>
    %dot_general3A_104 = tpu.matmul %slice3A_102, %convert_element_type3A_56, %dot_general3A_103 {dimension_numbers = #tpu.dot_dimension_numbers<[1], [0], [0], [1], [0, 0, 1, 1], [], []>, transpose_lhs_hint = false} : vector<256x128xbf16>, vector<128x128xbf16>, vector<256x128xf32> -> vector<256x128xf32>
    %broadcast_in_dim3A_105 = arith.constant 0.000000e+00 : f32
    %broadcast_in_dim3A_106 = vector.broadcast %broadcast_in_dim3A_105 : f32 to vector<256x1xf32>
    %slice3A_107 = vector.extract_strided_slice %dot_general3A_59 {offsets = [0, 127], sizes = [256, 1], strides = [1, 1]} : vector<256x128xf32> to vector<256x1xf32>
    %add3A_108 = arith.addf %broadcast_in_dim3A_106, %slice3A_107 : vector<256x1xf32>
    %slice3A_109 = vector.extract_strided_slice %dot_general3A_62 {offsets = [0, 127], sizes = [256, 1], strides = [1, 1]} : vector<256x128xf32> to vector<256x1xf32>
    %add3A_110 = arith.addf %add3A_108, %slice3A_109 : vector<256x1xf32>
    %slice3A_111 = vector.extract_strided_slice %dot_general3A_65 {offsets = [0, 127], sizes = [256, 1], strides = [1, 1]} : vector<256x128xf32> to vector<256x1xf32>
    %add3A_112 = arith.addf %add3A_110, %slice3A_111 : vector<256x1xf32>
    %slice3A_113 = vector.extract_strided_slice %dot_general3A_68 {offsets = [0, 127], sizes = [256, 1], strides = [1, 1]} : vector<256x128xf32> to vector<256x1xf32>
    %add3A_114 = arith.addf %add3A_112, %slice3A_113 : vector<256x1xf32>
    %slice3A_115 = vector.extract_strided_slice %dot_general3A_71 {offsets = [0, 127], sizes = [256, 1], strides = [1, 1]} : vector<256x128xf32> to vector<256x1xf32>
    %add3A_116 = arith.addf %add3A_114, %slice3A_115 : vector<256x1xf32>
    %slice3A_117 = vector.extract_strided_slice %dot_general3A_74 {offsets = [0, 127], sizes = [256, 1], strides = [1, 1]} : vector<256x128xf32> to vector<256x1xf32>
    %add3A_118 = arith.addf %add3A_116, %slice3A_117 : vector<256x1xf32>
    %slice3A_119 = vector.extract_strided_slice %dot_general3A_77 {offsets = [0, 127], sizes = [256, 1], strides = [1, 1]} : vector<256x128xf32> to vector<256x1xf32>
    %add3A_120 = arith.addf %add3A_118, %slice3A_119 : vector<256x1xf32>
    %slice3A_121 = vector.extract_strided_slice %dot_general3A_80 {offsets = [0, 127], sizes = [256, 1], strides = [1, 1]} : vector<256x128xf32> to vector<256x1xf32>
    %add3A_122 = arith.addf %add3A_120, %slice3A_121 : vector<256x1xf32>
    %slice3A_123 = vector.extract_strided_slice %dot_general3A_83 {offsets = [0, 127], sizes = [256, 1], strides = [1, 1]} : vector<256x128xf32> to vector<256x1xf32>
    %add3A_124 = arith.addf %add3A_122, %slice3A_123 : vector<256x1xf32>
    %slice3A_125 = vector.extract_strided_slice %dot_general3A_86 {offsets = [0, 127], sizes = [256, 1], strides = [1, 1]} : vector<256x128xf32> to vector<256x1xf32>
    %add3A_126 = arith.addf %add3A_124, %slice3A_125 : vector<256x1xf32>
    %slice3A_127 = vector.extract_strided_slice %dot_general3A_89 {offsets = [0, 127], sizes = [256, 1], strides = [1, 1]} : vector<256x128xf32> to vector<256x1xf32>
    %add3A_128 = arith.addf %add3A_126, %slice3A_127 : vector<256x1xf32>
    %slice3A_129 = vector.extract_strided_slice %dot_general3A_92 {offsets = [0, 127], sizes = [256, 1], strides = [1, 1]} : vector<256x128xf32> to vector<256x1xf32>
    %add3A_130 = arith.addf %add3A_128, %slice3A_129 : vector<256x1xf32>
    %slice3A_131 = vector.extract_strided_slice %dot_general3A_95 {offsets = [0, 127], sizes = [256, 1], strides = [1, 1]} : vector<256x128xf32> to vector<256x1xf32>
    %add3A_132 = arith.addf %add3A_130, %slice3A_131 : vector<256x1xf32>
    %slice3A_133 = vector.extract_strided_slice %dot_general3A_98 {offsets = [0, 127], sizes = [256, 1], strides = [1, 1]} : vector<256x128xf32> to vector<256x1xf32>
    %add3A_134 = arith.addf %add3A_132, %slice3A_133 : vector<256x1xf32>
    %slice3A_135 = vector.extract_strided_slice %dot_general3A_101 {offsets = [0, 127], sizes = [256, 1], strides = [1, 1]} : vector<256x128xf32> to vector<256x1xf32>
    %add3A_136 = arith.addf %add3A_134, %slice3A_135 : vector<256x1xf32>
    %slice3A_137 = vector.extract_strided_slice %dot_general3A_104 {offsets = [0, 127], sizes = [256, 1], strides = [1, 1]} : vector<256x128xf32> to vector<256x1xf32>
    %add3A_138 = arith.addf %add3A_136, %slice3A_137 : vector<256x1xf32>
    %add3A_139 = vector.broadcast %broadcast_in_dim3A_106 : vector<256x1xf32> to vector<256x128xf32>
    %add3A_140 = arith.addf %dot_general3A_59, %add3A_139 : vector<256x128xf32>
    %slice3A_141 = vector.extract_strided_slice %lt3A_50 {offsets = [0, 0], sizes = [256, 128], strides = [1, 1]} : vector<256x2048xi1> to vector<256x128xi1>
    %le3A_142 = arith.constant 6.400000e+01 : f32
    %le3A_143 = vector.broadcast %le3A_142 : f32 to vector<256x128xf32>
    %le3A_144 = arith.cmpf ole, %add3A_140, %le3A_143 : vector<256x128xf32>
    %and3A = arith.andi %slice3A_141, %le3A_144 : vector<256x128xi1>
    %sub3A_145 = arith.constant 1.000000e+00 : f32
    %sub3A_146 = vector.broadcast %sub3A_145 : f32 to vector<256x128xf32>
    %sub3A_147 = arith.subf %add3A_140, %sub3A_146 : vector<256x128xf32>
    %jit3A = arith.constant 3.276800e+04 : f32
    %broadcast_in_dim3A_148 = vector.broadcast %jit3A : f32 to vector<256x128xf32>
    %select_n3A = arith.select %and3A, %sub3A_147, %broadcast_in_dim3A_148 : vector<256x128xi1>, vector<256x128xf32>
    %convert_element_type3A_149 = arith.fptosi %select_n3A : vector<256x128xf32> to vector<256x128xi32>
    %add3A_150 = vector.broadcast %add3A_122 : vector<256x1xf32> to vector<256x128xf32>
    %add3A_151 = arith.addf %dot_general3A_83, %add3A_150 : vector<256x128xf32>
    %slice3A_152 = vector.extract_strided_slice %lt3A_50 {offsets = [0, 1024], sizes = [256, 128], strides = [1, 1]} : vector<256x2048xi1> to vector<256x128xi1>
    %le3A_153 = arith.constant 6.400000e+01 : f32
    %le3A_154 = vector.broadcast %le3A_153 : f32 to vector<256x128xf32>
    %le3A_155 = arith.cmpf ole, %add3A_151, %le3A_154 : vector<256x128xf32>
    %and3A_156 = arith.andi %slice3A_152, %le3A_155 : vector<256x128xi1>
    %sub3A_157 = arith.constant 1.000000e+00 : f32
    %sub3A_158 = vector.broadcast %sub3A_157 : f32 to vector<256x128xf32>
    %sub3A_159 = arith.subf %add3A_151, %sub3A_158 : vector<256x128xf32>
    %jit3A_160 = arith.constant 3.276800e+04 : f32
    %broadcast_in_dim3A_161 = vector.broadcast %jit3A_160 : f32 to vector<256x128xf32>
    %select_n3A_162 = arith.select %and3A_156, %sub3A_159, %broadcast_in_dim3A_161 : vector<256x128xi1>, vector<256x128xf32>
    %convert_element_type3A_163 = arith.fptosi %select_n3A_162 : vector<256x128xf32> to vector<256x128xi32>
    %shift_left3A = arith.constant 16 : i32
    %shift_left3A_164 = vector.broadcast %shift_left3A : i32 to vector<256x128xi32>
    %shift_left3A_165 = arith.shli %convert_element_type3A_163, %shift_left3A_164 : vector<256x128xi32>
    %or3A = arith.ori %convert_element_type3A_149, %shift_left3A_165 : vector<256x128xi32>
    %swap3A = arith.constant 0 : index
    %swap3A_166 = arith.constant 0 : index
    %swap3A_167 = arith.constant 0 : index
    %swap3A_168 = vector.load %arg3[%swap3A, %swap3A_166, %swap3A_167] : memref<1x256x1024xi32, #tpu.memory_space<vmem>>, vector<1x256x128xi32>
    %swap3A_169 = vector.shape_cast %swap3A_168 : vector<1x256x128xi32> to vector<256x128xi32>
    %swap3A_170 = vector.shape_cast %or3A : vector<256x128xi32> to vector<1x256x128xi32>
    tpu.vector_store %arg3[%swap3A, %swap3A_166, %swap3A_167], %swap3A_170 {strides = array<i32>} : memref<1x256x1024xi32, #tpu.memory_space<vmem>>, vector<1x256x128xi32>,
    %add3A_171 = vector.broadcast %add3A_108 : vector<256x1xf32> to vector<256x128xf32>
    %add3A_172 = arith.addf %dot_general3A_62, %add3A_171 : vector<256x128xf32>
    %slice3A_173 = vector.extract_strided_slice %lt3A_50 {offsets = [0, 128], sizes = [256, 128], strides = [1, 1]} : vector<256x2048xi1> to vector<256x128xi1>
    %le3A_174 = arith.constant 6.400000e+01 : f32
    %le3A_175 = vector.broadcast %le3A_174 : f32 to vector<256x128xf32>
    %le3A_176 = arith.cmpf ole, %add3A_172, %le3A_175 : vector<256x128xf32>
    %and3A_177 = arith.andi %slice3A_173, %le3A_176 : vector<256x128xi1>
    %sub3A_178 = arith.constant 1.000000e+00 : f32
    %sub3A_179 = vector.broadcast %sub3A_178 : f32 to vector<256x128xf32>
    %sub3A_180 = arith.subf %add3A_172, %sub3A_179 : vector<256x128xf32>
    %jit3A_181 = arith.constant 3.276800e+04 : f32
    %broadcast_in_dim3A_182 = vector.broadcast %jit3A_181 : f32 to vector<256x128xf32>
    %select_n3A_183 = arith.select %and3A_177, %sub3A_180, %broadcast_in_dim3A_182 : vector<256x128xi1>, vector<256x128xf32>
    %convert_element_type3A_184 = arith.fptosi %select_n3A_183 : vector<256x128xf32> to vector<256x128xi32>
    %add3A_185 = vector.broadcast %add3A_124 : vector<256x1xf32> to vector<256x128xf32>
    %add3A_186 = arith.addf %dot_general3A_86, %add3A_185 : vector<256x128xf32>
    %slice3A_187 = vector.extract_strided_slice %lt3A_50 {offsets = [0, 1152], sizes = [256, 128], strides = [1, 1]} : vector<256x2048xi1> to vector<256x128xi1>
    %le3A_188 = arith.constant 6.400000e+01 : f32
    %le3A_189 = vector.broadcast %le3A_188 : f32 to vector<256x128xf32>
    %le3A_190 = arith.cmpf ole, %add3A_186, %le3A_189 : vector<256x128xf32>
    %and3A_191 = arith.andi %slice3A_187, %le3A_190 : vector<256x128xi1>
    %sub3A_192 = arith.constant 1.000000e+00 : f32
    %sub3A_193 = vector.broadcast %sub3A_192 : f32 to vector<256x128xf32>
    %sub3A_194 = arith.subf %add3A_186, %sub3A_193 : vector<256x128xf32>
    %jit3A_195 = arith.constant 3.276800e+04 : f32
    %broadcast_in_dim3A_196 = vector.broadcast %jit3A_195 : f32 to vector<256x128xf32>
    %select_n3A_197 = arith.select %and3A_191, %sub3A_194, %broadcast_in_dim3A_196 : vector<256x128xi1>, vector<256x128xf32>
    %convert_element_type3A_198 = arith.fptosi %select_n3A_197 : vector<256x128xf32> to vector<256x128xi32>
    %shift_left3A_199 = arith.constant 16 : i32
    %shift_left3A_200 = vector.broadcast %shift_left3A_199 : i32 to vector<256x128xi32>
    %shift_left3A_201 = arith.shli %convert_element_type3A_198, %shift_left3A_200 : vector<256x128xi32>
    %or3A_202 = arith.ori %convert_element_type3A_184, %shift_left3A_201 : vector<256x128xi32>
    %swap3A_203 = arith.constant 0 : index
    %swap3A_204 = arith.constant 0 : index
    %swap3A_205 = arith.constant 128 : index
    %swap3A_206 = vector.load %arg3[%swap3A_203, %swap3A_204, %swap3A_205] : memref<1x256x1024xi32, #tpu.memory_space<vmem>>, vector<1x256x128xi32>
    %swap3A_207 = vector.shape_cast %swap3A_206 : vector<1x256x128xi32> to vector<256x128xi32>
    %swap3A_208 = vector.shape_cast %or3A_202 : vector<256x128xi32> to vector<1x256x128xi32>
    tpu.vector_store %arg3[%swap3A_203, %swap3A_204, %swap3A_205], %swap3A_208 {strides = array<i32>} : memref<1x256x1024xi32, #tpu.memory_space<vmem>>, vector<1x256x128xi32>,
    %add3A_209 = vector.broadcast %add3A_110 : vector<256x1xf32> to vector<256x128xf32>
    %add3A_210 = arith.addf %dot_general3A_65, %add3A_209 : vector<256x128xf32>
    %slice3A_211 = vector.extract_strided_slice %lt3A_50 {offsets = [0, 256], sizes = [256, 128], strides = [1, 1]} : vector<256x2048xi1> to vector<256x128xi1>
    %le3A_212 = arith.constant 6.400000e+01 : f32
    %le3A_213 = vector.broadcast %le3A_212 : f32 to vector<256x128xf32>
    %le3A_214 = arith.cmpf ole, %add3A_210, %le3A_213 : vector<256x128xf32>
    %and3A_215 = arith.andi %slice3A_211, %le3A_214 : vector<256x128xi1>
    %sub3A_216 = arith.constant 1.000000e+00 : f32
    %sub3A_217 = vector.broadcast %sub3A_216 : f32 to vector<256x128xf32>
    %sub3A_218 = arith.subf %add3A_210, %sub3A_217 : vector<256x128xf32>
    %jit3A_219 = arith.constant 3.276800e+04 : f32
    %broadcast_in_dim3A_220 = vector.broadcast %jit3A_219 : f32 to vector<256x128xf32>
    %select_n3A_221 = arith.select %and3A_215, %sub3A_218, %broadcast_in_dim3A_220 : vector<256x128xi1>, vector<256x128xf32>
    %convert_element_type3A_222 = arith.fptosi %select_n3A_221 : vector<256x128xf32> to vector<256x128xi32>
    %add3A_223 = vector.broadcast %add3A_126 : vector<256x1xf32> to vector<256x128xf32>
    %add3A_224 = arith.addf %dot_general3A_89, %add3A_223 : vector<256x128xf32>
    %slice3A_225 = vector.extract_strided_slice %lt3A_50 {offsets = [0, 1280], sizes = [256, 128], strides = [1, 1]} : vector<256x2048xi1> to vector<256x128xi1>
    %le3A_226 = arith.constant 6.400000e+01 : f32
    %le3A_227 = vector.broadcast %le3A_226 : f32 to vector<256x128xf32>
    %le3A_228 = arith.cmpf ole, %add3A_224, %le3A_227 : vector<256x128xf32>
    %and3A_229 = arith.andi %slice3A_225, %le3A_228 : vector<256x128xi1>
    %sub3A_230 = arith.constant 1.000000e+00 : f32
    %sub3A_231 = vector.broadcast %sub3A_230 : f32 to vector<256x128xf32>
    %sub3A_232 = arith.subf %add3A_224, %sub3A_231 : vector<256x128xf32>
    %jit3A_233 = arith.constant 3.276800e+04 : f32
    %broadcast_in_dim3A_234 = vector.broadcast %jit3A_233 : f32 to vector<256x128xf32>
    %select_n3A_235 = arith.select %and3A_229, %sub3A_232, %broadcast_in_dim3A_234 : vector<256x128xi1>, vector<256x128xf32>
    %convert_element_type3A_236 = arith.fptosi %select_n3A_235 : vector<256x128xf32> to vector<256x128xi32>
    %shift_left3A_237 = arith.constant 16 : i32
    %shift_left3A_238 = vector.broadcast %shift_left3A_237 : i32 to vector<256x128xi32>
    %shift_left3A_239 = arith.shli %convert_element_type3A_236, %shift_left3A_238 : vector<256x128xi32>
    %or3A_240 = arith.ori %convert_element_type3A_222, %shift_left3A_239 : vector<256x128xi32>
    %swap3A_241 = arith.constant 0 : index
    %swap3A_242 = arith.constant 0 : index
    %swap3A_243 = arith.constant 256 : index
    %swap3A_244 = vector.load %arg3[%swap3A_241, %swap3A_242, %swap3A_243] : memref<1x256x1024xi32, #tpu.memory_space<vmem>>, vector<1x256x128xi32>
    %swap3A_245 = vector.shape_cast %swap3A_244 : vector<1x256x128xi32> to vector<256x128xi32>
    %swap3A_246 = vector.shape_cast %or3A_240 : vector<256x128xi32> to vector<1x256x128xi32>
    tpu.vector_store %arg3[%swap3A_241, %swap3A_242, %swap3A_243], %swap3A_246 {strides = array<i32>} : memref<1x256x1024xi32, #tpu.memory_space<vmem>>, vector<1x256x128xi32>,
    %add3A_247 = vector.broadcast %add3A_112 : vector<256x1xf32> to vector<256x128xf32>
    %add3A_248 = arith.addf %dot_general3A_68, %add3A_247 : vector<256x128xf32>
    %slice3A_249 = vector.extract_strided_slice %lt3A_50 {offsets = [0, 384], sizes = [256, 128], strides = [1, 1]} : vector<256x2048xi1> to vector<256x128xi1>
    %le3A_250 = arith.constant 6.400000e+01 : f32
    %le3A_251 = vector.broadcast %le3A_250 : f32 to vector<256x128xf32>
    %le3A_252 = arith.cmpf ole, %add3A_248, %le3A_251 : vector<256x128xf32>
    %and3A_253 = arith.andi %slice3A_249, %le3A_252 : vector<256x128xi1>
    %sub3A_254 = arith.constant 1.000000e+00 : f32
    %sub3A_255 = vector.broadcast %sub3A_254 : f32 to vector<256x128xf32>
    %sub3A_256 = arith.subf %add3A_248, %sub3A_255 : vector<256x128xf32>
    %jit3A_257 = arith.constant 3.276800e+04 : f32
    %broadcast_in_dim3A_258 = vector.broadcast %jit3A_257 : f32 to vector<256x128xf32>
    %select_n3A_259 = arith.select %and3A_253, %sub3A_256, %broadcast_in_dim3A_258 : vector<256x128xi1>, vector<256x128xf32>
    %convert_element_type3A_260 = arith.fptosi %select_n3A_259 : vector<256x128xf32> to vector<256x128xi32>
    %add3A_261 = vector.broadcast %add3A_128 : vector<256x1xf32> to vector<256x128xf32>
    %add3A_262 = arith.addf %dot_general3A_92, %add3A_261 : vector<256x128xf32>
    %slice3A_263 = vector.extract_strided_slice %lt3A_50 {offsets = [0, 1408], sizes = [256, 128], strides = [1, 1]} : vector<256x2048xi1> to vector<256x128xi1>
    %le3A_264 = arith.constant 6.400000e+01 : f32
    %le3A_265 = vector.broadcast %le3A_264 : f32 to vector<256x128xf32>
    %le3A_266 = arith.cmpf ole, %add3A_262, %le3A_265 : vector<256x128xf32>
    %and3A_267 = arith.andi %slice3A_263, %le3A_266 : vector<256x128xi1>
    %sub3A_268 = arith.constant 1.000000e+00 : f32
    %sub3A_269 = vector.broadcast %sub3A_268 : f32 to vector<256x128xf32>
    %sub3A_270 = arith.subf %add3A_262, %sub3A_269 : vector<256x128xf32>
    %jit3A_271 = arith.constant 3.276800e+04 : f32
    %broadcast_in_dim3A_272 = vector.broadcast %jit3A_271 : f32 to vector<256x128xf32>
    %select_n3A_273 = arith.select %and3A_267, %sub3A_270, %broadcast_in_dim3A_272 : vector<256x128xi1>, vector<256x128xf32>
    %convert_element_type3A_274 = arith.fptosi %select_n3A_273 : vector<256x128xf32> to vector<256x128xi32>
    %shift_left3A_275 = arith.constant 16 : i32
    %shift_left3A_276 = vector.broadcast %shift_left3A_275 : i32 to vector<256x128xi32>
    %shift_left3A_277 = arith.shli %convert_element_type3A_274, %shift_left3A_276 : vector<256x128xi32>
    %or3A_278 = arith.ori %convert_element_type3A_260, %shift_left3A_277 : vector<256x128xi32>
    %swap3A_279 = arith.constant 0 : index
    %swap3A_280 = arith.constant 0 : index
    %swap3A_281 = arith.constant 384 : index
    %swap3A_282 = vector.load %arg3[%swap3A_279, %swap3A_280, %swap3A_281] : memref<1x256x1024xi32, #tpu.memory_space<vmem>>, vector<1x256x128xi32>
    %swap3A_283 = vector.shape_cast %swap3A_282 : vector<1x256x128xi32> to vector<256x128xi32>
    %swap3A_284 = vector.shape_cast %or3A_278 : vector<256x128xi32> to vector<1x256x128xi32>
    tpu.vector_store %arg3[%swap3A_279, %swap3A_280, %swap3A_281], %swap3A_284 {strides = array<i32>} : memref<1x256x1024xi32, #tpu.memory_space<vmem>>, vector<1x256x128xi32>,
    %add3A_285 = vector.broadcast %add3A_114 : vector<256x1xf32> to vector<256x128xf32>
    %add3A_286 = arith.addf %dot_general3A_71, %add3A_285 : vector<256x128xf32>
    %slice3A_287 = vector.extract_strided_slice %lt3A_50 {offsets = [0, 512], sizes = [256, 128], strides = [1, 1]} : vector<256x2048xi1> to vector<256x128xi1>
    %le3A_288 = arith.constant 6.400000e+01 : f32
    %le3A_289 = vector.broadcast %le3A_288 : f32 to vector<256x128xf32>
    %le3A_290 = arith.cmpf ole, %add3A_286, %le3A_289 : vector<256x128xf32>
    %and3A_291 = arith.andi %slice3A_287, %le3A_290 : vector<256x128xi1>
    %sub3A_292 = arith.constant 1.000000e+00 : f32
    %sub3A_293 = vector.broadcast %sub3A_292 : f32 to vector<256x128xf32>
    %sub3A_294 = arith.subf %add3A_286, %sub3A_293 : vector<256x128xf32>
    %jit3A_295 = arith.constant 3.276800e+04 : f32
    %broadcast_in_dim3A_296 = vector.broadcast %jit3A_295 : f32 to vector<256x128xf32>
    %select_n3A_297 = arith.select %and3A_291, %sub3A_294, %broadcast_in_dim3A_296 : vector<256x128xi1>, vector<256x128xf32>
    %convert_element_type3A_298 = arith.fptosi %select_n3A_297 : vector<256x128xf32> to vector<256x128xi32>
    %add3A_299 = vector.broadcast %add3A_130 : vector<256x1xf32> to vector<256x128xf32>
    %add3A_300 = arith.addf %dot_general3A_95, %add3A_299 : vector<256x128xf32>
    %slice3A_301 = vector.extract_strided_slice %lt3A_50 {offsets = [0, 1536], sizes = [256, 128], strides = [1, 1]} : vector<256x2048xi1> to vector<256x128xi1>
    %le3A_302 = arith.constant 6.400000e+01 : f32
    %le3A_303 = vector.broadcast %le3A_302 : f32 to vector<256x128xf32>
    %le3A_304 = arith.cmpf ole, %add3A_300, %le3A_303 : vector<256x128xf32>
    %and3A_305 = arith.andi %slice3A_301, %le3A_304 : vector<256x128xi1>
    %sub3A_306 = arith.constant 1.000000e+00 : f32
    %sub3A_307 = vector.broadcast %sub3A_306 : f32 to vector<256x128xf32>
    %sub3A_308 = arith.subf %add3A_300, %sub3A_307 : vector<256x128xf32>
    %jit3A_309 = arith.constant 3.276800e+04 : f32
    %broadcast_in_dim3A_310 = vector.broadcast %jit3A_309 : f32 to vector<256x128xf32>
    %select_n3A_311 = arith.select %and3A_305, %sub3A_308, %broadcast_in_dim3A_310 : vector<256x128xi1>, vector<256x128xf32>
    %convert_element_type3A_312 = arith.fptosi %select_n3A_311 : vector<256x128xf32> to vector<256x128xi32>
    %shift_left3A_313 = arith.constant 16 : i32
    %shift_left3A_314 = vector.broadcast %shift_left3A_313 : i32 to vector<256x128xi32>
    %shift_left3A_315 = arith.shli %convert_element_type3A_312, %shift_left3A_314 : vector<256x128xi32>
    %or3A_316 = arith.ori %convert_element_type3A_298, %shift_left3A_315 : vector<256x128xi32>
    %swap3A_317 = arith.constant 0 : index
    %swap3A_318 = arith.constant 0 : index
    %swap3A_319 = arith.constant 512 : index
    %swap3A_320 = vector.load %arg3[%swap3A_317, %swap3A_318, %swap3A_319] : memref<1x256x1024xi32, #tpu.memory_space<vmem>>, vector<1x256x128xi32>
    %swap3A_321 = vector.shape_cast %swap3A_320 : vector<1x256x128xi32> to vector<256x128xi32>
    %swap3A_322 = vector.shape_cast %or3A_316 : vector<256x128xi32> to vector<1x256x128xi32>
    tpu.vector_store %arg3[%swap3A_317, %swap3A_318, %swap3A_319], %swap3A_322 {strides = array<i32>} : memref<1x256x1024xi32, #tpu.memory_space<vmem>>, vector<1x256x128xi32>,
    %add3A_323 = vector.broadcast %add3A_116 : vector<256x1xf32> to vector<256x128xf32>
    %add3A_324 = arith.addf %dot_general3A_74, %add3A_323 : vector<256x128xf32>
    %slice3A_325 = vector.extract_strided_slice %lt3A_50 {offsets = [0, 640], sizes = [256, 128], strides = [1, 1]} : vector<256x2048xi1> to vector<256x128xi1>
    %le3A_326 = arith.constant 6.400000e+01 : f32
    %le3A_327 = vector.broadcast %le3A_326 : f32 to vector<256x128xf32>
    %le3A_328 = arith.cmpf ole, %add3A_324, %le3A_327 : vector<256x128xf32>
    %and3A_329 = arith.andi %slice3A_325, %le3A_328 : vector<256x128xi1>
    %sub3A_330 = arith.constant 1.000000e+00 : f32
    %sub3A_331 = vector.broadcast %sub3A_330 : f32 to vector<256x128xf32>
    %sub3A_332 = arith.subf %add3A_324, %sub3A_331 : vector<256x128xf32>
    %jit3A_333 = arith.constant 3.276800e+04 : f32
    %broadcast_in_dim3A_334 = vector.broadcast %jit3A_333 : f32 to vector<256x128xf32>
    %select_n3A_335 = arith.select %and3A_329, %sub3A_332, %broadcast_in_dim3A_334 : vector<256x128xi1>, vector<256x128xf32>
    %convert_element_type3A_336 = arith.fptosi %select_n3A_335 : vector<256x128xf32> to vector<256x128xi32>
    %add3A_337 = vector.broadcast %add3A_132 : vector<256x1xf32> to vector<256x128xf32>
    %add3A_338 = arith.addf %dot_general3A_98, %add3A_337 : vector<256x128xf32>
    %slice3A_339 = vector.extract_strided_slice %lt3A_50 {offsets = [0, 1664], sizes = [256, 128], strides = [1, 1]} : vector<256x2048xi1> to vector<256x128xi1>
    %le3A_340 = arith.constant 6.400000e+01 : f32
    %le3A_341 = vector.broadcast %le3A_340 : f32 to vector<256x128xf32>
    %le3A_342 = arith.cmpf ole, %add3A_338, %le3A_341 : vector<256x128xf32>
    %and3A_343 = arith.andi %slice3A_339, %le3A_342 : vector<256x128xi1>
    %sub3A_344 = arith.constant 1.000000e+00 : f32
    %sub3A_345 = vector.broadcast %sub3A_344 : f32 to vector<256x128xf32>
    %sub3A_346 = arith.subf %add3A_338, %sub3A_345 : vector<256x128xf32>
    %jit3A_347 = arith.constant 3.276800e+04 : f32
    %broadcast_in_dim3A_348 = vector.broadcast %jit3A_347 : f32 to vector<256x128xf32>
    %select_n3A_349 = arith.select %and3A_343, %sub3A_346, %broadcast_in_dim3A_348 : vector<256x128xi1>, vector<256x128xf32>
    %convert_element_type3A_350 = arith.fptosi %select_n3A_349 : vector<256x128xf32> to vector<256x128xi32>
    %shift_left3A_351 = arith.constant 16 : i32
    %shift_left3A_352 = vector.broadcast %shift_left3A_351 : i32 to vector<256x128xi32>
    %shift_left3A_353 = arith.shli %convert_element_type3A_350, %shift_left3A_352 : vector<256x128xi32>
    %or3A_354 = arith.ori %convert_element_type3A_336, %shift_left3A_353 : vector<256x128xi32>
    %swap3A_355 = arith.constant 0 : index
    %swap3A_356 = arith.constant 0 : index
    %swap3A_357 = arith.constant 640 : index
    %swap3A_358 = vector.load %arg3[%swap3A_355, %swap3A_356, %swap3A_357] : memref<1x256x1024xi32, #tpu.memory_space<vmem>>, vector<1x256x128xi32>
    %swap3A_359 = vector.shape_cast %swap3A_358 : vector<1x256x128xi32> to vector<256x128xi32>
    %swap3A_360 = vector.shape_cast %or3A_354 : vector<256x128xi32> to vector<1x256x128xi32>
    tpu.vector_store %arg3[%swap3A_355, %swap3A_356, %swap3A_357], %swap3A_360 {strides = array<i32>} : memref<1x256x1024xi32, #tpu.memory_space<vmem>>, vector<1x256x128xi32>,
    %add3A_361 = vector.broadcast %add3A_118 : vector<256x1xf32> to vector<256x128xf32>
    %add3A_362 = arith.addf %dot_general3A_77, %add3A_361 : vector<256x128xf32>
    %slice3A_363 = vector.extract_strided_slice %lt3A_50 {offsets = [0, 768], sizes = [256, 128], strides = [1, 1]} : vector<256x2048xi1> to vector<256x128xi1>
    %le3A_364 = arith.constant 6.400000e+01 : f32
    %le3A_365 = vector.broadcast %le3A_364 : f32 to vector<256x128xf32>
    %le3A_366 = arith.cmpf ole, %add3A_362, %le3A_365 : vector<256x128xf32>
    %and3A_367 = arith.andi %slice3A_363, %le3A_366 : vector<256x128xi1>
    %sub3A_368 = arith.constant 1.000000e+00 : f32
    %sub3A_369 = vector.broadcast %sub3A_368 : f32 to vector<256x128xf32>
    %sub3A_370 = arith.subf %add3A_362, %sub3A_369 : vector<256x128xf32>
    %jit3A_371 = arith.constant 3.276800e+04 : f32
    %broadcast_in_dim3A_372 = vector.broadcast %jit3A_371 : f32 to vector<256x128xf32>
    %select_n3A_373 = arith.select %and3A_367, %sub3A_370, %broadcast_in_dim3A_372 : vector<256x128xi1>, vector<256x128xf32>
    %convert_element_type3A_374 = arith.fptosi %select_n3A_373 : vector<256x128xf32> to vector<256x128xi32>
    %add3A_375 = vector.broadcast %add3A_134 : vector<256x1xf32> to vector<256x128xf32>
    %add3A_376 = arith.addf %dot_general3A_101, %add3A_375 : vector<256x128xf32>
    %slice3A_377 = vector.extract_strided_slice %lt3A_50 {offsets = [0, 1792], sizes = [256, 128], strides = [1, 1]} : vector<256x2048xi1> to vector<256x128xi1>
    %le3A_378 = arith.constant 6.400000e+01 : f32
    %le3A_379 = vector.broadcast %le3A_378 : f32 to vector<256x128xf32>
    %le3A_380 = arith.cmpf ole, %add3A_376, %le3A_379 : vector<256x128xf32>
    %and3A_381 = arith.andi %slice3A_377, %le3A_380 : vector<256x128xi1>
    %sub3A_382 = arith.constant 1.000000e+00 : f32
    %sub3A_383 = vector.broadcast %sub3A_382 : f32 to vector<256x128xf32>
    %sub3A_384 = arith.subf %add3A_376, %sub3A_383 : vector<256x128xf32>
    %jit3A_385 = arith.constant 3.276800e+04 : f32
    %broadcast_in_dim3A_386 = vector.broadcast %jit3A_385 : f32 to vector<256x128xf32>
    %select_n3A_387 = arith.select %and3A_381, %sub3A_384, %broadcast_in_dim3A_386 : vector<256x128xi1>, vector<256x128xf32>
    %convert_element_type3A_388 = arith.fptosi %select_n3A_387 : vector<256x128xf32> to vector<256x128xi32>
    %shift_left3A_389 = arith.constant 16 : i32
    %shift_left3A_390 = vector.broadcast %shift_left3A_389 : i32 to vector<256x128xi32>
    %shift_left3A_391 = arith.shli %convert_element_type3A_388, %shift_left3A_390 : vector<256x128xi32>
    %or3A_392 = arith.ori %convert_element_type3A_374, %shift_left3A_391 : vector<256x128xi32>
    %swap3A_393 = arith.constant 0 : index
    %swap3A_394 = arith.constant 0 : index
    %swap3A_395 = arith.constant 768 : index
    %swap3A_396 = vector.load %arg3[%swap3A_393, %swap3A_394, %swap3A_395] : memref<1x256x1024xi32, #tpu.memory_space<vmem>>, vector<1x256x128xi32>
    %swap3A_397 = vector.shape_cast %swap3A_396 : vector<1x256x128xi32> to vector<256x128xi32>
    %swap3A_398 = vector.shape_cast %or3A_392 : vector<256x128xi32> to vector<1x256x128xi32>
    tpu.vector_store %arg3[%swap3A_393, %swap3A_394, %swap3A_395], %swap3A_398 {strides = array<i32>} : memref<1x256x1024xi32, #tpu.memory_space<vmem>>, vector<1x256x128xi32>,
    %add3A_399 = vector.broadcast %add3A_120 : vector<256x1xf32> to vector<256x128xf32>
    %add3A_400 = arith.addf %dot_general3A_80, %add3A_399 : vector<256x128xf32>
    %slice3A_401 = vector.extract_strided_slice %lt3A_50 {offsets = [0, 896], sizes = [256, 128], strides = [1, 1]} : vector<256x2048xi1> to vector<256x128xi1>
    %le3A_402 = arith.constant 6.400000e+01 : f32
    %le3A_403 = vector.broadcast %le3A_402 : f32 to vector<256x128xf32>
    %le3A_404 = arith.cmpf ole, %add3A_400, %le3A_403 : vector<256x128xf32>
    %and3A_405 = arith.andi %slice3A_401, %le3A_404 : vector<256x128xi1>
    %sub3A_406 = arith.constant 1.000000e+00 : f32
    %sub3A_407 = vector.broadcast %sub3A_406 : f32 to vector<256x128xf32>
    %sub3A_408 = arith.subf %add3A_400, %sub3A_407 : vector<256x128xf32>
    %jit3A_409 = arith.constant 3.276800e+04 : f32
    %broadcast_in_dim3A_410 = vector.broadcast %jit3A_409 : f32 to vector<256x128xf32>
    %select_n3A_411 = arith.select %and3A_405, %sub3A_408, %broadcast_in_dim3A_410 : vector<256x128xi1>, vector<256x128xf32>
    %convert_element_type3A_412 = arith.fptosi %select_n3A_411 : vector<256x128xf32> to vector<256x128xi32>
    %add3A_413 = vector.broadcast %add3A_136 : vector<256x1xf32> to vector<256x128xf32>
    %add3A_414 = arith.addf %dot_general3A_104, %add3A_413 : vector<256x128xf32>
    %slice3A_415 = vector.extract_strided_slice %lt3A_50 {offsets = [0, 1920], sizes = [256, 128], strides = [1, 1]} : vector<256x2048xi1> to vector<256x128xi1>
    %le3A_416 = arith.constant 6.400000e+01 : f32
    %le3A_417 = vector.broadcast %le3A_416 : f32 to vector<256x128xf32>
    %le3A_418 = arith.cmpf ole, %add3A_414, %le3A_417 : vector<256x128xf32>
    %and3A_419 = arith.andi %slice3A_415, %le3A_418 : vector<256x128xi1>
    %sub3A_420 = arith.constant 1.000000e+00 : f32
    %sub3A_421 = vector.broadcast %sub3A_420 : f32 to vector<256x128xf32>
    %sub3A_422 = arith.subf %add3A_414, %sub3A_421 : vector<256x128xf32>
    %jit3A_423 = arith.constant 3.276800e+04 : f32
    %broadcast_in_dim3A_424 = vector.broadcast %jit3A_423 : f32 to vector<256x128xf32>
    %select_n3A_425 = arith.select %and3A_419, %sub3A_422, %broadcast_in_dim3A_424 : vector<256x128xi1>, vector<256x128xf32>
    %convert_element_type3A_426 = arith.fptosi %select_n3A_425 : vector<256x128xf32> to vector<256x128xi32>
    %shift_left3A_427 = arith.constant 16 : i32
    %shift_left3A_428 = vector.broadcast %shift_left3A_427 : i32 to vector<256x128xi32>
    %shift_left3A_429 = arith.shli %convert_element_type3A_426, %shift_left3A_428 : vector<256x128xi32>
    %or3A_430 = arith.ori %convert_element_type3A_412, %shift_left3A_429 : vector<256x128xi32>
    %swap3A_431 = arith.constant 0 : index
    %swap3A_432 = arith.constant 0 : index
    %swap3A_433 = arith.constant 896 : index
    %swap3A_434 = vector.load %arg3[%swap3A_431, %swap3A_432, %swap3A_433] : memref<1x256x1024xi32, #tpu.memory_space<vmem>>, vector<1x256x128xi32>
    %swap3A_435 = vector.shape_cast %swap3A_434 : vector<1x256x128xi32> to vector<256x128xi32>
    %swap3A_436 = vector.shape_cast %or3A_430 : vector<256x128xi32> to vector<1x256x128xi32>
    tpu.vector_store %arg3[%swap3A_431, %swap3A_432, %swap3A_433], %swap3A_436 {strides = array<i32>} : memref<1x256x1024xi32, #tpu.memory_space<vmem>>, vector<1x256x128xi32>,
    %convert_element_type3A_437 = arith.fptosi %add3A_138 : vector<256x1xf32> to vector<256x1xi32>
    %swap3A_438 = arith.constant 0 : index
    %swap3A_439 = arith.constant 0 : index
    %swap3A_440 = arith.constant 0 : index
    %swap3A_441 = vector.load %arg4[%swap3A_438, %swap3A_439, %swap3A_440] : memref<1x256x1xi32, #tpu.memory_space<vmem>>, vector<1x256x1xi32>
    %swap3A_442 = vector.shape_cast %swap3A_441 : vector<1x256x1xi32> to vector<256x1xi32>
    %swap3A_443 = vector.shape_cast %convert_element_type3A_437 : vector<256x1xi32> to vector<1x256x1xi32>
    tpu.vector_store %arg4[%swap3A_438, %swap3A_439, %swap3A_440], %swap3A_443 {strides = array<i32>} : memref<1x256x1xi32, #tpu.memory_space<vmem>>, vector<1x256x1xi32>,
    return
  }
  func.func @transform_0(%arg0: i32, %arg1: i32) -> (i32, i32, i32) {
    %c0_i32 = arith.constant 0 : i32
    %c0_i32_0 = arith.constant 0 : i32
    %c0_i32_1 = arith.constant 0 : i32
    return %arg0, %c0_i32, %c0_i32_0 : i32, i32, i32
  }
  func.func @transform_1(%arg0: i32, %arg1: i32) -> (i32, i32, i32) {
    %c0_i32 = arith.constant 0 : i32
    %c0_i32_0 = arith.constant 0 : i32
    return %arg0, %arg1, %c0_i32 : i32, i32, i32
  }
  func.func @transform_2(%arg0: i32, %arg1: i32) -> (i32, i32, i32) {
    %c0_i32 = arith.constant 0 : i32
    %c0_i32_0 = arith.constant 0 : i32
    return %arg0, %arg1, %c0_i32 : i32, i32, i32
  }
}

</mosaic_0001>

<sc_bundles>
// kernel: kernel.10.cloned.1.call-start
scs
__scs_entry_jumppad:
0x0: {  	(pc) =	sbr.rel $0x88, $3  }
0x1: {  	(tag) =	ssettag $0x0;
	lr =	simm.s32 $0x1  }
0x2: {  	[smem:$0x3FA0] =	sst lr;
	_ =	strace $0xD0000000  }
0x3: {  	_ = 	snop  }
0x4: {  	_ = 	snop  }
0x5: {  	_ = 	snop  }
0x6: {  	_ = 	snop  }
0x7: {  	_ = 	snop  }
__scs_overlays_trampoline_lowered:
0x8: {  	[smem:$0x3FAF] =	sst s0  }
0x9: {  	[smem:$0x3FB0] =	sst s1  }
0xa: {  	[smem:$0x3FB1] =	sst s2  }
0xb: {  	[smem:$0x3FB2] =	sst s3  }
0xc: {  	[smem:$0x3FB3] =	sst s4  }
0xd: {  	[smem:$0x3FB4] =	sst s5  }
0xe: {  	[smem:$0x3FB5] =	sst s6  }
0xf: {  	[smem:$0x3FB6] =	sst s7  }
0x10: {  	[smem:$0x3FB7] =	sst s8  }
0x11: {  	[smem:$0x3FB8] =	sst s9;
	s0 =	simm.s32 @!p0 $0x0  }
0x12: {  	s1 =	sld [smem:$0x3F9E];
	s0 =	simm.s32 @p0 $0x1  }
0x13: {  	[smem:$0x3FB9] =	sst s0;
	s0 =	simm.s32 @!p1 $0x0  }
0x14: {  	s2 =	sld [smem:$0x3F9D];
	s0 =	simm.s32 @p1 $0x1  }
0x15: {  	[smem:$0x3FBA] =	sst s0;
	s0 =	simm.s32 @!p2 $0x0  }
0x16: {  	s3 =	sld [smem:$0x3FDB];
	s0 =	simm.s32 @p2 $0x1  }
0x17: {  	s4 =	simm.s32 $0x1BF5;
	[smem:$0x3FBC] =	sst s0  }
0x18: {  	s0 =	sld [smem:$0x3F9F];
	_ =	swait.ge [sflag:s4], $0x0  }
0x19: {  	s7 =	sld [smem:$0x3FA0]  }
0x1a: {  	s8 =	sadd.s32 $0xFFFFE003, lr  }
0x1b: {  	s9 =	sadd.s32 $0xFFFFFEF7, lr;
	s5 =	simm.s32 $0xFFFFFFFF;
	p2 =	slt.u32 s8, $0xFFFFF086  }
0x1c: {  	p1 =	slt.u32 s9, $0xF7A;
	s5 =	simm.s32 @!p2 $0x0  }
0x1d: {  	s5 =	simm.s32 @p1 $0x1;
	p0 =	seq.s32 s7, s2  }
0x1e: {  	s7 =	smul.u32 @!p0 $0xF7A, s2;
	p2 =	seq.s32 @!p0 s5, $0x0  }
0x1f: {  	s9 =	smul.u32 $0xF7A, s1;
	s8 =	simm.s32 @!p0 $0x1BF5;
	p2 =	por !p2, p0  }
0x20: {  	[sflag:s8] =	ssyncset.s32 @!p0 $0xFFFFF086;
	s6 =	sadd.s32 @!p0 s3, s7;
	s7 =	simm.s32 @!p0 $0x108  }
0x21: {  	s3 =	sadd.s32 s3, s9;
	s6 =	sadd.s32 @!p0 $0x88, s6;
	s7 =	simm.s32 @p2 $0x1082  }
0x22: {  	[simem:s7], [sflag:s8] =	dma.local @!p0 [hbm:s6], $0xF7A  }
0x23: {  	s9 =	sor.u32 $0xD0000000, s2;
	s6 =	simm.s32 $0x108;
	_ =	swait.ge @!p0 [sflag:s8], $0x0  }
0x24: {  	s3 =	sadd.s32 $0x88, s3;
	s6 =	simm.s32 @!p1 $0x1082;
	[sflag:s4] =	ssyncset.s32 $0xFFFFF086  }
0x25: {  	[simem:s6], [sflag:s4] =	dma.local [hbm:s3], $0xF7A  }
0x26: {  	[smem:$0x3FA0] =	sst s1;
	(tag) =	ssettag s2;
	_ =	strace s9  }
0x27: {  	s1 =	sld [smem:$0x3FB0]  }
0x28: {  	s2 =	sld [smem:$0x3FB1]  }
0x29: {  	s4 =	sld [smem:$0x3FB3]  }
0x2a: {  	p0 =	seq.s32 s5, $0x0;
	s5 =	sld [smem:$0x3FB4]  }
0x2b: {  	s6 =	sld [smem:$0x3FB5]  }
0x2c: {  	s7 =	sld [smem:$0x3FB6]  }
0x2d: {  	s3 =	simm.s32 $0x108;
	s8 =	sld [smem:$0x3FB7]  }
0x2e: {  	s3 =	simm.s32 @!p0 $0x1082;
	s9 =	sld [smem:$0x3FB8]  }
0x2f: {  	lr =	sadd.s32 s0, s3;
	s0 =	sld [smem:$0x3FAF]  }
0x30: {  	s3 =	sld [smem:$0x3FB2]  }
0x31: {  	[smem:$0x3FBB] =	sst s10  }
0x32: {  	s10 =	sld [smem:$0x3FB9];
	_ =	sdelay $0x3  }
0x33: {  	p0 =	seq.s32 s10, $0x1;
	s10 =	sld [smem:$0x3FBB];
	_ =	sdelay $0x3  }
0x34: {  	[smem:$0x3FBB] =	sst s10  }
0x35: {  	s10 =	sld [smem:$0x3FBA];
	_ =	sdelay $0x3  }
0x36: {  	p1 =	seq.s32 s10, $0x1;
	s10 =	sld [smem:$0x3FBB];
	_ =	sdelay $0x3  }
0x37: {  	[smem:$0x3FBB] =	sst s10  }
0x38: {  	s10 =	sld [smem:$0x3FBC]  }
0x39: {  	_ = 	snop;
	(pc) =	sbr.ind lr, $3  }
0x3a: {  	_ = 	snop  }
0x3b: {  	_ = 	snop  }
0x3c: {  	p2 =	seq.s32 s10, $0x1;
	s10 =	sld [smem:$0x3FBB]  }
0x3d: {  	_ =	shalt  }
0x3e: {  	_ =	shalt  }
0x3f: {  	_ =	shalt  }
0x40: {  	_ =	shalt  }
0x41: {  	_ =	shalt  }
0x42: {  	_ =	shalt  }
0x43: {  	_ =	shalt  }
0x44: {  	_ =	shalt  }
0x45: {  	_ =	shalt  }
0x46: {  	_ =	shalt  }
0x47: {  	_ =	shalt  }
0x48: {  	_ =	shalt  }
0x49: {  	_ =	shalt  }
0x4a: {  	_ =	shalt  }
0x4b: {  	_ =	shalt  }
0x4c: {  	_ =	shalt  }
0x4d: {  	_ =	shalt  }
0x4e: {  	_ =	shalt  }
0x4f: {  	_ =	shalt  }
0x50: {  	_ =	shalt  }
0x51: {  	_ =	shalt  }
0x52: {  	_ =	shalt  }
0x53: {  	_ =	shalt  }
0x54: {  	_ =	shalt  }
0x55: {  	_ =	shalt  }
0x56: {  	_ =	shalt  }
0x57: {  	_ =	shalt  }
0x58: {  	_ =	shalt  }
0x59: {  	_ =	shalt  }
0x5a: {  	_ =	shalt  }
0x5b: {  	_ =	shalt  }
0x5c: {  	_ =	shalt  }
0x5d: {  	_ =	shalt  }
0x5e: {  	_ =	shalt  }
0x5f: {  	_ =	shalt  }
0x60: {  	_ =	shalt  }
0x61: {  	_ =	shalt  }
0x62: {  	_ =	shalt  }
0x63: {  	_ =	shalt  }
0x64: {  	_ =	shalt  }
0x65: {  	_ =	shalt  }
0x66: {  	_ =	shalt  }
0x67: {  	_ =	shalt  }
0x68: {  	_ =	shalt  }
0x69: {  	_ =	shalt  }
0x6a: {  	_ =	shalt  }
0x6b: {  	_ =	shalt  }
0x6c: {  	_ =	shalt  }
0x6d: {  	_ =	shalt  }
0x6e: {  	_ =	shalt  }
0x6f: {  	_ =	shalt  }
0x70: {  	_ =	shalt  }
0x71: {  	_ =	shalt  }
0x72: {  	_ =	shalt  }
0x73: {  	_ =	shalt  }
0x74: {  	_ =	shalt  }
0x75: {  	_ =	shalt  }
0x76: {  	_ =	shalt  }
0x77: {  	_ =	shalt  }
0x78: {  	_ =	shalt  }
0x79: {  	_ =	shalt  }
0x7a: {  	_ =	shalt  }
0x7b: {  	_ =	shalt  }
0x7c: {  	_ =	shalt  }
0x7d: {  	_ =	shalt  }
0x7e: {  	_ =	shalt  }
0x7f: {  	_ =	shalt  }
0x80: {  	_ =	shalt  }
0x81: {  	_ =	shalt  }
0x82: {  	_ =	shalt  }
0x83: {  	_ =	shalt  }
0x84: {  	_ =	shalt  }
0x85: {  	_ =	shalt  }
0x86: {  	_ =	shalt  }
0x87: {  	_ =	shalt  }
.Lfunc_end0:
.L_simem_size_0:
called_computation_lowered:
.L_overlay_start_0:
0x88: {  	s2 =	sld [smem:$0x3FD9]  }
0x89: {  	s3 =	sld [smem:$0x3FFE];
	_ =	sdelay $0x1  }
0x8a: {  	s1 =	srdreg.scid  }
0x8b: {  	s0 =	sand.u32 $0x1, s1  }
0x8c: {  	s17 =	sshll.u32 s0, $0xA;
	s2 =	sadd.s32 s3, s2  }
0x8d: {  	s2 =	sadd.s32 s2, s17  }
0x8e: {  	[smem:$0x3FC7] =	sst s2  }
0x8f: {  	_ = 	snop  }
0x90: {  	(tm) =	ssettm $0x1  }
0x91: {  	s18 =	sld [smem:$0x3FFB];
	_ =	sdelay $0x3  }
0x92: {  	_ =	strace s18  }
0x93: {  	s2 =	sld [smem:$0x3FFC];
	_ =	sdelay $0x3  }
0x94: {  	_ =	strace s2  }
0x95: {  	s2 =	sld [smem:$0x3FFD];
	_ =	sdelay $0x3  }
0x96: {  	_ =	strace s2  }
0x97: {  	_ =	strace $0x8FFFFFFF  }
0x98: {  	s19 =	sld [smem:$0x3FDB];
	_ =	sdelay $0x1  }
0x99: {  	s20 =	simm.s32 $_scs_section_size  }
0x9a: {  	s4 =	simm.s32 $_size__tile_overlayer_lowered;
	s5 =	simm.s32 $_tile_overlayer_lowered  }
0x9b: {  	s6 =	simm.s32 $0x1BFF;
	s21 =	sshll.u32 s5, $0x1;
	s3 =	sadd.s32 s20, s19  }
0x9c: {  	s22 =	simm.s32 $0x0;
	s4 =	sshll.u32 s4, $0x1;
	s5 =	sadd.s32 s21, s3  }
0x9d: {  	[timem:s22], [sflag:s6] =	dma.local [hbm:s5], s4  }
0x9e: {  	_ =	swait.ge [sflag:s6], s4  }
0x9f: {  	s4 =	ssub.s32 $0x0, s4;
	[sflag:s6] =	ssyncset.done $0x0  }
0xa0: {  	[sflag:s6] =	ssyncadd.s32 s4;
	_ =	sdelay $0x1  }
0xa1: {  	s23 =	simm.s32 $0x1B8B  }
0xa2: {  	_ =	swait.ge [sflag:s23], $0x1  }
0xa3: {  	[sflag:s23] =	ssyncset.done $0x0  }
0xa4: {  	[sflag:s23] =	ssyncadd.s32 $0xFFFFFFFF  }
0xa5: {  	s4 =	sld [smem:$0x0]  }
0xa6: {  	s5 =	sand.u32 $0xFFFFFFFE, s1  }
0xa7: {  	p0 =	sne.s32 s1, s5  }
0xa8: {  	s5 =	sshll.u32 @p0 s5, $0xE  }
0xa9: {  	s5 =	sadd.s32 @p0 $0x11B8D, s5;
	s6 =	sshll.u32 @p0 s4, $0x11  }
0xaa: {  	s5 =	sor.u32 @p0 s6, s5  }
0xab: {  	[sflag:s5] =	ssyncadd.remote.s32 @p0 $0x1;
	_ =	sdelay $0x1  }
0xac: {  	s5 =	simm.s32 @p0 $0x1B8D  }
0xad: {  	_ =	swait.eq @p0 [sflag:s5], $0x1  }
0xae: {  	[sflag:s5] =	ssyncadd.s32 @p0 $0xFFFFFFFF  }
0xaf: {  	s6 =	sshll.u32 @!p0 s1, $0xE  }
0xb0: {  	s6 =	sor.u32 @!p0 $0x4000, s6;
	s5 =	simm.s32 @!p0 $0x1B8D  }
0xb1: {  	s4 =	sshll.u32 @!p0 s4, $0x11;
	s6 =	sadd.s32 @!p0 $0x11B8D, s6;
	_ =	swait.eq @!p0 [sflag:s5], $0x1  }
0xb2: {  	s4 =	sor.u32 @!p0 s4, s6;
	[sflag:s5] =	ssyncadd.s32 @!p0 $0xFFFFFFFF  }
0xb3: {  	s25 =	simm.s32 $0x1B8E;
	s24 =	sld [smem:$0x3FFE];
	[sflag:s4] =	ssyncadd.remote.s32 @!p0 $0x1  }
0xb4: {  	s26 =	simm.s32 $execute0_lowered;
	[smem:$0x3FD2] =	sst s25  }
0xb5: {  	s5 =	sshll.u32 s26, $0x1;
	_ =	strace $0x8000004F;
	[dreg:$0x1] =	wrdreg $0xFFFFFFFF  }
0xb6: {  	s28 =	simm.s32 $_size_execute0_lowered;
	s3 =	sadd.s32 s3, s5;
	[dreg:$0x0] =	wrdreg $0x0  }
0xb7: {  	s5 =	sshll.u32 s28, $0x1;
	[dreg:$0x2] =	wrdreg s3  }
0xb8: {  	[dreg:$0x3] =	wrdreg s5  }
0xb9: {  	[dreg:$0x4] =	wrdreg $0xC0  }
0xba: {  	_ =	task [dreg:s22], $0x5FFFF  }
0xbb: {  	[dreg:$0x1] =	wrdreg $0xFFFFFFFF  }
0xbc: {  	[dreg:$0x0] =	wrdreg $0x60  }
0xbd: {  	[dreg:$0x2] =	wrdreg s24  }
0xbe: {  	[dreg:$0x3] =	wrdreg $0x9  }
0xbf: {  	_ =	task.clear_ibuf [dreg:s22], $0x4FFFF;
	_ =	strace $0x9000004F  }
0xc0: {  	s29 =	simm.s32 $0x9;
	_ =	strace $0x80000051  }
0xc1: {  	_ =	swait.ge [sflag:s29], $0x1  }
0xc2: {  	[sflag:s29] =	ssyncadd.s32 $0xFFFFFFFF  }
0xc3: {  	_ =	strace $0x90000051  }
0xc4: {  	_ =	sfence  }
0xc5: {  	s30 =	sld [smem:$0x0];
	_ =	sdelay $0x2  }
0xc6: {  	s31 =	sshll.u32 s1, $0xD;
	s1 =	sshrl.u32 s1, $0x2  }
0xc7: {  	s4 =	sand.u32 $0x4000, s31;
	s1 =	sadd.s32 s1, s30  }
0xc8: {  	s0 =	sor.u32 s4, s0;
	s1 =	sshll.u32 s1, $0x11  }
0xc9: {  	s0 =	sor.u32 s1, s0  }
0xca: {  	s0 =	sadd.s32 $0x8F2B, s0  }
0xcb: {  	[sflag:s0] =	ssyncadd.remote.s32 $0x1  }
0xcc: {  	_ =	sfence.sel $0xFFFF  }
0xcd: {  	[dreg:$0x0] =	wrdreg $0xFFFFFFFF;
	(pc) =	sbr.abs _section_cstart, $3  }
0xce: {  	[dreg:$0x1] =	wrdreg $0xFFFFFFFF  }
0xcf: {  	_ =	task.clear_ibuf [dreg:s22], $0x2FFFF;
	_ =	strace $0x9FFFFFFF  }
0xd0: {  	(tm) =	ssettm $0x7FFFFFFF  }
0xd1: {  	_ =	shalt  }
tec
execute0_lowered:
.L_overlay_start_1:
0x0: {  	(tag) =	ssettag $0x1  }
0x1: {  	s0 =	rddreg [dreg:$0x0]  }
0x2: {  	s1 =	simm.s32 $0x0;
	s3 =	srdreg.scid;
	s8 =	stileid.u32  }
0x3: {  	s15 =	simm.s32 $0x10000;
	s17 =	simm.s32 $0x11000;
	[smem:$0x7FF] =	sst s1  }
0x4: {  	s18 =	simm.s32 $0x1;
	s2 =	sadd.s32 $0x1D2A00, s0;
	s5 =	sadd.s32 $0x252A00, s0  }
0x5: {  	s4 =	sand.u32 $0x1, s3;
	s6 =	sshll.u32 s8, $0x1;
	s3 =	sadd.s32 $0x262A00, s0  }
0x6: {  	s8 =	sshrl.u32 s8, $0x3;
	_ =	strace $0x80000050;
	s19 =	ssub.s32 $0x2, s4  }
0x7: {  	s6 =	sand.u32 $0xE, s6;
	s10 =	sshll.u32 s8, $0x15;
	s7 =	sshrl.u32 s19, $0x1  }
0x8: {  	s8 =	sshll.u32 s8, $0x12;
	s6 =	sor.u32 s4, s6;
	s0 =	ssub.s32 s19, s7  }
0x9: {  	s20 =	sshll.u32 s6, $0x7;
	s4 =	sshll.u32 s6, $0x11;
	s9 =	sshll.u32 s6, $0xE  }
0xa: {  	s6 =	sshll.u32 s6, $0x4;
	s19 =	simm.s32 $0x3;
	s11 =	sor.u32 s10, s4  }
0xb: {  	s4 =	sor.u32 s8, s9;
	s6 =	sor.u32 $0x4, s6;
	s25 =	sor.u32 $0x40, s20  }
0xc: {  	s7 =	sor.u32 $0x60, s20;
	s0 =	smax.u32 s0, $0x1;
	s20 =	simm.s32 $0x12000  }
0xd: {  	s21 =	sshrl.u32 s11, $0x3;
	s22 =	sshrl.u32 s4, $0x3;
	s24 =	sshll.u32 s6, $0xD  }
0xe: {  	s6 =	sshll.u32 s6, $0xA;
	s12 =	sshll.u32 s25, $0xA;
	s29 =	sshll.u32 s25, $0x7  }
0xf: {  	s30 =	sshll.u32 s7, $0xA;
	s7 =	sshll.u32 s7, $0x7;
	[dreg:$0x6] =	wrdreg s0  }
0x10: {  	s14 =	sor.u32 $0x1000, s4;
	s9 =	sadd.s32 s2, s21;
	s23 =	sadd.s32 s5, s22  }
0x11: {  	s6 =	sor.u32 s8, s6;
	s26 =	sor.u32 s10, s12;
	s7 =	sor.u32 s8, s7  }
0x12: {  	s21 =	simm.s32 $0x2;
	s22 =	simm.s32 $0x4;
	[dreg:$0x2] =	wrdreg s9  }
0x13: {  	[dreg:$0x3] =	wrdreg s23;
	s9 =	sor.u32 s10, s24;
	s6 =	sshrl.u32 s6, $0x3  }
0x14: {  	s28 =	sshrl.u32 s26, $0x3;
	s10 =	sor.u32 s10, s30;
	s31 =	sshrl.u32 s7, $0x3  }
.Ltmp0:
0x15: {  	s23 =	simm.s32 $0x13000;
	s9 =	sshrl.u32 s9, $0x3;
	(pc) =	sbr.rel .LBB2_1-.Ltmp0, $4  }
0x16: {  	s6 =	sadd.s32 s5, s6;
	s11 =	sshrl.u32 s10, $0x3;
	s12 =	sadd.s32 s5, s31  }
0x17: {  	v0 =	vlaneseq.u32;
	s9 =	sadd.s32 s2, s9;
	[dreg:$0x5] =	wrdreg s6;
	s6 =	sor.u32 s8, s29  }
0x18: {  	v1 =	vor.u32 $0x400, v0;
	s11 =	sadd.s32 s2, s11;
	[dreg:$0x4] =	wrdreg s9;
	s6 =	sshrl.u32 s6, $0x3  }
0x19: {  	v2 =	vor.u32 $0x10, v0;
	v3 =	vor.u32 $0x20, v0;
	v4 =	vor.u32 $0x30, v0;
	s9 =	sadd.s32 s2, s28;
	s10 =	sadd.s32 s5, s6;
	s5 =	simm.s32 $0x0  }
.LBB2_12:
0x1a: {  	s0 =	sadd.s32 s3, s0;
	s30 =	simm.s32 $0x5  }
0x1b: {  	[hbm4b:s0+s1] =	stream.linear.scatter [tilespmem:s23], [sflag:$0x6], $0x1000, $0x38;
	[tilespmem:$0x14000] =	vst v63  }
0x1c: {  	_ =	swait.ge [sflag:s30], $0x1000  }
0x1d: {  	[sflag:s30] =	ssyncset.done $0x0  }
0x1e: {  	s2 =	simm.s32 $0x6;
	[sflag:s30] =	ssyncadd.s32 $0xFFFFF000  }
0x1f: {  	_ =	swait.ge [sflag:s2], $0x1000  }
0x20: {  	s5 =	rddreg [dreg:$0x7]  }
0x21: {  	s31 =	rddreg [dreg:$0x6];
	s5 =	sadd.s32 $0x1, s5  }
0x22: {  	p0 =	sne.s32 s5, s31  }
.Ltmp1:
0x23: {  	_ = 	snop;
	(pc) =	sbr.rel @!p0 .LBB2_13-.Ltmp1, $3  }
0x24: {  	_ =	sdelay $0x1  }
0x25: {  	[sflag:s2] =	ssyncset.done $0x0  }
0x26: {  	[sflag:s2] =	ssyncadd.s32 $0xFFFFF000  }
.LBB2_1:
0x27: {  	[dreg:$0x7] =	wrdreg s5  }
0x28: {  	s0 =	rddreg [dreg:$0x2]  }
0x29: {  	[tilespmem:s1], [sflag:$0x1] =	stream.linear.gather [hbm4b:s0+s1], $0x8000, $0x38;
	[tilespmem:$0x14000] =	vst v63  }
0x2a: {  	s29 =	rddreg [dreg:$0x3]  }
0x2b: {  	[tilespmem:s15], [sflag:$0x3] =	stream.linear.gather [hbm4b:s29+s1], $0x1000, $0x38;
	[tilespmem:$0x14000] =	vst v63  }
0x2c: {  	s30 =	rddreg [dreg:$0x4];
	s2 =	simm.s32 $0x8000  }
0x2d: {  	[tilespmem:s2], [sflag:$0x2] =	stream.linear.gather [hbm4b:s30+s1], $0x8000, $0x38;
	[tilespmem:$0x14000] =	vst v63  }
0x2e: {  	s31 =	rddreg [dreg:$0x5];
	p0 =	por $0x1, $0x1;
	s28 =	simm.s32 $0x0  }
0x2f: {  	[tilespmem:s17], [sflag:$0x4] =	stream.linear.gather [hbm4b:s31+s1], $0x1000, $0x38;
	[tilespmem:$0x14000] =	vst v63  }
.LBB2_2:
0x30: {  	_ =	swait.ge [sflag:s18], $0x8000  }
0x31: {  	[sflag:s18] =	ssyncset.done $0x0  }
0x32: {  	[sflag:s18] =	ssyncadd.s32 $0xFFFF8000  }
0x33: {  	_ =	swait.ge [sflag:s19], $0x1000  }
0x34: {  	[sflag:s19] =	ssyncset.done $0x0  }
0x35: {  	s0 =	simm.s32 @!p0 $0x5;
	[sflag:s19] =	ssyncadd.s32 $0xFFFFF000  }
0x36: {  	_ =	swait.ge @!p0 [sflag:s0], $0x1000  }
0x37: {  	s29 =	simm.s32 $0x0;
	s30 =	simm.s32 $0x0;
	[sflag:s0] =	ssyncset.done @!p0 $0x0  }
0x38: {  	s31 =	simm.s32 $0x0;
	[sflag:s0] =	ssyncadd.s32 @!p0 $0xFFFFF000;
	s0 =	simm.s32 $0x0  }
.LBB2_3:
0x39: {  	s2 =	sshll.u32 s31, $0x2;
	s5 =	sand.u32 $0x7, s30  }
0x3a: {  	s2 =	sand.u32 $0xFFFF8000, s2;
	s5 =	sshll.u32 s5, $0x9  }
0x3b: {  	s2 =	sor.u32 s5, s2  }
0x3c: {  	s2 =	sshrl.u32 s2, $0x2  }
0x3d: {  	s13 =	sor.u32 $0x40, s2  }
0x3e: {  	v11 =	vld [tilespmem:s13+$0xFFFFFFC0]  }
0x3f: {  	v5 =	vmov s0;
	v13 =	vld [tilespmem:s13+$0x30]  }
0x40: {  	s6 =	simm.s32 $0x10;
	v16 =	vor.u32 s29, v1;
	s8 =	simm.s32 $0x70;
	v19 =	vor.u32 s29, v0;
	v5 =	vshll.u32 v5, $0x7;
	v7 =	vld [tilespmem:s13+$0xFFFFFFF0]  }
0x41: {  	s7 =	simm.s32 $0x40;
	s24 =	simm.s32 $0x60;
	v8 =	vor.u32 s6, v0;
	v20 =	vor.u32 s8, v0;
	v24 =	vor.u32 s8, v1;
	v22 =	vld [tilespmem:s13+$0xFFFFFFE0]  }
0x42: {  	v21 =	vor.u32 s7, v1;
	v58 =	vor.u32 s24, v0;
	v59 =	vor.u32 s7, v0;
	s5 =	simm.s32 $0x20;
	s2 =	simm.s32 $0x50;
	v12 =	vld [tilespmem:s13+$0x0]  }
0x43: {  	v5 =	vbroadcast v5, $0x0;
	v14 =	vor.u32 s5, v0;
	v6 =	vor.u32 s2, v0;
	v23 =	vld [tilespmem:s13+$0x10]  }
0x44: {  	v25 =	vld [tilespmem:s13+$0xFFFFFFD0];
	v9 =	vand.u32 $0x8000, v11;
	v15 =	vshrl.u32 v11, $0x10;
	v17 =	vand.u32 $0xFF80, v11  }
0x45: {  	v29 =	vld [tilespmem:s13+$0x20];
	v18 =	vand.u32 $0x7F, v11;
	v26 =	vand.u32 $0xFF80, v13;
	v10 =	vand.u32 $0x8000, v7  }
0x46: {  	v27 =	vshrl.u32 v7, $0x10;
	v28 =	vand.u32 $0xFF80, v7;
	v30 =	vand.u32 $0x8000, v22  }
0x47: {  	v31 =	vand.u32 $0x8000, v12;
	v32 =	vshrl.u32 v12, $0x10;
	v33 =	vshrl.u32 v22, $0x10  }
0x48: {  	v34 =	vand.u32 $0xFF80, v22;
	v35 =	vand.u32 $0xFF80, v12;
	v37 =	vand.u32 $0x7F, v12  }
0x49: {  	v38 =	vshrl.u32 v23, $0x10;
	v39 =	vshrl.u32 v25, $0x10;
	v40 =	vand.u32 $0x7F, v22  }
0x4a: {  	v41 =	vand.u32 $0x8000, v29;
	vm0 =	vgt.s32 v29, $0xFFFFFFFF;
	v42 =	vand.u32 $0x7F, v23  }
0x4b: {  	v43 =	vshrl.u32 v29, $0x10;
	v44 =	vand.u32 $0x8000, v25;
	v45 =	vand.u32 $0xFF80, v29  }
0x4c: {  	v47 =	vand.u32 $0xFF80, v23;
	v48 =	vand.u32 $0x7F, v25;
	v53 =	vand.u32 $0x7F, v7  }
0x4d: {  	v54 =	vand.u32 $0xFF80, v25;
	v56 =	vand.u32 $0x8000, v23;
	v29 =	vand.u32 $0x7F, v29  }
0x4e: {  	vm7 =	vgt.s32 v12, $0xFFFFFFFF;
	v60 =	vand.u32 $0x8000, v13;
	v61 =	vshrl.u32 v13, $0x10  }
0x4f: {  	vm9 =	vgt.s32 v13, $0xFFFFFFFF;
	v36 =	vand.u32 $0x7F, v33;
	vm2 =	veq.s32 v30, $0x0  }
0x50: {  	v62 =	vand.u32 $0xFF80, v32;
	v35 =	vadd.s32 v5, v35;
	v46 =	vand.u32 $0x7F, v43  }
0x51: {  	v34 =	vadd.s32 v5, v34;
	v43 =	vand.u32 $0xFF80, v43;
	v33 =	vand.u32 $0xFF80, v33  }
0x52: {  	v63 =	vand.u32 $0xFF80, v38;
	vm3 =	veq.s32 v9, $0x0;
	v52 =	vadd.s32 v5, v47  }
0x53: {  	vm1 =	veq.s32 v10, $0x0;
	v32 =	vand.u32 $0x7F, v32;
	v55 =	vadd.s32 v5, v45  }
0x54: {  	vm4 =	veq.s32 v31, $0x0;
	v17 =	vadd.s32 v5, v17;
	vm5 =	veq.s32 v41, $0x0  }
0x55: {  	v12 =	vand.u32 $0xFF80, v15;
	vm8 =	veq.s32 v60, $0x0;
	v26 =	vadd.s32 v5, v26  }
0x56: {  	v15 =	vand.u32 $0x7F, v15;
	v34 =	vor.u32 v40, v34;
	v33 =	vadd.s32 v5, v33  }
0x57: {  	v43 =	vadd.s32 v5, v43;
	v10 =	vor.u32 v42, v52;
	v57 =	vor.u32 v37, v35  }
0x58: {  	v30 =	vadd.s32 v5, v62;
	v29 =	vor.u32 v29, v55;
	v17 =	vor.u32 v18, v17  }
0x59: {  	v62 =	vand.u32 $0x7F, v13;
	v12 =	vadd.s32 v5, v12;
	v63 =	vadd.s32 v5, v63  }
0x5a: {  	v9 =	vor.u32 v36, v33;
	v33 =	vadd.s32 v5, v54;
	v30 =	vor.u32 v32, v30  }
0x5b: {  	[tilespmem:v34+s20+$0x0] =	vst.idx.msk vm2, v14;
	vm2 =	vgt.s32 v11, $0xFFFFFFFF;
	v11 =	vor.u32 v62, v26;
	v14 =	vand.u32 $0xFF80, v61  }
0x5c: {  	v13 =	vand.u32 $0x7F, v61;
	v12 =	vor.u32 v15, v12;
	[tilespmem:v57+s20+$0x0] =	vst.idx.msk vm4, v59;
	v14 =	vadd.s32 v5, v14  }
0x5d: {  	vm6 =	veq.s32 v44, $0x0;
	v15 =	vadd.s32 v5, v28;
	[tilespmem:v29+s20+$0x0] =	vst.idx.msk vm5, v58;
	v13 =	vor.u32 v13, v14  }
0x5e: {  	v18 =	vor.u32 v48, v33;
	[tilespmem:v17+s20+$0x0] =	vst.idx.msk vm3, v19;
	vm5 =	veq.s32 v56, $0x0;
	v17 =	vand.u32 $0x7F, v38  }
0x5f: {  	v19 =	vand.u32 $0x7F, v39;
	[tilespmem:v30+s20+$0x0] =	vst.idx.msk vm7, v21;
	v21 =	vor.u32 v53, v15;
	v14 =	vand.u32 $0xFF80, v39  }
0x60: {  	vm4 =	vgt.s32 v23, $0xFFFFFFFF;
	v15 =	vor.u32 v46, v43;
	v14 =	vadd.s32 v5, v14;
	[tilespmem:v11+s20+$0x0] =	vst.idx.msk vm8, v20  }
0x61: {  	s25 =	simm.s32 $0x30;
	vm3 =	vgt.s32 v25, $0xFFFFFFFF;
	v19 =	vor.u32 v19, v14;
	v20 =	vor.u32 v17, v63;
	[tilespmem:v12+s20+$0x0] =	vst.idx.msk vm2, v16  }
0x62: {  	s7 =	simm.s32 $0x0;
	s8 =	simm.s32 $0x80;
	s13 =	sadd.s32 $0x400, s13;
	v17 =	vand.u32 $0xFF80, v27;
	v11 =	vand.u32 $0x7F, v27;
	vm2 =	vgt.s32 v22, $0xFFFFFFFF;
	[tilespmem:v13+s20+$0x0] =	vst.idx.msk vm9, v24  }
.LBB2_4:
0x63: {  	[tilespmem:v18+s20+$0x0] =	vst.idx.msk vm6, v8;
	v18 =	vor.u32 s25, v1  }
0x64: {  	v13 =	vld [tilespmem:s13+$0xFFFFFFC0];
	s26 =	sadd.s32 $0x50, s8;
	s7 =	sadd.s32 $0x8, s7;
	vm6 =	vgt.s32 v7, $0xFFFFFFFF;
	v7 =	vadd.s32 v5, v17;
	v8 =	vor.u32 s25, v0  }
0x65: {  	s16 =	sadd.s32 $0x20, s8;
	v14 =	vor.u32 s2, v1;
	v22 =	vld [tilespmem:s13+$0x0];
	p1 =	slt.u32 s7, $0x38;
	v23 =	vor.u32 v11, v7;
	[tilespmem:v10+s20+$0x0] =	vst.idx.msk vm5, v6;
	v6 =	vor.u32 s26, v0  }
0x66: {  	v24 =	vor.u32 s16, v0;
	v17 =	vld [tilespmem:s13+$0x30];
	[tilespmem:v21+s20+$0x0] =	vst.idx.msk vm1, v8;
	v8 =	vor.u32 s24, v1  }
0x67: {  	v10 =	vor.u32 s5, v1;
	s2 =	smov.u32 s26;
	s5 =	smov.u32 s16;
	v11 =	vor.u32 s8, v1;
	s24 =	sadd.s32 $0x10, s8;
	v7 =	vld [tilespmem:s13+$0xFFFFFFF0];
	[tilespmem:v15+s20+$0x0] =	vst.idx.msk vm0, v8  }
0x68: {  	v8 =	vor.u32 s24, v0;
	v15 =	vor.u32 s6, v1;
	s6 =	smov.u32 s24;
	v12 =	vld [tilespmem:s13+$0xFFFFFFE0];
	[tilespmem:v20+s20+$0x0] =	vst.idx.msk vm4, v14  }
0x69: {  	s16 =	sadd.s32 $0x70, s8;
	v20 =	vand.u32 $0x8000, v13;
	v21 =	vshrl.u32 v13, $0x10;
	v25 =	vand.u32 $0xFF80, v13;
	v14 =	vld [tilespmem:s13+$0xFFFFFFD0];
	[tilespmem:v19+s20+$0x0] =	vst.idx.msk vm3, v15  }
0x6a: {  	s25 =	sadd.s32 $0x40, s8;
	v26 =	vor.u32 s16, v0;
	v16 =	vor.u32 s16, v1;
	v19 =	vor.u32 s8, v0;
	v15 =	vld [tilespmem:s13+$0x10];
	[tilespmem:v9+s20+$0x0] =	vst.idx.msk vm2, v10  }
0x6b: {  	v28 =	vor.u32 s25, v1;
	v27 =	vand.u32 $0x7F, v13;
	v29 =	vand.u32 $0xFF80, v17;
	[tilespmem:v23+s20+$0x0] =	vst.idx.msk vm6, v18  }
0x6c: {  	v10 =	vand.u32 $0x8000, v7;
	v23 =	vshrl.u32 v7, $0x10;
	v30 =	vand.u32 $0xFF80, v7;
	v18 =	vld [tilespmem:s13+$0x20]  }
0x6d: {  	v31 =	vand.u32 $0x8000, v22;
	v32 =	vshrl.u32 v22, $0x10;
	v9 =	vand.u32 $0x8000, v12  }
0x6e: {  	v35 =	vand.u32 $0xFF80, v22;
	v33 =	vshrl.u32 v12, $0x10;
	v34 =	vand.u32 $0xFF80, v12  }
0x6f: {  	v37 =	vand.u32 $0x7F, v22;
	v36 =	vand.u32 $0x7F, v33;
	v38 =	vshrl.u32 v15, $0x10  }
0x70: {  	v40 =	vand.u32 $0xFF80, v32;
	v39 =	vshrl.u32 v14, $0x10;
	vm3 =	veq.s32 v9, $0x0  }
0x71: {  	v9 =	vand.u32 $0x7F, v12;
	v41 =	vand.u32 $0x8000, v18;
	vm0 =	vgt.s32 v18, $0xFFFFFFFF  }
0x72: {  	v35 =	vadd.s32 v5, v35;
	v42 =	vand.u32 $0x7F, v15;
	v43 =	vshrl.u32 v18, $0x10  }
0x73: {  	v44 =	vand.u32 $0x8000, v14;
	v45 =	vand.u32 $0xFF80, v18;
	v46 =	vand.u32 $0x7F, v43  }
0x74: {  	v34 =	vadd.s32 v5, v34;
	v47 =	vand.u32 $0xFF80, v15;
	v43 =	vand.u32 $0xFF80, v43  }
0x75: {  	v34 =	vor.u32 v9, v34;
	v9 =	vand.u32 $0xFF80, v33;
	v33 =	vand.u32 $0xFF80, v38  }
0x76: {  	v48 =	vand.u32 $0x7F, v14;
	v9 =	vadd.s32 v5, v9;
	v43 =	vadd.s32 v5, v43  }
0x77: {  	vm2 =	veq.s32 v20, $0x0;
	v20 =	vadd.s32 v5, v47;
	v9 =	vor.u32 v36, v9  }
0x78: {  	vm1 =	veq.s32 v10, $0x0;
	v36 =	vand.u32 $0x7F, v7;
	v10 =	vor.u32 v42, v20  }
0x79: {  	v32 =	vand.u32 $0x7F, v32;
	v20 =	vand.u32 $0xFF80, v14;
	v42 =	vadd.s32 v5, v45  }
0x7a: {  	v18 =	vand.u32 $0x7F, v18;
	v20 =	vadd.s32 v5, v20;
	[tilespmem:v34+s20+$0x0] =	vst.idx.msk vm3, v24;
	v24 =	vand.u32 $0x8000, v15  }
0x7b: {  	vm4 =	veq.s32 v31, $0x0;
	v31 =	vadd.s32 v5, v40;
	v34 =	vor.u32 v18, v42  }
0x7c: {  	vm5 =	veq.s32 v41, $0x0;
	v18 =	vadd.s32 v5, v25;
	v25 =	vor.u32 v32, v31  }
0x7d: {  	s24 =	sadd.s32 $0x60, s8;
	vm7 =	vgt.s32 v22, $0xFFFFFFFF;
	v31 =	vor.u32 v37, v35;
	v27 =	vor.u32 v27, v18  }
0x7e: {  	v22 =	vand.u32 $0xFF80, v21;
	v18 =	vor.u32 v48, v20;
	v20 =	vor.u32 s24, v0  }
0x7f: {  	v32 =	vor.u32 s25, v0;
	v35 =	vand.u32 $0x8000, v17;
	v37 =	vshrl.u32 v17, $0x10  }
0x80: {  	v29 =	vadd.s32 v5, v29;
	vm8 =	veq.s32 v35, $0x0;
	v35 =	vand.u32 $0x7F, v17  }
0x81: {  	vm3 =	vgt.s32 v13, $0xFFFFFFFF;
	v13 =	vor.u32 v35, v29;
	v29 =	vand.u32 $0xFF80, v37  }
0x82: {  	vm9 =	vgt.s32 v17, $0xFFFFFFFF;
	v17 =	vand.u32 $0x7F, v37;
	v29 =	vadd.s32 v5, v29;
	[tilespmem:v31+s20+$0x0] =	vst.idx.msk vm4, v32  }
0x83: {  	v21 =	vand.u32 $0x7F, v21;
	v22 =	vadd.s32 v5, v22;
	v29 =	vor.u32 v17, v29;
	[tilespmem:v34+s20+$0x0] =	vst.idx.msk vm5, v20  }
0x84: {  	v22 =	vor.u32 v21, v22;
	vm6 =	veq.s32 v44, $0x0;
	v17 =	vand.u32 $0xFF80, v39;
	[tilespmem:v25+s20+$0x0] =	vst.idx.msk vm7, v28  }
.Ltmp2:
0x85: {  	v20 =	vadd.s32 v5, v30;
	vm5 =	veq.s32 v24, $0x0;
	v24 =	vand.u32 $0x7F, v38;
	[tilespmem:v27+s20+$0x0] =	vst.idx.msk vm2, v19;
	(pc) =	sbr.rel @p1 .LBB2_4-.Ltmp2, $4  }
0x86: {  	v17 =	vadd.s32 v5, v17;
	v25 =	vadd.s32 v5, v33;
	v19 =	vand.u32 $0x7F, v39;
	[tilespmem:v13+s20+$0x0] =	vst.idx.msk vm8, v26  }
0x87: {  	v21 =	vor.u32 v36, v20;
	v20 =	vor.u32 v24, v25;
	v19 =	vor.u32 v19, v17  }
0x88: {  	vm4 =	vgt.s32 v15, $0xFFFFFFFF;
	v15 =	vor.u32 v46, v43;
	v17 =	vand.u32 $0xFF80, v23;
	[tilespmem:v29+s20+$0x0] =	vst.idx.msk vm9, v16  }
0x89: {  	s13 =	sadd.s32 $0x400, s13;
	s25 =	sadd.s32 $0x30, s8;
	s8 =	sadd.s32 $0x80, s8;
	vm2 =	vgt.s32 v12, $0xFFFFFFFF;
	[tilespmem:v22+s20+$0x0] =	vst.idx.msk vm3, v11;
	vm3 =	vgt.s32 v14, $0xFFFFFFFF;
	v11 =	vand.u32 $0x7F, v23  }
0x8a: {  	_ =	sdelay $0x4  }
0x8b: {  	[tilespmem:v18+s20+$0x0] =	vst.idx.msk vm6, v8  }
0x8c: {  	vm11 =	vgt.s32 v7, $0xFFFFFFFF;
	v7 =	vadd.s32 v5, v17;
	v61 =	vor.u32 s25, v0;
	[tilespmem:v10+s20+$0x0] =	vst.idx.msk vm5, v6  }
0x8d: {  	v62 =	vor.u32 s2, v1;
	v6 =	vor.u32 v11, v7;
	[tilespmem:v21+s20+$0x0] =	vst.idx.msk vm1, v61  }
0x8e: {  	v63 =	vor.u32 s5, v1;
	[tilespmem:v20+s20+$0x0] =	vst.idx.msk vm4, v62  }
0x8f: {  	v7 =	vor.u32 s24, v1;
	[tilespmem:v9+s20+$0x0] =	vst.idx.msk vm2, v63  }
0x90: {  	[tilespmem:v15+s20+$0x0] =	vst.idx.msk vm0, v7;
	v7 =	vor.u32 s6, v1  }
0x91: {  	[tilespmem:v19+s20+$0x0] =	vst.idx.msk vm3, v7;
	v7 =	vor.u32 s25, v1  }
0x92: {  	[tilespmem:v6+s20+$0x0] =	vst.idx.msk vm11, v7  }
0x93: {  	s26 =	sshll.u32 s0, $0x7;
	v6 =	vld.idx.msk [tilespmem:v5+s15+$0x0], $0xffff  }
0x94: {  	s2 =	sand.u32 $0x3FFFFF80, s26;
	v5 =	vld.idx.msk [tilespmem:v5+s20+$0x0], $0xffff  }
0x95: {  	v7 =	vld [tilespmem:s2+$0x12000]  }
0x96: {  	v8 =	vld [tilespmem:s2+$0x12010]  }
0x97: {  	v9 =	vld [tilespmem:s2+$0x12020]  }
0x98: {  	s0 =	sadd.s32 $0x1, s0;
	v10 =	vld [tilespmem:s2+$0x12030]  }
0x99: {  	p1 =	sne.s32 s0, $0x20;
	vm12 =	vgt.s32 v6, v0  }
.Ltmp3:
0x9a: {  	vm13 =	vgt.s32 v6, v2;
	v7 =	vsel vm12, v7, v5;
	(pc) =	sbr.rel @p1 .LBB2_3-.Ltmp3, $4  }
0x9b: {  	vm14 =	vgt.s32 v6, v3;
	[tilespmem:s2+$0x12000] =	vst v7;
	v7 =	vsel vm13, v8, v5  }
0x9c: {  	vm15 =	vgt.s32 v6, v4;
	[tilespmem:s2+$0x12010] =	vst v7;
	v7 =	vsel vm14, v9, v5  }
0x9d: {  	v5 =	vsel vm15, v10, v5;
	[tilespmem:s2+$0x12020] =	vst v7  }
0x9e: {  	s31 =	sadd.s32 $0x400, s31;
	s30 =	sadd.s32 $0x1, s30;
	[tilespmem:s2+$0x12030] =	vst v5  }
0x9f: {  	s0 =	simm.s32 @p0 $0x0  }
0xa0: {  	[tilespmem:s0], [sflag:$0x1] =	stream.linear.gather @p0 [hbm4b:s9+s0], $0x8000, $0x38;
	[tilespmem:$0x14000] =	vst v63  }
0xa1: {  	s2 =	simm.s32 @p0 $0x10000;
	s26 =	sor.u32 s4, s28  }
0xa2: {  	[tilespmem:s2], [sflag:$0x3] =	stream.linear.gather @p0 [hbm4b:s10+s0], $0x1000, $0x38;
	[tilespmem:$0x14000] =	vst v63  }
0xa3: {  	s0 =	sshrl.u32 s26, $0x3  }
0xa4: {  	s0 =	sadd.s32 s3, s0  }
0xa5: {  	[hbm4b:s0+s1] =	stream.linear.scatter [tilespmem:s20], [sflag:$0x5], $0x1000, $0x38;
	[tilespmem:$0x14000] =	vst v63  }
0xa6: {  	_ =	swait.ge [sflag:s21], $0x8000  }
0xa7: {  	[sflag:s21] =	ssyncset.done $0x0  }
0xa8: {  	[sflag:s21] =	ssyncadd.s32 $0xFFFF8000  }
0xa9: {  	_ =	swait.ge [sflag:s22], $0x1000  }
0xaa: {  	[sflag:s22] =	ssyncset.done $0x0  }
0xab: {  	s0 =	simm.s32 @!p0 $0x6;
	[sflag:s22] =	ssyncadd.s32 $0xFFFFF000  }
0xac: {  	_ =	swait.ge @!p0 [sflag:s0], $0x1000  }
0xad: {  	s29 =	simm.s32 $0x0;
	s30 =	simm.s32 $0x0;
	[sflag:s0] =	ssyncset.done @!p0 $0x0  }
0xae: {  	s31 =	simm.s32 $0x0;
	[sflag:s0] =	ssyncadd.s32 @!p0 $0xFFFFF000;
	s0 =	simm.s32 $0x0  }
.LBB2_7:
0xaf: {  	s2 =	sshll.u32 s31, $0x2;
	s5 =	sand.u32 $0x7, s30  }
0xb0: {  	s2 =	sand.u32 $0xFFFF8000, s2;
	s5 =	sshll.u32 s5, $0x9  }
0xb1: {  	s2 =	sor.u32 s5, s2  }
0xb2: {  	s2 =	sshrl.u32 s2, $0x2  }
0xb3: {  	s13 =	sadd.s32 $0x8040, s2  }
0xb4: {  	v11 =	vld [tilespmem:s13+$0xFFFFFFC0]  }
0xb5: {  	v5 =	vmov s0;
	v13 =	vld [tilespmem:s13+$0x30]  }
0xb6: {  	s6 =	simm.s32 $0x10;
	v16 =	vor.u32 s29, v1;
	s8 =	simm.s32 $0x70;
	v19 =	vor.u32 s29, v0;
	v5 =	vshll.u32 v5, $0x7;
	v7 =	vld [tilespmem:s13+$0xFFFFFFF0]  }
0xb7: {  	s7 =	simm.s32 $0x40;
	s24 =	simm.s32 $0x60;
	v8 =	vor.u32 s6, v0;
	v20 =	vor.u32 s8, v0;
	v24 =	vor.u32 s8, v1;
	v22 =	vld [tilespmem:s13+$0xFFFFFFE0]  }
0xb8: {  	v21 =	vor.u32 s7, v1;
	v58 =	vor.u32 s24, v0;
	v59 =	vor.u32 s7, v0;
	s5 =	simm.s32 $0x20;
	s2 =	simm.s32 $0x50;
	v12 =	vld [tilespmem:s13+$0x0]  }
0xb9: {  	v5 =	vbroadcast v5, $0x0;
	v14 =	vor.u32 s5, v0;
	v6 =	vor.u32 s2, v0;
	v23 =	vld [tilespmem:s13+$0x10]  }
0xba: {  	v25 =	vld [tilespmem:s13+$0xFFFFFFD0];
	v9 =	vand.u32 $0x8000, v11;
	v15 =	vshrl.u32 v11, $0x10;
	v17 =	vand.u32 $0xFF80, v11  }
0xbb: {  	v29 =	vld [tilespmem:s13+$0x20];
	v18 =	vand.u32 $0x7F, v11;
	v26 =	vand.u32 $0xFF80, v13;
	v10 =	vand.u32 $0x8000, v7  }
0xbc: {  	v27 =	vshrl.u32 v7, $0x10;
	v28 =	vand.u32 $0xFF80, v7;
	v30 =	vand.u32 $0x8000, v22  }
0xbd: {  	v31 =	vand.u32 $0x8000, v12;
	v32 =	vshrl.u32 v12, $0x10;
	v33 =	vshrl.u32 v22, $0x10  }
0xbe: {  	v34 =	vand.u32 $0xFF80, v22;
	v35 =	vand.u32 $0xFF80, v12;
	v37 =	vand.u32 $0x7F, v12  }
0xbf: {  	v38 =	vshrl.u32 v23, $0x10;
	v39 =	vshrl.u32 v25, $0x10;
	v40 =	vand.u32 $0x7F, v22  }
0xc0: {  	v41 =	vand.u32 $0x8000, v29;
	vm0 =	vgt.s32 v29, $0xFFFFFFFF;
	v42 =	vand.u32 $0x7F, v23  }
0xc1: {  	v43 =	vshrl.u32 v29, $0x10;
	v44 =	vand.u32 $0x8000, v25;
	v45 =	vand.u32 $0xFF80, v29  }
0xc2: {  	v47 =	vand.u32 $0xFF80, v23;
	v48 =	vand.u32 $0x7F, v25;
	v53 =	vand.u32 $0x7F, v7  }
0xc3: {  	v54 =	vand.u32 $0xFF80, v25;
	v56 =	vand.u32 $0x8000, v23;
	v29 =	vand.u32 $0x7F, v29  }
0xc4: {  	vm7 =	vgt.s32 v12, $0xFFFFFFFF;
	v60 =	vand.u32 $0x8000, v13;
	v61 =	vshrl.u32 v13, $0x10  }
0xc5: {  	vm9 =	vgt.s32 v13, $0xFFFFFFFF;
	v36 =	vand.u32 $0x7F, v33;
	vm2 =	veq.s32 v30, $0x0  }
0xc6: {  	v62 =	vand.u32 $0xFF80, v32;
	v35 =	vadd.s32 v5, v35;
	v46 =	vand.u32 $0x7F, v43  }
0xc7: {  	v34 =	vadd.s32 v5, v34;
	v43 =	vand.u32 $0xFF80, v43;
	v33 =	vand.u32 $0xFF80, v33  }
0xc8: {  	v63 =	vand.u32 $0xFF80, v38;
	vm3 =	veq.s32 v9, $0x0;
	v52 =	vadd.s32 v5, v47  }
0xc9: {  	vm1 =	veq.s32 v10, $0x0;
	v32 =	vand.u32 $0x7F, v32;
	v55 =	vadd.s32 v5, v45  }
0xca: {  	vm4 =	veq.s32 v31, $0x0;
	v17 =	vadd.s32 v5, v17;
	vm5 =	veq.s32 v41, $0x0  }
0xcb: {  	v12 =	vand.u32 $0xFF80, v15;
	vm8 =	veq.s32 v60, $0x0;
	v26 =	vadd.s32 v5, v26  }
0xcc: {  	v15 =	vand.u32 $0x7F, v15;
	v34 =	vor.u32 v40, v34;
	v33 =	vadd.s32 v5, v33  }
0xcd: {  	v43 =	vadd.s32 v5, v43;
	v10 =	vor.u32 v42, v52;
	v57 =	vor.u32 v37, v35  }
0xce: {  	v30 =	vadd.s32 v5, v62;
	v29 =	vor.u32 v29, v55;
	v17 =	vor.u32 v18, v17  }
0xcf: {  	v62 =	vand.u32 $0x7F, v13;
	v12 =	vadd.s32 v5, v12;
	v63 =	vadd.s32 v5, v63  }
0xd0: {  	v9 =	vor.u32 v36, v33;
	v33 =	vadd.s32 v5, v54;
	v30 =	vor.u32 v32, v30  }
0xd1: {  	[tilespmem:v34+s23+$0x0] =	vst.idx.msk vm2, v14;
	vm2 =	vgt.s32 v11, $0xFFFFFFFF;
	v11 =	vor.u32 v62, v26;
	v14 =	vand.u32 $0xFF80, v61  }
0xd2: {  	v13 =	vand.u32 $0x7F, v61;
	v12 =	vor.u32 v15, v12;
	[tilespmem:v57+s23+$0x0] =	vst.idx.msk vm4, v59;
	v14 =	vadd.s32 v5, v14  }
0xd3: {  	vm6 =	veq.s32 v44, $0x0;
	v15 =	vadd.s32 v5, v28;
	[tilespmem:v29+s23+$0x0] =	vst.idx.msk vm5, v58;
	v13 =	vor.u32 v13, v14  }
0xd4: {  	v18 =	vor.u32 v48, v33;
	[tilespmem:v17+s23+$0x0] =	vst.idx.msk vm3, v19;
	vm5 =	veq.s32 v56, $0x0;
	v17 =	vand.u32 $0x7F, v38  }
0xd5: {  	v19 =	vand.u32 $0x7F, v39;
	[tilespmem:v30+s23+$0x0] =	vst.idx.msk vm7, v21;
	v21 =	vor.u32 v53, v15;
	v14 =	vand.u32 $0xFF80, v39  }
0xd6: {  	vm4 =	vgt.s32 v23, $0xFFFFFFFF;
	v15 =	vor.u32 v46, v43;
	v14 =	vadd.s32 v5, v14;
	[tilespmem:v11+s23+$0x0] =	vst.idx.msk vm8, v20  }
0xd7: {  	s25 =	simm.s32 $0x30;
	vm3 =	vgt.s32 v25, $0xFFFFFFFF;
	v19 =	vor.u32 v19, v14;
	v20 =	vor.u32 v17, v63;
	[tilespmem:v12+s23+$0x0] =	vst.idx.msk vm2, v16  }
0xd8: {  	s7 =	simm.s32 $0x0;
	s8 =	simm.s32 $0x80;
	s13 =	sadd.s32 $0x400, s13;
	v17 =	vand.u32 $0xFF80, v27;
	v11 =	vand.u32 $0x7F, v27;
	vm2 =	vgt.s32 v22, $0xFFFFFFFF;
	[tilespmem:v13+s23+$0x0] =	vst.idx.msk vm9, v24  }
.LBB2_8:
0xd9: {  	[tilespmem:v18+s23+$0x0] =	vst.idx.msk vm6, v8;
	v18 =	vor.u32 s25, v1  }
0xda: {  	v13 =	vld [tilespmem:s13+$0xFFFFFFC0];
	s16 =	sadd.s32 $0x50, s8;
	s7 =	sadd.s32 $0x8, s7;
	vm6 =	vgt.s32 v7, $0xFFFFFFFF;
	v7 =	vadd.s32 v5, v17;
	v8 =	vor.u32 s25, v0  }
0xdb: {  	s26 =	sadd.s32 $0x20, s8;
	v14 =	vor.u32 s2, v1;
	v22 =	vld [tilespmem:s13+$0x0];
	p1 =	slt.u32 s7, $0x38;
	v23 =	vor.u32 v11, v7;
	[tilespmem:v10+s23+$0x0] =	vst.idx.msk vm5, v6;
	v6 =	vor.u32 s16, v0  }
0xdc: {  	v24 =	vor.u32 s26, v0;
	v17 =	vld [tilespmem:s13+$0x30];
	[tilespmem:v21+s23+$0x0] =	vst.idx.msk vm1, v8;
	v8 =	vor.u32 s24, v1  }
0xdd: {  	v10 =	vor.u32 s5, v1;
	s2 =	smov.u32 s16;
	s5 =	smov.u32 s26;
	v11 =	vor.u32 s8, v1;
	s24 =	sadd.s32 $0x10, s8;
	v7 =	vld [tilespmem:s13+$0xFFFFFFF0];
	[tilespmem:v15+s23+$0x0] =	vst.idx.msk vm0, v8  }
0xde: {  	v8 =	vor.u32 s24, v0;
	v15 =	vor.u32 s6, v1;
	s6 =	smov.u32 s24;
	v12 =	vld [tilespmem:s13+$0xFFFFFFE0];
	[tilespmem:v20+s23+$0x0] =	vst.idx.msk vm4, v14  }
0xdf: {  	s16 =	sadd.s32 $0x70, s8;
	v20 =	vand.u32 $0x8000, v13;
	v21 =	vshrl.u32 v13, $0x10;
	v25 =	vand.u32 $0xFF80, v13;
	v14 =	vld [tilespmem:s13+$0xFFFFFFD0];
	[tilespmem:v19+s23+$0x0] =	vst.idx.msk vm3, v15  }
0xe0: {  	s25 =	sadd.s32 $0x40, s8;
	v26 =	vor.u32 s16, v0;
	v16 =	vor.u32 s16, v1;
	v19 =	vor.u32 s8, v0;
	v15 =	vld [tilespmem:s13+$0x10];
	[tilespmem:v9+s23+$0x0] =	vst.idx.msk vm2, v10  }
0xe1: {  	v28 =	vor.u32 s25, v1;
	v27 =	vand.u32 $0x7F, v13;
	v29 =	vand.u32 $0xFF80, v17;
	[tilespmem:v23+s23+$0x0] =	vst.idx.msk vm6, v18  }
0xe2: {  	v10 =	vand.u32 $0x8000, v7;
	v23 =	vshrl.u32 v7, $0x10;
	v30 =	vand.u32 $0xFF80, v7;
	v18 =	vld [tilespmem:s13+$0x20]  }
0xe3: {  	v31 =	vand.u32 $0x8000, v22;
	v32 =	vshrl.u32 v22, $0x10;
	v9 =	vand.u32 $0x8000, v12  }
0xe4: {  	v35 =	vand.u32 $0xFF80, v22;
	v33 =	vshrl.u32 v12, $0x10;
	v34 =	vand.u32 $0xFF80, v12  }
0xe5: {  	v37 =	vand.u32 $0x7F, v22;
	v36 =	vand.u32 $0x7F, v33;
	v38 =	vshrl.u32 v15, $0x10  }
0xe6: {  	v40 =	vand.u32 $0xFF80, v32;
	v39 =	vshrl.u32 v14, $0x10;
	vm3 =	veq.s32 v9, $0x0  }
0xe7: {  	v9 =	vand.u32 $0x7F, v12;
	v41 =	vand.u32 $0x8000, v18;
	vm0 =	vgt.s32 v18, $0xFFFFFFFF  }
0xe8: {  	v35 =	vadd.s32 v5, v35;
	v42 =	vand.u32 $0x7F, v15;
	v43 =	vshrl.u32 v18, $0x10  }
0xe9: {  	v44 =	vand.u32 $0x8000, v14;
	v45 =	vand.u32 $0xFF80, v18;
	v46 =	vand.u32 $0x7F, v43  }
0xea: {  	v34 =	vadd.s32 v5, v34;
	v47 =	vand.u32 $0xFF80, v15;
	v43 =	vand.u32 $0xFF80, v43  }
0xeb: {  	v34 =	vor.u32 v9, v34;
	v9 =	vand.u32 $0xFF80, v33;
	v33 =	vand.u32 $0xFF80, v38  }
0xec: {  	v48 =	vand.u32 $0x7F, v14;
	v9 =	vadd.s32 v5, v9;
	v43 =	vadd.s32 v5, v43  }
0xed: {  	vm2 =	veq.s32 v20, $0x0;
	v20 =	vadd.s32 v5, v47;
	v9 =	vor.u32 v36, v9  }
0xee: {  	vm1 =	veq.s32 v10, $0x0;
	v36 =	vand.u32 $0x7F, v7;
	v10 =	vor.u32 v42, v20  }
0xef: {  	v32 =	vand.u32 $0x7F, v32;
	v20 =	vand.u32 $0xFF80, v14;
	v42 =	vadd.s32 v5, v45  }
0xf0: {  	v18 =	vand.u32 $0x7F, v18;
	v20 =	vadd.s32 v5, v20;
	[tilespmem:v34+s23+$0x0] =	vst.idx.msk vm3, v24;
	v24 =	vand.u32 $0x8000, v15  }
0xf1: {  	vm4 =	veq.s32 v31, $0x0;
	v31 =	vadd.s32 v5, v40;
	v34 =	vor.u32 v18, v42  }
0xf2: {  	vm5 =	veq.s32 v41, $0x0;
	v18 =	vadd.s32 v5, v25;
	v25 =	vor.u32 v32, v31  }
0xf3: {  	s24 =	sadd.s32 $0x60, s8;
	vm7 =	vgt.s32 v22, $0xFFFFFFFF;
	v31 =	vor.u32 v37, v35;
	v27 =	vor.u32 v27, v18  }
0xf4: {  	v22 =	vand.u32 $0xFF80, v21;
	v18 =	vor.u32 v48, v20;
	v20 =	vor.u32 s24, v0  }
0xf5: {  	v32 =	vor.u32 s25, v0;
	v35 =	vand.u32 $0x8000, v17;
	v37 =	vshrl.u32 v17, $0x10  }
0xf6: {  	v29 =	vadd.s32 v5, v29;
	vm8 =	veq.s32 v35, $0x0;
	v35 =	vand.u32 $0x7F, v17  }
0xf7: {  	vm3 =	vgt.s32 v13, $0xFFFFFFFF;
	v13 =	vor.u32 v35, v29;
	v29 =	vand.u32 $0xFF80, v37  }
0xf8: {  	vm9 =	vgt.s32 v17, $0xFFFFFFFF;
	v17 =	vand.u32 $0x7F, v37;
	v29 =	vadd.s32 v5, v29;
	[tilespmem:v31+s23+$0x0] =	vst.idx.msk vm4, v32  }
0xf9: {  	v21 =	vand.u32 $0x7F, v21;
	v22 =	vadd.s32 v5, v22;
	v29 =	vor.u32 v17, v29;
	[tilespmem:v34+s23+$0x0] =	vst.idx.msk vm5, v20  }
0xfa: {  	v22 =	vor.u32 v21, v22;
	vm6 =	veq.s32 v44, $0x0;
	v17 =	vand.u32 $0xFF80, v39;
	[tilespmem:v25+s23+$0x0] =	vst.idx.msk vm7, v28  }
.Ltmp4:
0xfb: {  	v20 =	vadd.s32 v5, v30;
	vm5 =	veq.s32 v24, $0x0;
	v24 =	vand.u32 $0x7F, v38;
	[tilespmem:v27+s23+$0x0] =	vst.idx.msk vm2, v19;
	(pc) =	sbr.rel @p1 .LBB2_8-.Ltmp4, $4  }
0xfc: {  	v17 =	vadd.s32 v5, v17;
	v25 =	vadd.s32 v5, v33;
	v19 =	vand.u32 $0x7F, v39;
	[tilespmem:v13+s23+$0x0] =	vst.idx.msk vm8, v26  }
0xfd: {  	v21 =	vor.u32 v36, v20;
	v20 =	vor.u32 v24, v25;
	v19 =	vor.u32 v19, v17  }
0xfe: {  	vm4 =	vgt.s32 v15, $0xFFFFFFFF;
	v15 =	vor.u32 v46, v43;
	v17 =	vand.u32 $0xFF80, v23;
	[tilespmem:v29+s23+$0x0] =	vst.idx.msk vm9, v16  }
0xff: {  	s13 =	sadd.s32 $0x400, s13;
	s25 =	sadd.s32 $0x30, s8;
	s8 =	sadd.s32 $0x80, s8;
	vm2 =	vgt.s32 v12, $0xFFFFFFFF;
	[tilespmem:v22+s23+$0x0] =	vst.idx.msk vm3, v11;
	vm3 =	vgt.s32 v14, $0xFFFFFFFF;
	v11 =	vand.u32 $0x7F, v23  }
0x100: {  	_ =	sdelay $0x4  }
0x101: {  	[tilespmem:v18+s23+$0x0] =	vst.idx.msk vm6, v8  }
0x102: {  	vm11 =	vgt.s32 v7, $0xFFFFFFFF;
	v7 =	vadd.s32 v5, v17;
	v61 =	vor.u32 s25, v0;
	[tilespmem:v10+s23+$0x0] =	vst.idx.msk vm5, v6  }
0x103: {  	v62 =	vor.u32 s2, v1;
	v6 =	vor.u32 v11, v7;
	[tilespmem:v21+s23+$0x0] =	vst.idx.msk vm1, v61  }
0x104: {  	v63 =	vor.u32 s5, v1;
	[tilespmem:v20+s23+$0x0] =	vst.idx.msk vm4, v62  }
0x105: {  	v7 =	vor.u32 s24, v1;
	[tilespmem:v9+s23+$0x0] =	vst.idx.msk vm2, v63  }
0x106: {  	[tilespmem:v15+s23+$0x0] =	vst.idx.msk vm0, v7;
	v7 =	vor.u32 s6, v1  }
0x107: {  	[tilespmem:v19+s23+$0x0] =	vst.idx.msk vm3, v7;
	v7 =	vor.u32 s25, v1  }
0x108: {  	[tilespmem:v6+s23+$0x0] =	vst.idx.msk vm11, v7  }
0x109: {  	s26 =	sshll.u32 s0, $0x7;
	v6 =	vld.idx.msk [tilespmem:v5+s17+$0x0], $0xffff  }
0x10a: {  	s2 =	sand.u32 $0x3FFFFF80, s26;
	v5 =	vld.idx.msk [tilespmem:v5+s23+$0x0], $0xffff  }
0x10b: {  	v7 =	vld [tilespmem:s2+$0x13000]  }
0x10c: {  	v8 =	vld [tilespmem:s2+$0x13010]  }
0x10d: {  	v9 =	vld [tilespmem:s2+$0x13020]  }
0x10e: {  	s0 =	sadd.s32 $0x1, s0;
	v10 =	vld [tilespmem:s2+$0x13030]  }
0x10f: {  	p1 =	sne.s32 s0, $0x20;
	vm12 =	vgt.s32 v6, v0  }
.Ltmp5:
0x110: {  	vm13 =	vgt.s32 v6, v2;
	v7 =	vsel vm12, v7, v5;
	(pc) =	sbr.rel @p1 .LBB2_7-.Ltmp5, $4  }
0x111: {  	vm14 =	vgt.s32 v6, v3;
	[tilespmem:s2+$0x13000] =	vst v7;
	v7 =	vsel vm13, v8, v5  }
0x112: {  	vm15 =	vgt.s32 v6, v4;
	[tilespmem:s2+$0x13010] =	vst v7;
	v7 =	vsel vm14, v9, v5  }
0x113: {  	v5 =	vsel vm15, v10, v5;
	[tilespmem:s2+$0x13020] =	vst v7  }
0x114: {  	s31 =	sadd.s32 $0x400, s31;
	s30 =	sadd.s32 $0x1, s30;
	[tilespmem:s2+$0x13030] =	vst v5  }
.Ltmp6:
0x115: {  	(pc) =	sbr.rel @!p0 .LBB2_12-.Ltmp6, $3  }
0x116: {  	_ =	sdelay $0x1  }
0x117: {  	s0 =	sor.u32 s14, s28  }
0x118: {  	s0 =	sshrl.u32 s0, $0x3  }
0x119: {  	s2 =	simm.s32 $0x8000  }
0x11a: {  	[tilespmem:s2], [sflag:$0x2] =	stream.linear.gather [hbm4b:s11+s1], $0x8000, $0x38;
	[tilespmem:$0x14000] =	vst v63  }
.Ltmp7:
0x11b: {  	_ = 	snop;
	(pc) =	sbr.rel .LBB2_2-.Ltmp7, $4  }
0x11c: {  	_ = 	snop  }
0x11d: {  	[tilespmem:s17], [sflag:$0x4] =	stream.linear.gather [hbm4b:s12+s1], $0x1000, $0x38;
	[tilespmem:$0x14000] =	vst v63  }
0x11e: {  	s0 =	sadd.s32 s3, s0;
	s28 =	simm.s32 $0x2000;
	p0 =	por $0x0, $0x0  }
0x11f: {  	[hbm4b:s0+s1] =	stream.linear.scatter [tilespmem:s23], [sflag:$0x6], $0x1000, $0x38;
	[tilespmem:$0x14000] =	vst v63  }
.LBB2_13:
0x120: {  	_ =	sfence.sel $0x180000  }
0x121: {  	[bflag:$0x0] =	sbarrier.arrive $0xFFFF  }
0x122: {  	_ =	strace $0x90000050  }
0x123: {  	s0 =	stileid.u32;
	[bflag:$0x2] =	sbarrier.arrive $0xFFFF  }
0x124: {  	p0 =	sne.s32 s0, $0x0;
	s0 =	rddreg [dreg:$0x1]  }
0x125: {  	s0 =	sadd.s32 @!p0 $0x100000, s0  }
0x126: {  	[sflag:s0] =	ssyncadd.tile.s32 @!p0 $0x1;
	_ =	shalt  }
.Lfunc_end2:
_tile_overlayer_lowered:
.L_overlay_start_2:
0x127: {  	(tag) =	ssettag $0x2  }
0x128: {  	s0 =	rddreg [dreg:$0x0];
	s2 =	stileid.u32  }
0x129: {  	s1 =	rddreg [dreg:$0x1];
	p0 =	sne.s32 s2, $0x0  }
0x12a: {  	s3 =	rddreg [dreg:$0x2];
	[bflag:$0x3] =	sbarrier.arrive $0xFFFF;
	s2 =	simm.s32 @!p0 $0x1C07  }
0x12b: {  	[timem:s3], [sflag:s2] =	dma.local @!p0 [hbm:s0], s1  }
0x12c: {  	s0 =	simm.s32 @!p0 $0x7  }
0x12d: {  	_ =	swait.ge @!p0 [sflag:s0], s1  }
0x12e: {  	s1 =	ssub.s32 @!p0 $0x0, s1;
	[sflag:s0] =	ssyncset.done @!p0 $0x0  }
0x12f: {  	[sflag:s0] =	ssyncadd.s32 @!p0 s1  }
0x130: {  	[bflag:$0x3] =	sbarrier.arrive $0xFFFF  }
0x131: {  	_ =	shalt  }

// kernel: kernel.13.cloned.1.call-start
scs
__scs_entry_jumppad:
0x0: {  	(pc) =	sbr.rel $0x88, $3  }
0x1: {  	(tag) =	ssettag $0x0;
	lr =	simm.s32 $0x1  }
0x2: {  	[smem:$0x3FA0] =	sst lr;
	_ =	strace $0xD0000000  }
0x3: {  	_ = 	snop  }
0x4: {  	_ = 	snop  }
0x5: {  	_ = 	snop  }
0x6: {  	_ = 	snop  }
0x7: {  	_ = 	snop  }
__scs_overlays_trampoline_lowered:
0x8: {  	[smem:$0x3FAF] =	sst s0  }
0x9: {  	[smem:$0x3FB0] =	sst s1  }
0xa: {  	[smem:$0x3FB1] =	sst s2  }
0xb: {  	[smem:$0x3FB2] =	sst s3  }
0xc: {  	[smem:$0x3FB3] =	sst s4  }
0xd: {  	[smem:$0x3FB4] =	sst s5  }
0xe: {  	[smem:$0x3FB5] =	sst s6  }
0xf: {  	[smem:$0x3FB6] =	sst s7  }
0x10: {  	[smem:$0x3FB7] =	sst s8  }
0x11: {  	[smem:$0x3FB8] =	sst s9;
	s0 =	simm.s32 @!p0 $0x0  }
0x12: {  	s1 =	sld [smem:$0x3F9E];
	s0 =	simm.s32 @p0 $0x1  }
0x13: {  	[smem:$0x3FB9] =	sst s0;
	s0 =	simm.s32 @!p1 $0x0  }
0x14: {  	s2 =	sld [smem:$0x3F9D];
	s0 =	simm.s32 @p1 $0x1  }
0x15: {  	[smem:$0x3FBA] =	sst s0;
	s0 =	simm.s32 @!p2 $0x0  }
0x16: {  	s3 =	sld [smem:$0x3FDB];
	s0 =	simm.s32 @p2 $0x1  }
0x17: {  	s4 =	simm.s32 $0x1BF5;
	[smem:$0x3FBC] =	sst s0  }
0x18: {  	s0 =	sld [smem:$0x3F9F];
	_ =	swait.ge [sflag:s4], $0x0  }
0x19: {  	s7 =	sld [smem:$0x3FA0]  }
0x1a: {  	s8 =	sadd.s32 $0xFFFFE003, lr  }
0x1b: {  	s9 =	sadd.s32 $0xFFFFFEF7, lr;
	s5 =	simm.s32 $0xFFFFFFFF;
	p2 =	slt.u32 s8, $0xFFFFF086  }
0x1c: {  	p1 =	slt.u32 s9, $0xF7A;
	s5 =	simm.s32 @!p2 $0x0  }
0x1d: {  	s5 =	simm.s32 @p1 $0x1;
	p0 =	seq.s32 s7, s2  }
0x1e: {  	s7 =	smul.u32 @!p0 $0xF7A, s2;
	p2 =	seq.s32 @!p0 s5, $0x0  }
0x1f: {  	s9 =	smul.u32 $0xF7A, s1;
	s8 =	simm.s32 @!p0 $0x1BF5;
	p2 =	por !p2, p0  }
0x20: {  	[sflag:s8] =	ssyncset.s32 @!p0 $0xFFFFF086;
	s6 =	sadd.s32 @!p0 s3, s7;
	s7 =	simm.s32 @!p0 $0x108  }
0x21: {  	s3 =	sadd.s32 s3, s9;
	s6 =	sadd.s32 @!p0 $0x88, s6;
	s7 =	simm.s32 @p2 $0x1082  }
0x22: {  	[simem:s7], [sflag:s8] =	dma.local @!p0 [hbm:s6], $0xF7A  }
0x23: {  	s9 =	sor.u32 $0xD0000000, s2;
	s6 =	simm.s32 $0x108;
	_ =	swait.ge @!p0 [sflag:s8], $0x0  }
0x24: {  	s3 =	sadd.s32 $0x88, s3;
	s6 =	simm.s32 @!p1 $0x1082;
	[sflag:s4] =	ssyncset.s32 $0xFFFFF086  }
0x25: {  	[simem:s6], [sflag:s4] =	dma.local [hbm:s3], $0xF7A  }
0x26: {  	[smem:$0x3FA0] =	sst s1;
	(tag) =	ssettag s2;
	_ =	strace s9  }
0x27: {  	s1 =	sld [smem:$0x3FB0]  }
0x28: {  	s2 =	sld [smem:$0x3FB1]  }
0x29: {  	s4 =	sld [smem:$0x3FB3]  }
0x2a: {  	p0 =	seq.s32 s5, $0x0;
	s5 =	sld [smem:$0x3FB4]  }
0x2b: {  	s6 =	sld [smem:$0x3FB5]  }
0x2c: {  	s7 =	sld [smem:$0x3FB6]  }
0x2d: {  	s3 =	simm.s32 $0x108;
	s8 =	sld [smem:$0x3FB7]  }
0x2e: {  	s3 =	simm.s32 @!p0 $0x1082;
	s9 =	sld [smem:$0x3FB8]  }
0x2f: {  	lr =	sadd.s32 s0, s3;
	s0 =	sld [smem:$0x3FAF]  }
0x30: {  	s3 =	sld [smem:$0x3FB2]  }
0x31: {  	[smem:$0x3FBB] =	sst s10  }
0x32: {  	s10 =	sld [smem:$0x3FB9];
	_ =	sdelay $0x3  }
0x33: {  	p0 =	seq.s32 s10, $0x1;
	s10 =	sld [smem:$0x3FBB];
	_ =	sdelay $0x3  }
0x34: {  	[smem:$0x3FBB] =	sst s10  }
0x35: {  	s10 =	sld [smem:$0x3FBA];
	_ =	sdelay $0x3  }
0x36: {  	p1 =	seq.s32 s10, $0x1;
	s10 =	sld [smem:$0x3FBB];
	_ =	sdelay $0x3  }
0x37: {  	[smem:$0x3FBB] =	sst s10  }
0x38: {  	s10 =	sld [smem:$0x3FBC]  }
0x39: {  	_ = 	snop;
	(pc) =	sbr.ind lr, $3  }
0x3a: {  	_ = 	snop  }
0x3b: {  	_ = 	snop  }
0x3c: {  	p2 =	seq.s32 s10, $0x1;
	s10 =	sld [smem:$0x3FBB]  }
0x3d: {  	_ =	shalt  }
0x3e: {  	_ =	shalt  }
0x3f: {  	_ =	shalt  }
0x40: {  	_ =	shalt  }
0x41: {  	_ =	shalt  }
0x42: {  	_ =	shalt  }
0x43: {  	_ =	shalt  }
0x44: {  	_ =	shalt  }
0x45: {  	_ =	shalt  }
0x46: {  	_ =	shalt  }
0x47: {  	_ =	shalt  }
0x48: {  	_ =	shalt  }
0x49: {  	_ =	shalt  }
0x4a: {  	_ =	shalt  }
0x4b: {  	_ =	shalt  }
0x4c: {  	_ =	shalt  }
0x4d: {  	_ =	shalt  }
0x4e: {  	_ =	shalt  }
0x4f: {  	_ =	shalt  }
0x50: {  	_ =	shalt  }
0x51: {  	_ =	shalt  }
0x52: {  	_ =	shalt  }
0x53: {  	_ =	shalt  }
0x54: {  	_ =	shalt  }
0x55: {  	_ =	shalt  }
0x56: {  	_ =	shalt  }
0x57: {  	_ =	shalt  }
0x58: {  	_ =	shalt  }
0x59: {  	_ =	shalt  }
0x5a: {  	_ =	shalt  }
0x5b: {  	_ =	shalt  }
0x5c: {  	_ =	shalt  }
0x5d: {  	_ =	shalt  }
0x5e: {  	_ =	shalt  }
0x5f: {  	_ =	shalt  }
0x60: {  	_ =	shalt  }
0x61: {  	_ =	shalt  }
0x62: {  	_ =	shalt  }
0x63: {  	_ =	shalt  }
0x64: {  	_ =	shalt  }
0x65: {  	_ =	shalt  }
0x66: {  	_ =	shalt  }
0x67: {  	_ =	shalt  }
0x68: {  	_ =	shalt  }
0x69: {  	_ =	shalt  }
0x6a: {  	_ =	shalt  }
0x6b: {  	_ =	shalt  }
0x6c: {  	_ =	shalt  }
0x6d: {  	_ =	shalt  }
0x6e: {  	_ =	shalt  }
0x6f: {  	_ =	shalt  }
0x70: {  	_ =	shalt  }
0x71: {  	_ =	shalt  }
0x72: {  	_ =	shalt  }
0x73: {  	_ =	shalt  }
0x74: {  	_ =	shalt  }
0x75: {  	_ =	shalt  }
0x76: {  	_ =	shalt  }
0x77: {  	_ =	shalt  }
0x78: {  	_ =	shalt  }
0x79: {  	_ =	shalt  }
0x7a: {  	_ =	shalt  }
0x7b: {  	_ =	shalt  }
0x7c: {  	_ =	shalt  }
0x7d: {  	_ =	shalt  }
0x7e: {  	_ =	shalt  }
0x7f: {  	_ =	shalt  }
0x80: {  	_ =	shalt  }
0x81: {  	_ =	shalt  }
0x82: {  	_ =	shalt  }
0x83: {  	_ =	shalt  }
0x84: {  	_ =	shalt  }
0x85: {  	_ =	shalt  }
0x86: {  	_ =	shalt  }
0x87: {  	_ =	shalt  }
.Lfunc_end0:
.L_simem_size_0:
called_computation.1_lowered:
.L_overlay_start_0:
0x88: {  	s2 =	sld [smem:$0x3FD9]  }
0x89: {  	s3 =	sld [smem:$0x3FFE];
	_ =	sdelay $0x1  }
0x8a: {  	s1 =	srdreg.scid  }
0x8b: {  	s0 =	sand.u32 $0x1, s1  }
0x8c: {  	s17 =	sshll.u32 s0, $0xA;
	s2 =	sadd.s32 s3, s2  }
0x8d: {  	s2 =	sadd.s32 s2, s17  }
0x8e: {  	[smem:$0x3FC7] =	sst s2  }
0x8f: {  	_ = 	snop  }
0x90: {  	(tm) =	ssettm $0x1  }
0x91: {  	s18 =	sld [smem:$0x3FFB];
	_ =	sdelay $0x3  }
0x92: {  	_ =	strace s18  }
0x93: {  	s2 =	sld [smem:$0x3FFC];
	_ =	sdelay $0x3  }
0x94: {  	_ =	strace s2  }
0x95: {  	s2 =	sld [smem:$0x3FFD];
	_ =	sdelay $0x3  }
0x96: {  	_ =	strace s2  }
0x97: {  	_ =	strace $0x8FFFFFFF  }
0x98: {  	s19 =	sld [smem:$0x3FDB];
	_ =	sdelay $0x1  }
0x99: {  	s20 =	simm.s32 $_scs_section_size  }
0x9a: {  	s4 =	simm.s32 $_size__tile_overlayer_lowered;
	s5 =	simm.s32 $_tile_overlayer_lowered  }
0x9b: {  	s6 =	simm.s32 $0x1BFF;
	s21 =	sshll.u32 s5, $0x1;
	s3 =	sadd.s32 s20, s19  }
0x9c: {  	s22 =	simm.s32 $0x0;
	s4 =	sshll.u32 s4, $0x1;
	s5 =	sadd.s32 s21, s3  }
0x9d: {  	[timem:s22], [sflag:s6] =	dma.local [hbm:s5], s4  }
0x9e: {  	_ =	swait.ge [sflag:s6], s4  }
0x9f: {  	s4 =	ssub.s32 $0x0, s4;
	[sflag:s6] =	ssyncset.done $0x0  }
0xa0: {  	[sflag:s6] =	ssyncadd.s32 s4;
	_ =	sdelay $0x1  }
0xa1: {  	s23 =	simm.s32 $0x1B8B  }
0xa2: {  	_ =	swait.ge [sflag:s23], $0x1  }
0xa3: {  	[sflag:s23] =	ssyncset.done $0x0  }
0xa4: {  	[sflag:s23] =	ssyncadd.s32 $0xFFFFFFFF  }
0xa5: {  	s4 =	sld [smem:$0x0]  }
0xa6: {  	s5 =	sand.u32 $0xFFFFFFFE, s1  }
0xa7: {  	p0 =	sne.s32 s1, s5  }
0xa8: {  	s5 =	sshll.u32 @p0 s5, $0xE  }
0xa9: {  	s5 =	sadd.s32 @p0 $0x11B8D, s5;
	s6 =	sshll.u32 @p0 s4, $0x11  }
0xaa: {  	s5 =	sor.u32 @p0 s6, s5  }
0xab: {  	[sflag:s5] =	ssyncadd.remote.s32 @p0 $0x1;
	_ =	sdelay $0x1  }
0xac: {  	s5 =	simm.s32 @p0 $0x1B8D  }
0xad: {  	_ =	swait.eq @p0 [sflag:s5], $0x1  }
0xae: {  	[sflag:s5] =	ssyncadd.s32 @p0 $0xFFFFFFFF  }
0xaf: {  	s6 =	sshll.u32 @!p0 s1, $0xE  }
0xb0: {  	s6 =	sor.u32 @!p0 $0x4000, s6;
	s5 =	simm.s32 @!p0 $0x1B8D  }
0xb1: {  	s4 =	sshll.u32 @!p0 s4, $0x11;
	s6 =	sadd.s32 @!p0 $0x11B8D, s6;
	_ =	swait.eq @!p0 [sflag:s5], $0x1  }
0xb2: {  	s4 =	sor.u32 @!p0 s4, s6;
	[sflag:s5] =	ssyncadd.s32 @!p0 $0xFFFFFFFF  }
0xb3: {  	s25 =	simm.s32 $0x1B8E;
	s24 =	sld [smem:$0x3FFE];
	[sflag:s4] =	ssyncadd.remote.s32 @!p0 $0x1  }
0xb4: {  	s26 =	simm.s32 $execute0_lowered;
	[smem:$0x3FD2] =	sst s25  }
0xb5: {  	s5 =	sshll.u32 s26, $0x1;
	_ =	strace $0x80000049;
	[dreg:$0x1] =	wrdreg $0xFFFFFFFF  }
0xb6: {  	s28 =	simm.s32 $_size_execute0_lowered;
	s3 =	sadd.s32 s3, s5;
	[dreg:$0x0] =	wrdreg $0x0  }
0xb7: {  	s5 =	sshll.u32 s28, $0x1;
	[dreg:$0x2] =	wrdreg s3  }
0xb8: {  	[dreg:$0x3] =	wrdreg s5  }
0xb9: {  	[dreg:$0x4] =	wrdreg $0xC0  }
0xba: {  	_ =	task [dreg:s22], $0x5FFFF  }
0xbb: {  	[dreg:$0x1] =	wrdreg $0xFFFFFFFF  }
0xbc: {  	[dreg:$0x0] =	wrdreg $0x60  }
0xbd: {  	[dreg:$0x2] =	wrdreg s24  }
0xbe: {  	[dreg:$0x3] =	wrdreg $0xA  }
0xbf: {  	_ =	task.clear_ibuf [dreg:s22], $0x4FFFF;
	_ =	strace $0x90000049  }
0xc0: {  	s29 =	simm.s32 $0xA;
	_ =	strace $0x8000004B  }
0xc1: {  	_ =	swait.ge [sflag:s29], $0x1  }
0xc2: {  	[sflag:s29] =	ssyncadd.s32 $0xFFFFFFFF  }
0xc3: {  	_ =	strace $0x9000004B  }
0xc4: {  	_ =	sfence  }
0xc5: {  	s30 =	sld [smem:$0x0];
	_ =	sdelay $0x2  }
0xc6: {  	s31 =	sshll.u32 s1, $0xD;
	s1 =	sshrl.u32 s1, $0x2  }
0xc7: {  	s4 =	sand.u32 $0x4000, s31;
	s1 =	sadd.s32 s1, s30  }
0xc8: {  	s0 =	sor.u32 s4, s0;
	s1 =	sshll.u32 s1, $0x11  }
0xc9: {  	s0 =	sor.u32 s1, s0  }
0xca: {  	s0 =	sadd.s32 $0x8F2B, s0  }
0xcb: {  	[sflag:s0] =	ssyncadd.remote.s32 $0x1  }
0xcc: {  	_ =	sfence.sel $0xFFFF  }
0xcd: {  	[dreg:$0x0] =	wrdreg $0xFFFFFFFF;
	(pc) =	sbr.abs _section_cstart, $3  }
0xce: {  	[dreg:$0x1] =	wrdreg $0xFFFFFFFF  }
0xcf: {  	_ =	task.clear_ibuf [dreg:s22], $0x2FFFF;
	_ =	strace $0x9FFFFFFF  }
0xd0: {  	(tm) =	ssettm $0x7FFFFFFF  }
0xd1: {  	_ =	shalt  }
tec
execute0_lowered:
.L_overlay_start_1:
0x0: {  	(tag) =	ssettag $0x1  }
0x1: {  	s0 =	rddreg [dreg:$0x0]  }
0x2: {  	s1 =	simm.s32 $0x0;
	s3 =	srdreg.scid;
	s8 =	stileid.u32  }
0x3: {  	s15 =	simm.s32 $0x10000;
	s17 =	simm.s32 $0x11000;
	s18 =	simm.s32 $0x1  }
0x4: {  	[smem:$0x7FF] =	sst s1;
	s2 =	sadd.s32 $0x92A00, s0;
	s5 =	sadd.s32 $0x112A00, s0  }
0x5: {  	s4 =	sand.u32 $0x1, s3;
	s6 =	sshll.u32 s8, $0x1;
	s3 =	sadd.s32 $0x122A00, s0  }
0x6: {  	s8 =	sshrl.u32 s8, $0x3;
	_ =	strace $0x8000004A;
	s19 =	ssub.s32 $0x2, s4  }
0x7: {  	s6 =	sand.u32 $0xE, s6;
	s10 =	sshll.u32 s8, $0x15;
	s7 =	sshrl.u32 s19, $0x1  }
0x8: {  	s8 =	sshll.u32 s8, $0x12;
	s6 =	sor.u32 s4, s6;
	s0 =	ssub.s32 s19, s7  }
0x9: {  	s20 =	sshll.u32 s6, $0x7;
	s4 =	sshll.u32 s6, $0x11;
	s9 =	sshll.u32 s6, $0xE  }
0xa: {  	s6 =	sshll.u32 s6, $0x4;
	s19 =	simm.s32 $0x3;
	s11 =	sor.u32 s10, s4  }
0xb: {  	s4 =	sor.u32 s8, s9;
	s6 =	sor.u32 $0x4, s6;
	s25 =	sor.u32 $0x40, s20  }
0xc: {  	s7 =	sor.u32 $0x60, s20;
	s0 =	smax.u32 s0, $0x1;
	s20 =	simm.s32 $0x12000  }
0xd: {  	s21 =	sshrl.u32 s11, $0x3;
	s22 =	sshrl.u32 s4, $0x3;
	s24 =	sshll.u32 s6, $0xD  }
0xe: {  	s6 =	sshll.u32 s6, $0xA;
	s12 =	sshll.u32 s25, $0xA;
	s29 =	sshll.u32 s25, $0x7  }
0xf: {  	s30 =	sshll.u32 s7, $0xA;
	s7 =	sshll.u32 s7, $0x7;
	[dreg:$0x6] =	wrdreg s0  }
0x10: {  	s14 =	sor.u32 $0x1000, s4;
	s9 =	sadd.s32 s2, s21;
	s23 =	sadd.s32 s5, s22  }
0x11: {  	s6 =	sor.u32 s8, s6;
	s26 =	sor.u32 s10, s12;
	s7 =	sor.u32 s8, s7  }
0x12: {  	s21 =	simm.s32 $0x2;
	s22 =	simm.s32 $0x4;
	[dreg:$0x2] =	wrdreg s9  }
0x13: {  	[dreg:$0x3] =	wrdreg s23;
	s9 =	sor.u32 s10, s24;
	s6 =	sshrl.u32 s6, $0x3  }
0x14: {  	s28 =	sshrl.u32 s26, $0x3;
	s10 =	sor.u32 s10, s30;
	s31 =	sshrl.u32 s7, $0x3  }
.Ltmp0:
0x15: {  	s23 =	simm.s32 $0x13000;
	s9 =	sshrl.u32 s9, $0x3;
	(pc) =	sbr.rel .LBB2_1-.Ltmp0, $4  }
0x16: {  	s6 =	sadd.s32 s5, s6;
	s11 =	sshrl.u32 s10, $0x3;
	s12 =	sadd.s32 s5, s31  }
0x17: {  	v0 =	vlaneseq.u32;
	s9 =	sadd.s32 s2, s9;
	[dreg:$0x5] =	wrdreg s6;
	s6 =	sor.u32 s8, s29  }
0x18: {  	v1 =	vor.u32 $0x400, v0;
	s11 =	sadd.s32 s2, s11;
	[dreg:$0x4] =	wrdreg s9;
	s6 =	sshrl.u32 s6, $0x3  }
0x19: {  	v2 =	vor.u32 $0x10, v0;
	v3 =	vor.u32 $0x20, v0;
	v4 =	vor.u32 $0x30, v0;
	s9 =	sadd.s32 s2, s28;
	s10 =	sadd.s32 s5, s6;
	s5 =	simm.s32 $0x0  }
.LBB2_12:
0x1a: {  	s0 =	sadd.s32 s3, s0;
	s30 =	simm.s32 $0x5  }
0x1b: {  	[hbm4b:s0+s1] =	stream.linear.scatter [tilespmem:s23], [sflag:$0x6], $0x1000, $0x38;
	[tilespmem:$0x14000] =	vst v63  }
0x1c: {  	_ =	swait.ge [sflag:s30], $0x1000  }
0x1d: {  	[sflag:s30] =	ssyncset.done $0x0  }
0x1e: {  	s2 =	simm.s32 $0x6;
	[sflag:s30] =	ssyncadd.s32 $0xFFFFF000  }
0x1f: {  	_ =	swait.ge [sflag:s2], $0x1000  }
0x20: {  	s5 =	rddreg [dreg:$0x7]  }
0x21: {  	s31 =	rddreg [dreg:$0x6];
	s5 =	sadd.s32 $0x1, s5  }
0x22: {  	p0 =	sne.s32 s5, s31  }
.Ltmp1:
0x23: {  	_ = 	snop;
	(pc) =	sbr.rel @!p0 .LBB2_13-.Ltmp1, $3  }
0x24: {  	_ =	sdelay $0x1  }
0x25: {  	[sflag:s2] =	ssyncset.done $0x0  }
0x26: {  	[sflag:s2] =	ssyncadd.s32 $0xFFFFF000  }
.LBB2_1:
0x27: {  	[dreg:$0x7] =	wrdreg s5  }
0x28: {  	s0 =	rddreg [dreg:$0x2]  }
0x29: {  	[tilespmem:s1], [sflag:$0x1] =	stream.linear.gather [hbm4b:s0+s1], $0x8000, $0x38;
	[tilespmem:$0x14000] =	vst v63  }
0x2a: {  	s29 =	rddreg [dreg:$0x3]  }
0x2b: {  	[tilespmem:s15], [sflag:$0x3] =	stream.linear.gather [hbm4b:s29+s1], $0x1000, $0x38;
	[tilespmem:$0x14000] =	vst v63  }
0x2c: {  	s30 =	rddreg [dreg:$0x4];
	s2 =	simm.s32 $0x8000  }
0x2d: {  	[tilespmem:s2], [sflag:$0x2] =	stream.linear.gather [hbm4b:s30+s1], $0x8000, $0x38;
	[tilespmem:$0x14000] =	vst v63  }
0x2e: {  	s31 =	rddreg [dreg:$0x5];
	p0 =	por $0x1, $0x1;
	s28 =	simm.s32 $0x0  }
0x2f: {  	[tilespmem:s17], [sflag:$0x4] =	stream.linear.gather [hbm4b:s31+s1], $0x1000, $0x38;
	[tilespmem:$0x14000] =	vst v63  }
.LBB2_2:
0x30: {  	_ =	swait.ge [sflag:s18], $0x8000  }
0x31: {  	[sflag:s18] =	ssyncset.done $0x0  }
0x32: {  	[sflag:s18] =	ssyncadd.s32 $0xFFFF8000  }
0x33: {  	_ =	swait.ge [sflag:s19], $0x1000  }
0x34: {  	[sflag:s19] =	ssyncset.done $0x0  }
0x35: {  	s0 =	simm.s32 @!p0 $0x5;
	[sflag:s19] =	ssyncadd.s32 $0xFFFFF000  }
0x36: {  	_ =	swait.ge @!p0 [sflag:s0], $0x1000  }
0x37: {  	s29 =	simm.s32 $0x0;
	s30 =	simm.s32 $0x0;
	[sflag:s0] =	ssyncset.done @!p0 $0x0  }
0x38: {  	s31 =	simm.s32 $0x0;
	[sflag:s0] =	ssyncadd.s32 @!p0 $0xFFFFF000;
	s0 =	simm.s32 $0x0  }
.LBB2_3:
0x39: {  	s2 =	sshll.u32 s31, $0x2;
	s5 =	sand.u32 $0x7, s30  }
0x3a: {  	s2 =	sand.u32 $0xFFFF8000, s2;
	s5 =	sshll.u32 s5, $0x9  }
0x3b: {  	s2 =	sor.u32 s5, s2  }
0x3c: {  	s2 =	sshrl.u32 s2, $0x2  }
0x3d: {  	s13 =	sor.u32 $0x40, s2  }
0x3e: {  	v11 =	vld [tilespmem:s13+$0xFFFFFFC0]  }
0x3f: {  	v5 =	vmov s0;
	v13 =	vld [tilespmem:s13+$0x30]  }
0x40: {  	s6 =	simm.s32 $0x10;
	v16 =	vor.u32 s29, v1;
	s8 =	simm.s32 $0x70;
	v19 =	vor.u32 s29, v0;
	v5 =	vshll.u32 v5, $0x7;
	v7 =	vld [tilespmem:s13+$0xFFFFFFF0]  }
0x41: {  	s7 =	simm.s32 $0x40;
	s24 =	simm.s32 $0x60;
	v8 =	vor.u32 s6, v0;
	v20 =	vor.u32 s8, v0;
	v24 =	vor.u32 s8, v1;
	v22 =	vld [tilespmem:s13+$0xFFFFFFE0]  }
0x42: {  	v21 =	vor.u32 s7, v1;
	v58 =	vor.u32 s24, v0;
	v59 =	vor.u32 s7, v0;
	s5 =	simm.s32 $0x20;
	s2 =	simm.s32 $0x50;
	v12 =	vld [tilespmem:s13+$0x0]  }
0x43: {  	v5 =	vbroadcast v5, $0x0;
	v14 =	vor.u32 s5, v0;
	v6 =	vor.u32 s2, v0;
	v23 =	vld [tilespmem:s13+$0x10]  }
0x44: {  	v25 =	vld [tilespmem:s13+$0xFFFFFFD0];
	v9 =	vand.u32 $0x8000, v11;
	v15 =	vshrl.u32 v11, $0x10;
	v17 =	vand.u32 $0xFF80, v11  }
0x45: {  	v29 =	vld [tilespmem:s13+$0x20];
	v18 =	vand.u32 $0x7F, v11;
	v26 =	vand.u32 $0xFF80, v13;
	v10 =	vand.u32 $0x8000, v7  }
0x46: {  	v27 =	vshrl.u32 v7, $0x10;
	v28 =	vand.u32 $0xFF80, v7;
	v30 =	vand.u32 $0x8000, v22  }
0x47: {  	v31 =	vand.u32 $0x8000, v12;
	v32 =	vshrl.u32 v12, $0x10;
	v33 =	vshrl.u32 v22, $0x10  }
0x48: {  	v34 =	vand.u32 $0xFF80, v22;
	v35 =	vand.u32 $0xFF80, v12;
	v37 =	vand.u32 $0x7F, v12  }
0x49: {  	v38 =	vshrl.u32 v23, $0x10;
	v39 =	vshrl.u32 v25, $0x10;
	v40 =	vand.u32 $0x7F, v22  }
0x4a: {  	v41 =	vand.u32 $0x8000, v29;
	vm0 =	vgt.s32 v29, $0xFFFFFFFF;
	v42 =	vand.u32 $0x7F, v23  }
0x4b: {  	v43 =	vshrl.u32 v29, $0x10;
	v44 =	vand.u32 $0x8000, v25;
	v45 =	vand.u32 $0xFF80, v29  }
0x4c: {  	v47 =	vand.u32 $0xFF80, v23;
	v48 =	vand.u32 $0x7F, v25;
	v53 =	vand.u32 $0x7F, v7  }
0x4d: {  	v54 =	vand.u32 $0xFF80, v25;
	v56 =	vand.u32 $0x8000, v23;
	v29 =	vand.u32 $0x7F, v29  }
0x4e: {  	vm7 =	vgt.s32 v12, $0xFFFFFFFF;
	v60 =	vand.u32 $0x8000, v13;
	v61 =	vshrl.u32 v13, $0x10  }
0x4f: {  	vm9 =	vgt.s32 v13, $0xFFFFFFFF;
	v36 =	vand.u32 $0x7F, v33;
	vm2 =	veq.s32 v30, $0x0  }
0x50: {  	v62 =	vand.u32 $0xFF80, v32;
	v35 =	vadd.s32 v5, v35;
	v46 =	vand.u32 $0x7F, v43  }
0x51: {  	v34 =	vadd.s32 v5, v34;
	v43 =	vand.u32 $0xFF80, v43;
	v33 =	vand.u32 $0xFF80, v33  }
0x52: {  	v63 =	vand.u32 $0xFF80, v38;
	vm3 =	veq.s32 v9, $0x0;
	v52 =	vadd.s32 v5, v47  }
0x53: {  	vm1 =	veq.s32 v10, $0x0;
	v32 =	vand.u32 $0x7F, v32;
	v55 =	vadd.s32 v5, v45  }
0x54: {  	vm4 =	veq.s32 v31, $0x0;
	v17 =	vadd.s32 v5, v17;
	vm5 =	veq.s32 v41, $0x0  }
0x55: {  	v12 =	vand.u32 $0xFF80, v15;
	vm8 =	veq.s32 v60, $0x0;
	v26 =	vadd.s32 v5, v26  }
0x56: {  	v15 =	vand.u32 $0x7F, v15;
	v34 =	vor.u32 v40, v34;
	v33 =	vadd.s32 v5, v33  }
0x57: {  	v43 =	vadd.s32 v5, v43;
	v10 =	vor.u32 v42, v52;
	v57 =	vor.u32 v37, v35  }
0x58: {  	v30 =	vadd.s32 v5, v62;
	v29 =	vor.u32 v29, v55;
	v17 =	vor.u32 v18, v17  }
0x59: {  	v62 =	vand.u32 $0x7F, v13;
	v12 =	vadd.s32 v5, v12;
	v63 =	vadd.s32 v5, v63  }
0x5a: {  	v9 =	vor.u32 v36, v33;
	v33 =	vadd.s32 v5, v54;
	v30 =	vor.u32 v32, v30  }
0x5b: {  	[tilespmem:v34+s20+$0x0] =	vst.idx.msk vm2, v14;
	vm2 =	vgt.s32 v11, $0xFFFFFFFF;
	v11 =	vor.u32 v62, v26;
	v14 =	vand.u32 $0xFF80, v61  }
0x5c: {  	v13 =	vand.u32 $0x7F, v61;
	v12 =	vor.u32 v15, v12;
	[tilespmem:v57+s20+$0x0] =	vst.idx.msk vm4, v59;
	v14 =	vadd.s32 v5, v14  }
0x5d: {  	vm6 =	veq.s32 v44, $0x0;
	v15 =	vadd.s32 v5, v28;
	[tilespmem:v29+s20+$0x0] =	vst.idx.msk vm5, v58;
	v13 =	vor.u32 v13, v14  }
0x5e: {  	v18 =	vor.u32 v48, v33;
	[tilespmem:v17+s20+$0x0] =	vst.idx.msk vm3, v19;
	vm5 =	veq.s32 v56, $0x0;
	v17 =	vand.u32 $0x7F, v38  }
0x5f: {  	v19 =	vand.u32 $0x7F, v39;
	[tilespmem:v30+s20+$0x0] =	vst.idx.msk vm7, v21;
	v21 =	vor.u32 v53, v15;
	v14 =	vand.u32 $0xFF80, v39  }
0x60: {  	vm4 =	vgt.s32 v23, $0xFFFFFFFF;
	v15 =	vor.u32 v46, v43;
	v14 =	vadd.s32 v5, v14;
	[tilespmem:v11+s20+$0x0] =	vst.idx.msk vm8, v20  }
0x61: {  	s25 =	simm.s32 $0x30;
	vm3 =	vgt.s32 v25, $0xFFFFFFFF;
	v19 =	vor.u32 v19, v14;
	v20 =	vor.u32 v17, v63;
	[tilespmem:v12+s20+$0x0] =	vst.idx.msk vm2, v16  }
0x62: {  	s7 =	simm.s32 $0x0;
	s8 =	simm.s32 $0x80;
	s13 =	sadd.s32 $0x400, s13;
	v17 =	vand.u32 $0xFF80, v27;
	v11 =	vand.u32 $0x7F, v27;
	vm2 =	vgt.s32 v22, $0xFFFFFFFF;
	[tilespmem:v13+s20+$0x0] =	vst.idx.msk vm9, v24  }
.LBB2_4:
0x63: {  	[tilespmem:v18+s20+$0x0] =	vst.idx.msk vm6, v8;
	v18 =	vor.u32 s25, v1  }
0x64: {  	v13 =	vld [tilespmem:s13+$0xFFFFFFC0];
	s26 =	sadd.s32 $0x50, s8;
	s7 =	sadd.s32 $0x8, s7;
	vm6 =	vgt.s32 v7, $0xFFFFFFFF;
	v7 =	vadd.s32 v5, v17;
	v8 =	vor.u32 s25, v0  }
0x65: {  	s16 =	sadd.s32 $0x20, s8;
	v14 =	vor.u32 s2, v1;
	v22 =	vld [tilespmem:s13+$0x0];
	p1 =	slt.u32 s7, $0x38;
	v23 =	vor.u32 v11, v7;
	[tilespmem:v10+s20+$0x0] =	vst.idx.msk vm5, v6;
	v6 =	vor.u32 s26, v0  }
0x66: {  	v24 =	vor.u32 s16, v0;
	v17 =	vld [tilespmem:s13+$0x30];
	[tilespmem:v21+s20+$0x0] =	vst.idx.msk vm1, v8;
	v8 =	vor.u32 s24, v1  }
0x67: {  	v10 =	vor.u32 s5, v1;
	s2 =	smov.u32 s26;
	s5 =	smov.u32 s16;
	v11 =	vor.u32 s8, v1;
	s24 =	sadd.s32 $0x10, s8;
	v7 =	vld [tilespmem:s13+$0xFFFFFFF0];
	[tilespmem:v15+s20+$0x0] =	vst.idx.msk vm0, v8  }
0x68: {  	v8 =	vor.u32 s24, v0;
	v15 =	vor.u32 s6, v1;
	s6 =	smov.u32 s24;
	v12 =	vld [tilespmem:s13+$0xFFFFFFE0];
	[tilespmem:v20+s20+$0x0] =	vst.idx.msk vm4, v14  }
0x69: {  	s16 =	sadd.s32 $0x70, s8;
	v20 =	vand.u32 $0x8000, v13;
	v21 =	vshrl.u32 v13, $0x10;
	v25 =	vand.u32 $0xFF80, v13;
	v14 =	vld [tilespmem:s13+$0xFFFFFFD0];
	[tilespmem:v19+s20+$0x0] =	vst.idx.msk vm3, v15  }
0x6a: {  	s25 =	sadd.s32 $0x40, s8;
	v26 =	vor.u32 s16, v0;
	v16 =	vor.u32 s16, v1;
	v19 =	vor.u32 s8, v0;
	v15 =	vld [tilespmem:s13+$0x10];
	[tilespmem:v9+s20+$0x0] =	vst.idx.msk vm2, v10  }
0x6b: {  	v28 =	vor.u32 s25, v1;
	v27 =	vand.u32 $0x7F, v13;
	v29 =	vand.u32 $0xFF80, v17;
	[tilespmem:v23+s20+$0x0] =	vst.idx.msk vm6, v18  }
0x6c: {  	v10 =	vand.u32 $0x8000, v7;
	v23 =	vshrl.u32 v7, $0x10;
	v30 =	vand.u32 $0xFF80, v7;
	v18 =	vld [tilespmem:s13+$0x20]  }
0x6d: {  	v31 =	vand.u32 $0x8000, v22;
	v32 =	vshrl.u32 v22, $0x10;
	v9 =	vand.u32 $0x8000, v12  }
0x6e: {  	v35 =	vand.u32 $0xFF80, v22;
	v33 =	vshrl.u32 v12, $0x10;
	v34 =	vand.u32 $0xFF80, v12  }
0x6f: {  	v37 =	vand.u32 $0x7F, v22;
	v36 =	vand.u32 $0x7F, v33;
	v38 =	vshrl.u32 v15, $0x10  }
0x70: {  	v40 =	vand.u32 $0xFF80, v32;
	v39 =	vshrl.u32 v14, $0x10;
	vm3 =	veq.s32 v9, $0x0  }
0x71: {  	v9 =	vand.u32 $0x7F, v12;
	v41 =	vand.u32 $0x8000, v18;
	vm0 =	vgt.s32 v18, $0xFFFFFFFF  }
0x72: {  	v35 =	vadd.s32 v5, v35;
	v42 =	vand.u32 $0x7F, v15;
	v43 =	vshrl.u32 v18, $0x10  }
0x73: {  	v44 =	vand.u32 $0x8000, v14;
	v45 =	vand.u32 $0xFF80, v18;
	v46 =	vand.u32 $0x7F, v43  }
0x74: {  	v34 =	vadd.s32 v5, v34;
	v47 =	vand.u32 $0xFF80, v15;
	v43 =	vand.u32 $0xFF80, v43  }
0x75: {  	v34 =	vor.u32 v9, v34;
	v9 =	vand.u32 $0xFF80, v33;
	v33 =	vand.u32 $0xFF80, v38  }
0x76: {  	v48 =	vand.u32 $0x7F, v14;
	v9 =	vadd.s32 v5, v9;
	v43 =	vadd.s32 v5, v43  }
0x77: {  	vm2 =	veq.s32 v20, $0x0;
	v20 =	vadd.s32 v5, v47;
	v9 =	vor.u32 v36, v9  }
0x78: {  	vm1 =	veq.s32 v10, $0x0;
	v36 =	vand.u32 $0x7F, v7;
	v10 =	vor.u32 v42, v20  }
0x79: {  	v32 =	vand.u32 $0x7F, v32;
	v20 =	vand.u32 $0xFF80, v14;
	v42 =	vadd.s32 v5, v45  }
0x7a: {  	v18 =	vand.u32 $0x7F, v18;
	v20 =	vadd.s32 v5, v20;
	[tilespmem:v34+s20+$0x0] =	vst.idx.msk vm3, v24;
	v24 =	vand.u32 $0x8000, v15  }
0x7b: {  	vm4 =	veq.s32 v31, $0x0;
	v31 =	vadd.s32 v5, v40;
	v34 =	vor.u32 v18, v42  }
0x7c: {  	vm5 =	veq.s32 v41, $0x0;
	v18 =	vadd.s32 v5, v25;
	v25 =	vor.u32 v32, v31  }
0x7d: {  	s24 =	sadd.s32 $0x60, s8;
	vm7 =	vgt.s32 v22, $0xFFFFFFFF;
	v31 =	vor.u32 v37, v35;
	v27 =	vor.u32 v27, v18  }
0x7e: {  	v22 =	vand.u32 $0xFF80, v21;
	v18 =	vor.u32 v48, v20;
	v20 =	vor.u32 s24, v0  }
0x7f: {  	v32 =	vor.u32 s25, v0;
	v35 =	vand.u32 $0x8000, v17;
	v37 =	vshrl.u32 v17, $0x10  }
0x80: {  	v29 =	vadd.s32 v5, v29;
	vm8 =	veq.s32 v35, $0x0;
	v35 =	vand.u32 $0x7F, v17  }
0x81: {  	vm3 =	vgt.s32 v13, $0xFFFFFFFF;
	v13 =	vor.u32 v35, v29;
	v29 =	vand.u32 $0xFF80, v37  }
0x82: {  	vm9 =	vgt.s32 v17, $0xFFFFFFFF;
	v17 =	vand.u32 $0x7F, v37;
	v29 =	vadd.s32 v5, v29;
	[tilespmem:v31+s20+$0x0] =	vst.idx.msk vm4, v32  }
0x83: {  	v21 =	vand.u32 $0x7F, v21;
	v22 =	vadd.s32 v5, v22;
	v29 =	vor.u32 v17, v29;
	[tilespmem:v34+s20+$0x0] =	vst.idx.msk vm5, v20  }
0x84: {  	v22 =	vor.u32 v21, v22;
	vm6 =	veq.s32 v44, $0x0;
	v17 =	vand.u32 $0xFF80, v39;
	[tilespmem:v25+s20+$0x0] =	vst.idx.msk vm7, v28  }
.Ltmp2:
0x85: {  	v20 =	vadd.s32 v5, v30;
	vm5 =	veq.s32 v24, $0x0;
	v24 =	vand.u32 $0x7F, v38;
	[tilespmem:v27+s20+$0x0] =	vst.idx.msk vm2, v19;
	(pc) =	sbr.rel @p1 .LBB2_4-.Ltmp2, $4  }
0x86: {  	v17 =	vadd.s32 v5, v17;
	v25 =	vadd.s32 v5, v33;
	v19 =	vand.u32 $0x7F, v39;
	[tilespmem:v13+s20+$0x0] =	vst.idx.msk vm8, v26  }
0x87: {  	v21 =	vor.u32 v36, v20;
	v20 =	vor.u32 v24, v25;
	v19 =	vor.u32 v19, v17  }
0x88: {  	vm4 =	vgt.s32 v15, $0xFFFFFFFF;
	v15 =	vor.u32 v46, v43;
	v17 =	vand.u32 $0xFF80, v23;
	[tilespmem:v29+s20+$0x0] =	vst.idx.msk vm9, v16  }
0x89: {  	s13 =	sadd.s32 $0x400, s13;
	s25 =	sadd.s32 $0x30, s8;
	s8 =	sadd.s32 $0x80, s8;
	vm2 =	vgt.s32 v12, $0xFFFFFFFF;
	[tilespmem:v22+s20+$0x0] =	vst.idx.msk vm3, v11;
	vm3 =	vgt.s32 v14, $0xFFFFFFFF;
	v11 =	vand.u32 $0x7F, v23  }
0x8a: {  	_ =	sdelay $0x4  }
0x8b: {  	[tilespmem:v18+s20+$0x0] =	vst.idx.msk vm6, v8  }
0x8c: {  	vm11 =	vgt.s32 v7, $0xFFFFFFFF;
	v7 =	vadd.s32 v5, v17;
	v61 =	vor.u32 s25, v0;
	[tilespmem:v10+s20+$0x0] =	vst.idx.msk vm5, v6  }
0x8d: {  	v62 =	vor.u32 s2, v1;
	v6 =	vor.u32 v11, v7;
	[tilespmem:v21+s20+$0x0] =	vst.idx.msk vm1, v61  }
0x8e: {  	v63 =	vor.u32 s5, v1;
	[tilespmem:v20+s20+$0x0] =	vst.idx.msk vm4, v62  }
0x8f: {  	v7 =	vor.u32 s24, v1;
	[tilespmem:v9+s20+$0x0] =	vst.idx.msk vm2, v63  }
0x90: {  	[tilespmem:v15+s20+$0x0] =	vst.idx.msk vm0, v7;
	v7 =	vor.u32 s6, v1  }
0x91: {  	[tilespmem:v19+s20+$0x0] =	vst.idx.msk vm3, v7;
	v7 =	vor.u32 s25, v1  }
0x92: {  	[tilespmem:v6+s20+$0x0] =	vst.idx.msk vm11, v7  }
0x93: {  	s26 =	sshll.u32 s0, $0x7;
	v6 =	vld.idx.msk [tilespmem:v5+s15+$0x0], $0xffff  }
0x94: {  	s2 =	sand.u32 $0x3FFFFF80, s26;
	v5 =	vld.idx.msk [tilespmem:v5+s20+$0x0], $0xffff  }
0x95: {  	v7 =	vld [tilespmem:s2+$0x12000]  }
0x96: {  	v8 =	vld [tilespmem:s2+$0x12010]  }
0x97: {  	v9 =	vld [tilespmem:s2+$0x12020]  }
0x98: {  	s0 =	sadd.s32 $0x1, s0;
	v10 =	vld [tilespmem:s2+$0x12030]  }
0x99: {  	p1 =	sne.s32 s0, $0x20;
	vm12 =	vgt.s32 v6, v0  }
.Ltmp3:
0x9a: {  	vm13 =	vgt.s32 v6, v2;
	v7 =	vsel vm12, v7, v5;
	(pc) =	sbr.rel @p1 .LBB2_3-.Ltmp3, $4  }
0x9b: {  	vm14 =	vgt.s32 v6, v3;
	[tilespmem:s2+$0x12000] =	vst v7;
	v7 =	vsel vm13, v8, v5  }
0x9c: {  	vm15 =	vgt.s32 v6, v4;
	[tilespmem:s2+$0x12010] =	vst v7;
	v7 =	vsel vm14, v9, v5  }
0x9d: {  	v5 =	vsel vm15, v10, v5;
	[tilespmem:s2+$0x12020] =	vst v7  }
0x9e: {  	s31 =	sadd.s32 $0x400, s31;
	s30 =	sadd.s32 $0x1, s30;
	[tilespmem:s2+$0x12030] =	vst v5  }
0x9f: {  	s0 =	simm.s32 @p0 $0x0  }
0xa0: {  	[tilespmem:s0], [sflag:$0x1] =	stream.linear.gather @p0 [hbm4b:s9+s0], $0x8000, $0x38;
	[tilespmem:$0x14000] =	vst v63  }
0xa1: {  	s2 =	simm.s32 @p0 $0x10000;
	s26 =	sor.u32 s4, s28  }
0xa2: {  	[tilespmem:s2], [sflag:$0x3] =	stream.linear.gather @p0 [hbm4b:s10+s0], $0x1000, $0x38;
	[tilespmem:$0x14000] =	vst v63  }
0xa3: {  	s0 =	sshrl.u32 s26, $0x3  }
0xa4: {  	s0 =	sadd.s32 s3, s0  }
0xa5: {  	[hbm4b:s0+s1] =	stream.linear.scatter [tilespmem:s20], [sflag:$0x5], $0x1000, $0x38;
	[tilespmem:$0x14000] =	vst v63  }
0xa6: {  	_ =	swait.ge [sflag:s21], $0x8000  }
0xa7: {  	[sflag:s21] =	ssyncset.done $0x0  }
0xa8: {  	[sflag:s21] =	ssyncadd.s32 $0xFFFF8000  }
0xa9: {  	_ =	swait.ge [sflag:s22], $0x1000  }
0xaa: {  	[sflag:s22] =	ssyncset.done $0x0  }
0xab: {  	s0 =	simm.s32 @!p0 $0x6;
	[sflag:s22] =	ssyncadd.s32 $0xFFFFF000  }
0xac: {  	_ =	swait.ge @!p0 [sflag:s0], $0x1000  }
0xad: {  	s29 =	simm.s32 $0x0;
	s30 =	simm.s32 $0x0;
	[sflag:s0] =	ssyncset.done @!p0 $0x0  }
0xae: {  	s31 =	simm.s32 $0x0;
	[sflag:s0] =	ssyncadd.s32 @!p0 $0xFFFFF000;
	s0 =	simm.s32 $0x0  }
.LBB2_7:
0xaf: {  	s2 =	sshll.u32 s31, $0x2;
	s5 =	sand.u32 $0x7, s30  }
0xb0: {  	s2 =	sand.u32 $0xFFFF8000, s2;
	s5 =	sshll.u32 s5, $0x9  }
0xb1: {  	s2 =	sor.u32 s5, s2  }
0xb2: {  	s2 =	sshrl.u32 s2, $0x2  }
0xb3: {  	s13 =	sadd.s32 $0x8040, s2  }
0xb4: {  	v11 =	vld [tilespmem:s13+$0xFFFFFFC0]  }
0xb5: {  	v5 =	vmov s0;
	v13 =	vld [tilespmem:s13+$0x30]  }
0xb6: {  	s6 =	simm.s32 $0x10;
	v16 =	vor.u32 s29, v1;
	s8 =	simm.s32 $0x70;
	v19 =	vor.u32 s29, v0;
	v5 =	vshll.u32 v5, $0x7;
	v7 =	vld [tilespmem:s13+$0xFFFFFFF0]  }
0xb7: {  	s7 =	simm.s32 $0x40;
	s24 =	simm.s32 $0x60;
	v8 =	vor.u32 s6, v0;
	v20 =	vor.u32 s8, v0;
	v24 =	vor.u32 s8, v1;
	v22 =	vld [tilespmem:s13+$0xFFFFFFE0]  }
0xb8: {  	v21 =	vor.u32 s7, v1;
	v58 =	vor.u32 s24, v0;
	v59 =	vor.u32 s7, v0;
	s5 =	simm.s32 $0x20;
	s2 =	simm.s32 $0x50;
	v12 =	vld [tilespmem:s13+$0x0]  }
0xb9: {  	v5 =	vbroadcast v5, $0x0;
	v14 =	vor.u32 s5, v0;
	v6 =	vor.u32 s2, v0;
	v23 =	vld [tilespmem:s13+$0x10]  }
0xba: {  	v25 =	vld [tilespmem:s13+$0xFFFFFFD0];
	v9 =	vand.u32 $0x8000, v11;
	v15 =	vshrl.u32 v11, $0x10;
	v17 =	vand.u32 $0xFF80, v11  }
0xbb: {  	v29 =	vld [tilespmem:s13+$0x20];
	v18 =	vand.u32 $0x7F, v11;
	v26 =	vand.u32 $0xFF80, v13;
	v10 =	vand.u32 $0x8000, v7  }
0xbc: {  	v27 =	vshrl.u32 v7, $0x10;
	v28 =	vand.u32 $0xFF80, v7;
	v30 =	vand.u32 $0x8000, v22  }
0xbd: {  	v31 =	vand.u32 $0x8000, v12;
	v32 =	vshrl.u32 v12, $0x10;
	v33 =	vshrl.u32 v22, $0x10  }
0xbe: {  	v34 =	vand.u32 $0xFF80, v22;
	v35 =	vand.u32 $0xFF80, v12;
	v37 =	vand.u32 $0x7F, v12  }
0xbf: {  	v38 =	vshrl.u32 v23, $0x10;
	v39 =	vshrl.u32 v25, $0x10;
	v40 =	vand.u32 $0x7F, v22  }
0xc0: {  	v41 =	vand.u32 $0x8000, v29;
	vm0 =	vgt.s32 v29, $0xFFFFFFFF;
	v42 =	vand.u32 $0x7F, v23  }
0xc1: {  	v43 =	vshrl.u32 v29, $0x10;
	v44 =	vand.u32 $0x8000, v25;
	v45 =	vand.u32 $0xFF80, v29  }
0xc2: {  	v47 =	vand.u32 $0xFF80, v23;
	v48 =	vand.u32 $0x7F, v25;
	v53 =	vand.u32 $0x7F, v7  }
0xc3: {  	v54 =	vand.u32 $0xFF80, v25;
	v56 =	vand.u32 $0x8000, v23;
	v29 =	vand.u32 $0x7F, v29  }
0xc4: {  	vm7 =	vgt.s32 v12, $0xFFFFFFFF;
	v60 =	vand.u32 $0x8000, v13;
	v61 =	vshrl.u32 v13, $0x10  }
0xc5: {  	vm9 =	vgt.s32 v13, $0xFFFFFFFF;
	v36 =	vand.u32 $0x7F, v33;
	vm2 =	veq.s32 v30, $0x0  }
0xc6: {  	v62 =	vand.u32 $0xFF80, v32;
	v35 =	vadd.s32 v5, v35;
	v46 =	vand.u32 $0x7F, v43  }
0xc7: {  	v34 =	vadd.s32 v5, v34;
	v43 =	vand.u32 $0xFF80, v43;
	v33 =	vand.u32 $0xFF80, v33  }
0xc8: {  	v63 =	vand.u32 $0xFF80, v38;
	vm3 =	veq.s32 v9, $0x0;
	v52 =	vadd.s32 v5, v47  }
0xc9: {  	vm1 =	veq.s32 v10, $0x0;
	v32 =	vand.u32 $0x7F, v32;
	v55 =	vadd.s32 v5, v45  }
0xca: {  	vm4 =	veq.s32 v31, $0x0;
	v17 =	vadd.s32 v5, v17;
	vm5 =	veq.s32 v41, $0x0  }
0xcb: {  	v12 =	vand.u32 $0xFF80, v15;
	vm8 =	veq.s32 v60, $0x0;
	v26 =	vadd.s32 v5, v26  }
0xcc: {  	v15 =	vand.u32 $0x7F, v15;
	v34 =	vor.u32 v40, v34;
	v33 =	vadd.s32 v5, v33  }
0xcd: {  	v43 =	vadd.s32 v5, v43;
	v10 =	vor.u32 v42, v52;
	v57 =	vor.u32 v37, v35  }
0xce: {  	v30 =	vadd.s32 v5, v62;
	v29 =	vor.u32 v29, v55;
	v17 =	vor.u32 v18, v17  }
0xcf: {  	v62 =	vand.u32 $0x7F, v13;
	v12 =	vadd.s32 v5, v12;
	v63 =	vadd.s32 v5, v63  }
0xd0: {  	v9 =	vor.u32 v36, v33;
	v33 =	vadd.s32 v5, v54;
	v30 =	vor.u32 v32, v30  }
0xd1: {  	[tilespmem:v34+s23+$0x0] =	vst.idx.msk vm2, v14;
	vm2 =	vgt.s32 v11, $0xFFFFFFFF;
	v11 =	vor.u32 v62, v26;
	v14 =	vand.u32 $0xFF80, v61  }
0xd2: {  	v13 =	vand.u32 $0x7F, v61;
	v12 =	vor.u32 v15, v12;
	[tilespmem:v57+s23+$0x0] =	vst.idx.msk vm4, v59;
	v14 =	vadd.s32 v5, v14  }
0xd3: {  	vm6 =	veq.s32 v44, $0x0;
	v15 =	vadd.s32 v5, v28;
	[tilespmem:v29+s23+$0x0] =	vst.idx.msk vm5, v58;
	v13 =	vor.u32 v13, v14  }
0xd4: {  	v18 =	vor.u32 v48, v33;
	[tilespmem:v17+s23+$0x0] =	vst.idx.msk vm3, v19;
	vm5 =	veq.s32 v56, $0x0;
	v17 =	vand.u32 $0x7F, v38  }
0xd5: {  	v19 =	vand.u32 $0x7F, v39;
	[tilespmem:v30+s23+$0x0] =	vst.idx.msk vm7, v21;
	v21 =	vor.u32 v53, v15;
	v14 =	vand.u32 $0xFF80, v39  }
0xd6: {  	vm4 =	vgt.s32 v23, $0xFFFFFFFF;
	v15 =	vor.u32 v46, v43;
	v14 =	vadd.s32 v5, v14;
	[tilespmem:v11+s23+$0x0] =	vst.idx.msk vm8, v20  }
0xd7: {  	s25 =	simm.s32 $0x30;
	vm3 =	vgt.s32 v25, $0xFFFFFFFF;
	v19 =	vor.u32 v19, v14;
	v20 =	vor.u32 v17, v63;
	[tilespmem:v12+s23+$0x0] =	vst.idx.msk vm2, v16  }
0xd8: {  	s7 =	simm.s32 $0x0;
	s8 =	simm.s32 $0x80;
	s13 =	sadd.s32 $0x400, s13;
	v17 =	vand.u32 $0xFF80, v27;
	v11 =	vand.u32 $0x7F, v27;
	vm2 =	vgt.s32 v22, $0xFFFFFFFF;
	[tilespmem:v13+s23+$0x0] =	vst.idx.msk vm9, v24  }
.LBB2_8:
0xd9: {  	[tilespmem:v18+s23+$0x0] =	vst.idx.msk vm6, v8;
	v18 =	vor.u32 s25, v1  }
0xda: {  	v13 =	vld [tilespmem:s13+$0xFFFFFFC0];
	s16 =	sadd.s32 $0x50, s8;
	s7 =	sadd.s32 $0x8, s7;
	vm6 =	vgt.s32 v7, $0xFFFFFFFF;
	v7 =	vadd.s32 v5, v17;
	v8 =	vor.u32 s25, v0  }
0xdb: {  	s26 =	sadd.s32 $0x20, s8;
	v14 =	vor.u32 s2, v1;
	v22 =	vld [tilespmem:s13+$0x0];
	p1 =	slt.u32 s7, $0x38;
	v23 =	vor.u32 v11, v7;
	[tilespmem:v10+s23+$0x0] =	vst.idx.msk vm5, v6;
	v6 =	vor.u32 s16, v0  }
0xdc: {  	v24 =	vor.u32 s26, v0;
	v17 =	vld [tilespmem:s13+$0x30];
	[tilespmem:v21+s23+$0x0] =	vst.idx.msk vm1, v8;
	v8 =	vor.u32 s24, v1  }
0xdd: {  	v10 =	vor.u32 s5, v1;
	s2 =	smov.u32 s16;
	s5 =	smov.u32 s26;
	v11 =	vor.u32 s8, v1;
	s24 =	sadd.s32 $0x10, s8;
	v7 =	vld [tilespmem:s13+$0xFFFFFFF0];
	[tilespmem:v15+s23+$0x0] =	vst.idx.msk vm0, v8  }
0xde: {  	v8 =	vor.u32 s24, v0;
	v15 =	vor.u32 s6, v1;
	s6 =	smov.u32 s24;
	v12 =	vld [tilespmem:s13+$0xFFFFFFE0];
	[tilespmem:v20+s23+$0x0] =	vst.idx.msk vm4, v14  }
0xdf: {  	s16 =	sadd.s32 $0x70, s8;
	v20 =	vand.u32 $0x8000, v13;
	v21 =	vshrl.u32 v13, $0x10;
	v25 =	vand.u32 $0xFF80, v13;
	v14 =	vld [tilespmem:s13+$0xFFFFFFD0];
	[tilespmem:v19+s23+$0x0] =	vst.idx.msk vm3, v15  }
0xe0: {  	s25 =	sadd.s32 $0x40, s8;
	v26 =	vor.u32 s16, v0;
	v16 =	vor.u32 s16, v1;
	v19 =	vor.u32 s8, v0;
	v15 =	vld [tilespmem:s13+$0x10];
	[tilespmem:v9+s23+$0x0] =	vst.idx.msk vm2, v10  }
0xe1: {  	v28 =	vor.u32 s25, v1;
	v27 =	vand.u32 $0x7F, v13;
	v29 =	vand.u32 $0xFF80, v17;
	[tilespmem:v23+s23+$0x0] =	vst.idx.msk vm6, v18  }
0xe2: {  	v10 =	vand.u32 $0x8000, v7;
	v23 =	vshrl.u32 v7, $0x10;
	v30 =	vand.u32 $0xFF80, v7;
	v18 =	vld [tilespmem:s13+$0x20]  }
0xe3: {  	v31 =	vand.u32 $0x8000, v22;
	v32 =	vshrl.u32 v22, $0x10;
	v9 =	vand.u32 $0x8000, v12  }
0xe4: {  	v35 =	vand.u32 $0xFF80, v22;
	v33 =	vshrl.u32 v12, $0x10;
	v34 =	vand.u32 $0xFF80, v12  }
0xe5: {  	v37 =	vand.u32 $0x7F, v22;
	v36 =	vand.u32 $0x7F, v33;
	v38 =	vshrl.u32 v15, $0x10  }
0xe6: {  	v40 =	vand.u32 $0xFF80, v32;
	v39 =	vshrl.u32 v14, $0x10;
	vm3 =	veq.s32 v9, $0x0  }
0xe7: {  	v9 =	vand.u32 $0x7F, v12;
	v41 =	vand.u32 $0x8000, v18;
	vm0 =	vgt.s32 v18, $0xFFFFFFFF  }
0xe8: {  	v35 =	vadd.s32 v5, v35;
	v42 =	vand.u32 $0x7F, v15;
	v43 =	vshrl.u32 v18, $0x10  }
0xe9: {  	v44 =	vand.u32 $0x8000, v14;
	v45 =	vand.u32 $0xFF80, v18;
	v46 =	vand.u32 $0x7F, v43  }
0xea: {  	v34 =	vadd.s32 v5, v34;
	v47 =	vand.u32 $0xFF80, v15;
	v43 =	vand.u32 $0xFF80, v43  }
0xeb: {  	v34 =	vor.u32 v9, v34;
	v9 =	vand.u32 $0xFF80, v33;
	v33 =	vand.u32 $0xFF80, v38  }
0xec: {  	v48 =	vand.u32 $0x7F, v14;
	v9 =	vadd.s32 v5, v9;
	v43 =	vadd.s32 v5, v43  }
0xed: {  	vm2 =	veq.s32 v20, $0x0;
	v20 =	vadd.s32 v5, v47;
	v9 =	vor.u32 v36, v9  }
0xee: {  	vm1 =	veq.s32 v10, $0x0;
	v36 =	vand.u32 $0x7F, v7;
	v10 =	vor.u32 v42, v20  }
0xef: {  	v32 =	vand.u32 $0x7F, v32;
	v20 =	vand.u32 $0xFF80, v14;
	v42 =	vadd.s32 v5, v45  }
0xf0: {  	v18 =	vand.u32 $0x7F, v18;
	v20 =	vadd.s32 v5, v20;
	[tilespmem:v34+s23+$0x0] =	vst.idx.msk vm3, v24;
	v24 =	vand.u32 $0x8000, v15  }
0xf1: {  	vm4 =	veq.s32 v31, $0x0;
	v31 =	vadd.s32 v5, v40;
	v34 =	vor.u32 v18, v42  }
0xf2: {  	vm5 =	veq.s32 v41, $0x0;
	v18 =	vadd.s32 v5, v25;
	v25 =	vor.u32 v32, v31  }
0xf3: {  	s24 =	sadd.s32 $0x60, s8;
	vm7 =	vgt.s32 v22, $0xFFFFFFFF;
	v31 =	vor.u32 v37, v35;
	v27 =	vor.u32 v27, v18  }
0xf4: {  	v22 =	vand.u32 $0xFF80, v21;
	v18 =	vor.u32 v48, v20;
	v20 =	vor.u32 s24, v0  }
0xf5: {  	v32 =	vor.u32 s25, v0;
	v35 =	vand.u32 $0x8000, v17;
	v37 =	vshrl.u32 v17, $0x10  }
0xf6: {  	v29 =	vadd.s32 v5, v29;
	vm8 =	veq.s32 v35, $0x0;
	v35 =	vand.u32 $0x7F, v17  }
0xf7: {  	vm3 =	vgt.s32 v13, $0xFFFFFFFF;
	v13 =	vor.u32 v35, v29;
	v29 =	vand.u32 $0xFF80, v37  }
0xf8: {  	vm9 =	vgt.s32 v17, $0xFFFFFFFF;
	v17 =	vand.u32 $0x7F, v37;
	v29 =	vadd.s32 v5, v29;
	[tilespmem:v31+s23+$0x0] =	vst.idx.msk vm4, v32  }
0xf9: {  	v21 =	vand.u32 $0x7F, v21;
	v22 =	vadd.s32 v5, v22;
	v29 =	vor.u32 v17, v29;
	[tilespmem:v34+s23+$0x0] =	vst.idx.msk vm5, v20  }
0xfa: {  	v22 =	vor.u32 v21, v22;
	vm6 =	veq.s32 v44, $0x0;
	v17 =	vand.u32 $0xFF80, v39;
	[tilespmem:v25+s23+$0x0] =	vst.idx.msk vm7, v28  }
.Ltmp4:
0xfb: {  	v20 =	vadd.s32 v5, v30;
	vm5 =	veq.s32 v24, $0x0;
	v24 =	vand.u32 $0x7F, v38;
	[tilespmem:v27+s23+$0x0] =	vst.idx.msk vm2, v19;
	(pc) =	sbr.rel @p1 .LBB2_8-.Ltmp4, $4  }
0xfc: {  	v17 =	vadd.s32 v5, v17;
	v25 =	vadd.s32 v5, v33;
	v19 =	vand.u32 $0x7F, v39;
	[tilespmem:v13+s23+$0x0] =	vst.idx.msk vm8, v26  }
0xfd: {  	v21 =	vor.u32 v36, v20;
	v20 =	vor.u32 v24, v25;
	v19 =	vor.u32 v19, v17  }
0xfe: {  	vm4 =	vgt.s32 v15, $0xFFFFFFFF;
	v15 =	vor.u32 v46, v43;
	v17 =	vand.u32 $0xFF80, v23;
	[tilespmem:v29+s23+$0x0] =	vst.idx.msk vm9, v16  }
0xff: {  	s13 =	sadd.s32 $0x400, s13;
	s25 =	sadd.s32 $0x30, s8;
	s8 =	sadd.s32 $0x80, s8;
	vm2 =	vgt.s32 v12, $0xFFFFFFFF;
	[tilespmem:v22+s23+$0x0] =	vst.idx.msk vm3, v11;
	vm3 =	vgt.s32 v14, $0xFFFFFFFF;
	v11 =	vand.u32 $0x7F, v23  }
0x100: {  	_ =	sdelay $0x4  }
0x101: {  	[tilespmem:v18+s23+$0x0] =	vst.idx.msk vm6, v8  }
0x102: {  	vm11 =	vgt.s32 v7, $0xFFFFFFFF;
	v7 =	vadd.s32 v5, v17;
	v61 =	vor.u32 s25, v0;
	[tilespmem:v10+s23+$0x0] =	vst.idx.msk vm5, v6  }
0x103: {  	v62 =	vor.u32 s2, v1;
	v6 =	vor.u32 v11, v7;
	[tilespmem:v21+s23+$0x0] =	vst.idx.msk vm1, v61  }
0x104: {  	v63 =	vor.u32 s5, v1;
	[tilespmem:v20+s23+$0x0] =	vst.idx.msk vm4, v62  }
0x105: {  	v7 =	vor.u32 s24, v1;
	[tilespmem:v9+s23+$0x0] =	vst.idx.msk vm2, v63  }
0x106: {  	[tilespmem:v15+s23+$0x0] =	vst.idx.msk vm0, v7;
	v7 =	vor.u32 s6, v1  }
0x107: {  	[tilespmem:v19+s23+$0x0] =	vst.idx.msk vm3, v7;
	v7 =	vor.u32 s25, v1  }
0x108: {  	[tilespmem:v6+s23+$0x0] =	vst.idx.msk vm11, v7  }
0x109: {  	s26 =	sshll.u32 s0, $0x7;
	v6 =	vld.idx.msk [tilespmem:v5+s17+$0x0], $0xffff  }
0x10a: {  	s2 =	sand.u32 $0x3FFFFF80, s26;
	v5 =	vld.idx.msk [tilespmem:v5+s23+$0x0], $0xffff  }
0x10b: {  	v7 =	vld [tilespmem:s2+$0x13000]  }
0x10c: {  	v8 =	vld [tilespmem:s2+$0x13010]  }
0x10d: {  	v9 =	vld [tilespmem:s2+$0x13020]  }
0x10e: {  	s0 =	sadd.s32 $0x1, s0;
	v10 =	vld [tilespmem:s2+$0x13030]  }
0x10f: {  	p1 =	sne.s32 s0, $0x20;
	vm12 =	vgt.s32 v6, v0  }
.Ltmp5:
0x110: {  	vm13 =	vgt.s32 v6, v2;
	v7 =	vsel vm12, v7, v5;
	(pc) =	sbr.rel @p1 .LBB2_7-.Ltmp5, $4  }
0x111: {  	vm14 =	vgt.s32 v6, v3;
	[tilespmem:s2+$0x13000] =	vst v7;
	v7 =	vsel vm13, v8, v5  }
0x112: {  	vm15 =	vgt.s32 v6, v4;
	[tilespmem:s2+$0x13010] =	vst v7;
	v7 =	vsel vm14, v9, v5  }
0x113: {  	v5 =	vsel vm15, v10, v5;
	[tilespmem:s2+$0x13020] =	vst v7  }
0x114: {  	s31 =	sadd.s32 $0x400, s31;
	s30 =	sadd.s32 $0x1, s30;
	[tilespmem:s2+$0x13030] =	vst v5  }
.Ltmp6:
0x115: {  	(pc) =	sbr.rel @!p0 .LBB2_12-.Ltmp6, $3  }
0x116: {  	_ =	sdelay $0x1  }
0x117: {  	s0 =	sor.u32 s14, s28  }
0x118: {  	s0 =	sshrl.u32 s0, $0x3  }
0x119: {  	s2 =	simm.s32 $0x8000  }
0x11a: {  	[tilespmem:s2], [sflag:$0x2] =	stream.linear.gather [hbm4b:s11+s1], $0x8000, $0x38;
	[tilespmem:$0x14000] =	vst v63  }
.Ltmp7:
0x11b: {  	_ = 	snop;
	(pc) =	sbr.rel .LBB2_2-.Ltmp7, $4  }
0x11c: {  	_ = 	snop  }
0x11d: {  	[tilespmem:s17], [sflag:$0x4] =	stream.linear.gather [hbm4b:s12+s1], $0x1000, $0x38;
	[tilespmem:$0x14000] =	vst v63  }
0x11e: {  	s0 =	sadd.s32 s3, s0;
	s28 =	simm.s32 $0x2000;
	p0 =	por $0x0, $0x0  }
0x11f: {  	[hbm4b:s0+s1] =	stream.linear.scatter [tilespmem:s23], [sflag:$0x6], $0x1000, $0x38;
	[tilespmem:$0x14000] =	vst v63  }
.LBB2_13:
0x120: {  	_ =	sfence.sel $0x180000  }
0x121: {  	[bflag:$0x0] =	sbarrier.arrive $0xFFFF  }
0x122: {  	_ =	strace $0x9000004A  }
0x123: {  	s0 =	stileid.u32;
	[bflag:$0x2] =	sbarrier.arrive $0xFFFF  }
0x124: {  	p0 =	sne.s32 s0, $0x0;
	s0 =	rddreg [dreg:$0x1]  }
0x125: {  	s0 =	sadd.s32 @!p0 $0x100000, s0  }
0x126: {  	[sflag:s0] =	ssyncadd.tile.s32 @!p0 $0x1;
	_ =	shalt  }
.Lfunc_end2:
_tile_overlayer_lowered:
.L_overlay_start_2:
0x127: {  	(tag) =	ssettag $0x2  }
0x128: {  	s0 =	rddreg [dreg:$0x0];
	s2 =	stileid.u32  }
0x129: {  	s1 =	rddreg [dreg:$0x1];
	p0 =	sne.s32 s2, $0x0  }
0x12a: {  	s3 =	rddreg [dreg:$0x2];
	[bflag:$0x3] =	sbarrier.arrive $0xFFFF;
	s2 =	simm.s32 @!p0 $0x1C07  }
0x12b: {  	[timem:s3], [sflag:s2] =	dma.local @!p0 [hbm:s0], s1  }
0x12c: {  	s0 =	simm.s32 @!p0 $0x7  }
0x12d: {  	_ =	swait.ge @!p0 [sflag:s0], s1  }
0x12e: {  	s1 =	ssub.s32 @!p0 $0x0, s1;
	[sflag:s0] =	ssyncset.done @!p0 $0x0  }
0x12f: {  	[sflag:s0] =	ssyncadd.s32 @!p0 s1  }
0x130: {  	[bflag:$0x3] =	sbarrier.arrive $0xFFFF  }
0x131: {  	_ =	shalt  }

// kernel: kernel.16.cloned.1.call-start
scs
__scs_entry_jumppad:
0x0: {  	(pc) =	sbr.rel $0x88, $3  }
0x1: {  	(tag) =	ssettag $0x0;
	lr =	simm.s32 $0x1  }
0x2: {  	[smem:$0x3FA0] =	sst lr;
	_ =	strace $0xD0000000  }
0x3: {  	_ = 	snop  }
0x4: {  	_ = 	snop  }
0x5: {  	_ = 	snop  }
0x6: {  	_ = 	snop  }
0x7: {  	_ = 	snop  }
__scs_overlays_trampoline_lowered:
0x8: {  	[smem:$0x3FAF] =	sst s0  }
0x9: {  	[smem:$0x3FB0] =	sst s1  }
0xa: {  	[smem:$0x3FB1] =	sst s2  }
0xb: {  	[smem:$0x3FB2] =	sst s3  }
0xc: {  	[smem:$0x3FB3] =	sst s4  }
0xd: {  	[smem:$0x3FB4] =	sst s5  }
0xe: {  	[smem:$0x3FB5] =	sst s6  }
0xf: {  	[smem:$0x3FB6] =	sst s7  }
0x10: {  	[smem:$0x3FB7] =	sst s8  }
0x11: {  	[smem:$0x3FB8] =	sst s9;
	s0 =	simm.s32 @!p0 $0x0  }
0x12: {  	s1 =	sld [smem:$0x3F9E];
	s0 =	simm.s32 @p0 $0x1  }
0x13: {  	[smem:$0x3FB9] =	sst s0;
	s0 =	simm.s32 @!p1 $0x0  }
0x14: {  	s2 =	sld [smem:$0x3F9D];
	s0 =	simm.s32 @p1 $0x1  }
0x15: {  	[smem:$0x3FBA] =	sst s0;
	s0 =	simm.s32 @!p2 $0x0  }
0x16: {  	s3 =	sld [smem:$0x3FDB];
	s0 =	simm.s32 @p2 $0x1  }
0x17: {  	s4 =	simm.s32 $0x1BF5;
	[smem:$0x3FBC] =	sst s0  }
0x18: {  	s0 =	sld [smem:$0x3F9F];
	_ =	swait.ge [sflag:s4], $0x0  }
0x19: {  	s7 =	sld [smem:$0x3FA0]  }
0x1a: {  	s8 =	sadd.s32 $0xFFFFE003, lr  }
0x1b: {  	s9 =	sadd.s32 $0xFFFFFEF7, lr;
	s5 =	simm.s32 $0xFFFFFFFF;
	p2 =	slt.u32 s8, $0xFFFFF086  }
0x1c: {  	p1 =	slt.u32 s9, $0xF7A;
	s5 =	simm.s32 @!p2 $0x0  }
0x1d: {  	s5 =	simm.s32 @p1 $0x1;
	p0 =	seq.s32 s7, s2  }
0x1e: {  	s7 =	smul.u32 @!p0 $0xF7A, s2;
	p2 =	seq.s32 @!p0 s5, $0x0  }
0x1f: {  	s9 =	smul.u32 $0xF7A, s1;
	s8 =	simm.s32 @!p0 $0x1BF5;
	p2 =	por !p2, p0  }
0x20: {  	[sflag:s8] =	ssyncset.s32 @!p0 $0xFFFFF086;
	s6 =	sadd.s32 @!p0 s3, s7;
	s7 =	simm.s32 @!p0 $0x108  }
0x21: {  	s3 =	sadd.s32 s3, s9;
	s6 =	sadd.s32 @!p0 $0x88, s6;
	s7 =	simm.s32 @p2 $0x1082  }
0x22: {  	[simem:s7], [sflag:s8] =	dma.local @!p0 [hbm:s6], $0xF7A  }
0x23: {  	s9 =	sor.u32 $0xD0000000, s2;
	s6 =	simm.s32 $0x108;
	_ =	swait.ge @!p0 [sflag:s8], $0x0  }
0x24: {  	s3 =	sadd.s32 $0x88, s3;
	s6 =	simm.s32 @!p1 $0x1082;
	[sflag:s4] =	ssyncset.s32 $0xFFFFF086  }
0x25: {  	[simem:s6], [sflag:s4] =	dma.local [hbm:s3], $0xF7A  }
0x26: {  	[smem:$0x3FA0] =	sst s1;
	(tag) =	ssettag s2;
	_ =	strace s9  }
0x27: {  	s1 =	sld [smem:$0x3FB0]  }
0x28: {  	s2 =	sld [smem:$0x3FB1]  }
0x29: {  	s4 =	sld [smem:$0x3FB3]  }
0x2a: {  	p0 =	seq.s32 s5, $0x0;
	s5 =	sld [smem:$0x3FB4]  }
0x2b: {  	s6 =	sld [smem:$0x3FB5]  }
0x2c: {  	s7 =	sld [smem:$0x3FB6]  }
0x2d: {  	s3 =	simm.s32 $0x108;
	s8 =	sld [smem:$0x3FB7]  }
0x2e: {  	s3 =	simm.s32 @!p0 $0x1082;
	s9 =	sld [smem:$0x3FB8]  }
0x2f: {  	lr =	sadd.s32 s0, s3;
	s0 =	sld [smem:$0x3FAF]  }
0x30: {  	s3 =	sld [smem:$0x3FB2]  }
0x31: {  	[smem:$0x3FBB] =	sst s10  }
0x32: {  	s10 =	sld [smem:$0x3FB9];
	_ =	sdelay $0x3  }
0x33: {  	p0 =	seq.s32 s10, $0x1;
	s10 =	sld [smem:$0x3FBB];
	_ =	sdelay $0x3  }
0x34: {  	[smem:$0x3FBB] =	sst s10  }
0x35: {  	s10 =	sld [smem:$0x3FBA];
	_ =	sdelay $0x3  }
0x36: {  	p1 =	seq.s32 s10, $0x1;
	s10 =	sld [smem:$0x3FBB];
	_ =	sdelay $0x3  }
0x37: {  	[smem:$0x3FBB] =	sst s10  }
0x38: {  	s10 =	sld [smem:$0x3FBC]  }
0x39: {  	_ = 	snop;
	(pc) =	sbr.ind lr, $3  }
0x3a: {  	_ = 	snop  }
0x3b: {  	_ = 	snop  }
0x3c: {  	p2 =	seq.s32 s10, $0x1;
	s10 =	sld [smem:$0x3FBB]  }
0x3d: {  	_ =	shalt  }
0x3e: {  	_ =	shalt  }
0x3f: {  	_ =	shalt  }
0x40: {  	_ =	shalt  }
0x41: {  	_ =	shalt  }
0x42: {  	_ =	shalt  }
0x43: {  	_ =	shalt  }
0x44: {  	_ =	shalt  }
0x45: {  	_ =	shalt  }
0x46: {  	_ =	shalt  }
0x47: {  	_ =	shalt  }
0x48: {  	_ =	shalt  }
0x49: {  	_ =	shalt  }
0x4a: {  	_ =	shalt  }
0x4b: {  	_ =	shalt  }
0x4c: {  	_ =	shalt  }
0x4d: {  	_ =	shalt  }
0x4e: {  	_ =	shalt  }
0x4f: {  	_ =	shalt  }
0x50: {  	_ =	shalt  }
0x51: {  	_ =	shalt  }
0x52: {  	_ =	shalt  }
0x53: {  	_ =	shalt  }
0x54: {  	_ =	shalt  }
0x55: {  	_ =	shalt  }
0x56: {  	_ =	shalt  }
0x57: {  	_ =	shalt  }
0x58: {  	_ =	shalt  }
0x59: {  	_ =	shalt  }
0x5a: {  	_ =	shalt  }
0x5b: {  	_ =	shalt  }
0x5c: {  	_ =	shalt  }
0x5d: {  	_ =	shalt  }
0x5e: {  	_ =	shalt  }
0x5f: {  	_ =	shalt  }
0x60: {  	_ =	shalt  }
0x61: {  	_ =	shalt  }
0x62: {  	_ =	shalt  }
0x63: {  	_ =	shalt  }
0x64: {  	_ =	shalt  }
0x65: {  	_ =	shalt  }
0x66: {  	_ =	shalt  }
0x67: {  	_ =	shalt  }
0x68: {  	_ =	shalt  }
0x69: {  	_ =	shalt  }
0x6a: {  	_ =	shalt  }
0x6b: {  	_ =	shalt  }
0x6c: {  	_ =	shalt  }
0x6d: {  	_ =	shalt  }
0x6e: {  	_ =	shalt  }
0x6f: {  	_ =	shalt  }
0x70: {  	_ =	shalt  }
0x71: {  	_ =	shalt  }
0x72: {  	_ =	shalt  }
0x73: {  	_ =	shalt  }
0x74: {  	_ =	shalt  }
0x75: {  	_ =	shalt  }
0x76: {  	_ =	shalt  }
0x77: {  	_ =	shalt  }
0x78: {  	_ =	shalt  }
0x79: {  	_ =	shalt  }
0x7a: {  	_ =	shalt  }
0x7b: {  	_ =	shalt  }
0x7c: {  	_ =	shalt  }
0x7d: {  	_ =	shalt  }
0x7e: {  	_ =	shalt  }
0x7f: {  	_ =	shalt  }
0x80: {  	_ =	shalt  }
0x81: {  	_ =	shalt  }
0x82: {  	_ =	shalt  }
0x83: {  	_ =	shalt  }
0x84: {  	_ =	shalt  }
0x85: {  	_ =	shalt  }
0x86: {  	_ =	shalt  }
0x87: {  	_ =	shalt  }
.Lfunc_end0:
.L_simem_size_0:
called_computation.2_lowered:
.L_overlay_start_0:
0x88: {  	s2 =	sld [smem:$0x3FD9]  }
0x89: {  	s3 =	sld [smem:$0x3FFE];
	_ =	sdelay $0x1  }
0x8a: {  	s1 =	srdreg.scid  }
0x8b: {  	s0 =	sand.u32 $0x1, s1  }
0x8c: {  	s17 =	sshll.u32 s0, $0xA;
	s2 =	sadd.s32 s3, s2  }
0x8d: {  	s2 =	sadd.s32 s2, s17  }
0x8e: {  	[smem:$0x3FC7] =	sst s2  }
0x8f: {  	_ = 	snop  }
0x90: {  	(tm) =	ssettm $0x1  }
0x91: {  	s18 =	sld [smem:$0x3FFB];
	_ =	sdelay $0x3  }
0x92: {  	_ =	strace s18  }
0x93: {  	s2 =	sld [smem:$0x3FFC];
	_ =	sdelay $0x3  }
0x94: {  	_ =	strace s2  }
0x95: {  	s2 =	sld [smem:$0x3FFD];
	_ =	sdelay $0x3  }
0x96: {  	_ =	strace s2  }
0x97: {  	_ =	strace $0x8FFFFFFF  }
0x98: {  	s19 =	sld [smem:$0x3FDB];
	_ =	sdelay $0x1  }
0x99: {  	s20 =	simm.s32 $_scs_section_size  }
0x9a: {  	s4 =	simm.s32 $_size__tile_overlayer_lowered;
	s5 =	simm.s32 $_tile_overlayer_lowered  }
0x9b: {  	s6 =	simm.s32 $0x1BFF;
	s21 =	sshll.u32 s5, $0x1;
	s3 =	sadd.s32 s20, s19  }
0x9c: {  	s22 =	simm.s32 $0x0;
	s4 =	sshll.u32 s4, $0x1;
	s5 =	sadd.s32 s21, s3  }
0x9d: {  	[timem:s22], [sflag:s6] =	dma.local [hbm:s5], s4  }
0x9e: {  	_ =	swait.ge [sflag:s6], s4  }
0x9f: {  	s4 =	ssub.s32 $0x0, s4;
	[sflag:s6] =	ssyncset.done $0x0  }
0xa0: {  	[sflag:s6] =	ssyncadd.s32 s4;
	_ =	sdelay $0x1  }
0xa1: {  	s23 =	simm.s32 $0x1B8B  }
0xa2: {  	_ =	swait.ge [sflag:s23], $0x1  }
0xa3: {  	[sflag:s23] =	ssyncset.done $0x0  }
0xa4: {  	[sflag:s23] =	ssyncadd.s32 $0xFFFFFFFF  }
0xa5: {  	s4 =	sld [smem:$0x0]  }
0xa6: {  	s5 =	sand.u32 $0xFFFFFFFE, s1  }
0xa7: {  	p0 =	sne.s32 s1, s5  }
0xa8: {  	s5 =	sshll.u32 @p0 s5, $0xE  }
0xa9: {  	s5 =	sadd.s32 @p0 $0x11B8D, s5;
	s6 =	sshll.u32 @p0 s4, $0x11  }
0xaa: {  	s5 =	sor.u32 @p0 s6, s5  }
0xab: {  	[sflag:s5] =	ssyncadd.remote.s32 @p0 $0x1;
	_ =	sdelay $0x1  }
0xac: {  	s5 =	simm.s32 @p0 $0x1B8D  }
0xad: {  	_ =	swait.eq @p0 [sflag:s5], $0x1  }
0xae: {  	[sflag:s5] =	ssyncadd.s32 @p0 $0xFFFFFFFF  }
0xaf: {  	s6 =	sshll.u32 @!p0 s1, $0xE  }
0xb0: {  	s6 =	sor.u32 @!p0 $0x4000, s6;
	s5 =	simm.s32 @!p0 $0x1B8D  }
0xb1: {  	s4 =	sshll.u32 @!p0 s4, $0x11;
	s6 =	sadd.s32 @!p0 $0x11B8D, s6;
	_ =	swait.eq @!p0 [sflag:s5], $0x1  }
0xb2: {  	s4 =	sor.u32 @!p0 s4, s6;
	[sflag:s5] =	ssyncadd.s32 @!p0 $0xFFFFFFFF  }
0xb3: {  	s25 =	simm.s32 $0x1B8E;
	s24 =	sld [smem:$0x3FFE];
	[sflag:s4] =	ssyncadd.remote.s32 @!p0 $0x1  }
0xb4: {  	s26 =	simm.s32 $execute0_lowered;
	[smem:$0x3FD2] =	sst s25  }
0xb5: {  	s5 =	sshll.u32 s26, $0x1;
	_ =	strace $0x8000004C;
	[dreg:$0x1] =	wrdreg $0xFFFFFFFF  }
0xb6: {  	s28 =	simm.s32 $_size_execute0_lowered;
	s3 =	sadd.s32 s3, s5;
	[dreg:$0x0] =	wrdreg $0x0  }
0xb7: {  	s5 =	sshll.u32 s28, $0x1;
	[dreg:$0x2] =	wrdreg s3  }
0xb8: {  	[dreg:$0x3] =	wrdreg s5  }
0xb9: {  	[dreg:$0x4] =	wrdreg $0xC0  }
0xba: {  	_ =	task [dreg:s22], $0x5FFFF  }
0xbb: {  	[dreg:$0x1] =	wrdreg $0xFFFFFFFF  }
0xbc: {  	[dreg:$0x0] =	wrdreg $0x60  }
0xbd: {  	[dreg:$0x2] =	wrdreg s24  }
0xbe: {  	[dreg:$0x3] =	wrdreg $0xB  }
0xbf: {  	_ =	task.clear_ibuf [dreg:s22], $0x4FFFF;
	_ =	strace $0x9000004C  }
0xc0: {  	s29 =	simm.s32 $0xB;
	_ =	strace $0x8000004E  }
0xc1: {  	_ =	swait.ge [sflag:s29], $0x1  }
0xc2: {  	[sflag:s29] =	ssyncadd.s32 $0xFFFFFFFF  }
0xc3: {  	_ =	strace $0x9000004E  }
0xc4: {  	_ =	sfence  }
0xc5: {  	s30 =	sld [smem:$0x0];
	_ =	sdelay $0x2  }
0xc6: {  	s31 =	sshll.u32 s1, $0xD;
	s1 =	sshrl.u32 s1, $0x2  }
0xc7: {  	s4 =	sand.u32 $0x4000, s31;
	s1 =	sadd.s32 s1, s30  }
0xc8: {  	s0 =	sor.u32 s4, s0;
	s1 =	sshll.u32 s1, $0x11  }
0xc9: {  	s0 =	sor.u32 s1, s0  }
0xca: {  	s0 =	sadd.s32 $0x8F2B, s0  }
0xcb: {  	[sflag:s0] =	ssyncadd.remote.s32 $0x1  }
0xcc: {  	_ =	sfence.sel $0xFFFF  }
0xcd: {  	[dreg:$0x0] =	wrdreg $0xFFFFFFFF;
	(pc) =	sbr.abs _section_cstart, $3  }
0xce: {  	[dreg:$0x1] =	wrdreg $0xFFFFFFFF  }
0xcf: {  	_ =	task.clear_ibuf [dreg:s22], $0x2FFFF;
	_ =	strace $0x9FFFFFFF  }
0xd0: {  	(tm) =	ssettm $0x7FFFFFFF  }
0xd1: {  	_ =	shalt  }
tec
execute0_lowered:
.L_overlay_start_1:
0x0: {  	(tag) =	ssettag $0x1  }
0x1: {  	s0 =	rddreg [dreg:$0x0]  }
0x2: {  	s1 =	simm.s32 $0x0;
	s3 =	srdreg.scid;
	s8 =	stileid.u32  }
0x3: {  	s15 =	simm.s32 $0x10000;
	s17 =	simm.s32 $0x11000;
	[smem:$0x7FF] =	sst s1  }
0x4: {  	s18 =	simm.s32 $0x1;
	s2 =	sadd.s32 $0x132A00, s0;
	s5 =	sadd.s32 $0x1B2A00, s0  }
0x5: {  	s4 =	sand.u32 $0x1, s3;
	s6 =	sshll.u32 s8, $0x1;
	s3 =	sadd.s32 $0x1C2A00, s0  }
0x6: {  	s8 =	sshrl.u32 s8, $0x3;
	_ =	strace $0x8000004D;
	s19 =	ssub.s32 $0x2, s4  }
0x7: {  	s6 =	sand.u32 $0xE, s6;
	s10 =	sshll.u32 s8, $0x15;
	s7 =	sshrl.u32 s19, $0x1  }
0x8: {  	s8 =	sshll.u32 s8, $0x12;
	s6 =	sor.u32 s4, s6;
	s0 =	ssub.s32 s19, s7  }
0x9: {  	s20 =	sshll.u32 s6, $0x7;
	s4 =	sshll.u32 s6, $0x11;
	s9 =	sshll.u32 s6, $0xE  }
0xa: {  	s6 =	sshll.u32 s6, $0x4;
	s19 =	simm.s32 $0x3;
	s11 =	sor.u32 s10, s4  }
0xb: {  	s4 =	sor.u32 s8, s9;
	s6 =	sor.u32 $0x4, s6;
	s25 =	sor.u32 $0x40, s20  }
0xc: {  	s7 =	sor.u32 $0x60, s20;
	s0 =	smax.u32 s0, $0x1;
	s20 =	simm.s32 $0x12000  }
0xd: {  	s21 =	sshrl.u32 s11, $0x3;
	s22 =	sshrl.u32 s4, $0x3;
	s24 =	sshll.u32 s6, $0xD  }
0xe: {  	s6 =	sshll.u32 s6, $0xA;
	s12 =	sshll.u32 s25, $0xA;
	s29 =	sshll.u32 s25, $0x7  }
0xf: {  	s30 =	sshll.u32 s7, $0xA;
	s7 =	sshll.u32 s7, $0x7;
	[dreg:$0x6] =	wrdreg s0  }
0x10: {  	s14 =	sor.u32 $0x1000, s4;
	s9 =	sadd.s32 s2, s21;
	s23 =	sadd.s32 s5, s22  }
0x11: {  	s6 =	sor.u32 s8, s6;
	s26 =	sor.u32 s10, s12;
	s7 =	sor.u32 s8, s7  }
0x12: {  	s21 =	simm.s32 $0x2;
	s22 =	simm.s32 $0x4;
	[dreg:$0x2] =	wrdreg s9  }
0x13: {  	[dreg:$0x3] =	wrdreg s23;
	s9 =	sor.u32 s10, s24;
	s6 =	sshrl.u32 s6, $0x3  }
0x14: {  	s28 =	sshrl.u32 s26, $0x3;
	s10 =	sor.u32 s10, s30;
	s31 =	sshrl.u32 s7, $0x3  }
.Ltmp0:
0x15: {  	s23 =	simm.s32 $0x13000;
	s9 =	sshrl.u32 s9, $0x3;
	(pc) =	sbr.rel .LBB2_1-.Ltmp0, $4  }
0x16: {  	s6 =	sadd.s32 s5, s6;
	s11 =	sshrl.u32 s10, $0x3;
	s12 =	sadd.s32 s5, s31  }
0x17: {  	v0 =	vlaneseq.u32;
	s9 =	sadd.s32 s2, s9;
	[dreg:$0x5] =	wrdreg s6;
	s6 =	sor.u32 s8, s29  }
0x18: {  	v1 =	vor.u32 $0x400, v0;
	s11 =	sadd.s32 s2, s11;
	[dreg:$0x4] =	wrdreg s9;
	s6 =	sshrl.u32 s6, $0x3  }
0x19: {  	v2 =	vor.u32 $0x10, v0;
	v3 =	vor.u32 $0x20, v0;
	v4 =	vor.u32 $0x30, v0;
	s9 =	sadd.s32 s2, s28;
	s10 =	sadd.s32 s5, s6;
	s5 =	simm.s32 $0x0  }
.LBB2_12:
0x1a: {  	s0 =	sadd.s32 s3, s0;
	s30 =	simm.s32 $0x5  }
0x1b: {  	[hbm4b:s0+s1] =	stream.linear.scatter [tilespmem:s23], [sflag:$0x6], $0x1000, $0x38;
	[tilespmem:$0x14000] =	vst v63  }
0x1c: {  	_ =	swait.ge [sflag:s30], $0x1000  }
0x1d: {  	[sflag:s30] =	ssyncset.done $0x0  }
0x1e: {  	s2 =	simm.s32 $0x6;
	[sflag:s30] =	ssyncadd.s32 $0xFFFFF000  }
0x1f: {  	_ =	swait.ge [sflag:s2], $0x1000  }
0x20: {  	s5 =	rddreg [dreg:$0x7]  }
0x21: {  	s31 =	rddreg [dreg:$0x6];
	s5 =	sadd.s32 $0x1, s5  }
0x22: {  	p0 =	sne.s32 s5, s31  }
.Ltmp1:
0x23: {  	_ = 	snop;
	(pc) =	sbr.rel @!p0 .LBB2_13-.Ltmp1, $3  }
0x24: {  	_ =	sdelay $0x1  }
0x25: {  	[sflag:s2] =	ssyncset.done $0x0  }
0x26: {  	[sflag:s2] =	ssyncadd.s32 $0xFFFFF000  }
.LBB2_1:
0x27: {  	[dreg:$0x7] =	wrdreg s5  }
0x28: {  	s0 =	rddreg [dreg:$0x2]  }
0x29: {  	[tilespmem:s1], [sflag:$0x1] =	stream.linear.gather [hbm4b:s0+s1], $0x8000, $0x38;
	[tilespmem:$0x14000] =	vst v63  }
0x2a: {  	s29 =	rddreg [dreg:$0x3]  }
0x2b: {  	[tilespmem:s15], [sflag:$0x3] =	stream.linear.gather [hbm4b:s29+s1], $0x1000, $0x38;
	[tilespmem:$0x14000] =	vst v63  }
0x2c: {  	s30 =	rddreg [dreg:$0x4];
	s2 =	simm.s32 $0x8000  }
0x2d: {  	[tilespmem:s2], [sflag:$0x2] =	stream.linear.gather [hbm4b:s30+s1], $0x8000, $0x38;
	[tilespmem:$0x14000] =	vst v63  }
0x2e: {  	s31 =	rddreg [dreg:$0x5];
	p0 =	por $0x1, $0x1;
	s28 =	simm.s32 $0x0  }
0x2f: {  	[tilespmem:s17], [sflag:$0x4] =	stream.linear.gather [hbm4b:s31+s1], $0x1000, $0x38;
	[tilespmem:$0x14000] =	vst v63  }
.LBB2_2:
0x30: {  	_ =	swait.ge [sflag:s18], $0x8000  }
0x31: {  	[sflag:s18] =	ssyncset.done $0x0  }
0x32: {  	[sflag:s18] =	ssyncadd.s32 $0xFFFF8000  }
0x33: {  	_ =	swait.ge [sflag:s19], $0x1000  }
0x34: {  	[sflag:s19] =	ssyncset.done $0x0  }
0x35: {  	s0 =	simm.s32 @!p0 $0x5;
	[sflag:s19] =	ssyncadd.s32 $0xFFFFF000  }
0x36: {  	_ =	swait.ge @!p0 [sflag:s0], $0x1000  }
0x37: {  	s29 =	simm.s32 $0x0;
	s30 =	simm.s32 $0x0;
	[sflag:s0] =	ssyncset.done @!p0 $0x0  }
0x38: {  	s31 =	simm.s32 $0x0;
	[sflag:s0] =	ssyncadd.s32 @!p0 $0xFFFFF000;
	s0 =	simm.s32 $0x0  }
.LBB2_3:
0x39: {  	s2 =	sshll.u32 s31, $0x2;
	s5 =	sand.u32 $0x7, s30  }
0x3a: {  	s2 =	sand.u32 $0xFFFF8000, s2;
	s5 =	sshll.u32 s5, $0x9  }
0x3b: {  	s2 =	sor.u32 s5, s2  }
0x3c: {  	s2 =	sshrl.u32 s2, $0x2  }
0x3d: {  	s13 =	sor.u32 $0x40, s2  }
0x3e: {  	v11 =	vld [tilespmem:s13+$0xFFFFFFC0]  }
0x3f: {  	v5 =	vmov s0;
	v13 =	vld [tilespmem:s13+$0x30]  }
0x40: {  	s6 =	simm.s32 $0x10;
	v16 =	vor.u32 s29, v1;
	s8 =	simm.s32 $0x70;
	v19 =	vor.u32 s29, v0;
	v5 =	vshll.u32 v5, $0x7;
	v7 =	vld [tilespmem:s13+$0xFFFFFFF0]  }
0x41: {  	s7 =	simm.s32 $0x40;
	s24 =	simm.s32 $0x60;
	v8 =	vor.u32 s6, v0;
	v20 =	vor.u32 s8, v0;
	v24 =	vor.u32 s8, v1;
	v22 =	vld [tilespmem:s13+$0xFFFFFFE0]  }
0x42: {  	v21 =	vor.u32 s7, v1;
	v58 =	vor.u32 s24, v0;
	v59 =	vor.u32 s7, v0;
	s5 =	simm.s32 $0x20;
	s2 =	simm.s32 $0x50;
	v12 =	vld [tilespmem:s13+$0x0]  }
0x43: {  	v5 =	vbroadcast v5, $0x0;
	v14 =	vor.u32 s5, v0;
	v6 =	vor.u32 s2, v0;
	v23 =	vld [tilespmem:s13+$0x10]  }
0x44: {  	v25 =	vld [tilespmem:s13+$0xFFFFFFD0];
	v9 =	vand.u32 $0x8000, v11;
	v15 =	vshrl.u32 v11, $0x10;
	v17 =	vand.u32 $0xFF80, v11  }
0x45: {  	v29 =	vld [tilespmem:s13+$0x20];
	v18 =	vand.u32 $0x7F, v11;
	v26 =	vand.u32 $0xFF80, v13;
	v10 =	vand.u32 $0x8000, v7  }
0x46: {  	v27 =	vshrl.u32 v7, $0x10;
	v28 =	vand.u32 $0xFF80, v7;
	v30 =	vand.u32 $0x8000, v22  }
0x47: {  	v31 =	vand.u32 $0x8000, v12;
	v32 =	vshrl.u32 v12, $0x10;
	v33 =	vshrl.u32 v22, $0x10  }
0x48: {  	v34 =	vand.u32 $0xFF80, v22;
	v35 =	vand.u32 $0xFF80, v12;
	v37 =	vand.u32 $0x7F, v12  }
0x49: {  	v38 =	vshrl.u32 v23, $0x10;
	v39 =	vshrl.u32 v25, $0x10;
	v40 =	vand.u32 $0x7F, v22  }
0x4a: {  	v41 =	vand.u32 $0x8000, v29;
	vm0 =	vgt.s32 v29, $0xFFFFFFFF;
	v42 =	vand.u32 $0x7F, v23  }
0x4b: {  	v43 =	vshrl.u32 v29, $0x10;
	v44 =	vand.u32 $0x8000, v25;
	v45 =	vand.u32 $0xFF80, v29  }
0x4c: {  	v47 =	vand.u32 $0xFF80, v23;
	v48 =	vand.u32 $0x7F, v25;
	v53 =	vand.u32 $0x7F, v7  }
0x4d: {  	v54 =	vand.u32 $0xFF80, v25;
	v56 =	vand.u32 $0x8000, v23;
	v29 =	vand.u32 $0x7F, v29  }
0x4e: {  	vm7 =	vgt.s32 v12, $0xFFFFFFFF;
	v60 =	vand.u32 $0x8000, v13;
	v61 =	vshrl.u32 v13, $0x10  }
0x4f: {  	vm9 =	vgt.s32 v13, $0xFFFFFFFF;
	v36 =	vand.u32 $0x7F, v33;
	vm2 =	veq.s32 v30, $0x0  }
0x50: {  	v62 =	vand.u32 $0xFF80, v32;
	v35 =	vadd.s32 v5, v35;
	v46 =	vand.u32 $0x7F, v43  }
0x51: {  	v34 =	vadd.s32 v5, v34;
	v43 =	vand.u32 $0xFF80, v43;
	v33 =	vand.u32 $0xFF80, v33  }
0x52: {  	v63 =	vand.u32 $0xFF80, v38;
	vm3 =	veq.s32 v9, $0x0;
	v52 =	vadd.s32 v5, v47  }
0x53: {  	vm1 =	veq.s32 v10, $0x0;
	v32 =	vand.u32 $0x7F, v32;
	v55 =	vadd.s32 v5, v45  }
0x54: {  	vm4 =	veq.s32 v31, $0x0;
	v17 =	vadd.s32 v5, v17;
	vm5 =	veq.s32 v41, $0x0  }
0x55: {  	v12 =	vand.u32 $0xFF80, v15;
	vm8 =	veq.s32 v60, $0x0;
	v26 =	vadd.s32 v5, v26  }
0x56: {  	v15 =	vand.u32 $0x7F, v15;
	v34 =	vor.u32 v40, v34;
	v33 =	vadd.s32 v5, v33  }
0x57: {  	v43 =	vadd.s32 v5, v43;
	v10 =	vor.u32 v42, v52;
	v57 =	vor.u32 v37, v35  }
0x58: {  	v30 =	vadd.s32 v5, v62;
	v29 =	vor.u32 v29, v55;
	v17 =	vor.u32 v18, v17  }
0x59: {  	v62 =	vand.u32 $0x7F, v13;
	v12 =	vadd.s32 v5, v12;
	v63 =	vadd.s32 v5, v63  }
0x5a: {  	v9 =	vor.u32 v36, v33;
	v33 =	vadd.s32 v5, v54;
	v30 =	vor.u32 v32, v30  }
0x5b: {  	[tilespmem:v34+s20+$0x0] =	vst.idx.msk vm2, v14;
	vm2 =	vgt.s32 v11, $0xFFFFFFFF;
	v11 =	vor.u32 v62, v26;
	v14 =	vand.u32 $0xFF80, v61  }
0x5c: {  	v13 =	vand.u32 $0x7F, v61;
	v12 =	vor.u32 v15, v12;
	[tilespmem:v57+s20+$0x0] =	vst.idx.msk vm4, v59;
	v14 =	vadd.s32 v5, v14  }
0x5d: {  	vm6 =	veq.s32 v44, $0x0;
	v15 =	vadd.s32 v5, v28;
	[tilespmem:v29+s20+$0x0] =	vst.idx.msk vm5, v58;
	v13 =	vor.u32 v13, v14  }
0x5e: {  	v18 =	vor.u32 v48, v33;
	[tilespmem:v17+s20+$0x0] =	vst.idx.msk vm3, v19;
	vm5 =	veq.s32 v56, $0x0;
	v17 =	vand.u32 $0x7F, v38  }
0x5f: {  	v19 =	vand.u32 $0x7F, v39;
	[tilespmem:v30+s20+$0x0] =	vst.idx.msk vm7, v21;
	v21 =	vor.u32 v53, v15;
	v14 =	vand.u32 $0xFF80, v39  }
0x60: {  	vm4 =	vgt.s32 v23, $0xFFFFFFFF;
	v15 =	vor.u32 v46, v43;
	v14 =	vadd.s32 v5, v14;
	[tilespmem:v11+s20+$0x0] =	vst.idx.msk vm8, v20  }
0x61: {  	s25 =	simm.s32 $0x30;
	vm3 =	vgt.s32 v25, $0xFFFFFFFF;
	v19 =	vor.u32 v19, v14;
	v20 =	vor.u32 v17, v63;
	[tilespmem:v12+s20+$0x0] =	vst.idx.msk vm2, v16  }
0x62: {  	s7 =	simm.s32 $0x0;
	s8 =	simm.s32 $0x80;
	s13 =	sadd.s32 $0x400, s13;
	v17 =	vand.u32 $0xFF80, v27;
	v11 =	vand.u32 $0x7F, v27;
	vm2 =	vgt.s32 v22, $0xFFFFFFFF;
	[tilespmem:v13+s20+$0x0] =	vst.idx.msk vm9, v24  }
.LBB2_4:
0x63: {  	[tilespmem:v18+s20+$0x0] =	vst.idx.msk vm6, v8;
	v18 =	vor.u32 s25, v1  }
0x64: {  	v13 =	vld [tilespmem:s13+$0xFFFFFFC0];
	s26 =	sadd.s32 $0x50, s8;
	s7 =	sadd.s32 $0x8, s7;
	vm6 =	vgt.s32 v7, $0xFFFFFFFF;
	v7 =	vadd.s32 v5, v17;
	v8 =	vor.u32 s25, v0  }
0x65: {  	s16 =	sadd.s32 $0x20, s8;
	v14 =	vor.u32 s2, v1;
	v22 =	vld [tilespmem:s13+$0x0];
	p1 =	slt.u32 s7, $0x38;
	v23 =	vor.u32 v11, v7;
	[tilespmem:v10+s20+$0x0] =	vst.idx.msk vm5, v6;
	v6 =	vor.u32 s26, v0  }
0x66: {  	v24 =	vor.u32 s16, v0;
	v17 =	vld [tilespmem:s13+$0x30];
	[tilespmem:v21+s20+$0x0] =	vst.idx.msk vm1, v8;
	v8 =	vor.u32 s24, v1  }
0x67: {  	v10 =	vor.u32 s5, v1;
	s2 =	smov.u32 s26;
	s5 =	smov.u32 s16;
	v11 =	vor.u32 s8, v1;
	s24 =	sadd.s32 $0x10, s8;
	v7 =	vld [tilespmem:s13+$0xFFFFFFF0];
	[tilespmem:v15+s20+$0x0] =	vst.idx.msk vm0, v8  }
0x68: {  	v8 =	vor.u32 s24, v0;
	v15 =	vor.u32 s6, v1;
	s6 =	smov.u32 s24;
	v12 =	vld [tilespmem:s13+$0xFFFFFFE0];
	[tilespmem:v20+s20+$0x0] =	vst.idx.msk vm4, v14  }
0x69: {  	s16 =	sadd.s32 $0x70, s8;
	v20 =	vand.u32 $0x8000, v13;
	v21 =	vshrl.u32 v13, $0x10;
	v25 =	vand.u32 $0xFF80, v13;
	v14 =	vld [tilespmem:s13+$0xFFFFFFD0];
	[tilespmem:v19+s20+$0x0] =	vst.idx.msk vm3, v15  }
0x6a: {  	s25 =	sadd.s32 $0x40, s8;
	v26 =	vor.u32 s16, v0;
	v16 =	vor.u32 s16, v1;
	v19 =	vor.u32 s8, v0;
	v15 =	vld [tilespmem:s13+$0x10];
	[tilespmem:v9+s20+$0x0] =	vst.idx.msk vm2, v10  }
0x6b: {  	v28 =	vor.u32 s25, v1;
	v27 =	vand.u32 $0x7F, v13;
	v29 =	vand.u32 $0xFF80, v17;
	[tilespmem:v23+s20+$0x0] =	vst.idx.msk vm6, v18  }
0x6c: {  	v10 =	vand.u32 $0x8000, v7;
	v23 =	vshrl.u32 v7, $0x10;
	v30 =	vand.u32 $0xFF80, v7;
	v18 =	vld [tilespmem:s13+$0x20]  }
0x6d: {  	v31 =	vand.u32 $0x8000, v22;
	v32 =	vshrl.u32 v22, $0x10;
	v9 =	vand.u32 $0x8000, v12  }
0x6e: {  	v35 =	vand.u32 $0xFF80, v22;
	v33 =	vshrl.u32 v12, $0x10;
	v34 =	vand.u32 $0xFF80, v12  }
0x6f: {  	v37 =	vand.u32 $0x7F, v22;
	v36 =	vand.u32 $0x7F, v33;
	v38 =	vshrl.u32 v15, $0x10  }
0x70: {  	v40 =	vand.u32 $0xFF80, v32;
	v39 =	vshrl.u32 v14, $0x10;
	vm3 =	veq.s32 v9, $0x0  }
0x71: {  	v9 =	vand.u32 $0x7F, v12;
	v41 =	vand.u32 $0x8000, v18;
	vm0 =	vgt.s32 v18, $0xFFFFFFFF  }
0x72: {  	v35 =	vadd.s32 v5, v35;
	v42 =	vand.u32 $0x7F, v15;
	v43 =	vshrl.u32 v18, $0x10  }
0x73: {  	v44 =	vand.u32 $0x8000, v14;
	v45 =	vand.u32 $0xFF80, v18;
	v46 =	vand.u32 $0x7F, v43  }
0x74: {  	v34 =	vadd.s32 v5, v34;
	v47 =	vand.u32 $0xFF80, v15;
	v43 =	vand.u32 $0xFF80, v43  }
0x75: {  	v34 =	vor.u32 v9, v34;
	v9 =	vand.u32 $0xFF80, v33;
	v33 =	vand.u32 $0xFF80, v38  }
0x76: {  	v48 =	vand.u32 $0x7F, v14;
	v9 =	vadd.s32 v5, v9;
	v43 =	vadd.s32 v5, v43  }
0x77: {  	vm2 =	veq.s32 v20, $0x0;
	v20 =	vadd.s32 v5, v47;
	v9 =	vor.u32 v36, v9  }
0x78: {  	vm1 =	veq.s32 v10, $0x0;
	v36 =	vand.u32 $0x7F, v7;
	v10 =	vor.u32 v42, v20  }
0x79: {  	v32 =	vand.u32 $0x7F, v32;
	v20 =	vand.u32 $0xFF80, v14;
	v42 =	vadd.s32 v5, v45  }
0x7a: {  	v18 =	vand.u32 $0x7F, v18;
	v20 =	vadd.s32 v5, v20;
	[tilespmem:v34+s20+$0x0] =	vst.idx.msk vm3, v24;
	v24 =	vand.u32 $0x8000, v15  }
0x7b: {  	vm4 =	veq.s32 v31, $0x0;
	v31 =	vadd.s32 v5, v40;
	v34 =	vor.u32 v18, v42  }
0x7c: {  	vm5 =	veq.s32 v41, $0x0;
	v18 =	vadd.s32 v5, v25;
	v25 =	vor.u32 v32, v31  }
0x7d: {  	s24 =	sadd.s32 $0x60, s8;
	vm7 =	vgt.s32 v22, $0xFFFFFFFF;
	v31 =	vor.u32 v37, v35;
	v27 =	vor.u32 v27, v18  }
0x7e: {  	v22 =	vand.u32 $0xFF80, v21;
	v18 =	vor.u32 v48, v20;
	v20 =	vor.u32 s24, v0  }
0x7f: {  	v32 =	vor.u32 s25, v0;
	v35 =	vand.u32 $0x8000, v17;
	v37 =	vshrl.u32 v17, $0x10  }
0x80: {  	v29 =	vadd.s32 v5, v29;
	vm8 =	veq.s32 v35, $0x0;
	v35 =	vand.u32 $0x7F, v17  }
0x81: {  	vm3 =	vgt.s32 v13, $0xFFFFFFFF;
	v13 =	vor.u32 v35, v29;
	v29 =	vand.u32 $0xFF80, v37  }
0x82: {  	vm9 =	vgt.s32 v17, $0xFFFFFFFF;
	v17 =	vand.u32 $0x7F, v37;
	v29 =	vadd.s32 v5, v29;
	[tilespmem:v31+s20+$0x0] =	vst.idx.msk vm4, v32  }
0x83: {  	v21 =	vand.u32 $0x7F, v21;
	v22 =	vadd.s32 v5, v22;
	v29 =	vor.u32 v17, v29;
	[tilespmem:v34+s20+$0x0] =	vst.idx.msk vm5, v20  }
0x84: {  	v22 =	vor.u32 v21, v22;
	vm6 =	veq.s32 v44, $0x0;
	v17 =	vand.u32 $0xFF80, v39;
	[tilespmem:v25+s20+$0x0] =	vst.idx.msk vm7, v28  }
.Ltmp2:
0x85: {  	v20 =	vadd.s32 v5, v30;
	vm5 =	veq.s32 v24, $0x0;
	v24 =	vand.u32 $0x7F, v38;
	[tilespmem:v27+s20+$0x0] =	vst.idx.msk vm2, v19;
	(pc) =	sbr.rel @p1 .LBB2_4-.Ltmp2, $4  }
0x86: {  	v17 =	vadd.s32 v5, v17;
	v25 =	vadd.s32 v5, v33;
	v19 =	vand.u32 $0x7F, v39;
	[tilespmem:v13+s20+$0x0] =	vst.idx.msk vm8, v26  }
0x87: {  	v21 =	vor.u32 v36, v20;
	v20 =	vor.u32 v24, v25;
	v19 =	vor.u32 v19, v17  }
0x88: {  	vm4 =	vgt.s32 v15, $0xFFFFFFFF;
	v15 =	vor.u32 v46, v43;
	v17 =	vand.u32 $0xFF80, v23;
	[tilespmem:v29+s20+$0x0] =	vst.idx.msk vm9, v16  }
0x89: {  	s13 =	sadd.s32 $0x400, s13;
	s25 =	sadd.s32 $0x30, s8;
	s8 =	sadd.s32 $0x80, s8;
	vm2 =	vgt.s32 v12, $0xFFFFFFFF;
	[tilespmem:v22+s20+$0x0] =	vst.idx.msk vm3, v11;
	vm3 =	vgt.s32 v14, $0xFFFFFFFF;
	v11 =	vand.u32 $0x7F, v23  }
0x8a: {  	_ =	sdelay $0x4  }
0x8b: {  	[tilespmem:v18+s20+$0x0] =	vst.idx.msk vm6, v8  }
0x8c: {  	vm11 =	vgt.s32 v7, $0xFFFFFFFF;
	v7 =	vadd.s32 v5, v17;
	v61 =	vor.u32 s25, v0;
	[tilespmem:v10+s20+$0x0] =	vst.idx.msk vm5, v6  }
0x8d: {  	v62 =	vor.u32 s2, v1;
	v6 =	vor.u32 v11, v7;
	[tilespmem:v21+s20+$0x0] =	vst.idx.msk vm1, v61  }
0x8e: {  	v63 =	vor.u32 s5, v1;
	[tilespmem:v20+s20+$0x0] =	vst.idx.msk vm4, v62  }
0x8f: {  	v7 =	vor.u32 s24, v1;
	[tilespmem:v9+s20+$0x0] =	vst.idx.msk vm2, v63  }
0x90: {  	[tilespmem:v15+s20+$0x0] =	vst.idx.msk vm0, v7;
	v7 =	vor.u32 s6, v1  }
0x91: {  	[tilespmem:v19+s20+$0x0] =	vst.idx.msk vm3, v7;
	v7 =	vor.u32 s25, v1  }
0x92: {  	[tilespmem:v6+s20+$0x0] =	vst.idx.msk vm11, v7  }
0x93: {  	s26 =	sshll.u32 s0, $0x7;
	v6 =	vld.idx.msk [tilespmem:v5+s15+$0x0], $0xffff  }
0x94: {  	s2 =	sand.u32 $0x3FFFFF80, s26;
	v5 =	vld.idx.msk [tilespmem:v5+s20+$0x0], $0xffff  }
0x95: {  	v7 =	vld [tilespmem:s2+$0x12000]  }
0x96: {  	v8 =	vld [tilespmem:s2+$0x12010]  }
0x97: {  	v9 =	vld [tilespmem:s2+$0x12020]  }
0x98: {  	s0 =	sadd.s32 $0x1, s0;
	v10 =	vld [tilespmem:s2+$0x12030]  }
0x99: {  	p1 =	sne.s32 s0, $0x20;
	vm12 =	vgt.s32 v6, v0  }
.Ltmp3:
0x9a: {  	vm13 =	vgt.s32 v6, v2;
	v7 =	vsel vm12, v7, v5;
	(pc) =	sbr.rel @p1 .LBB2_3-.Ltmp3, $4  }
0x9b: {  	vm14 =	vgt.s32 v6, v3;
	[tilespmem:s2+$0x12000] =	vst v7;
	v7 =	vsel vm13, v8, v5  }
0x9c: {  	vm15 =	vgt.s32 v6, v4;
	[tilespmem:s2+$0x12010] =	vst v7;
	v7 =	vsel vm14, v9, v5  }
0x9d: {  	v5 =	vsel vm15, v10, v5;
	[tilespmem:s2+$0x12020] =	vst v7  }
0x9e: {  	s31 =	sadd.s32 $0x400, s31;
	s30 =	sadd.s32 $0x1, s30;
	[tilespmem:s2+$0x12030] =	vst v5  }
0x9f: {  	s0 =	simm.s32 @p0 $0x0  }
0xa0: {  	[tilespmem:s0], [sflag:$0x1] =	stream.linear.gather @p0 [hbm4b:s9+s0], $0x8000, $0x38;
	[tilespmem:$0x14000] =	vst v63  }
0xa1: {  	s2 =	simm.s32 @p0 $0x10000;
	s26 =	sor.u32 s4, s28  }
0xa2: {  	[tilespmem:s2], [sflag:$0x3] =	stream.linear.gather @p0 [hbm4b:s10+s0], $0x1000, $0x38;
	[tilespmem:$0x14000] =	vst v63  }
0xa3: {  	s0 =	sshrl.u32 s26, $0x3  }
0xa4: {  	s0 =	sadd.s32 s3, s0  }
0xa5: {  	[hbm4b:s0+s1] =	stream.linear.scatter [tilespmem:s20], [sflag:$0x5], $0x1000, $0x38;
	[tilespmem:$0x14000] =	vst v63  }
0xa6: {  	_ =	swait.ge [sflag:s21], $0x8000  }
0xa7: {  	[sflag:s21] =	ssyncset.done $0x0  }
0xa8: {  	[sflag:s21] =	ssyncadd.s32 $0xFFFF8000  }
0xa9: {  	_ =	swait.ge [sflag:s22], $0x1000  }
0xaa: {  	[sflag:s22] =	ssyncset.done $0x0  }
0xab: {  	s0 =	simm.s32 @!p0 $0x6;
	[sflag:s22] =	ssyncadd.s32 $0xFFFFF000  }
0xac: {  	_ =	swait.ge @!p0 [sflag:s0], $0x1000  }
0xad: {  	s29 =	simm.s32 $0x0;
	s30 =	simm.s32 $0x0;
	[sflag:s0] =	ssyncset.done @!p0 $0x0  }
0xae: {  	s31 =	simm.s32 $0x0;
	[sflag:s0] =	ssyncadd.s32 @!p0 $0xFFFFF000;
	s0 =	simm.s32 $0x0  }
.LBB2_7:
0xaf: {  	s2 =	sshll.u32 s31, $0x2;
	s5 =	sand.u32 $0x7, s30  }
0xb0: {  	s2 =	sand.u32 $0xFFFF8000, s2;
	s5 =	sshll.u32 s5, $0x9  }
0xb1: {  	s2 =	sor.u32 s5, s2  }
0xb2: {  	s2 =	sshrl.u32 s2, $0x2  }
0xb3: {  	s13 =	sadd.s32 $0x8040, s2  }
0xb4: {  	v11 =	vld [tilespmem:s13+$0xFFFFFFC0]  }
0xb5: {  	v5 =	vmov s0;
	v13 =	vld [tilespmem:s13+$0x30]  }
0xb6: {  	s6 =	simm.s32 $0x10;
	v16 =	vor.u32 s29, v1;
	s8 =	simm.s32 $0x70;
	v19 =	vor.u32 s29, v0;
	v5 =	vshll.u32 v5, $0x7;
	v7 =	vld [tilespmem:s13+$0xFFFFFFF0]  }
0xb7: {  	s7 =	simm.s32 $0x40;
	s24 =	simm.s32 $0x60;
	v8 =	vor.u32 s6, v0;
	v20 =	vor.u32 s8, v0;
	v24 =	vor.u32 s8, v1;
	v22 =	vld [tilespmem:s13+$0xFFFFFFE0]  }
0xb8: {  	v21 =	vor.u32 s7, v1;
	v58 =	vor.u32 s24, v0;
	v59 =	vor.u32 s7, v0;
	s5 =	simm.s32 $0x20;
	s2 =	simm.s32 $0x50;
	v12 =	vld [tilespmem:s13+$0x0]  }
0xb9: {  	v5 =	vbroadcast v5, $0x0;
	v14 =	vor.u32 s5, v0;
	v6 =	vor.u32 s2, v0;
	v23 =	vld [tilespmem:s13+$0x10]  }
0xba: {  	v25 =	vld [tilespmem:s13+$0xFFFFFFD0];
	v9 =	vand.u32 $0x8000, v11;
	v15 =	vshrl.u32 v11, $0x10;
	v17 =	vand.u32 $0xFF80, v11  }
0xbb: {  	v29 =	vld [tilespmem:s13+$0x20];
	v18 =	vand.u32 $0x7F, v11;
	v26 =	vand.u32 $0xFF80, v13;
	v10 =	vand.u32 $0x8000, v7  }
0xbc: {  	v27 =	vshrl.u32 v7, $0x10;
	v28 =	vand.u32 $0xFF80, v7;
	v30 =	vand.u32 $0x8000, v22  }
0xbd: {  	v31 =	vand.u32 $0x8000, v12;
	v32 =	vshrl.u32 v12, $0x10;
	v33 =	vshrl.u32 v22, $0x10  }
0xbe: {  	v34 =	vand.u32 $0xFF80, v22;
	v35 =	vand.u32 $0xFF80, v12;
	v37 =	vand.u32 $0x7F, v12  }
0xbf: {  	v38 =	vshrl.u32 v23, $0x10;
	v39 =	vshrl.u32 v25, $0x10;
	v40 =	vand.u32 $0x7F, v22  }
0xc0: {  	v41 =	vand.u32 $0x8000, v29;
	vm0 =	vgt.s32 v29, $0xFFFFFFFF;
	v42 =	vand.u32 $0x7F, v23  }
0xc1: {  	v43 =	vshrl.u32 v29, $0x10;
	v44 =	vand.u32 $0x8000, v25;
	v45 =	vand.u32 $0xFF80, v29  }
0xc2: {  	v47 =	vand.u32 $0xFF80, v23;
	v48 =	vand.u32 $0x7F, v25;
	v53 =	vand.u32 $0x7F, v7  }
0xc3: {  	v54 =	vand.u32 $0xFF80, v25;
	v56 =	vand.u32 $0x8000, v23;
	v29 =	vand.u32 $0x7F, v29  }
0xc4: {  	vm7 =	vgt.s32 v12, $0xFFFFFFFF;
	v60 =	vand.u32 $0x8000, v13;
	v61 =	vshrl.u32 v13, $0x10  }
0xc5: {  	vm9 =	vgt.s32 v13, $0xFFFFFFFF;
	v36 =	vand.u32 $0x7F, v33;
	vm2 =	veq.s32 v30, $0x0  }
0xc6: {  	v62 =	vand.u32 $0xFF80, v32;
	v35 =	vadd.s32 v5, v35;
	v46 =	vand.u32 $0x7F, v43  }
0xc7: {  	v34 =	vadd.s32 v5, v34;
	v43 =	vand.u32 $0xFF80, v43;
	v33 =	vand.u32 $0xFF80, v33  }
0xc8: {  	v63 =	vand.u32 $0xFF80, v38;
	vm3 =	veq.s32 v9, $0x0;
	v52 =	vadd.s32 v5, v47  }
0xc9: {  	vm1 =	veq.s32 v10, $0x0;
	v32 =	vand.u32 $0x7F, v32;
	v55 =	vadd.s32 v5, v45  }
0xca: {  	vm4 =	veq.s32 v31, $0x0;
	v17 =	vadd.s32 v5, v17;
	vm5 =	veq.s32 v41, $0x0  }
0xcb: {  	v12 =	vand.u32 $0xFF80, v15;
	vm8 =	veq.s32 v60, $0x0;
	v26 =	vadd.s32 v5, v26  }
0xcc: {  	v15 =	vand.u32 $0x7F, v15;
	v34 =	vor.u32 v40, v34;
	v33 =	vadd.s32 v5, v33  }
0xcd: {  	v43 =	vadd.s32 v5, v43;
	v10 =	vor.u32 v42, v52;
	v57 =	vor.u32 v37, v35  }
0xce: {  	v30 =	vadd.s32 v5, v62;
	v29 =	vor.u32 v29, v55;
	v17 =	vor.u32 v18, v17  }
0xcf: {  	v62 =	vand.u32 $0x7F, v13;
	v12 =	vadd.s32 v5, v12;
	v63 =	vadd.s32 v5, v63  }
0xd0: {  	v9 =	vor.u32 v36, v33;
	v33 =	vadd.s32 v5, v54;
	v30 =	vor.u32 v32, v30  }
0xd1: {  	[tilespmem:v34+s23+$0x0] =	vst.idx.msk vm2, v14;
	vm2 =	vgt.s32 v11, $0xFFFFFFFF;
	v11 =	vor.u32 v62, v26;
	v14 =	vand.u32 $0xFF80, v61  }
0xd2: {  	v13 =	vand.u32 $0x7F, v61;
	v12 =	vor.u32 v15, v12;
	[tilespmem:v57+s23+$0x0] =	vst.idx.msk vm4, v59;
	v14 =	vadd.s32 v5, v14  }
0xd3: {  	vm6 =	veq.s32 v44, $0x0;
	v15 =	vadd.s32 v5, v28;
	[tilespmem:v29+s23+$0x0] =	vst.idx.msk vm5, v58;
	v13 =	vor.u32 v13, v14  }
0xd4: {  	v18 =	vor.u32 v48, v33;
	[tilespmem:v17+s23+$0x0] =	vst.idx.msk vm3, v19;
	vm5 =	veq.s32 v56, $0x0;
	v17 =	vand.u32 $0x7F, v38  }
0xd5: {  	v19 =	vand.u32 $0x7F, v39;
	[tilespmem:v30+s23+$0x0] =	vst.idx.msk vm7, v21;
	v21 =	vor.u32 v53, v15;
	v14 =	vand.u32 $0xFF80, v39  }
0xd6: {  	vm4 =	vgt.s32 v23, $0xFFFFFFFF;
	v15 =	vor.u32 v46, v43;
	v14 =	vadd.s32 v5, v14;
	[tilespmem:v11+s23+$0x0] =	vst.idx.msk vm8, v20  }
0xd7: {  	s25 =	simm.s32 $0x30;
	vm3 =	vgt.s32 v25, $0xFFFFFFFF;
	v19 =	vor.u32 v19, v14;
	v20 =	vor.u32 v17, v63;
	[tilespmem:v12+s23+$0x0] =	vst.idx.msk vm2, v16  }
0xd8: {  	s7 =	simm.s32 $0x0;
	s8 =	simm.s32 $0x80;
	s13 =	sadd.s32 $0x400, s13;
	v17 =	vand.u32 $0xFF80, v27;
	v11 =	vand.u32 $0x7F, v27;
	vm2 =	vgt.s32 v22, $0xFFFFFFFF;
	[tilespmem:v13+s23+$0x0] =	vst.idx.msk vm9, v24  }
.LBB2_8:
0xd9: {  	[tilespmem:v18+s23+$0x0] =	vst.idx.msk vm6, v8;
	v18 =	vor.u32 s25, v1  }
0xda: {  	v13 =	vld [tilespmem:s13+$0xFFFFFFC0];
	s16 =	sadd.s32 $0x50, s8;
	s7 =	sadd.s32 $0x8, s7;
	vm6 =	vgt.s32 v7, $0xFFFFFFFF;
	v7 =	vadd.s32 v5, v17;
	v8 =	vor.u32 s25, v0  }
0xdb: {  	s26 =	sadd.s32 $0x20, s8;
	v14 =	vor.u32 s2, v1;
	v22 =	vld [tilespmem:s13+$0x0];
	p1 =	slt.u32 s7, $0x38;
	v23 =	vor.u32 v11, v7;
	[tilespmem:v10+s23+$0x0] =	vst.idx.msk vm5, v6;
	v6 =	vor.u32 s16, v0  }
0xdc: {  	v24 =	vor.u32 s26, v0;
	v17 =	vld [tilespmem:s13+$0x30];
	[tilespmem:v21+s23+$0x0] =	vst.idx.msk vm1, v8;
	v8 =	vor.u32 s24, v1  }
0xdd: {  	v10 =	vor.u32 s5, v1;
	s2 =	smov.u32 s16;
	s5 =	smov.u32 s26;
	v11 =	vor.u32 s8, v1;
	s24 =	sadd.s32 $0x10, s8;
	v7 =	vld [tilespmem:s13+$0xFFFFFFF0];
	[tilespmem:v15+s23+$0x0] =	vst.idx.msk vm0, v8  }
0xde: {  	v8 =	vor.u32 s24, v0;
	v15 =	vor.u32 s6, v1;
	s6 =	smov.u32 s24;
	v12 =	vld [tilespmem:s13+$0xFFFFFFE0];
	[tilespmem:v20+s23+$0x0] =	vst.idx.msk vm4, v14  }
0xdf: {  	s16 =	sadd.s32 $0x70, s8;
	v20 =	vand.u32 $0x8000, v13;
	v21 =	vshrl.u32 v13, $0x10;
	v25 =	vand.u32 $0xFF80, v13;
	v14 =	vld [tilespmem:s13+$0xFFFFFFD0];
	[tilespmem:v19+s23+$0x0] =	vst.idx.msk vm3, v15  }
0xe0: {  	s25 =	sadd.s32 $0x40, s8;
	v26 =	vor.u32 s16, v0;
	v16 =	vor.u32 s16, v1;
	v19 =	vor.u32 s8, v0;
	v15 =	vld [tilespmem:s13+$0x10];
	[tilespmem:v9+s23+$0x0] =	vst.idx.msk vm2, v10  }
0xe1: {  	v28 =	vor.u32 s25, v1;
	v27 =	vand.u32 $0x7F, v13;
	v29 =	vand.u32 $0xFF80, v17;
	[tilespmem:v23+s23+$0x0] =	vst.idx.msk vm6, v18  }
0xe2: {  	v10 =	vand.u32 $0x8000, v7;
	v23 =	vshrl.u32 v7, $0x10;
	v30 =	vand.u32 $0xFF80, v7;
	v18 =	vld [tilespmem:s13+$0x20]  }
0xe3: {  	v31 =	vand.u32 $0x8000, v22;
	v32 =	vshrl.u32 v22, $0x10;
	v9 =	vand.u32 $0x8000, v12  }
0xe4: {  	v35 =	vand.u32 $0xFF80, v22;
	v33 =	vshrl.u32 v12, $0x10;
	v34 =	vand.u32 $0xFF80, v12  }
0xe5: {  	v37 =	vand.u32 $0x7F, v22;
	v36 =	vand.u32 $0x7F, v33;
	v38 =	vshrl.u32 v15, $0x10  }
0xe6: {  	v40 =	vand.u32 $0xFF80, v32;
	v39 =	vshrl.u32 v14, $0x10;
	vm3 =	veq.s32 v9, $0x0  }
0xe7: {  	v9 =	vand.u32 $0x7F, v12;
	v41 =	vand.u32 $0x8000, v18;
	vm0 =	vgt.s32 v18, $0xFFFFFFFF  }
0xe8: {  	v35 =	vadd.s32 v5, v35;
	v42 =	vand.u32 $0x7F, v15;
	v43 =	vshrl.u32 v18, $0x10  }
0xe9: {  	v44 =	vand.u32 $0x8000, v14;
	v45 =	vand.u32 $0xFF80, v18;
	v46 =	vand.u32 $0x7F, v43  }
0xea: {  	v34 =	vadd.s32 v5, v34;
	v47 =	vand.u32 $0xFF80, v15;
	v43 =	vand.u32 $0xFF80, v43  }
0xeb: {  	v34 =	vor.u32 v9, v34;
	v9 =	vand.u32 $0xFF80, v33;
	v33 =	vand.u32 $0xFF80, v38  }
0xec: {  	v48 =	vand.u32 $0x7F, v14;
	v9 =	vadd.s32 v5, v9;
	v43 =	vadd.s32 v5, v43  }
0xed: {  	vm2 =	veq.s32 v20, $0x0;
	v20 =	vadd.s32 v5, v47;
	v9 =	vor.u32 v36, v9  }
0xee: {  	vm1 =	veq.s32 v10, $0x0;
	v36 =	vand.u32 $0x7F, v7;
	v10 =	vor.u32 v42, v20  }
0xef: {  	v32 =	vand.u32 $0x7F, v32;
	v20 =	vand.u32 $0xFF80, v14;
	v42 =	vadd.s32 v5, v45  }
0xf0: {  	v18 =	vand.u32 $0x7F, v18;
	v20 =	vadd.s32 v5, v20;
	[tilespmem:v34+s23+$0x0] =	vst.idx.msk vm3, v24;
	v24 =	vand.u32 $0x8000, v15  }
0xf1: {  	vm4 =	veq.s32 v31, $0x0;
	v31 =	vadd.s32 v5, v40;
	v34 =	vor.u32 v18, v42  }
0xf2: {  	vm5 =	veq.s32 v41, $0x0;
	v18 =	vadd.s32 v5, v25;
	v25 =	vor.u32 v32, v31  }
0xf3: {  	s24 =	sadd.s32 $0x60, s8;
	vm7 =	vgt.s32 v22, $0xFFFFFFFF;
	v31 =	vor.u32 v37, v35;
	v27 =	vor.u32 v27, v18  }
0xf4: {  	v22 =	vand.u32 $0xFF80, v21;
	v18 =	vor.u32 v48, v20;
	v20 =	vor.u32 s24, v0  }
0xf5: {  	v32 =	vor.u32 s25, v0;
	v35 =	vand.u32 $0x8000, v17;
	v37 =	vshrl.u32 v17, $0x10  }
0xf6: {  	v29 =	vadd.s32 v5, v29;
	vm8 =	veq.s32 v35, $0x0;
	v35 =	vand.u32 $0x7F, v17  }
0xf7: {  	vm3 =	vgt.s32 v13, $0xFFFFFFFF;
	v13 =	vor.u32 v35, v29;
	v29 =	vand.u32 $0xFF80, v37  }
0xf8: {  	vm9 =	vgt.s32 v17, $0xFFFFFFFF;
	v17 =	vand.u32 $0x7F, v37;
	v29 =	vadd.s32 v5, v29;
	[tilespmem:v31+s23+$0x0] =	vst.idx.msk vm4, v32  }
0xf9: {  	v21 =	vand.u32 $0x7F, v21;
	v22 =	vadd.s32 v5, v22;
	v29 =	vor.u32 v17, v29;
	[tilespmem:v34+s23+$0x0] =	vst.idx.msk vm5, v20  }
0xfa: {  	v22 =	vor.u32 v21, v22;
	vm6 =	veq.s32 v44, $0x0;
	v17 =	vand.u32 $0xFF80, v39;
	[tilespmem:v25+s23+$0x0] =	vst.idx.msk vm7, v28  }
.Ltmp4:
0xfb: {  	v20 =	vadd.s32 v5, v30;
	vm5 =	veq.s32 v24, $0x0;
	v24 =	vand.u32 $0x7F, v38;
	[tilespmem:v27+s23+$0x0] =	vst.idx.msk vm2, v19;
	(pc) =	sbr.rel @p1 .LBB2_8-.Ltmp4, $4  }
0xfc: {  	v17 =	vadd.s32 v5, v17;
	v25 =	vadd.s32 v5, v33;
	v19 =	vand.u32 $0x7F, v39;
	[tilespmem:v13+s23+$0x0] =	vst.idx.msk vm8, v26  }
0xfd: {  	v21 =	vor.u32 v36, v20;
	v20 =	vor.u32 v24, v25;
	v19 =	vor.u32 v19, v17  }
0xfe: {  	vm4 =	vgt.s32 v15, $0xFFFFFFFF;
	v15 =	vor.u32 v46, v43;
	v17 =	vand.u32 $0xFF80, v23;
	[tilespmem:v29+s23+$0x0] =	vst.idx.msk vm9, v16  }
0xff: {  	s13 =	sadd.s32 $0x400, s13;
	s25 =	sadd.s32 $0x30, s8;
	s8 =	sadd.s32 $0x80, s8;
	vm2 =	vgt.s32 v12, $0xFFFFFFFF;
	[tilespmem:v22+s23+$0x0] =	vst.idx.msk vm3, v11;
	vm3 =	vgt.s32 v14, $0xFFFFFFFF;
	v11 =	vand.u32 $0x7F, v23  }
0x100: {  	_ =	sdelay $0x4  }
0x101: {  	[tilespmem:v18+s23+$0x0] =	vst.idx.msk vm6, v8  }
0x102: {  	vm11 =	vgt.s32 v7, $0xFFFFFFFF;
	v7 =	vadd.s32 v5, v17;
	v61 =	vor.u32 s25, v0;
	[tilespmem:v10+s23+$0x0] =	vst.idx.msk vm5, v6  }
0x103: {  	v62 =	vor.u32 s2, v1;
	v6 =	vor.u32 v11, v7;
	[tilespmem:v21+s23+$0x0] =	vst.idx.msk vm1, v61  }
0x104: {  	v63 =	vor.u32 s5, v1;
	[tilespmem:v20+s23+$0x0] =	vst.idx.msk vm4, v62  }
0x105: {  	v7 =	vor.u32 s24, v1;
	[tilespmem:v9+s23+$0x0] =	vst.idx.msk vm2, v63  }
0x106: {  	[tilespmem:v15+s23+$0x0] =	vst.idx.msk vm0, v7;
	v7 =	vor.u32 s6, v1  }
0x107: {  	[tilespmem:v19+s23+$0x0] =	vst.idx.msk vm3, v7;
	v7 =	vor.u32 s25, v1  }
0x108: {  	[tilespmem:v6+s23+$0x0] =	vst.idx.msk vm11, v7  }
0x109: {  	s26 =	sshll.u32 s0, $0x7;
	v6 =	vld.idx.msk [tilespmem:v5+s17+$0x0], $0xffff  }
0x10a: {  	s2 =	sand.u32 $0x3FFFFF80, s26;
	v5 =	vld.idx.msk [tilespmem:v5+s23+$0x0], $0xffff  }
0x10b: {  	v7 =	vld [tilespmem:s2+$0x13000]  }
0x10c: {  	v8 =	vld [tilespmem:s2+$0x13010]  }
0x10d: {  	v9 =	vld [tilespmem:s2+$0x13020]  }
0x10e: {  	s0 =	sadd.s32 $0x1, s0;
	v10 =	vld [tilespmem:s2+$0x13030]  }
0x10f: {  	p1 =	sne.s32 s0, $0x20;
	vm12 =	vgt.s32 v6, v0  }
.Ltmp5:
0x110: {  	vm13 =	vgt.s32 v6, v2;
	v7 =	vsel vm12, v7, v5;
	(pc) =	sbr.rel @p1 .LBB2_7-.Ltmp5, $4  }
0x111: {  	vm14 =	vgt.s32 v6, v3;
	[tilespmem:s2+$0x13000] =	vst v7;
	v7 =	vsel vm13, v8, v5  }
0x112: {  	vm15 =	vgt.s32 v6, v4;
	[tilespmem:s2+$0x13010] =	vst v7;
	v7 =	vsel vm14, v9, v5  }
0x113: {  	v5 =	vsel vm15, v10, v5;
	[tilespmem:s2+$0x13020] =	vst v7  }
0x114: {  	s31 =	sadd.s32 $0x400, s31;
	s30 =	sadd.s32 $0x1, s30;
	[tilespmem:s2+$0x13030] =	vst v5  }
.Ltmp6:
0x115: {  	(pc) =	sbr.rel @!p0 .LBB2_12-.Ltmp6, $3  }
0x116: {  	_ =	sdelay $0x1  }
0x117: {  	s0 =	sor.u32 s14, s28  }
0x118: {  	s0 =	sshrl.u32 s0, $0x3  }
0x119: {  	s2 =	simm.s32 $0x8000  }
0x11a: {  	[tilespmem:s2], [sflag:$0x2] =	stream.linear.gather [hbm4b:s11+s1], $0x8000, $0x38;
	[tilespmem:$0x14000] =	vst v63  }
.Ltmp7:
0x11b: {  	_ = 	snop;
	(pc) =	sbr.rel .LBB2_2-.Ltmp7, $4  }
0x11c: {  	_ = 	snop  }
0x11d: {  	[tilespmem:s17], [sflag:$0x4] =	stream.linear.gather [hbm4b:s12+s1], $0x1000, $0x38;
	[tilespmem:$0x14000] =	vst v63  }
0x11e: {  	s0 =	sadd.s32 s3, s0;
	s28 =	simm.s32 $0x2000;
	p0 =	por $0x0, $0x0  }
0x11f: {  	[hbm4b:s0+s1] =	stream.linear.scatter [tilespmem:s23], [sflag:$0x6], $0x1000, $0x38;
	[tilespmem:$0x14000] =	vst v63  }
.LBB2_13:
0x120: {  	_ =	sfence.sel $0x180000  }
0x121: {  	[bflag:$0x0] =	sbarrier.arrive $0xFFFF  }
0x122: {  	_ =	strace $0x9000004D  }
0x123: {  	s0 =	stileid.u32;
	[bflag:$0x2] =	sbarrier.arrive $0xFFFF  }
0x124: {  	p0 =	sne.s32 s0, $0x0;
	s0 =	rddreg [dreg:$0x1]  }
0x125: {  	s0 =	sadd.s32 @!p0 $0x100000, s0  }
0x126: {  	[sflag:s0] =	ssyncadd.tile.s32 @!p0 $0x1;
	_ =	shalt  }
.Lfunc_end2:
_tile_overlayer_lowered:
.L_overlay_start_2:
0x127: {  	(tag) =	ssettag $0x2  }
0x128: {  	s0 =	rddreg [dreg:$0x0];
	s2 =	stileid.u32  }
0x129: {  	s1 =	rddreg [dreg:$0x1];
	p0 =	sne.s32 s2, $0x0  }
0x12a: {  	s3 =	rddreg [dreg:$0x2];
	[bflag:$0x3] =	sbarrier.arrive $0xFFFF;
	s2 =	simm.s32 @!p0 $0x1C07  }
0x12b: {  	[timem:s3], [sflag:s2] =	dma.local @!p0 [hbm:s0], s1  }
0x12c: {  	s0 =	simm.s32 @!p0 $0x7  }
0x12d: {  	_ =	swait.ge @!p0 [sflag:s0], s1  }
0x12e: {  	s1 =	ssub.s32 @!p0 $0x0, s1;
	[sflag:s0] =	ssyncset.done @!p0 $0x0  }
0x12f: {  	[sflag:s0] =	ssyncadd.s32 @!p0 s1  }
0x130: {  	[bflag:$0x3] =	sbarrier.arrive $0xFFFF  }
0x131: {  	_ =	shalt  }

// kernel: kernel.19.cloned.1.call-start
scs
__scs_entry_jumppad:
0x0: {  	(pc) =	sbr.rel $0x88, $3  }
0x1: {  	(tag) =	ssettag $0x0;
	lr =	simm.s32 $0x1  }
0x2: {  	[smem:$0x3FA0] =	sst lr;
	_ =	strace $0xD0000000  }
0x3: {  	_ = 	snop  }
0x4: {  	_ = 	snop  }
0x5: {  	_ = 	snop  }
0x6: {  	_ = 	snop  }
0x7: {  	_ = 	snop  }
__scs_overlays_trampoline_lowered:
0x8: {  	[smem:$0x3FAF] =	sst s0  }
0x9: {  	[smem:$0x3FB0] =	sst s1  }
0xa: {  	[smem:$0x3FB1] =	sst s2  }
0xb: {  	[smem:$0x3FB2] =	sst s3  }
0xc: {  	[smem:$0x3FB3] =	sst s4  }
0xd: {  	[smem:$0x3FB4] =	sst s5  }
0xe: {  	[smem:$0x3FB5] =	sst s6  }
0xf: {  	[smem:$0x3FB6] =	sst s7  }
0x10: {  	[smem:$0x3FB7] =	sst s8  }
0x11: {  	[smem:$0x3FB8] =	sst s9;
	s0 =	simm.s32 @!p0 $0x0  }
0x12: {  	s1 =	sld [smem:$0x3F9E];
	s0 =	simm.s32 @p0 $0x1  }
0x13: {  	[smem:$0x3FB9] =	sst s0;
	s0 =	simm.s32 @!p1 $0x0  }
0x14: {  	s2 =	sld [smem:$0x3F9D];
	s0 =	simm.s32 @p1 $0x1  }
0x15: {  	[smem:$0x3FBA] =	sst s0;
	s0 =	simm.s32 @!p2 $0x0  }
0x16: {  	s3 =	sld [smem:$0x3FDB];
	s0 =	simm.s32 @p2 $0x1  }
0x17: {  	s4 =	simm.s32 $0x1BF5;
	[smem:$0x3FBC] =	sst s0  }
0x18: {  	s0 =	sld [smem:$0x3F9F];
	_ =	swait.ge [sflag:s4], $0x0  }
0x19: {  	s7 =	sld [smem:$0x3FA0]  }
0x1a: {  	s8 =	sadd.s32 $0xFFFFE003, lr  }
0x1b: {  	s9 =	sadd.s32 $0xFFFFFEF7, lr;
	s5 =	simm.s32 $0xFFFFFFFF;
	p2 =	slt.u32 s8, $0xFFFFF086  }
0x1c: {  	p1 =	slt.u32 s9, $0xF7A;
	s5 =	simm.s32 @!p2 $0x0  }
0x1d: {  	s5 =	simm.s32 @p1 $0x1;
	p0 =	seq.s32 s7, s2  }
0x1e: {  	s7 =	smul.u32 @!p0 $0xF7A, s2;
	p2 =	seq.s32 @!p0 s5, $0x0  }
0x1f: {  	s9 =	smul.u32 $0xF7A, s1;
	s8 =	simm.s32 @!p0 $0x1BF5;
	p2 =	por !p2, p0  }
0x20: {  	[sflag:s8] =	ssyncset.s32 @!p0 $0xFFFFF086;
	s6 =	sadd.s32 @!p0 s3, s7;
	s7 =	simm.s32 @!p0 $0x108  }
0x21: {  	s3 =	sadd.s32 s3, s9;
	s6 =	sadd.s32 @!p0 $0x88, s6;
	s7 =	simm.s32 @p2 $0x1082  }
0x22: {  	[simem:s7], [sflag:s8] =	dma.local @!p0 [hbm:s6], $0xF7A  }
0x23: {  	s9 =	sor.u32 $0xD0000000, s2;
	s6 =	simm.s32 $0x108;
	_ =	swait.ge @!p0 [sflag:s8], $0x0  }
0x24: {  	s3 =	sadd.s32 $0x88, s3;
	s6 =	simm.s32 @!p1 $0x1082;
	[sflag:s4] =	ssyncset.s32 $0xFFFFF086  }
0x25: {  	[simem:s6], [sflag:s4] =	dma.local [hbm:s3], $0xF7A  }
0x26: {  	[smem:$0x3FA0] =	sst s1;
	(tag) =	ssettag s2;
	_ =	strace s9  }
0x27: {  	s1 =	sld [smem:$0x3FB0]  }
0x28: {  	s2 =	sld [smem:$0x3FB1]  }
0x29: {  	s4 =	sld [smem:$0x3FB3]  }
0x2a: {  	p0 =	seq.s32 s5, $0x0;
	s5 =	sld [smem:$0x3FB4]  }
0x2b: {  	s6 =	sld [smem:$0x3FB5]  }
0x2c: {  	s7 =	sld [smem:$0x3FB6]  }
0x2d: {  	s3 =	simm.s32 $0x108;
	s8 =	sld [smem:$0x3FB7]  }
0x2e: {  	s3 =	simm.s32 @!p0 $0x1082;
	s9 =	sld [smem:$0x3FB8]  }
0x2f: {  	lr =	sadd.s32 s0, s3;
	s0 =	sld [smem:$0x3FAF]  }
0x30: {  	s3 =	sld [smem:$0x3FB2]  }
0x31: {  	[smem:$0x3FBB] =	sst s10  }
0x32: {  	s10 =	sld [smem:$0x3FB9];
	_ =	sdelay $0x3  }
0x33: {  	p0 =	seq.s32 s10, $0x1;
	s10 =	sld [smem:$0x3FBB];
	_ =	sdelay $0x3  }
0x34: {  	[smem:$0x3FBB] =	sst s10  }
0x35: {  	s10 =	sld [smem:$0x3FBA];
	_ =	sdelay $0x3  }
0x36: {  	p1 =	seq.s32 s10, $0x1;
	s10 =	sld [smem:$0x3FBB];
	_ =	sdelay $0x3  }
0x37: {  	[smem:$0x3FBB] =	sst s10  }
0x38: {  	s10 =	sld [smem:$0x3FBC]  }
0x39: {  	_ = 	snop;
	(pc) =	sbr.ind lr, $3  }
0x3a: {  	_ = 	snop  }
0x3b: {  	_ = 	snop  }
0x3c: {  	p2 =	seq.s32 s10, $0x1;
	s10 =	sld [smem:$0x3FBB]  }
0x3d: {  	_ =	shalt  }
0x3e: {  	_ =	shalt  }
0x3f: {  	_ =	shalt  }
0x40: {  	_ =	shalt  }
0x41: {  	_ =	shalt  }
0x42: {  	_ =	shalt  }
0x43: {  	_ =	shalt  }
0x44: {  	_ =	shalt  }
0x45: {  	_ =	shalt  }
0x46: {  	_ =	shalt  }
0x47: {  	_ =	shalt  }
0x48: {  	_ =	shalt  }
0x49: {  	_ =	shalt  }
0x4a: {  	_ =	shalt  }
0x4b: {  	_ =	shalt  }
0x4c: {  	_ =	shalt  }
0x4d: {  	_ =	shalt  }
0x4e: {  	_ =	shalt  }
0x4f: {  	_ =	shalt  }
0x50: {  	_ =	shalt  }
0x51: {  	_ =	shalt  }
0x52: {  	_ =	shalt  }
0x53: {  	_ =	shalt  }
0x54: {  	_ =	shalt  }
0x55: {  	_ =	shalt  }
0x56: {  	_ =	shalt  }
0x57: {  	_ =	shalt  }
0x58: {  	_ =	shalt  }
0x59: {  	_ =	shalt  }
0x5a: {  	_ =	shalt  }
0x5b: {  	_ =	shalt  }
0x5c: {  	_ =	shalt  }
0x5d: {  	_ =	shalt  }
0x5e: {  	_ =	shalt  }
0x5f: {  	_ =	shalt  }
0x60: {  	_ =	shalt  }
0x61: {  	_ =	shalt  }
0x62: {  	_ =	shalt  }
0x63: {  	_ =	shalt  }
0x64: {  	_ =	shalt  }
0x65: {  	_ =	shalt  }
0x66: {  	_ =	shalt  }
0x67: {  	_ =	shalt  }
0x68: {  	_ =	shalt  }
0x69: {  	_ =	shalt  }
0x6a: {  	_ =	shalt  }
0x6b: {  	_ =	shalt  }
0x6c: {  	_ =	shalt  }
0x6d: {  	_ =	shalt  }
0x6e: {  	_ =	shalt  }
0x6f: {  	_ =	shalt  }
0x70: {  	_ =	shalt  }
0x71: {  	_ =	shalt  }
0x72: {  	_ =	shalt  }
0x73: {  	_ =	shalt  }
0x74: {  	_ =	shalt  }
0x75: {  	_ =	shalt  }
0x76: {  	_ =	shalt  }
0x77: {  	_ =	shalt  }
0x78: {  	_ =	shalt  }
0x79: {  	_ =	shalt  }
0x7a: {  	_ =	shalt  }
0x7b: {  	_ =	shalt  }
0x7c: {  	_ =	shalt  }
0x7d: {  	_ =	shalt  }
0x7e: {  	_ =	shalt  }
0x7f: {  	_ =	shalt  }
0x80: {  	_ =	shalt  }
0x81: {  	_ =	shalt  }
0x82: {  	_ =	shalt  }
0x83: {  	_ =	shalt  }
0x84: {  	_ =	shalt  }
0x85: {  	_ =	shalt  }
0x86: {  	_ =	shalt  }
0x87: {  	_ =	shalt  }
.Lfunc_end0:
.L_simem_size_0:
called_computation.3_lowered:
.L_overlay_start_0:
0x88: {  	s2 =	sld [smem:$0x3FD9]  }
0x89: {  	s3 =	sld [smem:$0x3FFE];
	_ =	sdelay $0x1  }
0x8a: {  	s1 =	srdreg.scid  }
0x8b: {  	s0 =	sand.u32 $0x1, s1  }
0x8c: {  	s17 =	sshll.u32 s0, $0xA;
	s2 =	sadd.s32 s3, s2  }
0x8d: {  	s2 =	sadd.s32 s2, s17  }
0x8e: {  	[smem:$0x3FC7] =	sst s2  }
0x8f: {  	_ = 	snop  }
0x90: {  	s2 =	sld [smem:$0x3FD0];
	(tm) =	ssettm $0x1  }
0x91: {  	s18 =	sld [smem:$0x3FFB];
	_ =	sdelay $0x3  }
0x92: {  	_ =	strace s18  }
0x93: {  	s3 =	sld [smem:$0x3FFC];
	_ =	sdelay $0x3  }
0x94: {  	_ =	strace s3  }
0x95: {  	s3 =	sld [smem:$0x3FFD];
	_ =	sdelay $0x3  }
0x96: {  	_ =	strace s3  }
0x97: {  	_ =	strace $0x8FFFFFFF  }
0x98: {  	s19 =	sld [smem:$0x3FDB];
	_ =	sdelay $0x1  }
0x99: {  	s4 =	simm.s32 $_scs_section_size  }
0x9a: {  	s5 =	simm.s32 $_size__tile_overlayer_lowered;
	s6 =	simm.s32 $_tile_overlayer_lowered  }
0x9b: {  	s22 =	simm.s32 $0x1BFF;
	s21 =	sshll.u32 s6, $0x1;
	s3 =	sadd.s32 s4, s19  }
0x9c: {  	s7 =	simm.s32 $0x0;
	s20 =	sshll.u32 s5, $0x1;
	s5 =	sadd.s32 s21, s3  }
0x9d: {  	[timem:s7], [sflag:s22] =	dma.local [hbm:s5], s20  }
0x9e: {  	_ =	swait.ge [sflag:s22], s20  }
0x9f: {  	s4 =	ssub.s32 $0x0, s20;
	[sflag:s22] =	ssyncset.done $0x0  }
0xa0: {  	[sflag:s22] =	ssyncadd.s32 s4;
	_ =	sdelay $0x1  }
0xa1: {  	s23 =	simm.s32 $0x1B8B  }
0xa2: {  	_ =	swait.ge [sflag:s23], $0x1  }
0xa3: {  	[sflag:s23] =	ssyncset.done $0x0  }
0xa4: {  	s25 =	simm.s32 $0x1B8E;
	s24 =	sld [smem:$0x3FFE];
	[sflag:s23] =	ssyncadd.s32 $0xFFFFFFFF  }
0xa5: {  	s26 =	simm.s32 $execute0_lowered;
	[smem:$0x3FD2] =	sst s25  }
0xa6: {  	s5 =	sshll.u32 s26, $0x1;
	_ =	strace $0x80000046;
	[dreg:$0x1] =	wrdreg $0xFFFFFFFF  }
0xa7: {  	s28 =	simm.s32 $_size_execute0_lowered;
	s3 =	sadd.s32 s3, s5;
	[dreg:$0x0] =	wrdreg $0x0  }
0xa8: {  	s5 =	sshll.u32 s28, $0x1;
	[dreg:$0x2] =	wrdreg s3  }
0xa9: {  	[dreg:$0x3] =	wrdreg s5  }
0xaa: {  	[dreg:$0x4] =	wrdreg $0xC0  }
0xab: {  	_ =	task [dreg:s7], $0x5FFFF  }
0xac: {  	[dreg:$0x1] =	wrdreg $0xFFFFFFFF  }
0xad: {  	[dreg:$0x0] =	wrdreg $0x60  }
0xae: {  	[dreg:$0x2] =	wrdreg s24  }
0xaf: {  	[dreg:$0x3] =	wrdreg s2  }
0xb0: {  	[dreg:$0x4] =	wrdreg $0xC  }
0xb1: {  	_ =	task.clear_ibuf [dreg:s7], $0x5FFFF;
	_ =	strace $0x90000046  }
0xb2: {  	s29 =	simm.s32 $0xC;
	_ =	strace $0x80000048  }
0xb3: {  	_ =	swait.ge [sflag:s29], $0x1  }
0xb4: {  	[sflag:s29] =	ssyncadd.s32 $0xFFFFFFFF  }
0xb5: {  	_ =	strace $0x90000048  }
0xb6: {  	_ =	sfence  }
0xb7: {  	s30 =	sld [smem:$0x0];
	_ =	sdelay $0x2  }
0xb8: {  	s31 =	sshll.u32 s1, $0xD;
	s1 =	sshrl.u32 s1, $0x2  }
0xb9: {  	s3 =	sand.u32 $0x4000, s31;
	s1 =	sadd.s32 s1, s30  }
0xba: {  	s0 =	sor.u32 s3, s0;
	s1 =	sshll.u32 s1, $0x11  }
0xbb: {  	s0 =	sor.u32 s1, s0  }
0xbc: {  	s0 =	sadd.s32 $0x8F2B, s0  }
0xbd: {  	[sflag:s0] =	ssyncadd.remote.s32 $0x1  }
0xbe: {  	_ =	sfence.sel $0xFFFF  }
0xbf: {  	[dreg:$0x0] =	wrdreg $0xFFFFFFFF;
	(pc) =	sbr.abs _section_cstart, $3  }
0xc0: {  	[dreg:$0x1] =	wrdreg $0xFFFFFFFF  }
0xc1: {  	_ =	task.clear_ibuf [dreg:s7], $0x2FFFF;
	_ =	strace $0x9FFFFFFF  }
0xc2: {  	(tm) =	ssettm $0x7FFFFFFF  }
0xc3: {  	_ =	shalt  }
tec
execute0_lowered:
.L_overlay_start_1:
0x0: {  	(tag) =	ssettag $0x1  }
0x1: {  	s0 =	rddreg [dreg:$0x0]  }
0x2: {  	s1 =	rddreg [dreg:$0x1];
	s2 =	simm.s32 $0x0;
	s3 =	srdreg.scid  }
0x3: {  	s8 =	stileid.u32;
	s15 =	simm.s32 $0x10000;
	s17 =	simm.s32 $0x11000  }
0x4: {  	s18 =	simm.s32 $0x1;
	[smem:$0x7FF] =	sst s2;
	s5 =	sadd.s32 $0x2A00, s0  }
0x5: {  	s4 =	sand.u32 $0x1, s3;
	s6 =	sshll.u32 s8, $0x1;
	s3 =	sadd.s32 $0x82A00, s0  }
0x6: {  	s8 =	sshrl.u32 s8, $0x3;
	_ =	strace $0x80000047;
	s19 =	ssub.s32 $0x2, s4  }
0x7: {  	s6 =	sand.u32 $0xE, s6;
	s10 =	sshll.u32 s8, $0x15;
	s7 =	sshrl.u32 s19, $0x1  }
0x8: {  	s8 =	sshll.u32 s8, $0x12;
	s6 =	sor.u32 s4, s6;
	s0 =	ssub.s32 s19, s7  }
0x9: {  	s20 =	sshll.u32 s6, $0x7;
	s4 =	sshll.u32 s6, $0x11;
	s9 =	sshll.u32 s6, $0xE  }
0xa: {  	s6 =	sshll.u32 s6, $0x4;
	s19 =	simm.s32 $0x3;
	s11 =	sor.u32 s10, s4  }
0xb: {  	s4 =	sor.u32 s8, s9;
	s6 =	sor.u32 $0x4, s6;
	s25 =	sor.u32 $0x40, s20  }
0xc: {  	s7 =	sor.u32 $0x60, s20;
	s0 =	smax.u32 s0, $0x1;
	s20 =	simm.s32 $0x12000  }
0xd: {  	s21 =	sshrl.u32 s11, $0x3;
	s22 =	sshrl.u32 s4, $0x3;
	s24 =	sshll.u32 s6, $0xD  }
0xe: {  	s6 =	sshll.u32 s6, $0xA;
	s12 =	sshll.u32 s25, $0xA;
	s29 =	sshll.u32 s25, $0x7  }
0xf: {  	s30 =	sshll.u32 s7, $0xA;
	s7 =	sshll.u32 s7, $0x7;
	[dreg:$0x7] =	wrdreg s0  }
0x10: {  	s14 =	sor.u32 $0x1000, s4;
	s9 =	sadd.s32 s5, s21;
	s23 =	sadd.s32 s1, s22  }
0x11: {  	s6 =	sor.u32 s8, s6;
	s26 =	sor.u32 s10, s12;
	s7 =	sor.u32 s8, s7  }
0x12: {  	s21 =	simm.s32 $0x2;
	s22 =	simm.s32 $0x4;
	[dreg:$0x3] =	wrdreg s9  }
0x13: {  	[dreg:$0x4] =	wrdreg s23;
	s9 =	sor.u32 s10, s24;
	s6 =	sshrl.u32 s6, $0x3  }
0x14: {  	s28 =	sshrl.u32 s26, $0x3;
	s10 =	sor.u32 s10, s30;
	s31 =	sshrl.u32 s7, $0x3  }
.Ltmp0:
0x15: {  	s23 =	simm.s32 $0x13000;
	s9 =	sshrl.u32 s9, $0x3;
	(pc) =	sbr.rel .LBB2_1-.Ltmp0, $4  }
0x16: {  	s6 =	sadd.s32 s1, s6;
	s11 =	sshrl.u32 s10, $0x3;
	s12 =	sadd.s32 s1, s31  }
0x17: {  	v0 =	vlaneseq.u32;
	s9 =	sadd.s32 s5, s9;
	[dreg:$0x6] =	wrdreg s6;
	s6 =	sor.u32 s8, s29  }
0x18: {  	v1 =	vor.u32 $0x400, v0;
	s11 =	sadd.s32 s5, s11;
	[dreg:$0x5] =	wrdreg s9;
	s6 =	sshrl.u32 s6, $0x3  }
0x19: {  	v2 =	vor.u32 $0x10, v0;
	v3 =	vor.u32 $0x20, v0;
	v4 =	vor.u32 $0x30, v0;
	s9 =	sadd.s32 s5, s28;
	s5 =	simm.s32 $0x0;
	s10 =	sadd.s32 s1, s6  }
.LBB2_12:
0x1a: {  	s0 =	sadd.s32 s3, s0;
	s30 =	simm.s32 $0x5  }
0x1b: {  	[hbm4b:s0+s2] =	stream.linear.scatter [tilespmem:s23], [sflag:$0x6], $0x1000, $0x38;
	[tilespmem:$0x14000] =	vst v63  }
0x1c: {  	_ =	swait.ge [sflag:s30], $0x1000  }
0x1d: {  	[sflag:s30] =	ssyncset.done $0x0  }
0x1e: {  	s1 =	simm.s32 $0x6;
	[sflag:s30] =	ssyncadd.s32 $0xFFFFF000  }
0x1f: {  	_ =	swait.ge [sflag:s1], $0x1000  }
0x20: {  	s5 =	rddreg [dreg:$0x8]  }
0x21: {  	s31 =	rddreg [dreg:$0x7];
	s5 =	sadd.s32 $0x1, s5  }
0x22: {  	p0 =	sne.s32 s5, s31  }
.Ltmp1:
0x23: {  	_ = 	snop;
	(pc) =	sbr.rel @!p0 .LBB2_13-.Ltmp1, $3  }
0x24: {  	_ =	sdelay $0x1  }
0x25: {  	[sflag:s1] =	ssyncset.done $0x0  }
0x26: {  	[sflag:s1] =	ssyncadd.s32 $0xFFFFF000  }
.LBB2_1:
0x27: {  	[dreg:$0x8] =	wrdreg s5  }
0x28: {  	s0 =	rddreg [dreg:$0x3]  }
0x29: {  	[tilespmem:s2], [sflag:$0x1] =	stream.linear.gather [hbm4b:s0+s2], $0x8000, $0x38;
	[tilespmem:$0x14000] =	vst v63  }
0x2a: {  	s29 =	rddreg [dreg:$0x4]  }
0x2b: {  	[tilespmem:s15], [sflag:$0x3] =	stream.linear.gather [hbm4b:s29+s2], $0x1000, $0x38;
	[tilespmem:$0x14000] =	vst v63  }
0x2c: {  	s30 =	rddreg [dreg:$0x5];
	s1 =	simm.s32 $0x8000  }
0x2d: {  	[tilespmem:s1], [sflag:$0x2] =	stream.linear.gather [hbm4b:s30+s2], $0x8000, $0x38;
	[tilespmem:$0x14000] =	vst v63  }
0x2e: {  	s31 =	rddreg [dreg:$0x6];
	p0 =	por $0x1, $0x1;
	s28 =	simm.s32 $0x0  }
0x2f: {  	[tilespmem:s17], [sflag:$0x4] =	stream.linear.gather [hbm4b:s31+s2], $0x1000, $0x38;
	[tilespmem:$0x14000] =	vst v63  }
.LBB2_2:
0x30: {  	_ =	swait.ge [sflag:s18], $0x8000  }
0x31: {  	[sflag:s18] =	ssyncset.done $0x0  }
0x32: {  	[sflag:s18] =	ssyncadd.s32 $0xFFFF8000  }
0x33: {  	_ =	swait.ge [sflag:s19], $0x1000  }
0x34: {  	[sflag:s19] =	ssyncset.done $0x0  }
0x35: {  	s0 =	simm.s32 @!p0 $0x5;
	[sflag:s19] =	ssyncadd.s32 $0xFFFFF000  }
0x36: {  	_ =	swait.ge @!p0 [sflag:s0], $0x1000  }
0x37: {  	s29 =	simm.s32 $0x0;
	s30 =	simm.s32 $0x0;
	[sflag:s0] =	ssyncset.done @!p0 $0x0  }
0x38: {  	s31 =	simm.s32 $0x0;
	[sflag:s0] =	ssyncadd.s32 @!p0 $0xFFFFF000;
	s0 =	simm.s32 $0x0  }
.LBB2_3:
0x39: {  	s1 =	sshll.u32 s31, $0x2;
	s5 =	sand.u32 $0x7, s30  }
0x3a: {  	s1 =	sand.u32 $0xFFFF8000, s1;
	s5 =	sshll.u32 s5, $0x9  }
0x3b: {  	s1 =	sor.u32 s5, s1  }
0x3c: {  	s1 =	sshrl.u32 s1, $0x2  }
0x3d: {  	s13 =	sor.u32 $0x40, s1  }
0x3e: {  	v11 =	vld [tilespmem:s13+$0xFFFFFFC0]  }
0x3f: {  	v5 =	vmov s0;
	v13 =	vld [tilespmem:s13+$0x30]  }
0x40: {  	s6 =	simm.s32 $0x10;
	v16 =	vor.u32 s29, v1;
	s8 =	simm.s32 $0x70;
	v19 =	vor.u32 s29, v0;
	v5 =	vshll.u32 v5, $0x7;
	v7 =	vld [tilespmem:s13+$0xFFFFFFF0]  }
0x41: {  	s7 =	simm.s32 $0x40;
	s24 =	simm.s32 $0x60;
	v8 =	vor.u32 s6, v0;
	v20 =	vor.u32 s8, v0;
	v24 =	vor.u32 s8, v1;
	v22 =	vld [tilespmem:s13+$0xFFFFFFE0]  }
0x42: {  	v21 =	vor.u32 s7, v1;
	v58 =	vor.u32 s24, v0;
	v59 =	vor.u32 s7, v0;
	s5 =	simm.s32 $0x20;
	s1 =	simm.s32 $0x50;
	v12 =	vld [tilespmem:s13+$0x0]  }
0x43: {  	v5 =	vbroadcast v5, $0x0;
	v14 =	vor.u32 s5, v0;
	v6 =	vor.u32 s1, v0;
	v23 =	vld [tilespmem:s13+$0x10]  }
0x44: {  	v25 =	vld [tilespmem:s13+$0xFFFFFFD0];
	v9 =	vand.u32 $0x8000, v11;
	v15 =	vshrl.u32 v11, $0x10;
	v17 =	vand.u32 $0xFF80, v11  }
0x45: {  	v29 =	vld [tilespmem:s13+$0x20];
	v18 =	vand.u32 $0x7F, v11;
	v26 =	vand.u32 $0xFF80, v13;
	v10 =	vand.u32 $0x8000, v7  }
0x46: {  	v27 =	vshrl.u32 v7, $0x10;
	v28 =	vand.u32 $0xFF80, v7;
	v30 =	vand.u32 $0x8000, v22  }
0x47: {  	v31 =	vand.u32 $0x8000, v12;
	v32 =	vshrl.u32 v12, $0x10;
	v33 =	vshrl.u32 v22, $0x10  }
0x48: {  	v34 =	vand.u32 $0xFF80, v22;
	v35 =	vand.u32 $0xFF80, v12;
	v37 =	vand.u32 $0x7F, v12  }
0x49: {  	v38 =	vshrl.u32 v23, $0x10;
	v39 =	vshrl.u32 v25, $0x10;
	v40 =	vand.u32 $0x7F, v22  }
0x4a: {  	v41 =	vand.u32 $0x8000, v29;
	vm0 =	vgt.s32 v29, $0xFFFFFFFF;
	v42 =	vand.u32 $0x7F, v23  }
0x4b: {  	v43 =	vshrl.u32 v29, $0x10;
	v44 =	vand.u32 $0x8000, v25;
	v45 =	vand.u32 $0xFF80, v29  }
0x4c: {  	v47 =	vand.u32 $0xFF80, v23;
	v48 =	vand.u32 $0x7F, v25;
	v53 =	vand.u32 $0x7F, v7  }
0x4d: {  	v54 =	vand.u32 $0xFF80, v25;
	v56 =	vand.u32 $0x8000, v23;
	v29 =	vand.u32 $0x7F, v29  }
0x4e: {  	vm7 =	vgt.s32 v12, $0xFFFFFFFF;
	v60 =	vand.u32 $0x8000, v13;
	v61 =	vshrl.u32 v13, $0x10  }
0x4f: {  	vm9 =	vgt.s32 v13, $0xFFFFFFFF;
	v36 =	vand.u32 $0x7F, v33;
	vm2 =	veq.s32 v30, $0x0  }
0x50: {  	v62 =	vand.u32 $0xFF80, v32;
	v35 =	vadd.s32 v5, v35;
	v46 =	vand.u32 $0x7F, v43  }
0x51: {  	v34 =	vadd.s32 v5, v34;
	v43 =	vand.u32 $0xFF80, v43;
	v33 =	vand.u32 $0xFF80, v33  }
0x52: {  	v63 =	vand.u32 $0xFF80, v38;
	vm3 =	veq.s32 v9, $0x0;
	v52 =	vadd.s32 v5, v47  }
0x53: {  	vm1 =	veq.s32 v10, $0x0;
	v32 =	vand.u32 $0x7F, v32;
	v55 =	vadd.s32 v5, v45  }
0x54: {  	vm4 =	veq.s32 v31, $0x0;
	v17 =	vadd.s32 v5, v17;
	vm5 =	veq.s32 v41, $0x0  }
0x55: {  	v12 =	vand.u32 $0xFF80, v15;
	vm8 =	veq.s32 v60, $0x0;
	v26 =	vadd.s32 v5, v26  }
0x56: {  	v15 =	vand.u32 $0x7F, v15;
	v34 =	vor.u32 v40, v34;
	v33 =	vadd.s32 v5, v33  }
0x57: {  	v43 =	vadd.s32 v5, v43;
	v10 =	vor.u32 v42, v52;
	v57 =	vor.u32 v37, v35  }
0x58: {  	v30 =	vadd.s32 v5, v62;
	v29 =	vor.u32 v29, v55;
	v17 =	vor.u32 v18, v17  }
0x59: {  	v62 =	vand.u32 $0x7F, v13;
	v12 =	vadd.s32 v5, v12;
	v63 =	vadd.s32 v5, v63  }
0x5a: {  	v9 =	vor.u32 v36, v33;
	v33 =	vadd.s32 v5, v54;
	v30 =	vor.u32 v32, v30  }
0x5b: {  	[tilespmem:v34+s20+$0x0] =	vst.idx.msk vm2, v14;
	vm2 =	vgt.s32 v11, $0xFFFFFFFF;
	v11 =	vor.u32 v62, v26;
	v14 =	vand.u32 $0xFF80, v61  }
0x5c: {  	v13 =	vand.u32 $0x7F, v61;
	v12 =	vor.u32 v15, v12;
	[tilespmem:v57+s20+$0x0] =	vst.idx.msk vm4, v59;
	v14 =	vadd.s32 v5, v14  }
0x5d: {  	vm6 =	veq.s32 v44, $0x0;
	v15 =	vadd.s32 v5, v28;
	[tilespmem:v29+s20+$0x0] =	vst.idx.msk vm5, v58;
	v13 =	vor.u32 v13, v14  }
0x5e: {  	v18 =	vor.u32 v48, v33;
	[tilespmem:v17+s20+$0x0] =	vst.idx.msk vm3, v19;
	vm5 =	veq.s32 v56, $0x0;
	v17 =	vand.u32 $0x7F, v38  }
0x5f: {  	v19 =	vand.u32 $0x7F, v39;
	[tilespmem:v30+s20+$0x0] =	vst.idx.msk vm7, v21;
	v21 =	vor.u32 v53, v15;
	v14 =	vand.u32 $0xFF80, v39  }
0x60: {  	vm4 =	vgt.s32 v23, $0xFFFFFFFF;
	v15 =	vor.u32 v46, v43;
	v14 =	vadd.s32 v5, v14;
	[tilespmem:v11+s20+$0x0] =	vst.idx.msk vm8, v20  }
0x61: {  	s25 =	simm.s32 $0x30;
	vm3 =	vgt.s32 v25, $0xFFFFFFFF;
	v19 =	vor.u32 v19, v14;
	v20 =	vor.u32 v17, v63;
	[tilespmem:v12+s20+$0x0] =	vst.idx.msk vm2, v16  }
0x62: {  	s7 =	simm.s32 $0x0;
	s8 =	simm.s32 $0x80;
	s13 =	sadd.s32 $0x400, s13;
	v17 =	vand.u32 $0xFF80, v27;
	v11 =	vand.u32 $0x7F, v27;
	vm2 =	vgt.s32 v22, $0xFFFFFFFF;
	[tilespmem:v13+s20+$0x0] =	vst.idx.msk vm9, v24  }
.LBB2_4:
0x63: {  	[tilespmem:v18+s20+$0x0] =	vst.idx.msk vm6, v8;
	v18 =	vor.u32 s25, v1  }
0x64: {  	v13 =	vld [tilespmem:s13+$0xFFFFFFC0];
	s26 =	sadd.s32 $0x50, s8;
	s7 =	sadd.s32 $0x8, s7;
	vm6 =	vgt.s32 v7, $0xFFFFFFFF;
	v7 =	vadd.s32 v5, v17;
	v8 =	vor.u32 s25, v0  }
0x65: {  	s16 =	sadd.s32 $0x20, s8;
	v14 =	vor.u32 s1, v1;
	v22 =	vld [tilespmem:s13+$0x0];
	p1 =	slt.u32 s7, $0x38;
	v23 =	vor.u32 v11, v7;
	[tilespmem:v10+s20+$0x0] =	vst.idx.msk vm5, v6;
	v6 =	vor.u32 s26, v0  }
0x66: {  	v24 =	vor.u32 s16, v0;
	v17 =	vld [tilespmem:s13+$0x30];
	[tilespmem:v21+s20+$0x0] =	vst.idx.msk vm1, v8;
	v8 =	vor.u32 s24, v1  }
0x67: {  	v10 =	vor.u32 s5, v1;
	s1 =	smov.u32 s26;
	s5 =	smov.u32 s16;
	v11 =	vor.u32 s8, v1;
	s24 =	sadd.s32 $0x10, s8;
	v7 =	vld [tilespmem:s13+$0xFFFFFFF0];
	[tilespmem:v15+s20+$0x0] =	vst.idx.msk vm0, v8  }
0x68: {  	v8 =	vor.u32 s24, v0;
	v15 =	vor.u32 s6, v1;
	s6 =	smov.u32 s24;
	v12 =	vld [tilespmem:s13+$0xFFFFFFE0];
	[tilespmem:v20+s20+$0x0] =	vst.idx.msk vm4, v14  }
0x69: {  	s16 =	sadd.s32 $0x70, s8;
	v20 =	vand.u32 $0x8000, v13;
	v21 =	vshrl.u32 v13, $0x10;
	v25 =	vand.u32 $0xFF80, v13;
	v14 =	vld [tilespmem:s13+$0xFFFFFFD0];
	[tilespmem:v19+s20+$0x0] =	vst.idx.msk vm3, v15  }
0x6a: {  	s25 =	sadd.s32 $0x40, s8;
	v26 =	vor.u32 s16, v0;
	v16 =	vor.u32 s16, v1;
	v19 =	vor.u32 s8, v0;
	v15 =	vld [tilespmem:s13+$0x10];
	[tilespmem:v9+s20+$0x0] =	vst.idx.msk vm2, v10  }
0x6b: {  	v28 =	vor.u32 s25, v1;
	v27 =	vand.u32 $0x7F, v13;
	v29 =	vand.u32 $0xFF80, v17;
	[tilespmem:v23+s20+$0x0] =	vst.idx.msk vm6, v18  }
0x6c: {  	v10 =	vand.u32 $0x8000, v7;
	v23 =	vshrl.u32 v7, $0x10;
	v30 =	vand.u32 $0xFF80, v7;
	v18 =	vld [tilespmem:s13+$0x20]  }
0x6d: {  	v31 =	vand.u32 $0x8000, v22;
	v32 =	vshrl.u32 v22, $0x10;
	v9 =	vand.u32 $0x8000, v12  }
0x6e: {  	v35 =	vand.u32 $0xFF80, v22;
	v33 =	vshrl.u32 v12, $0x10;
	v34 =	vand.u32 $0xFF80, v12  }
0x6f: {  	v37 =	vand.u32 $0x7F, v22;
	v36 =	vand.u32 $0x7F, v33;
	v38 =	vshrl.u32 v15, $0x10  }
0x70: {  	v40 =	vand.u32 $0xFF80, v32;
	v39 =	vshrl.u32 v14, $0x10;
	vm3 =	veq.s32 v9, $0x0  }
0x71: {  	v9 =	vand.u32 $0x7F, v12;
	v41 =	vand.u32 $0x8000, v18;
	vm0 =	vgt.s32 v18, $0xFFFFFFFF  }
0x72: {  	v35 =	vadd.s32 v5, v35;
	v42 =	vand.u32 $0x7F, v15;
	v43 =	vshrl.u32 v18, $0x10  }
0x73: {  	v44 =	vand.u32 $0x8000, v14;
	v45 =	vand.u32 $0xFF80, v18;
	v46 =	vand.u32 $0x7F, v43  }
0x74: {  	v34 =	vadd.s32 v5, v34;
	v47 =	vand.u32 $0xFF80, v15;
	v43 =	vand.u32 $0xFF80, v43  }
0x75: {  	v34 =	vor.u32 v9, v34;
	v9 =	vand.u32 $0xFF80, v33;
	v33 =	vand.u32 $0xFF80, v38  }
0x76: {  	v48 =	vand.u32 $0x7F, v14;
	v9 =	vadd.s32 v5, v9;
	v43 =	vadd.s32 v5, v43  }
0x77: {  	vm2 =	veq.s32 v20, $0x0;
	v20 =	vadd.s32 v5, v47;
	v9 =	vor.u32 v36, v9  }
0x78: {  	vm1 =	veq.s32 v10, $0x0;
	v36 =	vand.u32 $0x7F, v7;
	v10 =	vor.u32 v42, v20  }
0x79: {  	v32 =	vand.u32 $0x7F, v32;
	v20 =	vand.u32 $0xFF80, v14;
	v42 =	vadd.s32 v5, v45  }
0x7a: {  	v18 =	vand.u32 $0x7F, v18;
	v20 =	vadd.s32 v5, v20;
	[tilespmem:v34+s20+$0x0] =	vst.idx.msk vm3, v24;
	v24 =	vand.u32 $0x8000, v15  }
0x7b: {  	vm4 =	veq.s32 v31, $0x0;
	v31 =	vadd.s32 v5, v40;
	v34 =	vor.u32 v18, v42  }
0x7c: {  	vm5 =	veq.s32 v41, $0x0;
	v18 =	vadd.s32 v5, v25;
	v25 =	vor.u32 v32, v31  }
0x7d: {  	s24 =	sadd.s32 $0x60, s8;
	vm7 =	vgt.s32 v22, $0xFFFFFFFF;
	v31 =	vor.u32 v37, v35;
	v27 =	vor.u32 v27, v18  }
0x7e: {  	v22 =	vand.u32 $0xFF80, v21;
	v18 =	vor.u32 v48, v20;
	v20 =	vor.u32 s24, v0  }
0x7f: {  	v32 =	vor.u32 s25, v0;
	v35 =	vand.u32 $0x8000, v17;
	v37 =	vshrl.u32 v17, $0x10  }
0x80: {  	v29 =	vadd.s32 v5, v29;
	vm8 =	veq.s32 v35, $0x0;
	v35 =	vand.u32 $0x7F, v17  }
0x81: {  	vm3 =	vgt.s32 v13, $0xFFFFFFFF;
	v13 =	vor.u32 v35, v29;
	v29 =	vand.u32 $0xFF80, v37  }
0x82: {  	vm9 =	vgt.s32 v17, $0xFFFFFFFF;
	v17 =	vand.u32 $0x7F, v37;
	v29 =	vadd.s32 v5, v29;
	[tilespmem:v31+s20+$0x0] =	vst.idx.msk vm4, v32  }
0x83: {  	v21 =	vand.u32 $0x7F, v21;
	v22 =	vadd.s32 v5, v22;
	v29 =	vor.u32 v17, v29;
	[tilespmem:v34+s20+$0x0] =	vst.idx.msk vm5, v20  }
0x84: {  	v22 =	vor.u32 v21, v22;
	vm6 =	veq.s32 v44, $0x0;
	v17 =	vand.u32 $0xFF80, v39;
	[tilespmem:v25+s20+$0x0] =	vst.idx.msk vm7, v28  }
.Ltmp2:
0x85: {  	v20 =	vadd.s32 v5, v30;
	vm5 =	veq.s32 v24, $0x0;
	v24 =	vand.u32 $0x7F, v38;
	[tilespmem:v27+s20+$0x0] =	vst.idx.msk vm2, v19;
	(pc) =	sbr.rel @p1 .LBB2_4-.Ltmp2, $4  }
0x86: {  	v17 =	vadd.s32 v5, v17;
	v25 =	vadd.s32 v5, v33;
	v19 =	vand.u32 $0x7F, v39;
	[tilespmem:v13+s20+$0x0] =	vst.idx.msk vm8, v26  }
0x87: {  	v21 =	vor.u32 v36, v20;
	v20 =	vor.u32 v24, v25;
	v19 =	vor.u32 v19, v17  }
0x88: {  	vm4 =	vgt.s32 v15, $0xFFFFFFFF;
	v15 =	vor.u32 v46, v43;
	v17 =	vand.u32 $0xFF80, v23;
	[tilespmem:v29+s20+$0x0] =	vst.idx.msk vm9, v16  }
0x89: {  	s13 =	sadd.s32 $0x400, s13;
	s25 =	sadd.s32 $0x30, s8;
	s8 =	sadd.s32 $0x80, s8;
	vm2 =	vgt.s32 v12, $0xFFFFFFFF;
	[tilespmem:v22+s20+$0x0] =	vst.idx.msk vm3, v11;
	vm3 =	vgt.s32 v14, $0xFFFFFFFF;
	v11 =	vand.u32 $0x7F, v23  }
0x8a: {  	_ =	sdelay $0x4  }
0x8b: {  	[tilespmem:v18+s20+$0x0] =	vst.idx.msk vm6, v8  }
0x8c: {  	vm11 =	vgt.s32 v7, $0xFFFFFFFF;
	v7 =	vadd.s32 v5, v17;
	v61 =	vor.u32 s25, v0;
	[tilespmem:v10+s20+$0x0] =	vst.idx.msk vm5, v6  }
0x8d: {  	v62 =	vor.u32 s1, v1;
	v6 =	vor.u32 v11, v7;
	[tilespmem:v21+s20+$0x0] =	vst.idx.msk vm1, v61  }
0x8e: {  	v63 =	vor.u32 s5, v1;
	[tilespmem:v20+s20+$0x0] =	vst.idx.msk vm4, v62  }
0x8f: {  	v7 =	vor.u32 s24, v1;
	[tilespmem:v9+s20+$0x0] =	vst.idx.msk vm2, v63  }
0x90: {  	[tilespmem:v15+s20+$0x0] =	vst.idx.msk vm0, v7;
	v7 =	vor.u32 s6, v1  }
0x91: {  	[tilespmem:v19+s20+$0x0] =	vst.idx.msk vm3, v7;
	v7 =	vor.u32 s25, v1  }
0x92: {  	[tilespmem:v6+s20+$0x0] =	vst.idx.msk vm11, v7  }
0x93: {  	s26 =	sshll.u32 s0, $0x7;
	v6 =	vld.idx.msk [tilespmem:v5+s15+$0x0], $0xffff  }
0x94: {  	s1 =	sand.u32 $0x3FFFFF80, s26;
	v5 =	vld.idx.msk [tilespmem:v5+s20+$0x0], $0xffff  }
0x95: {  	v7 =	vld [tilespmem:s1+$0x12000]  }
0x96: {  	v8 =	vld [tilespmem:s1+$0x12010]  }
0x97: {  	v9 =	vld [tilespmem:s1+$0x12020]  }
0x98: {  	s0 =	sadd.s32 $0x1, s0;
	v10 =	vld [tilespmem:s1+$0x12030]  }
0x99: {  	p1 =	sne.s32 s0, $0x20;
	vm12 =	vgt.s32 v6, v0  }
.Ltmp3:
0x9a: {  	vm13 =	vgt.s32 v6, v2;
	v7 =	vsel vm12, v7, v5;
	(pc) =	sbr.rel @p1 .LBB2_3-.Ltmp3, $4  }
0x9b: {  	vm14 =	vgt.s32 v6, v3;
	[tilespmem:s1+$0x12000] =	vst v7;
	v7 =	vsel vm13, v8, v5  }
0x9c: {  	vm15 =	vgt.s32 v6, v4;
	[tilespmem:s1+$0x12010] =	vst v7;
	v7 =	vsel vm14, v9, v5  }
0x9d: {  	v5 =	vsel vm15, v10, v5;
	[tilespmem:s1+$0x12020] =	vst v7  }
0x9e: {  	s31 =	sadd.s32 $0x400, s31;
	s30 =	sadd.s32 $0x1, s30;
	[tilespmem:s1+$0x12030] =	vst v5  }
0x9f: {  	s0 =	simm.s32 @p0 $0x0  }
0xa0: {  	[tilespmem:s0], [sflag:$0x1] =	stream.linear.gather @p0 [hbm4b:s9+s0], $0x8000, $0x38;
	[tilespmem:$0x14000] =	vst v63  }
0xa1: {  	s1 =	simm.s32 @p0 $0x10000;
	s26 =	sor.u32 s4, s28  }
0xa2: {  	[tilespmem:s1], [sflag:$0x3] =	stream.linear.gather @p0 [hbm4b:s10+s0], $0x1000, $0x38;
	[tilespmem:$0x14000] =	vst v63  }
0xa3: {  	s0 =	sshrl.u32 s26, $0x3  }
0xa4: {  	s0 =	sadd.s32 s3, s0  }
0xa5: {  	[hbm4b:s0+s2] =	stream.linear.scatter [tilespmem:s20], [sflag:$0x5], $0x1000, $0x38;
	[tilespmem:$0x14000] =	vst v63  }
0xa6: {  	_ =	swait.ge [sflag:s21], $0x8000  }
0xa7: {  	[sflag:s21] =	ssyncset.done $0x0  }
0xa8: {  	[sflag:s21] =	ssyncadd.s32 $0xFFFF8000  }
0xa9: {  	_ =	swait.ge [sflag:s22], $0x1000  }
0xaa: {  	[sflag:s22] =	ssyncset.done $0x0  }
0xab: {  	s0 =	simm.s32 @!p0 $0x6;
	[sflag:s22] =	ssyncadd.s32 $0xFFFFF000  }
0xac: {  	_ =	swait.ge @!p0 [sflag:s0], $0x1000  }
0xad: {  	s29 =	simm.s32 $0x0;
	s30 =	simm.s32 $0x0;
	[sflag:s0] =	ssyncset.done @!p0 $0x0  }
0xae: {  	s31 =	simm.s32 $0x0;
	[sflag:s0] =	ssyncadd.s32 @!p0 $0xFFFFF000;
	s0 =	simm.s32 $0x0  }
.LBB2_7:
0xaf: {  	s1 =	sshll.u32 s31, $0x2;
	s5 =	sand.u32 $0x7, s30  }
0xb0: {  	s1 =	sand.u32 $0xFFFF8000, s1;
	s5 =	sshll.u32 s5, $0x9  }
0xb1: {  	s1 =	sor.u32 s5, s1  }
0xb2: {  	s1 =	sshrl.u32 s1, $0x2  }
0xb3: {  	s13 =	sadd.s32 $0x8040, s1  }
0xb4: {  	v11 =	vld [tilespmem:s13+$0xFFFFFFC0]  }
0xb5: {  	v5 =	vmov s0;
	v13 =	vld [tilespmem:s13+$0x30]  }
0xb6: {  	s6 =	simm.s32 $0x10;
	v16 =	vor.u32 s29, v1;
	s8 =	simm.s32 $0x70;
	v19 =	vor.u32 s29, v0;
	v5 =	vshll.u32 v5, $0x7;
	v7 =	vld [tilespmem:s13+$0xFFFFFFF0]  }
0xb7: {  	s7 =	simm.s32 $0x40;
	s24 =	simm.s32 $0x60;
	v8 =	vor.u32 s6, v0;
	v20 =	vor.u32 s8, v0;
	v24 =	vor.u32 s8, v1;
	v22 =	vld [tilespmem:s13+$0xFFFFFFE0]  }
0xb8: {  	v21 =	vor.u32 s7, v1;
	v58 =	vor.u32 s24, v0;
	v59 =	vor.u32 s7, v0;
	s5 =	simm.s32 $0x20;
	s1 =	simm.s32 $0x50;
	v12 =	vld [tilespmem:s13+$0x0]  }
0xb9: {  	v5 =	vbroadcast v5, $0x0;
	v14 =	vor.u32 s5, v0;
	v6 =	vor.u32 s1, v0;
	v23 =	vld [tilespmem:s13+$0x10]  }
0xba: {  	v25 =	vld [tilespmem:s13+$0xFFFFFFD0];
	v9 =	vand.u32 $0x8000, v11;
	v15 =	vshrl.u32 v11, $0x10;
	v17 =	vand.u32 $0xFF80, v11  }
0xbb: {  	v29 =	vld [tilespmem:s13+$0x20];
	v18 =	vand.u32 $0x7F, v11;
	v26 =	vand.u32 $0xFF80, v13;
	v10 =	vand.u32 $0x8000, v7  }
0xbc: {  	v27 =	vshrl.u32 v7, $0x10;
	v28 =	vand.u32 $0xFF80, v7;
	v30 =	vand.u32 $0x8000, v22  }
0xbd: {  	v31 =	vand.u32 $0x8000, v12;
	v32 =	vshrl.u32 v12, $0x10;
	v33 =	vshrl.u32 v22, $0x10  }
0xbe: {  	v34 =	vand.u32 $0xFF80, v22;
	v35 =	vand.u32 $0xFF80, v12;
	v37 =	vand.u32 $0x7F, v12  }
0xbf: {  	v38 =	vshrl.u32 v23, $0x10;
	v39 =	vshrl.u32 v25, $0x10;
	v40 =	vand.u32 $0x7F, v22  }
0xc0: {  	v41 =	vand.u32 $0x8000, v29;
	vm0 =	vgt.s32 v29, $0xFFFFFFFF;
	v42 =	vand.u32 $0x7F, v23  }
0xc1: {  	v43 =	vshrl.u32 v29, $0x10;
	v44 =	vand.u32 $0x8000, v25;
	v45 =	vand.u32 $0xFF80, v29  }
0xc2: {  	v47 =	vand.u32 $0xFF80, v23;
	v48 =	vand.u32 $0x7F, v25;
	v53 =	vand.u32 $0x7F, v7  }
0xc3: {  	v54 =	vand.u32 $0xFF80, v25;
	v56 =	vand.u32 $0x8000, v23;
	v29 =	vand.u32 $0x7F, v29  }
0xc4: {  	vm7 =	vgt.s32 v12, $0xFFFFFFFF;
	v60 =	vand.u32 $0x8000, v13;
	v61 =	vshrl.u32 v13, $0x10  }
0xc5: {  	vm9 =	vgt.s32 v13, $0xFFFFFFFF;
	v36 =	vand.u32 $0x7F, v33;
	vm2 =	veq.s32 v30, $0x0  }
0xc6: {  	v62 =	vand.u32 $0xFF80, v32;
	v35 =	vadd.s32 v5, v35;
	v46 =	vand.u32 $0x7F, v43  }
0xc7: {  	v34 =	vadd.s32 v5, v34;
	v43 =	vand.u32 $0xFF80, v43;
	v33 =	vand.u32 $0xFF80, v33  }
0xc8: {  	v63 =	vand.u32 $0xFF80, v38;
	vm3 =	veq.s32 v9, $0x0;
	v52 =	vadd.s32 v5, v47  }
0xc9: {  	vm1 =	veq.s32 v10, $0x0;
	v32 =	vand.u32 $0x7F, v32;
	v55 =	vadd.s32 v5, v45  }
0xca: {  	vm4 =	veq.s32 v31, $0x0;
	v17 =	vadd.s32 v5, v17;
	vm5 =	veq.s32 v41, $0x0  }
0xcb: {  	v12 =	vand.u32 $0xFF80, v15;
	vm8 =	veq.s32 v60, $0x0;
	v26 =	vadd.s32 v5, v26  }
0xcc: {  	v15 =	vand.u32 $0x7F, v15;
	v34 =	vor.u32 v40, v34;
	v33 =	vadd.s32 v5, v33  }
0xcd: {  	v43 =	vadd.s32 v5, v43;
	v10 =	vor.u32 v42, v52;
	v57 =	vor.u32 v37, v35  }
0xce: {  	v30 =	vadd.s32 v5, v62;
	v29 =	vor.u32 v29, v55;
	v17 =	vor.u32 v18, v17  }
0xcf: {  	v62 =	vand.u32 $0x7F, v13;
	v12 =	vadd.s32 v5, v12;
	v63 =	vadd.s32 v5, v63  }
0xd0: {  	v9 =	vor.u32 v36, v33;
	v33 =	vadd.s32 v5, v54;
	v30 =	vor.u32 v32, v30  }
0xd1: {  	[tilespmem:v34+s23+$0x0] =	vst.idx.msk vm2, v14;
	vm2 =	vgt.s32 v11, $0xFFFFFFFF;
	v11 =	vor.u32 v62, v26;
	v14 =	vand.u32 $0xFF80, v61  }
0xd2: {  	v13 =	vand.u32 $0x7F, v61;
	v12 =	vor.u32 v15, v12;
	[tilespmem:v57+s23+$0x0] =	vst.idx.msk vm4, v59;
	v14 =	vadd.s32 v5, v14  }
0xd3: {  	vm6 =	veq.s32 v44, $0x0;
	v15 =	vadd.s32 v5, v28;
	[tilespmem:v29+s23+$0x0] =	vst.idx.msk vm5, v58;
	v13 =	vor.u32 v13, v14  }
0xd4: {  	v18 =	vor.u32 v48, v33;
	[tilespmem:v17+s23+$0x0] =	vst.idx.msk vm3, v19;
	vm5 =	veq.s32 v56, $0x0;
	v17 =	vand.u32 $0x7F, v38  }
0xd5: {  	v19 =	vand.u32 $0x7F, v39;
	[tilespmem:v30+s23+$0x0] =	vst.idx.msk vm7, v21;
	v21 =	vor.u32 v53, v15;
	v14 =	vand.u32 $0xFF80, v39  }
0xd6: {  	vm4 =	vgt.s32 v23, $0xFFFFFFFF;
	v15 =	vor.u32 v46, v43;
	v14 =	vadd.s32 v5, v14;
	[tilespmem:v11+s23+$0x0] =	vst.idx.msk vm8, v20  }
0xd7: {  	s25 =	simm.s32 $0x30;
	vm3 =	vgt.s32 v25, $0xFFFFFFFF;
	v19 =	vor.u32 v19, v14;
	v20 =	vor.u32 v17, v63;
	[tilespmem:v12+s23+$0x0] =	vst.idx.msk vm2, v16  }
0xd8: {  	s7 =	simm.s32 $0x0;
	s8 =	simm.s32 $0x80;
	s13 =	sadd.s32 $0x400, s13;
	v17 =	vand.u32 $0xFF80, v27;
	v11 =	vand.u32 $0x7F, v27;
	vm2 =	vgt.s32 v22, $0xFFFFFFFF;
	[tilespmem:v13+s23+$0x0] =	vst.idx.msk vm9, v24  }
.LBB2_8:
0xd9: {  	[tilespmem:v18+s23+$0x0] =	vst.idx.msk vm6, v8;
	v18 =	vor.u32 s25, v1  }
0xda: {  	v13 =	vld [tilespmem:s13+$0xFFFFFFC0];
	s16 =	sadd.s32 $0x50, s8;
	s7 =	sadd.s32 $0x8, s7;
	vm6 =	vgt.s32 v7, $0xFFFFFFFF;
	v7 =	vadd.s32 v5, v17;
	v8 =	vor.u32 s25, v0  }
0xdb: {  	s26 =	sadd.s32 $0x20, s8;
	v14 =	vor.u32 s1, v1;
	v22 =	vld [tilespmem:s13+$0x0];
	p1 =	slt.u32 s7, $0x38;
	v23 =	vor.u32 v11, v7;
	[tilespmem:v10+s23+$0x0] =	vst.idx.msk vm5, v6;
	v6 =	vor.u32 s16, v0  }
0xdc: {  	v24 =	vor.u32 s26, v0;
	v17 =	vld [tilespmem:s13+$0x30];
	[tilespmem:v21+s23+$0x0] =	vst.idx.msk vm1, v8;
	v8 =	vor.u32 s24, v1  }
0xdd: {  	v10 =	vor.u32 s5, v1;
	s1 =	smov.u32 s16;
	s5 =	smov.u32 s26;
	v11 =	vor.u32 s8, v1;
	s24 =	sadd.s32 $0x10, s8;
	v7 =	vld [tilespmem:s13+$0xFFFFFFF0];
	[tilespmem:v15+s23+$0x0] =	vst.idx.msk vm0, v8  }
0xde: {  	v8 =	vor.u32 s24, v0;
	v15 =	vor.u32 s6, v1;
	s6 =	smov.u32 s24;
	v12 =	vld [tilespmem:s13+$0xFFFFFFE0];
	[tilespmem:v20+s23+$0x0] =	vst.idx.msk vm4, v14  }
0xdf: {  	s16 =	sadd.s32 $0x70, s8;
	v20 =	vand.u32 $0x8000, v13;
	v21 =	vshrl.u32 v13, $0x10;
	v25 =	vand.u32 $0xFF80, v13;
	v14 =	vld [tilespmem:s13+$0xFFFFFFD0];
	[tilespmem:v19+s23+$0x0] =	vst.idx.msk vm3, v15  }
0xe0: {  	s25 =	sadd.s32 $0x40, s8;
	v26 =	vor.u32 s16, v0;
	v16 =	vor.u32 s16, v1;
	v19 =	vor.u32 s8, v0;
	v15 =	vld [tilespmem:s13+$0x10];
	[tilespmem:v9+s23+$0x0] =	vst.idx.msk vm2, v10  }
0xe1: {  	v28 =	vor.u32 s25, v1;
	v27 =	vand.u32 $0x7F, v13;
	v29 =	vand.u32 $0xFF80, v17;
	[tilespmem:v23+s23+$0x0] =	vst.idx.msk vm6, v18  }
0xe2: {  	v10 =	vand.u32 $0x8000, v7;
	v23 =	vshrl.u32 v7, $0x10;
	v30 =	vand.u32 $0xFF80, v7;
	v18 =	vld [tilespmem:s13+$0x20]  }
0xe3: {  	v31 =	vand.u32 $0x8000, v22;
	v32 =	vshrl.u32 v22, $0x10;
	v9 =	vand.u32 $0x8000, v12  }
0xe4: {  	v35 =	vand.u32 $0xFF80, v22;
	v33 =	vshrl.u32 v12, $0x10;
	v34 =	vand.u32 $0xFF80, v12  }
0xe5: {  	v37 =	vand.u32 $0x7F, v22;
	v36 =	vand.u32 $0x7F, v33;
	v38 =	vshrl.u32 v15, $0x10  }
0xe6: {  	v40 =	vand.u32 $0xFF80, v32;
	v39 =	vshrl.u32 v14, $0x10;
	vm3 =	veq.s32 v9, $0x0  }
0xe7: {  	v9 =	vand.u32 $0x7F, v12;
	v41 =	vand.u32 $0x8000, v18;
	vm0 =	vgt.s32 v18, $0xFFFFFFFF  }
0xe8: {  	v35 =	vadd.s32 v5, v35;
	v42 =	vand.u32 $0x7F, v15;
	v43 =	vshrl.u32 v18, $0x10  }
0xe9: {  	v44 =	vand.u32 $0x8000, v14;
	v45 =	vand.u32 $0xFF80, v18;
	v46 =	vand.u32 $0x7F, v43  }
0xea: {  	v34 =	vadd.s32 v5, v34;
	v47 =	vand.u32 $0xFF80, v15;
	v43 =	vand.u32 $0xFF80, v43  }
0xeb: {  	v34 =	vor.u32 v9, v34;
	v9 =	vand.u32 $0xFF80, v33;
	v33 =	vand.u32 $0xFF80, v38  }
0xec: {  	v48 =	vand.u32 $0x7F, v14;
	v9 =	vadd.s32 v5, v9;
	v43 =	vadd.s32 v5, v43  }
0xed: {  	vm2 =	veq.s32 v20, $0x0;
	v20 =	vadd.s32 v5, v47;
	v9 =	vor.u32 v36, v9  }
0xee: {  	vm1 =	veq.s32 v10, $0x0;
	v36 =	vand.u32 $0x7F, v7;
	v10 =	vor.u32 v42, v20  }
0xef: {  	v32 =	vand.u32 $0x7F, v32;
	v20 =	vand.u32 $0xFF80, v14;
	v42 =	vadd.s32 v5, v45  }
0xf0: {  	v18 =	vand.u32 $0x7F, v18;
	v20 =	vadd.s32 v5, v20;
	[tilespmem:v34+s23+$0x0] =	vst.idx.msk vm3, v24;
	v24 =	vand.u32 $0x8000, v15  }
0xf1: {  	vm4 =	veq.s32 v31, $0x0;
	v31 =	vadd.s32 v5, v40;
	v34 =	vor.u32 v18, v42  }
0xf2: {  	vm5 =	veq.s32 v41, $0x0;
	v18 =	vadd.s32 v5, v25;
	v25 =	vor.u32 v32, v31  }
0xf3: {  	s24 =	sadd.s32 $0x60, s8;
	vm7 =	vgt.s32 v22, $0xFFFFFFFF;
	v31 =	vor.u32 v37, v35;
	v27 =	vor.u32 v27, v18  }
0xf4: {  	v22 =	vand.u32 $0xFF80, v21;
	v18 =	vor.u32 v48, v20;
	v20 =	vor.u32 s24, v0  }
0xf5: {  	v32 =	vor.u32 s25, v0;
	v35 =	vand.u32 $0x8000, v17;
	v37 =	vshrl.u32 v17, $0x10  }
0xf6: {  	v29 =	vadd.s32 v5, v29;
	vm8 =	veq.s32 v35, $0x0;
	v35 =	vand.u32 $0x7F, v17  }
0xf7: {  	vm3 =	vgt.s32 v13, $0xFFFFFFFF;
	v13 =	vor.u32 v35, v29;
	v29 =	vand.u32 $0xFF80, v37  }
0xf8: {  	vm9 =	vgt.s32 v17, $0xFFFFFFFF;
	v17 =	vand.u32 $0x7F, v37;
	v29 =	vadd.s32 v5, v29;
	[tilespmem:v31+s23+$0x0] =	vst.idx.msk vm4, v32  }
0xf9: {  	v21 =	vand.u32 $0x7F, v21;
	v22 =	vadd.s32 v5, v22;
	v29 =	vor.u32 v17, v29;
	[tilespmem:v34+s23+$0x0] =	vst.idx.msk vm5, v20  }
0xfa: {  	v22 =	vor.u32 v21, v22;
	vm6 =	veq.s32 v44, $0x0;
	v17 =	vand.u32 $0xFF80, v39;
	[tilespmem:v25+s23+$0x0] =	vst.idx.msk vm7, v28  }
.Ltmp4:
0xfb: {  	v20 =	vadd.s32 v5, v30;
	vm5 =	veq.s32 v24, $0x0;
	v24 =	vand.u32 $0x7F, v38;
	[tilespmem:v27+s23+$0x0] =	vst.idx.msk vm2, v19;
	(pc) =	sbr.rel @p1 .LBB2_8-.Ltmp4, $4  }
0xfc: {  	v17 =	vadd.s32 v5, v17;
	v25 =	vadd.s32 v5, v33;
	v19 =	vand.u32 $0x7F, v39;
	[tilespmem:v13+s23+$0x0] =	vst.idx.msk vm8, v26  }
0xfd: {  	v21 =	vor.u32 v36, v20;
	v20 =	vor.u32 v24, v25;
	v19 =	vor.u32 v19, v17  }
0xfe: {  	vm4 =	vgt.s32 v15, $0xFFFFFFFF;
	v15 =	vor.u32 v46, v43;
	v17 =	vand.u32 $0xFF80, v23;
	[tilespmem:v29+s23+$0x0] =	vst.idx.msk vm9, v16  }
0xff: {  	s13 =	sadd.s32 $0x400, s13;
	s25 =	sadd.s32 $0x30, s8;
	s8 =	sadd.s32 $0x80, s8;
	vm2 =	vgt.s32 v12, $0xFFFFFFFF;
	[tilespmem:v22+s23+$0x0] =	vst.idx.msk vm3, v11;
	vm3 =	vgt.s32 v14, $0xFFFFFFFF;
	v11 =	vand.u32 $0x7F, v23  }
0x100: {  	_ =	sdelay $0x4  }
0x101: {  	[tilespmem:v18+s23+$0x0] =	vst.idx.msk vm6, v8  }
0x102: {  	vm11 =	vgt.s32 v7, $0xFFFFFFFF;
	v7 =	vadd.s32 v5, v17;
	v61 =	vor.u32 s25, v0;
	[tilespmem:v10+s23+$0x0] =	vst.idx.msk vm5, v6  }
0x103: {  	v62 =	vor.u32 s1, v1;
	v6 =	vor.u32 v11, v7;
	[tilespmem:v21+s23+$0x0] =	vst.idx.msk vm1, v61  }
0x104: {  	v63 =	vor.u32 s5, v1;
	[tilespmem:v20+s23+$0x0] =	vst.idx.msk vm4, v62  }
0x105: {  	v7 =	vor.u32 s24, v1;
	[tilespmem:v9+s23+$0x0] =	vst.idx.msk vm2, v63  }
0x106: {  	[tilespmem:v15+s23+$0x0] =	vst.idx.msk vm0, v7;
	v7 =	vor.u32 s6, v1  }
0x107: {  	[tilespmem:v19+s23+$0x0] =	vst.idx.msk vm3, v7;
	v7 =	vor.u32 s25, v1  }
0x108: {  	[tilespmem:v6+s23+$0x0] =	vst.idx.msk vm11, v7  }
0x109: {  	s26 =	sshll.u32 s0, $0x7;
	v6 =	vld.idx.msk [tilespmem:v5+s17+$0x0], $0xffff  }
0x10a: {  	s1 =	sand.u32 $0x3FFFFF80, s26;
	v5 =	vld.idx.msk [tilespmem:v5+s23+$0x0], $0xffff  }
0x10b: {  	v7 =	vld [tilespmem:s1+$0x13000]  }
0x10c: {  	v8 =	vld [tilespmem:s1+$0x13010]  }
0x10d: {  	v9 =	vld [tilespmem:s1+$0x13020]  }
0x10e: {  	s0 =	sadd.s32 $0x1, s0;
	v10 =	vld [tilespmem:s1+$0x13030]  }
0x10f: {  	p1 =	sne.s32 s0, $0x20;
	vm12 =	vgt.s32 v6, v0  }
.Ltmp5:
0x110: {  	vm13 =	vgt.s32 v6, v2;
	v7 =	vsel vm12, v7, v5;
	(pc) =	sbr.rel @p1 .LBB2_7-.Ltmp5, $4  }
0x111: {  	vm14 =	vgt.s32 v6, v3;
	[tilespmem:s1+$0x13000] =	vst v7;
	v7 =	vsel vm13, v8, v5  }
0x112: {  	vm15 =	vgt.s32 v6, v4;
	[tilespmem:s1+$0x13010] =	vst v7;
	v7 =	vsel vm14, v9, v5  }
0x113: {  	v5 =	vsel vm15, v10, v5;
	[tilespmem:s1+$0x13020] =	vst v7  }
0x114: {  	s31 =	sadd.s32 $0x400, s31;
	s30 =	sadd.s32 $0x1, s30;
	[tilespmem:s1+$0x13030] =	vst v5  }
.Ltmp6:
0x115: {  	(pc) =	sbr.rel @!p0 .LBB2_12-.Ltmp6, $3  }
0x116: {  	_ =	sdelay $0x1  }
0x117: {  	s0 =	sor.u32 s14, s28  }
0x118: {  	s0 =	sshrl.u32 s0, $0x3  }
0x119: {  	s1 =	simm.s32 $0x8000  }
0x11a: {  	[tilespmem:s1], [sflag:$0x2] =	stream.linear.gather [hbm4b:s11+s2], $0x8000, $0x38;
	[tilespmem:$0x14000] =	vst v63  }
.Ltmp7:
0x11b: {  	_ = 	snop;
	(pc) =	sbr.rel .LBB2_2-.Ltmp7, $4  }
0x11c: {  	_ = 	snop  }
0x11d: {  	[tilespmem:s17], [sflag:$0x4] =	stream.linear.gather [hbm4b:s12+s2], $0x1000, $0x38;
	[tilespmem:$0x14000] =	vst v63  }
0x11e: {  	s0 =	sadd.s32 s3, s0;
	s28 =	simm.s32 $0x2000;
	p0 =	por $0x0, $0x0  }
0x11f: {  	[hbm4b:s0+s2] =	stream.linear.scatter [tilespmem:s23], [sflag:$0x6], $0x1000, $0x38;
	[tilespmem:$0x14000] =	vst v63  }
.LBB2_13:
0x120: {  	_ =	sfence.sel $0x180000  }
0x121: {  	[bflag:$0x0] =	sbarrier.arrive $0xFFFF  }
0x122: {  	_ =	strace $0x90000047  }
0x123: {  	s0 =	stileid.u32;
	[bflag:$0x2] =	sbarrier.arrive $0xFFFF  }
0x124: {  	p0 =	sne.s32 s0, $0x0;
	s0 =	rddreg [dreg:$0x2]  }
0x125: {  	s0 =	sadd.s32 @!p0 $0x100000, s0  }
0x126: {  	[sflag:s0] =	ssyncadd.tile.s32 @!p0 $0x1;
	_ =	shalt  }
.Lfunc_end2:
_tile_overlayer_lowered:
.L_overlay_start_2:
0x127: {  	(tag) =	ssettag $0x2  }
0x128: {  	s0 =	rddreg [dreg:$0x0];
	s2 =	stileid.u32  }
0x129: {  	s1 =	rddreg [dreg:$0x1];
	p0 =	sne.s32 s2, $0x0  }
0x12a: {  	s3 =	rddreg [dreg:$0x2];
	[bflag:$0x3] =	sbarrier.arrive $0xFFFF;
	s2 =	simm.s32 @!p0 $0x1C07  }
0x12b: {  	[timem:s3], [sflag:s2] =	dma.local @!p0 [hbm:s0], s1  }
0x12c: {  	s0 =	simm.s32 @!p0 $0x7  }
0x12d: {  	_ =	swait.ge @!p0 [sflag:s0], s1  }
0x12e: {  	s1 =	ssub.s32 @!p0 $0x0, s1;
	[sflag:s0] =	ssyncset.done @!p0 $0x0  }
0x12f: {  	[sflag:s0] =	ssyncadd.s32 @!p0 s1  }
0x130: {  	[bflag:$0x3] =	sbarrier.arrive $0xFFFF  }
0x131: {  	_ =	shalt  }

</sc_bundles>
